<compile_context>
chip_gen: v7x
topology: tpu7x:2x2x1
jax: 0.10.2.dev20260603
libtpu: 0.0.44.dev20260713+nightly
codegen_flags: <defaults>
</compile_context>

<pallas_src>
import functools

import jax
import jax.numpy as jnp
from jax import lax
from jax.experimental import pallas as pl
from jax.experimental.pallas import tpu as pltpu
from jax.experimental.pallas import tpu_sc as plsc

Q = 128
V = 64
VP = V + 1
B = 16
L = 512
NLANE = 16
NCHUNK = Q // NLANE


def _softmax_body(T_ref, out_ref):
    v = pl.program_id(0)

    @pl.when(v < V)
    def _():
        X = T_ref[0]
        m = jnp.max(X, axis=-1, keepdims=True)
        e = jnp.exp(X - m)
        out_ref[0] = e / jnp.sum(e, axis=-1, keepdims=True)

    @pl.when(v == V)
    def _():
        row = lax.broadcasted_iota(jnp.int32, (Q, Q), 0)
        col = lax.broadcasted_iota(jnp.int32, (Q, Q), 1)
        out_ref[0] = jnp.where(row == col, 1.0, 0.0).astype(jnp.float32)


def _make_ptab(T_s):
    return pl.pallas_call(
        _softmax_body,
        grid=(VP,),
        out_shape=jax.ShapeDtypeStruct((VP, Q, Q), jnp.float32),
        in_specs=[
            pl.BlockSpec((1, Q, Q), lambda v: (jnp.minimum(v, V - 1), 0, 0)),
        ],
        out_specs=pl.BlockSpec((1, Q, Q), lambda v: (v, 0, 0)),
    )(T_s)


HALF = Q // 2


def _dp_body(ptab_hbm, x_hbm, out_hbm, xrow, alpha, part, prt, pbufA, pbufB,
             shpart, semA, semB):
    cid = lax.axis_index("c")
    sid = lax.axis_index("s")
    seq = cid * (B // 2) + sid // 2
    half = sid % 2

    pltpu.sync_copy(x_hbm.at[seq], xrow.at[pl.ds(0, L)])
    padv = jnp.full((NLANE,), V, jnp.int32)
    xrow[pl.ds(L, NLANE)] = padv
    xrow[pl.ds(L + NLANE, NLANE)] = padv

    iot = lax.iota(jnp.int32, NLANE)
    one_hot0 = jnp.where(iot == 0, 1.0, 0.0).astype(jnp.float32)
    alpha[pl.ds(0, NLANE)] = one_hot0
    zero = jnp.zeros((NLANE,), jnp.float32)
    for k in range(1, NCHUNK):
        alpha[pl.ds(k * NLANE, NLANE)] = zero

    def fetch(t, buf, sem):
        sym = xrow[pl.ds(t, NLANE)][0]
        pltpu.make_async_copy(ptab_hbm.at[sym * 2 + half], buf, sem).start()

    def wait(buf, sem):
        pltpu.make_async_copy(ptab_hbm.at[0], buf, sem).wait()

    def half_step(buf, slot, tnext, nbuf, nsem):
        def inner(ci, accs):
            av = alpha[pl.ds(half * HALF + ci * NLANE, NLANE)]
            for u in range(NLANE):
                a = av[u]
                i = ci * NLANE + u
                accs = tuple(
                    accs[k] + a * buf[i, pl.ds(k * NLANE, NLANE)]
                    for k in range(NCHUNK)
                )
            return accs

        accs = lax.fori_loop(
            0, HALF // NLANE, inner,
            tuple(jnp.zeros((NLANE,), jnp.float32) for _ in range(NCHUNK)),
        )
        fetch(tnext, nbuf, nsem)
        for k in range(NCHUNK):
            part[pl.ds(k * NLANE, NLANE)] = accs[k]
        pltpu.sync_copy(part, shpart.at[slot, sid])
        plsc.subcore_barrier()
        pltpu.sync_copy(shpart.at[slot, jnp.bitwise_xor(sid, 1)], prt)
        for k2 in range(HALF // NLANE):
            sl = pl.ds(half * HALF + k2 * NLANE, NLANE)
            alpha[sl] = part[sl] + prt[sl]

    fetch(0, pbufA, semA)
    fetch(1, pbufB, semB)

    def two_steps(tb, carry):
        t = 2 * tb
        wait(pbufA, semA)
        half_step(pbufA, 0, t + 2, pbufA, semA)
        wait(pbufB, semB)
        half_step(pbufB, 1, t + 3, pbufB, semB)
        return carry

    lax.fori_loop(0, L // 2, two_steps, 0)
    wait(pbufA, semA)
    wait(pbufB, semB)

    @pl.when(half == 0)
    def _():
        for k in range(NCHUNK):
            sl = pl.ds(k * NLANE, NLANE)
            alpha[sl] = part[sl] + prt[sl]
        pltpu.sync_copy(alpha, out_hbm.at[seq])


def _run_dp(ptab, x_eff):
    mesh = plsc.VectorSubcoreMesh(core_axis_name="c", subcore_axis_name="s")
    kern = functools.partial(
        pl.kernel,
        mesh=mesh,
        out_type=jax.ShapeDtypeStruct((B, Q), jnp.float32),
        scratch_types=[
            pltpu.VMEM((L + 2 * NLANE,), jnp.int32),
            pltpu.VMEM((Q,), jnp.float32),
            pltpu.VMEM((Q,), jnp.float32),
            pltpu.VMEM((Q,), jnp.float32),
            pltpu.VMEM((HALF, Q), jnp.float32),
            pltpu.VMEM((HALF, Q), jnp.float32),
            pltpu.VMEM_SHARED((2, 16, Q), jnp.float32),
            pltpu.SemaphoreType.DMA,
            pltpu.SemaphoreType.DMA,
        ],
    )(_dp_body)
    return kern(ptab.reshape(VP * 2, HALF, Q), x_eff)


def _final_body(A_ref, f_ref, out_ref):
    f = f_ref[...]
    mf = jnp.max(f)
    w = jnp.exp(f - mf)
    s = jnp.sum(A_ref[...] * w, axis=-1, keepdims=True)
    out_ref[...] = jnp.log(s) + mf


def _finalize(A, f2):
    return pl.pallas_call(
        _final_body,
        out_shape=jax.ShapeDtypeStruct((B, 1), jnp.float32),
    )(A, f2)


def kernel(x, lengths, T_logits, f_logits):
    T_s = jnp.transpose(T_logits, (1, 0, 2))
    f2 = f_logits.reshape(1, Q)
    pos = jnp.arange(L, dtype=jnp.int32)[None, :]
    x_eff = jnp.where(pos < lengths[:, None], x, V).astype(jnp.int32)
    ptab = _make_ptab(T_s)
    A = _run_dp(ptab, x_eff)
    out = _finalize(A, f2)
    return out.reshape(B)

# --- scband reference (transcript-rebuilt; emitter-appended) ---
"""Pipeline reference for scband-pfamodel-44779329028254 (READ-ONLY COPY).

The authoritative reference and input builder live on the scoring server;
editing this copy changes nothing except your own understanding.
"""

import jax, jax.numpy as jnp
import numpy as np
from jax.scipy.special import logsumexp

NUM_STATES = 128
NUM_SYMBOLS = 64
BATCH = 16
MAX_LEN = 512
INIT_TEMPERATURE = 1.0


def setup_inputs(seed: int = 0) -> dict:
    key = jax.random.key(seed)
    k1, k2, k3, k4 = jax.random.split(key, 4)
    x = jax.random.randint(k1, (BATCH, MAX_LEN), 0, NUM_SYMBOLS, dtype=jnp.int32)
    lengths = jax.random.randint(k2, (BATCH,), 0, MAX_LEN, dtype=jnp.int32)
    # learned parameters, rand_init: (1/init_temperature) * randn
    T_logits = (1.0 / INIT_TEMPERATURE) * jax.random.normal(k3, (NUM_STATES, NUM_SYMBOLS, NUM_STATES), dtype=jnp.float32)
    f_logits = (1.0 / INIT_TEMPERATURE) * jax.random.normal(k4, (NUM_STATES,), dtype=jnp.float32)
    return {"x": x, "lengths": lengths, "T_logits": T_logits, "f_logits": f_logits}


def reference(x, lengths, T_logits, f_logits):
    # log-space transition probabilities: log_softmax over destination states
    logT = jax.nn.log_softmax(T_logits, axis=-1)  # [Q, V, Q]
    # initial distribution: deterministic start in state 0 -> log([1,0,...,0])
    init = jnp.where(jnp.arange(NUM_STATES) == 0, 0.0, -jnp.inf).astype(jnp.float32)

    def per_seq(seq, length):
        def step(alpha, inp):
            i, sym = inp
            trans = logT[:, sym, :]  # [Q_src, Q_dst]
            new = logsumexp(alpha[:, None] + trans, axis=0)  # [Q_dst]
            # only advance while within the true (unpadded) sequence
            alpha_next = jnp.where(i < length, new, alpha)
            return alpha_next, None

        steps = jnp.arange(MAX_LEN)
        alpha_final, _ = jax.lax.scan(step, init, (steps, seq))
        return logsumexp(alpha_final + f_logits)

    return jax.vmap(per_seq)(x, lengths)

if __name__ == "__main__":
    import jax
    _d = setup_inputs()
    print(jax.jit(kernel)(*tuple(_d.values())))

</pallas_src>

<mosaic_0001>
#map = affine_map<(d0, d1) -> (0, 0, 0)>
#map1 = affine_map<(d0, d1) -> (0, 0)>
module attributes {stable_mosaic.version = 14 : i64} {
  func.func @_dp_body(%arg0: i32, %arg1: i32, %arg2: memref<130x64x128xf32, #tpu.memory_space<hbm>>, %arg3: memref<16x512xi32, #tpu.memory_space<hbm>>, %arg4: memref<16x128xf32, #tpu.memory_space<hbm>>, %arg5: memref<544xi32, #tpu.memory_space<vmem>>, %arg6: memref<128xf32, #tpu.memory_space<vmem>>, %arg7: memref<128xf32, #tpu.memory_space<vmem>>, %arg8: memref<128xf32, #tpu.memory_space<vmem>>, %arg9: memref<64x128xf32, #tpu.memory_space<vmem>>, %arg10: memref<64x128xf32, #tpu.memory_space<vmem>>, %arg11: memref<2x16x128xf32, #tpu.memory_space<vmem_shared>>, %arg12: memref<!tpu.dma_semaphore, #tpu.memory_space<semaphore_mem>>, %arg13: memref<!tpu.dma_semaphore, #tpu.memory_space<semaphore_mem>>) attributes {dimension_semantics = [#tpu.dimension_semantics<core_parallel>, #tpu.dimension_semantics<subcore_parallel>], iteration_bounds = array<i64: 2, 16>, scalar_prefetch = 0 : i64, scratch_operands = 9 : i64, tpu.core_type = #tpu.core_type<sc_vector_subcore>, window_params = [{transform_indices = #map}, {transform_indices = #map1}, {transform_indices = #map1}]} {
    %mul3A = arith.constant 8 : i32
    %mul3A_0 = arith.muli %arg0, %mul3A : i32
    %jit3A = arith.constant 2 : i32
    %div3A = arith.divsi %arg1, %jit3A : i32
    %sign3A = arith.constant 0 : i32
    %sign3A_1 = arith.cmpi sgt, %arg1, %sign3A : i32
    %sign3A_2 = arith.extui %sign3A_1 : i1 to i32
    %sign3A_3 = arith.constant 0 : i32
    %sign3A_4 = arith.cmpi slt, %arg1, %sign3A_3 : i32
    %sign3A_5 = arith.extui %sign3A_4 : i1 to i32
    %sign3A_6 = arith.subi %sign3A_2, %sign3A_5 : i32
    %sign3A_7 = arith.constant 0 : i32
    %sign3A_8 = arith.cmpi sgt, %jit3A, %sign3A_7 : i32
    %sign3A_9 = arith.extui %sign3A_8 : i1 to i32
    %sign3A_10 = arith.constant 0 : i32
    %sign3A_11 = arith.cmpi slt, %jit3A, %sign3A_10 : i32
    %sign3A_12 = arith.extui %sign3A_11 : i1 to i32
    %sign3A_13 = arith.subi %sign3A_9, %sign3A_12 : i32
    %ne3A = arith.cmpi ne, %sign3A_6, %sign3A_13 : i32
    %rem3A = arith.remsi %arg1, %jit3A : i32
    %ne3A_14 = arith.constant 0 : i32
    %ne3A_15 = arith.cmpi ne, %rem3A, %ne3A_14 : i32
    %and3A = arith.andi %ne3A, %ne3A_15 : i1
    %sub3A = arith.constant 1 : i32
    %sub3A_16 = arith.subi %div3A, %sub3A : i32
    %select_n3A = arith.select %and3A, %sub3A_16, %div3A : i32
    %add3A = arith.addi %mul3A_0, %select_n3A : i32
    %jit3A_17 = arith.constant 2 : i32
    %eq3A = arith.constant 0 : i32
    %eq3A_18 = arith.cmpi eq, %jit3A_17, %eq3A : i32
    %jit3A_19 = arith.constant 1 : i32
    %select_n3A_20 = arith.select %eq3A_18, %jit3A_19, %jit3A_17 : i32
    %rem3A_21 = arith.remsi %arg1, %select_n3A_20 : i32
    %ne3A_22 = arith.constant 0 : i32
    %ne3A_23 = arith.cmpi ne, %rem3A_21, %ne3A_22 : i32
    %lt3A = arith.constant 0 : i32
    %lt3A_24 = arith.cmpi slt, %rem3A_21, %lt3A : i32
    %lt3A_25 = arith.constant 0 : i32
    %lt3A_26 = arith.cmpi slt, %select_n3A_20, %lt3A_25 : i32
    %ne3A_27 = arith.xori %lt3A_24, %lt3A_26 : i1
    %and3A_28 = arith.andi %ne3A_27, %ne3A_23 : i1
    %add3A_29 = arith.addi %rem3A_21, %select_n3A_20 : i32
    %select_n3A_30 = arith.select %and3A_28, %add3A_29, %rem3A_21 : i32
    "tpu.region"() ({
      %run_scoped3A = tpu.sem_alloc : memref<!tpu.dma_semaphore, #tpu.memory_space<semaphore_mem>>
      %dma_start3A_134 = arith.constant 0 : i32
      %dma_start3A_135 = tpu.memref_slice %arg5[%dma_start3A_134] : memref<544xi32, #tpu.memory_space<vmem>> -> memref<512xi32, #tpu.memory_space<vmem>>
      %dma_start3A_136 = arith.constant 0 : i32
      %dma_start3A_137 = tpu.memref_slice %arg3[%add3A, %dma_start3A_136] : memref<16x512xi32, #tpu.memory_space<hbm>> -> memref<1x512xi32, #tpu.memory_space<hbm>>
      %dma_start3A_138 = tpu.memref_squeeze %dma_start3A_137 : memref<1x512xi32, #tpu.memory_space<hbm>> -> memref<512xi32, #tpu.memory_space<hbm>>
      %dma_start3A_139 = arith.constant 0 : i32
      %dma_start3A_140 = tpu.memref_slice %arg5[%dma_start3A_139] : memref<544xi32, #tpu.memory_space<vmem>> -> memref<512xi32, #tpu.memory_space<vmem>>
      %dma_start3A_141 = arith.constant 0 : i32
      %dma_start3A_142 = tpu.memref_slice %arg3[%add3A, %dma_start3A_141] : memref<16x512xi32, #tpu.memory_space<hbm>> -> memref<1x512xi32, #tpu.memory_space<hbm>>
      %dma_start3A_143 = tpu.memref_squeeze %dma_start3A_142 : memref<1x512xi32, #tpu.memory_space<hbm>> -> memref<512xi32, #tpu.memory_space<hbm>>
      tpu.enqueue_dma source(%dma_start3A_143 : memref<512xi32, #tpu.memory_space<hbm>>) target(%dma_start3A_140 : memref<512xi32, #tpu.memory_space<vmem>>) target_semaphore(%run_scoped3A : memref<!tpu.dma_semaphore, #tpu.memory_space<semaphore_mem>>)
      %dma_wait3A_144 = arith.constant 0 : i32
      %dma_wait3A_145 = tpu.memref_slice %arg5[%dma_wait3A_144] : memref<544xi32, #tpu.memory_space<vmem>> -> memref<512xi32, #tpu.memory_space<vmem>>
      %dma_wait3A_146 = arith.constant 0 : i32
      %dma_wait3A_147 = tpu.memref_slice %arg3[%add3A, %dma_wait3A_146] : memref<16x512xi32, #tpu.memory_space<hbm>> -> memref<1x512xi32, #tpu.memory_space<hbm>>
      %dma_wait3A_148 = tpu.memref_squeeze %dma_wait3A_147 : memref<1x512xi32, #tpu.memory_space<hbm>> -> memref<512xi32, #tpu.memory_space<hbm>>
      %dma_wait3A_149 = arith.constant 0 : i32
      %dma_wait3A_150 = tpu.memref_slice %arg5[%dma_wait3A_149] : memref<544xi32, #tpu.memory_space<vmem>> -> memref<512xi32, #tpu.memory_space<vmem>>
      %dma_wait3A_151 = arith.constant 0 : i32
      %dma_wait3A_152 = tpu.memref_slice %arg3[%add3A, %dma_wait3A_151] : memref<16x512xi32, #tpu.memory_space<hbm>> -> memref<1x512xi32, #tpu.memory_space<hbm>>
      %dma_wait3A_153 = tpu.memref_squeeze %dma_wait3A_152 : memref<1x512xi32, #tpu.memory_space<hbm>> -> memref<512xi32, #tpu.memory_space<hbm>>
      tpu.wait_dma2 semaphore(%run_scoped3A : memref<!tpu.dma_semaphore, #tpu.memory_space<semaphore_mem>>) src(%dma_wait3A_153 : memref<512xi32, #tpu.memory_space<hbm>>) dst(%dma_wait3A_150 : memref<512xi32, #tpu.memory_space<vmem>>)
      tpu.yield
    }) : () -> ()
    %broadcast_in_dim3A = arith.constant 64 : i32
    %broadcast_in_dim3A_31 = vector.broadcast %broadcast_in_dim3A : i32 to vector<16xi32>
    %swap3A = arith.constant 512 : index
    %swap3A_32 = tpu.vector_load %arg5[%swap3A] {strides = array<i32>} : memref<544xi32, #tpu.memory_space<vmem>>, vector<16xi32>,
    %swap3A_33 = vector.shape_cast %swap3A_32 : vector<16xi32> to vector<16xi32>
    %swap3A_34 = vector.shape_cast %broadcast_in_dim3A_31 : vector<16xi32> to vector<16xi32>
    tpu.vector_store %arg5[%swap3A], %swap3A_34 {strides = array<i32>} : memref<544xi32, #tpu.memory_space<vmem>>, vector<16xi32>,
    %swap3A_35 = arith.constant 528 : index
    %swap3A_36 = tpu.vector_load %arg5[%swap3A_35] {strides = array<i32>} : memref<544xi32, #tpu.memory_space<vmem>>, vector<16xi32>,
    %swap3A_37 = vector.shape_cast %swap3A_36 : vector<16xi32> to vector<16xi32>
    %swap3A_38 = vector.shape_cast %broadcast_in_dim3A_31 : vector<16xi32> to vector<16xi32>
    tpu.vector_store %arg5[%swap3A_35], %swap3A_38 {strides = array<i32>} : memref<544xi32, #tpu.memory_space<vmem>>, vector<16xi32>,
    %iota3A = tpu.iota {dimensions = array<i32: 0>} : vector<16xi32>
    %eq3A_39 = arith.constant 0 : i32
    %eq3A_40 = vector.broadcast %eq3A_39 : i32 to vector<16xi32>
    %eq3A_41 = arith.cmpi eq, %iota3A, %eq3A_40 : vector<16xi32>
    %jit3A_42 = arith.constant 1.000000e+00 : f32
    %jit3A_43 = arith.constant 0.000000e+00 : f32
    %broadcast_in_dim3A_44 = vector.broadcast %jit3A_42 : f32 to vector<16xf32>
    %broadcast_in_dim3A_45 = vector.broadcast %jit3A_43 : f32 to vector<16xf32>
    %select_n3A_46 = arith.select %eq3A_41, %broadcast_in_dim3A_44, %broadcast_in_dim3A_45 : vector<16xi1>, vector<16xf32>
    %swap3A_47 = arith.constant 0 : index
    %swap3A_48 = tpu.vector_load %arg6[%swap3A_47] {strides = array<i32>} : memref<128xf32, #tpu.memory_space<vmem>>, vector<16xf32>,
    %swap3A_49 = vector.shape_cast %swap3A_48 : vector<16xf32> to vector<16xf32>
    %swap3A_50 = vector.shape_cast %select_n3A_46 : vector<16xf32> to vector<16xf32>
    tpu.vector_store %arg6[%swap3A_47], %swap3A_50 {strides = array<i32>} : memref<128xf32, #tpu.memory_space<vmem>>, vector<16xf32>,
    %broadcast_in_dim3A_51 = arith.constant 0.000000e+00 : f32
    %broadcast_in_dim3A_52 = vector.broadcast %broadcast_in_dim3A_51 : f32 to vector<16xf32>
    %swap3A_53 = arith.constant 16 : index
    %swap3A_54 = tpu.vector_load %arg6[%swap3A_53] {strides = array<i32>} : memref<128xf32, #tpu.memory_space<vmem>>, vector<16xf32>,
    %swap3A_55 = vector.shape_cast %swap3A_54 : vector<16xf32> to vector<16xf32>
    %swap3A_56 = vector.shape_cast %broadcast_in_dim3A_52 : vector<16xf32> to vector<16xf32>
    tpu.vector_store %arg6[%swap3A_53], %swap3A_56 {strides = array<i32>} : memref<128xf32, #tpu.memory_space<vmem>>, vector<16xf32>,
    %swap3A_57 = arith.constant 32 : index
    %swap3A_58 = tpu.vector_load %arg6[%swap3A_57] {strides = array<i32>} : memref<128xf32, #tpu.memory_space<vmem>>, vector<16xf32>,
    %swap3A_59 = vector.shape_cast %swap3A_58 : vector<16xf32> to vector<16xf32>
    %swap3A_60 = vector.shape_cast %broadcast_in_dim3A_52 : vector<16xf32> to vector<16xf32>
    tpu.vector_store %arg6[%swap3A_57], %swap3A_60 {strides = array<i32>} : memref<128xf32, #tpu.memory_space<vmem>>, vector<16xf32>,
    %swap3A_61 = arith.constant 48 : index
    %swap3A_62 = tpu.vector_load %arg6[%swap3A_61] {strides = array<i32>} : memref<128xf32, #tpu.memory_space<vmem>>, vector<16xf32>,
    %swap3A_63 = vector.shape_cast %swap3A_62 : vector<16xf32> to vector<16xf32>
    %swap3A_64 = vector.shape_cast %broadcast_in_dim3A_52 : vector<16xf32> to vector<16xf32>
    tpu.vector_store %arg6[%swap3A_61], %swap3A_64 {strides = array<i32>} : memref<128xf32, #tpu.memory_space<vmem>>, vector<16xf32>,
    %swap3A_65 = arith.constant 64 : index
    %swap3A_66 = tpu.vector_load %arg6[%swap3A_65] {strides = array<i32>} : memref<128xf32, #tpu.memory_space<vmem>>, vector<16xf32>,
    %swap3A_67 = vector.shape_cast %swap3A_66 : vector<16xf32> to vector<16xf32>
    %swap3A_68 = vector.shape_cast %broadcast_in_dim3A_52 : vector<16xf32> to vector<16xf32>
    tpu.vector_store %arg6[%swap3A_65], %swap3A_68 {strides = array<i32>} : memref<128xf32, #tpu.memory_space<vmem>>, vector<16xf32>,
    %swap3A_69 = arith.constant 80 : index
    %swap3A_70 = tpu.vector_load %arg6[%swap3A_69] {strides = array<i32>} : memref<128xf32, #tpu.memory_space<vmem>>, vector<16xf32>,
    %swap3A_71 = vector.shape_cast %swap3A_70 : vector<16xf32> to vector<16xf32>
    %swap3A_72 = vector.shape_cast %broadcast_in_dim3A_52 : vector<16xf32> to vector<16xf32>
    tpu.vector_store %arg6[%swap3A_69], %swap3A_72 {strides = array<i32>} : memref<128xf32, #tpu.memory_space<vmem>>, vector<16xf32>,
    %swap3A_73 = arith.constant 96 : index
    %swap3A_74 = tpu.vector_load %arg6[%swap3A_73] {strides = array<i32>} : memref<128xf32, #tpu.memory_space<vmem>>, vector<16xf32>,
    %swap3A_75 = vector.shape_cast %swap3A_74 : vector<16xf32> to vector<16xf32>
    %swap3A_76 = vector.shape_cast %broadcast_in_dim3A_52 : vector<16xf32> to vector<16xf32>
    tpu.vector_store %arg6[%swap3A_73], %swap3A_76 {strides = array<i32>} : memref<128xf32, #tpu.memory_space<vmem>>, vector<16xf32>,
    %swap3A_77 = arith.constant 112 : index
    %swap3A_78 = tpu.vector_load %arg6[%swap3A_77] {strides = array<i32>} : memref<128xf32, #tpu.memory_space<vmem>>, vector<16xf32>,
    %swap3A_79 = vector.shape_cast %swap3A_78 : vector<16xf32> to vector<16xf32>
    %swap3A_80 = vector.shape_cast %broadcast_in_dim3A_52 : vector<16xf32> to vector<16xf32>
    tpu.vector_store %arg6[%swap3A_77], %swap3A_80 {strides = array<i32>} : memref<128xf32, #tpu.memory_space<vmem>>, vector<16xf32>,
    %get3A = arith.constant 0 : index
    %get3A_81 = tpu.vector_load %arg5[%get3A] {strides = array<i32>} : memref<544xi32, #tpu.memory_space<vmem>>, vector<16xi32>,
    %get3A_82 = vector.shape_cast %get3A_81 : vector<16xi32> to vector<16xi32>
    %slice3A = vector.extract_strided_slice %get3A_82 {offsets = [0], sizes = [1], strides = [1]} : vector<16xi32> to vector<1xi32>
    %squeeze3A = vector.extract %slice3A[0] : i32 from vector<1xi32>
    %mul3A_83 = arith.constant 2 : i32
    %mul3A_84 = arith.muli %squeeze3A, %mul3A_83 : i32
    %add3A_85 = arith.addi %mul3A_84, %select_n3A_30 : i32
    %dma_start3A = arith.constant 0 : i32
    %dma_start3A_86 = arith.constant 0 : i32
    %dma_start3A_87 = tpu.memref_slice %arg2[%add3A_85, %dma_start3A, %dma_start3A_86] : memref<130x64x128xf32, #tpu.memory_space<hbm>> -> memref<1x64x128xf32, #tpu.memory_space<hbm>>
    %dma_start3A_88 = tpu.memref_squeeze %dma_start3A_87 : memref<1x64x128xf32, #tpu.memory_space<hbm>> -> memref<64x128xf32, #tpu.memory_space<hbm>>
    %dma_start3A_89 = arith.constant 0 : i32
    %dma_start3A_90 = arith.constant 0 : i32
    %dma_start3A_91 = tpu.memref_slice %arg2[%add3A_85, %dma_start3A_89, %dma_start3A_90] : memref<130x64x128xf32, #tpu.memory_space<hbm>> -> memref<1x64x128xf32, #tpu.memory_space<hbm>>
    %dma_start3A_92 = tpu.memref_squeeze %dma_start3A_91 : memref<1x64x128xf32, #tpu.memory_space<hbm>> -> memref<64x128xf32, #tpu.memory_space<hbm>>
    tpu.enqueue_dma source(%dma_start3A_92 : memref<64x128xf32, #tpu.memory_space<hbm>>) target(%arg9 : memref<64x128xf32, #tpu.memory_space<vmem>>) target_semaphore(%arg12 : memref<!tpu.dma_semaphore, #tpu.memory_space<semaphore_mem>>)
    %get3A_93 = arith.constant 1 : index
    %get3A_94 = tpu.vector_load %arg5[%get3A_93] {strides = array<i32>} : memref<544xi32, #tpu.memory_space<vmem>>, vector<16xi32>,
    %get3A_95 = vector.shape_cast %get3A_94 : vector<16xi32> to vector<16xi32>
    %slice3A_96 = vector.extract_strided_slice %get3A_95 {offsets = [0], sizes = [1], strides = [1]} : vector<16xi32> to vector<1xi32>
    %squeeze3A_97 = vector.extract %slice3A_96[0] : i32 from vector<1xi32>
    %mul3A_98 = arith.constant 2 : i32
    %mul3A_99 = arith.muli %squeeze3A_97, %mul3A_98 : i32
    %add3A_100 = arith.addi %mul3A_99, %select_n3A_30 : i32
    %dma_start3A_101 = arith.constant 0 : i32
    %dma_start3A_102 = arith.constant 0 : i32
    %dma_start3A_103 = tpu.memref_slice %arg2[%add3A_100, %dma_start3A_101, %dma_start3A_102] : memref<130x64x128xf32, #tpu.memory_space<hbm>> -> memref<1x64x128xf32, #tpu.memory_space<hbm>>
    %dma_start3A_104 = tpu.memref_squeeze %dma_start3A_103 : memref<1x64x128xf32, #tpu.memory_space<hbm>> -> memref<64x128xf32, #tpu.memory_space<hbm>>
    %dma_start3A_105 = arith.constant 0 : i32
    %dma_start3A_106 = arith.constant 0 : i32
    %dma_start3A_107 = tpu.memref_slice %arg2[%add3A_100, %dma_start3A_105, %dma_start3A_106] : memref<130x64x128xf32, #tpu.memory_space<hbm>> -> memref<1x64x128xf32, #tpu.memory_space<hbm>>
    %dma_start3A_108 = tpu.memref_squeeze %dma_start3A_107 : memref<1x64x128xf32, #tpu.memory_space<hbm>> -> memref<64x128xf32, #tpu.memory_space<hbm>>
    tpu.enqueue_dma source(%dma_start3A_108 : memref<64x128xf32, #tpu.memory_space<hbm>>) target(%arg10 : memref<64x128xf32, #tpu.memory_space<vmem>>) target_semaphore(%arg13 : memref<!tpu.dma_semaphore, #tpu.memory_space<semaphore_mem>>)
    %scan3A = arith.constant 0 : i32
    %scan3A_109 = arith.constant 0 : i32
    %scan3A_110 = arith.constant 256 : i32
    %scan3A_111 = arith.addi %scan3A_109, %scan3A_110 : i32
    %scan3A_112 = arith.constant 1 : i32
    scf.for %scan3A_134 = %scan3A_109 to %scan3A_111 step %scan3A_112  : i32 {
      %mul3A_135 = arith.constant 2 : i32
      %mul3A_136 = arith.muli %mul3A_135, %scan3A_134 : i32
      %dma_wait3A_137 = arith.constant 0 : i32
      %dma_wait3A_138 = arith.constant 0 : i32
      %dma_wait3A_139 = arith.constant 0 : i32
      %dma_wait3A_140 = tpu.memref_slice %arg2[%dma_wait3A_137, %dma_wait3A_138, %dma_wait3A_139] : memref<130x64x128xf32, #tpu.memory_space<hbm>> -> memref<1x64x128xf32, #tpu.memory_space<hbm>>
      %dma_wait3A_141 = tpu.memref_squeeze %dma_wait3A_140 : memref<1x64x128xf32, #tpu.memory_space<hbm>> -> memref<64x128xf32, #tpu.memory_space<hbm>>
      %dma_wait3A_142 = arith.constant 0 : i32
      %dma_wait3A_143 = arith.constant 0 : i32
      %dma_wait3A_144 = tpu.memref_slice %arg2[%dma_wait3A_137, %dma_wait3A_142, %dma_wait3A_143] : memref<130x64x128xf32, #tpu.memory_space<hbm>> -> memref<1x64x128xf32, #tpu.memory_space<hbm>>
      %dma_wait3A_145 = tpu.memref_squeeze %dma_wait3A_144 : memref<1x64x128xf32, #tpu.memory_space<hbm>> -> memref<64x128xf32, #tpu.memory_space<hbm>>
      tpu.wait_dma2 semaphore(%arg12 : memref<!tpu.dma_semaphore, #tpu.memory_space<semaphore_mem>>) src(%dma_wait3A_145 : memref<64x128xf32, #tpu.memory_space<hbm>>) dst(%arg9 : memref<64x128xf32, #tpu.memory_space<vmem>>)
      %add3A_146 = arith.constant 2 : i32
      %add3A_147 = arith.addi %mul3A_136, %add3A_146 : i32
      %broadcast_in_dim3A_148 = arith.constant 0.000000e+00 : f32
      %broadcast_in_dim3A_149 = vector.broadcast %broadcast_in_dim3A_148 : f32 to vector<16xf32>
      %broadcast_in_dim3A_150 = arith.constant 0.000000e+00 : f32
      %broadcast_in_dim3A_151 = vector.broadcast %broadcast_in_dim3A_150 : f32 to vector<16xf32>
      %broadcast_in_dim3A_152 = arith.constant 0.000000e+00 : f32
      %broadcast_in_dim3A_153 = vector.broadcast %broadcast_in_dim3A_152 : f32 to vector<16xf32>
      %broadcast_in_dim3A_154 = arith.constant 0.000000e+00 : f32
      %broadcast_in_dim3A_155 = vector.broadcast %broadcast_in_dim3A_154 : f32 to vector<16xf32>
      %broadcast_in_dim3A_156 = arith.constant 0.000000e+00 : f32
      %broadcast_in_dim3A_157 = vector.broadcast %broadcast_in_dim3A_156 : f32 to vector<16xf32>
      %broadcast_in_dim3A_158 = arith.constant 0.000000e+00 : f32
      %broadcast_in_dim3A_159 = vector.broadcast %broadcast_in_dim3A_158 : f32 to vector<16xf32>
      %broadcast_in_dim3A_160 = arith.constant 0.000000e+00 : f32
      %broadcast_in_dim3A_161 = vector.broadcast %broadcast_in_dim3A_160 : f32 to vector<16xf32>
      %broadcast_in_dim3A_162 = arith.constant 0.000000e+00 : f32
      %broadcast_in_dim3A_163 = vector.broadcast %broadcast_in_dim3A_162 : f32 to vector<16xf32>
      %scan3A_164 = arith.constant 0 : i32
      %scan3A_165 = arith.constant 4 : i32
      %scan3A_166 = arith.addi %scan3A_164, %scan3A_165 : i32
      %scan3A_167 = arith.constant 1 : i32
      %scan3A_168:8 = scf.for %scan3A_426 = %scan3A_164 to %scan3A_166 step %scan3A_167 iter_args(%scan3A_427 = %broadcast_in_dim3A_149, %scan3A_428 = %broadcast_in_dim3A_151, %scan3A_429 = %broadcast_in_dim3A_153, %scan3A_430 = %broadcast_in_dim3A_155, %scan3A_431 = %broadcast_in_dim3A_157, %scan3A_432 = %broadcast_in_dim3A_159, %scan3A_433 = %broadcast_in_dim3A_161, %scan3A_434 = %broadcast_in_dim3A_163) -> (vector<16xf32>, vector<16xf32>, vector<16xf32>, vector<16xf32>, vector<16xf32>, vector<16xf32>, vector<16xf32>, vector<16xf32>)  : i32 {
        %mul3A_435 = arith.constant 64 : i32
        %mul3A_436 = arith.muli %select_n3A_30, %mul3A_435 : i32
        %mul3A_437 = arith.constant 16 : i32
        %mul3A_438 = arith.muli %scan3A_426, %mul3A_437 : i32
        %add3A_439 = arith.addi %mul3A_436, %mul3A_438 : i32
        %get3A_440 = arith.index_cast %add3A_439 : i32 to index
        %get3A_441 = tpu.vector_load %arg6[%get3A_440] {strides = array<i32>} : memref<128xf32, #tpu.memory_space<vmem>>, vector<16xf32>,
        %get3A_442 = vector.shape_cast %get3A_441 : vector<16xf32> to vector<16xf32>
        %slice3A_443 = vector.extract_strided_slice %get3A_442 {offsets = [0], sizes = [1], strides = [1]} : vector<16xf32> to vector<1xf32>
        %squeeze3A_444 = vector.extract %slice3A_443[0] : f32 from vector<1xf32>
        %mul3A_445 = arith.constant 16 : i32
        %mul3A_446 = arith.muli %scan3A_426, %mul3A_445 : i32
        %add3A_447 = arith.constant 0 : i32
        %add3A_448 = arith.addi %mul3A_446, %add3A_447 : i32
        %get3A_449 = arith.index_cast %add3A_448 : i32 to index
        %get3A_450 = arith.constant 0 : index
        %get3A_451 = tpu.vector_load %arg9[%get3A_449, %get3A_450] {strides = array<i32>} : memref<64x128xf32, #tpu.memory_space<vmem>>, vector<1x16xf32>,
        %get3A_452 = vector.shape_cast %get3A_451 : vector<1x16xf32> to vector<16xf32>
        %mul3A_453 = vector.broadcast %squeeze3A_444 : f32 to vector<16xf32>
        %mul3A_454 = arith.mulf %mul3A_453, %get3A_452 : vector<16xf32>
        %add3A_455 = arith.addf %scan3A_427, %mul3A_454 : vector<16xf32>
        %get3A_456 = arith.index_cast %add3A_448 : i32 to index
        %get3A_457 = arith.constant 16 : index
        %get3A_458 = tpu.vector_load %arg9[%get3A_456, %get3A_457] {strides = array<i32>} : memref<64x128xf32, #tpu.memory_space<vmem>>, vector<1x16xf32>,
        %get3A_459 = vector.shape_cast %get3A_458 : vector<1x16xf32> to vector<16xf32>
        %mul3A_460 = vector.broadcast %squeeze3A_444 : f32 to vector<16xf32>
        %mul3A_461 = arith.mulf %mul3A_460, %get3A_459 : vector<16xf32>
        %add3A_462 = arith.addf %scan3A_428, %mul3A_461 : vector<16xf32>
        %get3A_463 = arith.index_cast %add3A_448 : i32 to index
        %get3A_464 = arith.constant 32 : index
        %get3A_465 = tpu.vector_load %arg9[%get3A_463, %get3A_464] {strides = array<i32>} : memref<64x128xf32, #tpu.memory_space<vmem>>, vector<1x16xf32>,
        %get3A_466 = vector.shape_cast %get3A_465 : vector<1x16xf32> to vector<16xf32>
        %mul3A_467 = vector.broadcast %squeeze3A_444 : f32 to vector<16xf32>
        %mul3A_468 = arith.mulf %mul3A_467, %get3A_466 : vector<16xf32>
        %add3A_469 = arith.addf %scan3A_429, %mul3A_468 : vector<16xf32>
        %get3A_470 = arith.index_cast %add3A_448 : i32 to index
        %get3A_471 = arith.constant 48 : index
        %get3A_472 = tpu.vector_load %arg9[%get3A_470, %get3A_471] {strides = array<i32>} : memref<64x128xf32, #tpu.memory_space<vmem>>, vector<1x16xf32>,
        %get3A_473 = vector.shape_cast %get3A_472 : vector<1x16xf32> to vector<16xf32>
        %mul3A_474 = vector.broadcast %squeeze3A_444 : f32 to vector<16xf32>
        %mul3A_475 = arith.mulf %mul3A_474, %get3A_473 : vector<16xf32>
        %add3A_476 = arith.addf %scan3A_430, %mul3A_475 : vector<16xf32>
        %get3A_477 = arith.index_cast %add3A_448 : i32 to index
        %get3A_478 = arith.constant 64 : index
        %get3A_479 = tpu.vector_load %arg9[%get3A_477, %get3A_478] {strides = array<i32>} : memref<64x128xf32, #tpu.memory_space<vmem>>, vector<1x16xf32>,
        %get3A_480 = vector.shape_cast %get3A_479 : vector<1x16xf32> to vector<16xf32>
        %mul3A_481 = vector.broadcast %squeeze3A_444 : f32 to vector<16xf32>
        %mul3A_482 = arith.mulf %mul3A_481, %get3A_480 : vector<16xf32>
        %add3A_483 = arith.addf %scan3A_431, %mul3A_482 : vector<16xf32>
        %get3A_484 = arith.index_cast %add3A_448 : i32 to index
        %get3A_485 = arith.constant 80 : index
        %get3A_486 = tpu.vector_load %arg9[%get3A_484, %get3A_485] {strides = array<i32>} : memref<64x128xf32, #tpu.memory_space<vmem>>, vector<1x16xf32>,
        %get3A_487 = vector.shape_cast %get3A_486 : vector<1x16xf32> to vector<16xf32>
        %mul3A_488 = vector.broadcast %squeeze3A_444 : f32 to vector<16xf32>
        %mul3A_489 = arith.mulf %mul3A_488, %get3A_487 : vector<16xf32>
        %add3A_490 = arith.addf %scan3A_432, %mul3A_489 : vector<16xf32>
        %get3A_491 = arith.index_cast %add3A_448 : i32 to index
        %get3A_492 = arith.constant 96 : index
        %get3A_493 = tpu.vector_load %arg9[%get3A_491, %get3A_492] {strides = array<i32>} : memref<64x128xf32, #tpu.memory_space<vmem>>, vector<1x16xf32>,
        %get3A_494 = vector.shape_cast %get3A_493 : vector<1x16xf32> to vector<16xf32>
        %mul3A_495 = vector.broadcast %squeeze3A_444 : f32 to vector<16xf32>
        %mul3A_496 = arith.mulf %mul3A_495, %get3A_494 : vector<16xf32>
        %add3A_497 = arith.addf %scan3A_433, %mul3A_496 : vector<16xf32>
        %get3A_498 = arith.index_cast %add3A_448 : i32 to index
        %get3A_499 = arith.constant 112 : index
        %get3A_500 = tpu.vector_load %arg9[%get3A_498, %get3A_499] {strides = array<i32>} : memref<64x128xf32, #tpu.memory_space<vmem>>, vector<1x16xf32>,
        %get3A_501 = vector.shape_cast %get3A_500 : vector<1x16xf32> to vector<16xf32>
        %mul3A_502 = vector.broadcast %squeeze3A_444 : f32 to vector<16xf32>
        %mul3A_503 = arith.mulf %mul3A_502, %get3A_501 : vector<16xf32>
        %add3A_504 = arith.addf %scan3A_434, %mul3A_503 : vector<16xf32>
        %slice3A_505 = vector.extract_strided_slice %get3A_442 {offsets = [1], sizes = [1], strides = [1]} : vector<16xf32> to vector<1xf32>
        %squeeze3A_506 = vector.extract %slice3A_505[0] : f32 from vector<1xf32>
        %mul3A_507 = arith.constant 16 : i32
        %mul3A_508 = arith.muli %scan3A_426, %mul3A_507 : i32
        %add3A_509 = arith.constant 1 : i32
        %add3A_510 = arith.addi %mul3A_508, %add3A_509 : i32
        %get3A_511 = arith.index_cast %add3A_510 : i32 to index
        %get3A_512 = arith.constant 0 : index
        %get3A_513 = tpu.vector_load %arg9[%get3A_511, %get3A_512] {strides = array<i32>} : memref<64x128xf32, #tpu.memory_space<vmem>>, vector<1x16xf32>,
        %get3A_514 = vector.shape_cast %get3A_513 : vector<1x16xf32> to vector<16xf32>
        %mul3A_515 = vector.broadcast %squeeze3A_506 : f32 to vector<16xf32>
        %mul3A_516 = arith.mulf %mul3A_515, %get3A_514 : vector<16xf32>
        %add3A_517 = arith.addf %add3A_455, %mul3A_516 : vector<16xf32>
        %get3A_518 = arith.index_cast %add3A_510 : i32 to index
        %get3A_519 = arith.constant 16 : index
        %get3A_520 = tpu.vector_load %arg9[%get3A_518, %get3A_519] {strides = array<i32>} : memref<64x128xf32, #tpu.memory_space<vmem>>, vector<1x16xf32>,
        %get3A_521 = vector.shape_cast %get3A_520 : vector<1x16xf32> to vector<16xf32>
        %mul3A_522 = vector.broadcast %squeeze3A_506 : f32 to vector<16xf32>
        %mul3A_523 = arith.mulf %mul3A_522, %get3A_521 : vector<16xf32>
        %add3A_524 = arith.addf %add3A_462, %mul3A_523 : vector<16xf32>
        %get3A_525 = arith.index_cast %add3A_510 : i32 to index
        %get3A_526 = arith.constant 32 : index
        %get3A_527 = tpu.vector_load %arg9[%get3A_525, %get3A_526] {strides = array<i32>} : memref<64x128xf32, #tpu.memory_space<vmem>>, vector<1x16xf32>,
        %get3A_528 = vector.shape_cast %get3A_527 : vector<1x16xf32> to vector<16xf32>
        %mul3A_529 = vector.broadcast %squeeze3A_506 : f32 to vector<16xf32>
        %mul3A_530 = arith.mulf %mul3A_529, %get3A_528 : vector<16xf32>
        %add3A_531 = arith.addf %add3A_469, %mul3A_530 : vector<16xf32>
        %get3A_532 = arith.index_cast %add3A_510 : i32 to index
        %get3A_533 = arith.constant 48 : index
        %get3A_534 = tpu.vector_load %arg9[%get3A_532, %get3A_533] {strides = array<i32>} : memref<64x128xf32, #tpu.memory_space<vmem>>, vector<1x16xf32>,
        %get3A_535 = vector.shape_cast %get3A_534 : vector<1x16xf32> to vector<16xf32>
        %mul3A_536 = vector.broadcast %squeeze3A_506 : f32 to vector<16xf32>
        %mul3A_537 = arith.mulf %mul3A_536, %get3A_535 : vector<16xf32>
        %add3A_538 = arith.addf %add3A_476, %mul3A_537 : vector<16xf32>
        %get3A_539 = arith.index_cast %add3A_510 : i32 to index
        %get3A_540 = arith.constant 64 : index
        %get3A_541 = tpu.vector_load %arg9[%get3A_539, %get3A_540] {strides = array<i32>} : memref<64x128xf32, #tpu.memory_space<vmem>>, vector<1x16xf32>,
        %get3A_542 = vector.shape_cast %get3A_541 : vector<1x16xf32> to vector<16xf32>
        %mul3A_543 = vector.broadcast %squeeze3A_506 : f32 to vector<16xf32>
        %mul3A_544 = arith.mulf %mul3A_543, %get3A_542 : vector<16xf32>
        %add3A_545 = arith.addf %add3A_483, %mul3A_544 : vector<16xf32>
        %get3A_546 = arith.index_cast %add3A_510 : i32 to index
        %get3A_547 = arith.constant 80 : index
        %get3A_548 = tpu.vector_load %arg9[%get3A_546, %get3A_547] {strides = array<i32>} : memref<64x128xf32, #tpu.memory_space<vmem>>, vector<1x16xf32>,
        %get3A_549 = vector.shape_cast %get3A_548 : vector<1x16xf32> to vector<16xf32>
        %mul3A_550 = vector.broadcast %squeeze3A_506 : f32 to vector<16xf32>
        %mul3A_551 = arith.mulf %mul3A_550, %get3A_549 : vector<16xf32>
        %add3A_552 = arith.addf %add3A_490, %mul3A_551 : vector<16xf32>
        %get3A_553 = arith.index_cast %add3A_510 : i32 to index
        %get3A_554 = arith.constant 96 : index
        %get3A_555 = tpu.vector_load %arg9[%get3A_553, %get3A_554] {strides = array<i32>} : memref<64x128xf32, #tpu.memory_space<vmem>>, vector<1x16xf32>,
        %get3A_556 = vector.shape_cast %get3A_555 : vector<1x16xf32> to vector<16xf32>
        %mul3A_557 = vector.broadcast %squeeze3A_506 : f32 to vector<16xf32>
        %mul3A_558 = arith.mulf %mul3A_557, %get3A_556 : vector<16xf32>
        %add3A_559 = arith.addf %add3A_497, %mul3A_558 : vector<16xf32>
        %get3A_560 = arith.index_cast %add3A_510 : i32 to index
        %get3A_561 = arith.constant 112 : index
        %get3A_562 = tpu.vector_load %arg9[%get3A_560, %get3A_561] {strides = array<i32>} : memref<64x128xf32, #tpu.memory_space<vmem>>, vector<1x16xf32>,
        %get3A_563 = vector.shape_cast %get3A_562 : vector<1x16xf32> to vector<16xf32>
        %mul3A_564 = vector.broadcast %squeeze3A_506 : f32 to vector<16xf32>
        %mul3A_565 = arith.mulf %mul3A_564, %get3A_563 : vector<16xf32>
        %add3A_566 = arith.addf %add3A_504, %mul3A_565 : vector<16xf32>
        %slice3A_567 = vector.extract_strided_slice %get3A_442 {offsets = [2], sizes = [1], strides = [1]} : vector<16xf32> to vector<1xf32>
        %squeeze3A_568 = vector.extract %slice3A_567[0] : f32 from vector<1xf32>
        %mul3A_569 = arith.constant 16 : i32
        %mul3A_570 = arith.muli %scan3A_426, %mul3A_569 : i32
        %add3A_571 = arith.constant 2 : i32
        %add3A_572 = arith.addi %mul3A_570, %add3A_571 : i32
        %get3A_573 = arith.index_cast %add3A_572 : i32 to index
        %get3A_574 = arith.constant 0 : index
        %get3A_575 = tpu.vector_load %arg9[%get3A_573, %get3A_574] {strides = array<i32>} : memref<64x128xf32, #tpu.memory_space<vmem>>, vector<1x16xf32>,
        %get3A_576 = vector.shape_cast %get3A_575 : vector<1x16xf32> to vector<16xf32>
        %mul3A_577 = vector.broadcast %squeeze3A_568 : f32 to vector<16xf32>
        %mul3A_578 = arith.mulf %mul3A_577, %get3A_576 : vector<16xf32>
        %add3A_579 = arith.addf %add3A_517, %mul3A_578 : vector<16xf32>
        %get3A_580 = arith.index_cast %add3A_572 : i32 to index
        %get3A_581 = arith.constant 16 : index
        %get3A_582 = tpu.vector_load %arg9[%get3A_580, %get3A_581] {strides = array<i32>} : memref<64x128xf32, #tpu.memory_space<vmem>>, vector<1x16xf32>,
        %get3A_583 = vector.shape_cast %get3A_582 : vector<1x16xf32> to vector<16xf32>
        %mul3A_584 = vector.broadcast %squeeze3A_568 : f32 to vector<16xf32>
        %mul3A_585 = arith.mulf %mul3A_584, %get3A_583 : vector<16xf32>
        %add3A_586 = arith.addf %add3A_524, %mul3A_585 : vector<16xf32>
        %get3A_587 = arith.index_cast %add3A_572 : i32 to index
        %get3A_588 = arith.constant 32 : index
        %get3A_589 = tpu.vector_load %arg9[%get3A_587, %get3A_588] {strides = array<i32>} : memref<64x128xf32, #tpu.memory_space<vmem>>, vector<1x16xf32>,
        %get3A_590 = vector.shape_cast %get3A_589 : vector<1x16xf32> to vector<16xf32>
        %mul3A_591 = vector.broadcast %squeeze3A_568 : f32 to vector<16xf32>
        %mul3A_592 = arith.mulf %mul3A_591, %get3A_590 : vector<16xf32>
        %add3A_593 = arith.addf %add3A_531, %mul3A_592 : vector<16xf32>
        %get3A_594 = arith.index_cast %add3A_572 : i32 to index
        %get3A_595 = arith.constant 48 : index
        %get3A_596 = tpu.vector_load %arg9[%get3A_594, %get3A_595] {strides = array<i32>} : memref<64x128xf32, #tpu.memory_space<vmem>>, vector<1x16xf32>,
        %get3A_597 = vector.shape_cast %get3A_596 : vector<1x16xf32> to vector<16xf32>
        %mul3A_598 = vector.broadcast %squeeze3A_568 : f32 to vector<16xf32>
        %mul3A_599 = arith.mulf %mul3A_598, %get3A_597 : vector<16xf32>
        %add3A_600 = arith.addf %add3A_538, %mul3A_599 : vector<16xf32>
        %get3A_601 = arith.index_cast %add3A_572 : i32 to index
        %get3A_602 = arith.constant 64 : index
        %get3A_603 = tpu.vector_load %arg9[%get3A_601, %get3A_602] {strides = array<i32>} : memref<64x128xf32, #tpu.memory_space<vmem>>, vector<1x16xf32>,
        %get3A_604 = vector.shape_cast %get3A_603 : vector<1x16xf32> to vector<16xf32>
        %mul3A_605 = vector.broadcast %squeeze3A_568 : f32 to vector<16xf32>
        %mul3A_606 = arith.mulf %mul3A_605, %get3A_604 : vector<16xf32>
        %add3A_607 = arith.addf %add3A_545, %mul3A_606 : vector<16xf32>
        %get3A_608 = arith.index_cast %add3A_572 : i32 to index
        %get3A_609 = arith.constant 80 : index
        %get3A_610 = tpu.vector_load %arg9[%get3A_608, %get3A_609] {strides = array<i32>} : memref<64x128xf32, #tpu.memory_space<vmem>>, vector<1x16xf32>,
        %get3A_611 = vector.shape_cast %get3A_610 : vector<1x16xf32> to vector<16xf32>
        %mul3A_612 = vector.broadcast %squeeze3A_568 : f32 to vector<16xf32>
        %mul3A_613 = arith.mulf %mul3A_612, %get3A_611 : vector<16xf32>
        %add3A_614 = arith.addf %add3A_552, %mul3A_613 : vector<16xf32>
        %get3A_615 = arith.index_cast %add3A_572 : i32 to index
        %get3A_616 = arith.constant 96 : index
        %get3A_617 = tpu.vector_load %arg9[%get3A_615, %get3A_616] {strides = array<i32>} : memref<64x128xf32, #tpu.memory_space<vmem>>, vector<1x16xf32>,
        %get3A_618 = vector.shape_cast %get3A_617 : vector<1x16xf32> to vector<16xf32>
        %mul3A_619 = vector.broadcast %squeeze3A_568 : f32 to vector<16xf32>
        %mul3A_620 = arith.mulf %mul3A_619, %get3A_618 : vector<16xf32>
        %add3A_621 = arith.addf %add3A_559, %mul3A_620 : vector<16xf32>
        %get3A_622 = arith.index_cast %add3A_572 : i32 to index
        %get3A_623 = arith.constant 112 : index
        %get3A_624 = tpu.vector_load %arg9[%get3A_622, %get3A_623] {strides = array<i32>} : memref<64x128xf32, #tpu.memory_space<vmem>>, vector<1x16xf32>,
        %get3A_625 = vector.shape_cast %get3A_624 : vector<1x16xf32> to vector<16xf32>
        %mul3A_626 = vector.broadcast %squeeze3A_568 : f32 to vector<16xf32>
        %mul3A_627 = arith.mulf %mul3A_626, %get3A_625 : vector<16xf32>
        %add3A_628 = arith.addf %add3A_566, %mul3A_627 : vector<16xf32>
        %slice3A_629 = vector.extract_strided_slice %get3A_442 {offsets = [3], sizes = [1], strides = [1]} : vector<16xf32> to vector<1xf32>
        %squeeze3A_630 = vector.extract %slice3A_629[0] : f32 from vector<1xf32>
        %mul3A_631 = arith.constant 16 : i32
        %mul3A_632 = arith.muli %scan3A_426, %mul3A_631 : i32
        %add3A_633 = arith.constant 3 : i32
        %add3A_634 = arith.addi %mul3A_632, %add3A_633 : i32
        %get3A_635 = arith.index_cast %add3A_634 : i32 to index
        %get3A_636 = arith.constant 0 : index
        %get3A_637 = tpu.vector_load %arg9[%get3A_635, %get3A_636] {strides = array<i32>} : memref<64x128xf32, #tpu.memory_space<vmem>>, vector<1x16xf32>,
        %get3A_638 = vector.shape_cast %get3A_637 : vector<1x16xf32> to vector<16xf32>
        %mul3A_639 = vector.broadcast %squeeze3A_630 : f32 to vector<16xf32>
        %mul3A_640 = arith.mulf %mul3A_639, %get3A_638 : vector<16xf32>
        %add3A_641 = arith.addf %add3A_579, %mul3A_640 : vector<16xf32>
        %get3A_642 = arith.index_cast %add3A_634 : i32 to index
        %get3A_643 = arith.constant 16 : index
        %get3A_644 = tpu.vector_load %arg9[%get3A_642, %get3A_643] {strides = array<i32>} : memref<64x128xf32, #tpu.memory_space<vmem>>, vector<1x16xf32>,
        %get3A_645 = vector.shape_cast %get3A_644 : vector<1x16xf32> to vector<16xf32>
        %mul3A_646 = vector.broadcast %squeeze3A_630 : f32 to vector<16xf32>
        %mul3A_647 = arith.mulf %mul3A_646, %get3A_645 : vector<16xf32>
        %add3A_648 = arith.addf %add3A_586, %mul3A_647 : vector<16xf32>
        %get3A_649 = arith.index_cast %add3A_634 : i32 to index
        %get3A_650 = arith.constant 32 : index
        %get3A_651 = tpu.vector_load %arg9[%get3A_649, %get3A_650] {strides = array<i32>} : memref<64x128xf32, #tpu.memory_space<vmem>>, vector<1x16xf32>,
        %get3A_652 = vector.shape_cast %get3A_651 : vector<1x16xf32> to vector<16xf32>
        %mul3A_653 = vector.broadcast %squeeze3A_630 : f32 to vector<16xf32>
        %mul3A_654 = arith.mulf %mul3A_653, %get3A_652 : vector<16xf32>
        %add3A_655 = arith.addf %add3A_593, %mul3A_654 : vector<16xf32>
        %get3A_656 = arith.index_cast %add3A_634 : i32 to index
        %get3A_657 = arith.constant 48 : index
        %get3A_658 = tpu.vector_load %arg9[%get3A_656, %get3A_657] {strides = array<i32>} : memref<64x128xf32, #tpu.memory_space<vmem>>, vector<1x16xf32>,
        %get3A_659 = vector.shape_cast %get3A_658 : vector<1x16xf32> to vector<16xf32>
        %mul3A_660 = vector.broadcast %squeeze3A_630 : f32 to vector<16xf32>
        %mul3A_661 = arith.mulf %mul3A_660, %get3A_659 : vector<16xf32>
        %add3A_662 = arith.addf %add3A_600, %mul3A_661 : vector<16xf32>
        %get3A_663 = arith.index_cast %add3A_634 : i32 to index
        %get3A_664 = arith.constant 64 : index
        %get3A_665 = tpu.vector_load %arg9[%get3A_663, %get3A_664] {strides = array<i32>} : memref<64x128xf32, #tpu.memory_space<vmem>>, vector<1x16xf32>,
        %get3A_666 = vector.shape_cast %get3A_665 : vector<1x16xf32> to vector<16xf32>
        %mul3A_667 = vector.broadcast %squeeze3A_630 : f32 to vector<16xf32>
        %mul3A_668 = arith.mulf %mul3A_667, %get3A_666 : vector<16xf32>
        %add3A_669 = arith.addf %add3A_607, %mul3A_668 : vector<16xf32>
        %get3A_670 = arith.index_cast %add3A_634 : i32 to index
        %get3A_671 = arith.constant 80 : index
        %get3A_672 = tpu.vector_load %arg9[%get3A_670, %get3A_671] {strides = array<i32>} : memref<64x128xf32, #tpu.memory_space<vmem>>, vector<1x16xf32>,
        %get3A_673 = vector.shape_cast %get3A_672 : vector<1x16xf32> to vector<16xf32>
        %mul3A_674 = vector.broadcast %squeeze3A_630 : f32 to vector<16xf32>
        %mul3A_675 = arith.mulf %mul3A_674, %get3A_673 : vector<16xf32>
        %add3A_676 = arith.addf %add3A_614, %mul3A_675 : vector<16xf32>
        %get3A_677 = arith.index_cast %add3A_634 : i32 to index
        %get3A_678 = arith.constant 96 : index
        %get3A_679 = tpu.vector_load %arg9[%get3A_677, %get3A_678] {strides = array<i32>} : memref<64x128xf32, #tpu.memory_space<vmem>>, vector<1x16xf32>,
        %get3A_680 = vector.shape_cast %get3A_679 : vector<1x16xf32> to vector<16xf32>
        %mul3A_681 = vector.broadcast %squeeze3A_630 : f32 to vector<16xf32>
        %mul3A_682 = arith.mulf %mul3A_681, %get3A_680 : vector<16xf32>
        %add3A_683 = arith.addf %add3A_621, %mul3A_682 : vector<16xf32>
        %get3A_684 = arith.index_cast %add3A_634 : i32 to index
        %get3A_685 = arith.constant 112 : index
        %get3A_686 = tpu.vector_load %arg9[%get3A_684, %get3A_685] {strides = array<i32>} : memref<64x128xf32, #tpu.memory_space<vmem>>, vector<1x16xf32>,
        %get3A_687 = vector.shape_cast %get3A_686 : vector<1x16xf32> to vector<16xf32>
        %mul3A_688 = vector.broadcast %squeeze3A_630 : f32 to vector<16xf32>
        %mul3A_689 = arith.mulf %mul3A_688, %get3A_687 : vector<16xf32>
        %add3A_690 = arith.addf %add3A_628, %mul3A_689 : vector<16xf32>
        %slice3A_691 = vector.extract_strided_slice %get3A_442 {offsets = [4], sizes = [1], strides = [1]} : vector<16xf32> to vector<1xf32>
        %squeeze3A_692 = vector.extract %slice3A_691[0] : f32 from vector<1xf32>
        %mul3A_693 = arith.constant 16 : i32
        %mul3A_694 = arith.muli %scan3A_426, %mul3A_693 : i32
        %add3A_695 = arith.constant 4 : i32
        %add3A_696 = arith.addi %mul3A_694, %add3A_695 : i32
        %get3A_697 = arith.index_cast %add3A_696 : i32 to index
        %get3A_698 = arith.constant 0 : index
        %get3A_699 = tpu.vector_load %arg9[%get3A_697, %get3A_698] {strides = array<i32>} : memref<64x128xf32, #tpu.memory_space<vmem>>, vector<1x16xf32>,
        %get3A_700 = vector.shape_cast %get3A_699 : vector<1x16xf32> to vector<16xf32>
        %mul3A_701 = vector.broadcast %squeeze3A_692 : f32 to vector<16xf32>
        %mul3A_702 = arith.mulf %mul3A_701, %get3A_700 : vector<16xf32>
        %add3A_703 = arith.addf %add3A_641, %mul3A_702 : vector<16xf32>
        %get3A_704 = arith.index_cast %add3A_696 : i32 to index
        %get3A_705 = arith.constant 16 : index
        %get3A_706 = tpu.vector_load %arg9[%get3A_704, %get3A_705] {strides = array<i32>} : memref<64x128xf32, #tpu.memory_space<vmem>>, vector<1x16xf32>,
        %get3A_707 = vector.shape_cast %get3A_706 : vector<1x16xf32> to vector<16xf32>
        %mul3A_708 = vector.broadcast %squeeze3A_692 : f32 to vector<16xf32>
        %mul3A_709 = arith.mulf %mul3A_708, %get3A_707 : vector<16xf32>
        %add3A_710 = arith.addf %add3A_648, %mul3A_709 : vector<16xf32>
        %get3A_711 = arith.index_cast %add3A_696 : i32 to index
        %get3A_712 = arith.constant 32 : index
        %get3A_713 = tpu.vector_load %arg9[%get3A_711, %get3A_712] {strides = array<i32>} : memref<64x128xf32, #tpu.memory_space<vmem>>, vector<1x16xf32>,
        %get3A_714 = vector.shape_cast %get3A_713 : vector<1x16xf32> to vector<16xf32>
        %mul3A_715 = vector.broadcast %squeeze3A_692 : f32 to vector<16xf32>
        %mul3A_716 = arith.mulf %mul3A_715, %get3A_714 : vector<16xf32>
        %add3A_717 = arith.addf %add3A_655, %mul3A_716 : vector<16xf32>
        %get3A_718 = arith.index_cast %add3A_696 : i32 to index
        %get3A_719 = arith.constant 48 : index
        %get3A_720 = tpu.vector_load %arg9[%get3A_718, %get3A_719] {strides = array<i32>} : memref<64x128xf32, #tpu.memory_space<vmem>>, vector<1x16xf32>,
        %get3A_721 = vector.shape_cast %get3A_720 : vector<1x16xf32> to vector<16xf32>
        %mul3A_722 = vector.broadcast %squeeze3A_692 : f32 to vector<16xf32>
        %mul3A_723 = arith.mulf %mul3A_722, %get3A_721 : vector<16xf32>
        %add3A_724 = arith.addf %add3A_662, %mul3A_723 : vector<16xf32>
        %get3A_725 = arith.index_cast %add3A_696 : i32 to index
        %get3A_726 = arith.constant 64 : index
        %get3A_727 = tpu.vector_load %arg9[%get3A_725, %get3A_726] {strides = array<i32>} : memref<64x128xf32, #tpu.memory_space<vmem>>, vector<1x16xf32>,
        %get3A_728 = vector.shape_cast %get3A_727 : vector<1x16xf32> to vector<16xf32>
        %mul3A_729 = vector.broadcast %squeeze3A_692 : f32 to vector<16xf32>
        %mul3A_730 = arith.mulf %mul3A_729, %get3A_728 : vector<16xf32>
        %add3A_731 = arith.addf %add3A_669, %mul3A_730 : vector<16xf32>
        %get3A_732 = arith.index_cast %add3A_696 : i32 to index
        %get3A_733 = arith.constant 80 : index
        %get3A_734 = tpu.vector_load %arg9[%get3A_732, %get3A_733] {strides = array<i32>} : memref<64x128xf32, #tpu.memory_space<vmem>>, vector<1x16xf32>,
        %get3A_735 = vector.shape_cast %get3A_734 : vector<1x16xf32> to vector<16xf32>
        %mul3A_736 = vector.broadcast %squeeze3A_692 : f32 to vector<16xf32>
        %mul3A_737 = arith.mulf %mul3A_736, %get3A_735 : vector<16xf32>
        %add3A_738 = arith.addf %add3A_676, %mul3A_737 : vector<16xf32>
        %get3A_739 = arith.index_cast %add3A_696 : i32 to index
        %get3A_740 = arith.constant 96 : index
        %get3A_741 = tpu.vector_load %arg9[%get3A_739, %get3A_740] {strides = array<i32>} : memref<64x128xf32, #tpu.memory_space<vmem>>, vector<1x16xf32>,
        %get3A_742 = vector.shape_cast %get3A_741 : vector<1x16xf32> to vector<16xf32>
        %mul3A_743 = vector.broadcast %squeeze3A_692 : f32 to vector<16xf32>
        %mul3A_744 = arith.mulf %mul3A_743, %get3A_742 : vector<16xf32>
        %add3A_745 = arith.addf %add3A_683, %mul3A_744 : vector<16xf32>
        %get3A_746 = arith.index_cast %add3A_696 : i32 to index
        %get3A_747 = arith.constant 112 : index
        %get3A_748 = tpu.vector_load %arg9[%get3A_746, %get3A_747] {strides = array<i32>} : memref<64x128xf32, #tpu.memory_space<vmem>>, vector<1x16xf32>,
        %get3A_749 = vector.shape_cast %get3A_748 : vector<1x16xf32> to vector<16xf32>
        %mul3A_750 = vector.broadcast %squeeze3A_692 : f32 to vector<16xf32>
        %mul3A_751 = arith.mulf %mul3A_750, %get3A_749 : vector<16xf32>
        %add3A_752 = arith.addf %add3A_690, %mul3A_751 : vector<16xf32>
        %slice3A_753 = vector.extract_strided_slice %get3A_442 {offsets = [5], sizes = [1], strides = [1]} : vector<16xf32> to vector<1xf32>
        %squeeze3A_754 = vector.extract %slice3A_753[0] : f32 from vector<1xf32>
        %mul3A_755 = arith.constant 16 : i32
        %mul3A_756 = arith.muli %scan3A_426, %mul3A_755 : i32
        %add3A_757 = arith.constant 5 : i32
        %add3A_758 = arith.addi %mul3A_756, %add3A_757 : i32
        %get3A_759 = arith.index_cast %add3A_758 : i32 to index
        %get3A_760 = arith.constant 0 : index
        %get3A_761 = tpu.vector_load %arg9[%get3A_759, %get3A_760] {strides = array<i32>} : memref<64x128xf32, #tpu.memory_space<vmem>>, vector<1x16xf32>,
        %get3A_762 = vector.shape_cast %get3A_761 : vector<1x16xf32> to vector<16xf32>
        %mul3A_763 = vector.broadcast %squeeze3A_754 : f32 to vector<16xf32>
        %mul3A_764 = arith.mulf %mul3A_763, %get3A_762 : vector<16xf32>
        %add3A_765 = arith.addf %add3A_703, %mul3A_764 : vector<16xf32>
        %get3A_766 = arith.index_cast %add3A_758 : i32 to index
        %get3A_767 = arith.constant 16 : index
        %get3A_768 = tpu.vector_load %arg9[%get3A_766, %get3A_767] {strides = array<i32>} : memref<64x128xf32, #tpu.memory_space<vmem>>, vector<1x16xf32>,
        %get3A_769 = vector.shape_cast %get3A_768 : vector<1x16xf32> to vector<16xf32>
        %mul3A_770 = vector.broadcast %squeeze3A_754 : f32 to vector<16xf32>
        %mul3A_771 = arith.mulf %mul3A_770, %get3A_769 : vector<16xf32>
        %add3A_772 = arith.addf %add3A_710, %mul3A_771 : vector<16xf32>
        %get3A_773 = arith.index_cast %add3A_758 : i32 to index
        %get3A_774 = arith.constant 32 : index
        %get3A_775 = tpu.vector_load %arg9[%get3A_773, %get3A_774] {strides = array<i32>} : memref<64x128xf32, #tpu.memory_space<vmem>>, vector<1x16xf32>,
        %get3A_776 = vector.shape_cast %get3A_775 : vector<1x16xf32> to vector<16xf32>
        %mul3A_777 = vector.broadcast %squeeze3A_754 : f32 to vector<16xf32>
        %mul3A_778 = arith.mulf %mul3A_777, %get3A_776 : vector<16xf32>
        %add3A_779 = arith.addf %add3A_717, %mul3A_778 : vector<16xf32>
        %get3A_780 = arith.index_cast %add3A_758 : i32 to index
        %get3A_781 = arith.constant 48 : index
        %get3A_782 = tpu.vector_load %arg9[%get3A_780, %get3A_781] {strides = array<i32>} : memref<64x128xf32, #tpu.memory_space<vmem>>, vector<1x16xf32>,
        %get3A_783 = vector.shape_cast %get3A_782 : vector<1x16xf32> to vector<16xf32>
        %mul3A_784 = vector.broadcast %squeeze3A_754 : f32 to vector<16xf32>
        %mul3A_785 = arith.mulf %mul3A_784, %get3A_783 : vector<16xf32>
        %add3A_786 = arith.addf %add3A_724, %mul3A_785 : vector<16xf32>
        %get3A_787 = arith.index_cast %add3A_758 : i32 to index
        %get3A_788 = arith.constant 64 : index
        %get3A_789 = tpu.vector_load %arg9[%get3A_787, %get3A_788] {strides = array<i32>} : memref<64x128xf32, #tpu.memory_space<vmem>>, vector<1x16xf32>,
        %get3A_790 = vector.shape_cast %get3A_789 : vector<1x16xf32> to vector<16xf32>
        %mul3A_791 = vector.broadcast %squeeze3A_754 : f32 to vector<16xf32>
        %mul3A_792 = arith.mulf %mul3A_791, %get3A_790 : vector<16xf32>
        %add3A_793 = arith.addf %add3A_731, %mul3A_792 : vector<16xf32>
        %get3A_794 = arith.index_cast %add3A_758 : i32 to index
        %get3A_795 = arith.constant 80 : index
        %get3A_796 = tpu.vector_load %arg9[%get3A_794, %get3A_795] {strides = array<i32>} : memref<64x128xf32, #tpu.memory_space<vmem>>, vector<1x16xf32>,
        %get3A_797 = vector.shape_cast %get3A_796 : vector<1x16xf32> to vector<16xf32>
        %mul3A_798 = vector.broadcast %squeeze3A_754 : f32 to vector<16xf32>
        %mul3A_799 = arith.mulf %mul3A_798, %get3A_797 : vector<16xf32>
        %add3A_800 = arith.addf %add3A_738, %mul3A_799 : vector<16xf32>
        %get3A_801 = arith.index_cast %add3A_758 : i32 to index
        %get3A_802 = arith.constant 96 : index
        %get3A_803 = tpu.vector_load %arg9[%get3A_801, %get3A_802] {strides = array<i32>} : memref<64x128xf32, #tpu.memory_space<vmem>>, vector<1x16xf32>,
        %get3A_804 = vector.shape_cast %get3A_803 : vector<1x16xf32> to vector<16xf32>
        %mul3A_805 = vector.broadcast %squeeze3A_754 : f32 to vector<16xf32>
        %mul3A_806 = arith.mulf %mul3A_805, %get3A_804 : vector<16xf32>
        %add3A_807 = arith.addf %add3A_745, %mul3A_806 : vector<16xf32>
        %get3A_808 = arith.index_cast %add3A_758 : i32 to index
        %get3A_809 = arith.constant 112 : index
        %get3A_810 = tpu.vector_load %arg9[%get3A_808, %get3A_809] {strides = array<i32>} : memref<64x128xf32, #tpu.memory_space<vmem>>, vector<1x16xf32>,
        %get3A_811 = vector.shape_cast %get3A_810 : vector<1x16xf32> to vector<16xf32>
        %mul3A_812 = vector.broadcast %squeeze3A_754 : f32 to vector<16xf32>
        %mul3A_813 = arith.mulf %mul3A_812, %get3A_811 : vector<16xf32>
        %add3A_814 = arith.addf %add3A_752, %mul3A_813 : vector<16xf32>
        %slice3A_815 = vector.extract_strided_slice %get3A_442 {offsets = [6], sizes = [1], strides = [1]} : vector<16xf32> to vector<1xf32>
        %squeeze3A_816 = vector.extract %slice3A_815[0] : f32 from vector<1xf32>
        %mul3A_817 = arith.constant 16 : i32
        %mul3A_818 = arith.muli %scan3A_426, %mul3A_817 : i32
        %add3A_819 = arith.constant 6 : i32
        %add3A_820 = arith.addi %mul3A_818, %add3A_819 : i32
        %get3A_821 = arith.index_cast %add3A_820 : i32 to index
        %get3A_822 = arith.constant 0 : index
        %get3A_823 = tpu.vector_load %arg9[%get3A_821, %get3A_822] {strides = array<i32>} : memref<64x128xf32, #tpu.memory_space<vmem>>, vector<1x16xf32>,
        %get3A_824 = vector.shape_cast %get3A_823 : vector<1x16xf32> to vector<16xf32>
        %mul3A_825 = vector.broadcast %squeeze3A_816 : f32 to vector<16xf32>
        %mul3A_826 = arith.mulf %mul3A_825, %get3A_824 : vector<16xf32>
        %add3A_827 = arith.addf %add3A_765, %mul3A_826 : vector<16xf32>
        %get3A_828 = arith.index_cast %add3A_820 : i32 to index
        %get3A_829 = arith.constant 16 : index
        %get3A_830 = tpu.vector_load %arg9[%get3A_828, %get3A_829] {strides = array<i32>} : memref<64x128xf32, #tpu.memory_space<vmem>>, vector<1x16xf32>,
        %get3A_831 = vector.shape_cast %get3A_830 : vector<1x16xf32> to vector<16xf32>
        %mul3A_832 = vector.broadcast %squeeze3A_816 : f32 to vector<16xf32>
        %mul3A_833 = arith.mulf %mul3A_832, %get3A_831 : vector<16xf32>
        %add3A_834 = arith.addf %add3A_772, %mul3A_833 : vector<16xf32>
        %get3A_835 = arith.index_cast %add3A_820 : i32 to index
        %get3A_836 = arith.constant 32 : index
        %get3A_837 = tpu.vector_load %arg9[%get3A_835, %get3A_836] {strides = array<i32>} : memref<64x128xf32, #tpu.memory_space<vmem>>, vector<1x16xf32>,
        %get3A_838 = vector.shape_cast %get3A_837 : vector<1x16xf32> to vector<16xf32>
        %mul3A_839 = vector.broadcast %squeeze3A_816 : f32 to vector<16xf32>
        %mul3A_840 = arith.mulf %mul3A_839, %get3A_838 : vector<16xf32>
        %add3A_841 = arith.addf %add3A_779, %mul3A_840 : vector<16xf32>
        %get3A_842 = arith.index_cast %add3A_820 : i32 to index
        %get3A_843 = arith.constant 48 : index
        %get3A_844 = tpu.vector_load %arg9[%get3A_842, %get3A_843] {strides = array<i32>} : memref<64x128xf32, #tpu.memory_space<vmem>>, vector<1x16xf32>,
        %get3A_845 = vector.shape_cast %get3A_844 : vector<1x16xf32> to vector<16xf32>
        %mul3A_846 = vector.broadcast %squeeze3A_816 : f32 to vector<16xf32>
        %mul3A_847 = arith.mulf %mul3A_846, %get3A_845 : vector<16xf32>
        %add3A_848 = arith.addf %add3A_786, %mul3A_847 : vector<16xf32>
        %get3A_849 = arith.index_cast %add3A_820 : i32 to index
        %get3A_850 = arith.constant 64 : index
        %get3A_851 = tpu.vector_load %arg9[%get3A_849, %get3A_850] {strides = array<i32>} : memref<64x128xf32, #tpu.memory_space<vmem>>, vector<1x16xf32>,
        %get3A_852 = vector.shape_cast %get3A_851 : vector<1x16xf32> to vector<16xf32>
        %mul3A_853 = vector.broadcast %squeeze3A_816 : f32 to vector<16xf32>
        %mul3A_854 = arith.mulf %mul3A_853, %get3A_852 : vector<16xf32>
        %add3A_855 = arith.addf %add3A_793, %mul3A_854 : vector<16xf32>
        %get3A_856 = arith.index_cast %add3A_820 : i32 to index
        %get3A_857 = arith.constant 80 : index
        %get3A_858 = tpu.vector_load %arg9[%get3A_856, %get3A_857] {strides = array<i32>} : memref<64x128xf32, #tpu.memory_space<vmem>>, vector<1x16xf32>,
        %get3A_859 = vector.shape_cast %get3A_858 : vector<1x16xf32> to vector<16xf32>
        %mul3A_860 = vector.broadcast %squeeze3A_816 : f32 to vector<16xf32>
        %mul3A_861 = arith.mulf %mul3A_860, %get3A_859 : vector<16xf32>
        %add3A_862 = arith.addf %add3A_800, %mul3A_861 : vector<16xf32>
        %get3A_863 = arith.index_cast %add3A_820 : i32 to index
        %get3A_864 = arith.constant 96 : index
        %get3A_865 = tpu.vector_load %arg9[%get3A_863, %get3A_864] {strides = array<i32>} : memref<64x128xf32, #tpu.memory_space<vmem>>, vector<1x16xf32>,
        %get3A_866 = vector.shape_cast %get3A_865 : vector<1x16xf32> to vector<16xf32>
        %mul3A_867 = vector.broadcast %squeeze3A_816 : f32 to vector<16xf32>
        %mul3A_868 = arith.mulf %mul3A_867, %get3A_866 : vector<16xf32>
        %add3A_869 = arith.addf %add3A_807, %mul3A_868 : vector<16xf32>
        %get3A_870 = arith.index_cast %add3A_820 : i32 to index
        %get3A_871 = arith.constant 112 : index
        %get3A_872 = tpu.vector_load %arg9[%get3A_870, %get3A_871] {strides = array<i32>} : memref<64x128xf32, #tpu.memory_space<vmem>>, vector<1x16xf32>,
        %get3A_873 = vector.shape_cast %get3A_872 : vector<1x16xf32> to vector<16xf32>
        %mul3A_874 = vector.broadcast %squeeze3A_816 : f32 to vector<16xf32>
        %mul3A_875 = arith.mulf %mul3A_874, %get3A_873 : vector<16xf32>
        %add3A_876 = arith.addf %add3A_814, %mul3A_875 : vector<16xf32>
        %slice3A_877 = vector.extract_strided_slice %get3A_442 {offsets = [7], sizes = [1], strides = [1]} : vector<16xf32> to vector<1xf32>
        %squeeze3A_878 = vector.extract %slice3A_877[0] : f32 from vector<1xf32>
        %mul3A_879 = arith.constant 16 : i32
        %mul3A_880 = arith.muli %scan3A_426, %mul3A_879 : i32
        %add3A_881 = arith.constant 7 : i32
        %add3A_882 = arith.addi %mul3A_880, %add3A_881 : i32
        %get3A_883 = arith.index_cast %add3A_882 : i32 to index
        %get3A_884 = arith.constant 0 : index
        %get3A_885 = tpu.vector_load %arg9[%get3A_883, %get3A_884] {strides = array<i32>} : memref<64x128xf32, #tpu.memory_space<vmem>>, vector<1x16xf32>,
        %get3A_886 = vector.shape_cast %get3A_885 : vector<1x16xf32> to vector<16xf32>
        %mul3A_887 = vector.broadcast %squeeze3A_878 : f32 to vector<16xf32>
        %mul3A_888 = arith.mulf %mul3A_887, %get3A_886 : vector<16xf32>
        %add3A_889 = arith.addf %add3A_827, %mul3A_888 : vector<16xf32>
        %get3A_890 = arith.index_cast %add3A_882 : i32 to index
        %get3A_891 = arith.constant 16 : index
        %get3A_892 = tpu.vector_load %arg9[%get3A_890, %get3A_891] {strides = array<i32>} : memref<64x128xf32, #tpu.memory_space<vmem>>, vector<1x16xf32>,
        %get3A_893 = vector.shape_cast %get3A_892 : vector<1x16xf32> to vector<16xf32>
        %mul3A_894 = vector.broadcast %squeeze3A_878 : f32 to vector<16xf32>
        %mul3A_895 = arith.mulf %mul3A_894, %get3A_893 : vector<16xf32>
        %add3A_896 = arith.addf %add3A_834, %mul3A_895 : vector<16xf32>
        %get3A_897 = arith.index_cast %add3A_882 : i32 to index
        %get3A_898 = arith.constant 32 : index
        %get3A_899 = tpu.vector_load %arg9[%get3A_897, %get3A_898] {strides = array<i32>} : memref<64x128xf32, #tpu.memory_space<vmem>>, vector<1x16xf32>,
        %get3A_900 = vector.shape_cast %get3A_899 : vector<1x16xf32> to vector<16xf32>
        %mul3A_901 = vector.broadcast %squeeze3A_878 : f32 to vector<16xf32>
        %mul3A_902 = arith.mulf %mul3A_901, %get3A_900 : vector<16xf32>
        %add3A_903 = arith.addf %add3A_841, %mul3A_902 : vector<16xf32>
        %get3A_904 = arith.index_cast %add3A_882 : i32 to index
        %get3A_905 = arith.constant 48 : index
        %get3A_906 = tpu.vector_load %arg9[%get3A_904, %get3A_905] {strides = array<i32>} : memref<64x128xf32, #tpu.memory_space<vmem>>, vector<1x16xf32>,
        %get3A_907 = vector.shape_cast %get3A_906 : vector<1x16xf32> to vector<16xf32>
        %mul3A_908 = vector.broadcast %squeeze3A_878 : f32 to vector<16xf32>
        %mul3A_909 = arith.mulf %mul3A_908, %get3A_907 : vector<16xf32>
        %add3A_910 = arith.addf %add3A_848, %mul3A_909 : vector<16xf32>
        %get3A_911 = arith.index_cast %add3A_882 : i32 to index
        %get3A_912 = arith.constant 64 : index
        %get3A_913 = tpu.vector_load %arg9[%get3A_911, %get3A_912] {strides = array<i32>} : memref<64x128xf32, #tpu.memory_space<vmem>>, vector<1x16xf32>,
        %get3A_914 = vector.shape_cast %get3A_913 : vector<1x16xf32> to vector<16xf32>
        %mul3A_915 = vector.broadcast %squeeze3A_878 : f32 to vector<16xf32>
        %mul3A_916 = arith.mulf %mul3A_915, %get3A_914 : vector<16xf32>
        %add3A_917 = arith.addf %add3A_855, %mul3A_916 : vector<16xf32>
        %get3A_918 = arith.index_cast %add3A_882 : i32 to index
        %get3A_919 = arith.constant 80 : index
        %get3A_920 = tpu.vector_load %arg9[%get3A_918, %get3A_919] {strides = array<i32>} : memref<64x128xf32, #tpu.memory_space<vmem>>, vector<1x16xf32>,
        %get3A_921 = vector.shape_cast %get3A_920 : vector<1x16xf32> to vector<16xf32>
        %mul3A_922 = vector.broadcast %squeeze3A_878 : f32 to vector<16xf32>
        %mul3A_923 = arith.mulf %mul3A_922, %get3A_921 : vector<16xf32>
        %add3A_924 = arith.addf %add3A_862, %mul3A_923 : vector<16xf32>
        %get3A_925 = arith.index_cast %add3A_882 : i32 to index
        %get3A_926 = arith.constant 96 : index
        %get3A_927 = tpu.vector_load %arg9[%get3A_925, %get3A_926] {strides = array<i32>} : memref<64x128xf32, #tpu.memory_space<vmem>>, vector<1x16xf32>,
        %get3A_928 = vector.shape_cast %get3A_927 : vector<1x16xf32> to vector<16xf32>
        %mul3A_929 = vector.broadcast %squeeze3A_878 : f32 to vector<16xf32>
        %mul3A_930 = arith.mulf %mul3A_929, %get3A_928 : vector<16xf32>
        %add3A_931 = arith.addf %add3A_869, %mul3A_930 : vector<16xf32>
        %get3A_932 = arith.index_cast %add3A_882 : i32 to index
        %get3A_933 = arith.constant 112 : index
        %get3A_934 = tpu.vector_load %arg9[%get3A_932, %get3A_933] {strides = array<i32>} : memref<64x128xf32, #tpu.memory_space<vmem>>, vector<1x16xf32>,
        %get3A_935 = vector.shape_cast %get3A_934 : vector<1x16xf32> to vector<16xf32>
        %mul3A_936 = vector.broadcast %squeeze3A_878 : f32 to vector<16xf32>
        %mul3A_937 = arith.mulf %mul3A_936, %get3A_935 : vector<16xf32>
        %add3A_938 = arith.addf %add3A_876, %mul3A_937 : vector<16xf32>
        %slice3A_939 = vector.extract_strided_slice %get3A_442 {offsets = [8], sizes = [1], strides = [1]} : vector<16xf32> to vector<1xf32>
        %squeeze3A_940 = vector.extract %slice3A_939[0] : f32 from vector<1xf32>
        %mul3A_941 = arith.constant 16 : i32
        %mul3A_942 = arith.muli %scan3A_426, %mul3A_941 : i32
        %add3A_943 = arith.constant 8 : i32
        %add3A_944 = arith.addi %mul3A_942, %add3A_943 : i32
        %get3A_945 = arith.index_cast %add3A_944 : i32 to index
        %get3A_946 = arith.constant 0 : index
        %get3A_947 = tpu.vector_load %arg9[%get3A_945, %get3A_946] {strides = array<i32>} : memref<64x128xf32, #tpu.memory_space<vmem>>, vector<1x16xf32>,
        %get3A_948 = vector.shape_cast %get3A_947 : vector<1x16xf32> to vector<16xf32>
        %mul3A_949 = vector.broadcast %squeeze3A_940 : f32 to vector<16xf32>
        %mul3A_950 = arith.mulf %mul3A_949, %get3A_948 : vector<16xf32>
        %add3A_951 = arith.addf %add3A_889, %mul3A_950 : vector<16xf32>
        %get3A_952 = arith.index_cast %add3A_944 : i32 to index
        %get3A_953 = arith.constant 16 : index
        %get3A_954 = tpu.vector_load %arg9[%get3A_952, %get3A_953] {strides = array<i32>} : memref<64x128xf32, #tpu.memory_space<vmem>>, vector<1x16xf32>,
        %get3A_955 = vector.shape_cast %get3A_954 : vector<1x16xf32> to vector<16xf32>
        %mul3A_956 = vector.broadcast %squeeze3A_940 : f32 to vector<16xf32>
        %mul3A_957 = arith.mulf %mul3A_956, %get3A_955 : vector<16xf32>
        %add3A_958 = arith.addf %add3A_896, %mul3A_957 : vector<16xf32>
        %get3A_959 = arith.index_cast %add3A_944 : i32 to index
        %get3A_960 = arith.constant 32 : index
        %get3A_961 = tpu.vector_load %arg9[%get3A_959, %get3A_960] {strides = array<i32>} : memref<64x128xf32, #tpu.memory_space<vmem>>, vector<1x16xf32>,
        %get3A_962 = vector.shape_cast %get3A_961 : vector<1x16xf32> to vector<16xf32>
        %mul3A_963 = vector.broadcast %squeeze3A_940 : f32 to vector<16xf32>
        %mul3A_964 = arith.mulf %mul3A_963, %get3A_962 : vector<16xf32>
        %add3A_965 = arith.addf %add3A_903, %mul3A_964 : vector<16xf32>
        %get3A_966 = arith.index_cast %add3A_944 : i32 to index
        %get3A_967 = arith.constant 48 : index
        %get3A_968 = tpu.vector_load %arg9[%get3A_966, %get3A_967] {strides = array<i32>} : memref<64x128xf32, #tpu.memory_space<vmem>>, vector<1x16xf32>,
        %get3A_969 = vector.shape_cast %get3A_968 : vector<1x16xf32> to vector<16xf32>
        %mul3A_970 = vector.broadcast %squeeze3A_940 : f32 to vector<16xf32>
        %mul3A_971 = arith.mulf %mul3A_970, %get3A_969 : vector<16xf32>
        %add3A_972 = arith.addf %add3A_910, %mul3A_971 : vector<16xf32>
        %get3A_973 = arith.index_cast %add3A_944 : i32 to index
        %get3A_974 = arith.constant 64 : index
        %get3A_975 = tpu.vector_load %arg9[%get3A_973, %get3A_974] {strides = array<i32>} : memref<64x128xf32, #tpu.memory_space<vmem>>, vector<1x16xf32>,
        %get3A_976 = vector.shape_cast %get3A_975 : vector<1x16xf32> to vector<16xf32>
        %mul3A_977 = vector.broadcast %squeeze3A_940 : f32 to vector<16xf32>
        %mul3A_978 = arith.mulf %mul3A_977, %get3A_976 : vector<16xf32>
        %add3A_979 = arith.addf %add3A_917, %mul3A_978 : vector<16xf32>
        %get3A_980 = arith.index_cast %add3A_944 : i32 to index
        %get3A_981 = arith.constant 80 : index
        %get3A_982 = tpu.vector_load %arg9[%get3A_980, %get3A_981] {strides = array<i32>} : memref<64x128xf32, #tpu.memory_space<vmem>>, vector<1x16xf32>,
        %get3A_983 = vector.shape_cast %get3A_982 : vector<1x16xf32> to vector<16xf32>
        %mul3A_984 = vector.broadcast %squeeze3A_940 : f32 to vector<16xf32>
        %mul3A_985 = arith.mulf %mul3A_984, %get3A_983 : vector<16xf32>
        %add3A_986 = arith.addf %add3A_924, %mul3A_985 : vector<16xf32>
        %get3A_987 = arith.index_cast %add3A_944 : i32 to index
        %get3A_988 = arith.constant 96 : index
        %get3A_989 = tpu.vector_load %arg9[%get3A_987, %get3A_988] {strides = array<i32>} : memref<64x128xf32, #tpu.memory_space<vmem>>, vector<1x16xf32>,
        %get3A_990 = vector.shape_cast %get3A_989 : vector<1x16xf32> to vector<16xf32>
        %mul3A_991 = vector.broadcast %squeeze3A_940 : f32 to vector<16xf32>
        %mul3A_992 = arith.mulf %mul3A_991, %get3A_990 : vector<16xf32>
        %add3A_993 = arith.addf %add3A_931, %mul3A_992 : vector<16xf32>
        %get3A_994 = arith.index_cast %add3A_944 : i32 to index
        %get3A_995 = arith.constant 112 : index
        %get3A_996 = tpu.vector_load %arg9[%get3A_994, %get3A_995] {strides = array<i32>} : memref<64x128xf32, #tpu.memory_space<vmem>>, vector<1x16xf32>,
        %get3A_997 = vector.shape_cast %get3A_996 : vector<1x16xf32> to vector<16xf32>
        %mul3A_998 = vector.broadcast %squeeze3A_940 : f32 to vector<16xf32>
        %mul3A_999 = arith.mulf %mul3A_998, %get3A_997 : vector<16xf32>
        %add3A_1000 = arith.addf %add3A_938, %mul3A_999 : vector<16xf32>
        %slice3A_1001 = vector.extract_strided_slice %get3A_442 {offsets = [9], sizes = [1], strides = [1]} : vector<16xf32> to vector<1xf32>
        %squeeze3A_1002 = vector.extract %slice3A_1001[0] : f32 from vector<1xf32>
        %mul3A_1003 = arith.constant 16 : i32
        %mul3A_1004 = arith.muli %scan3A_426, %mul3A_1003 : i32
        %add3A_1005 = arith.constant 9 : i32
        %add3A_1006 = arith.addi %mul3A_1004, %add3A_1005 : i32
        %get3A_1007 = arith.index_cast %add3A_1006 : i32 to index
        %get3A_1008 = arith.constant 0 : index
        %get3A_1009 = tpu.vector_load %arg9[%get3A_1007, %get3A_1008] {strides = array<i32>} : memref<64x128xf32, #tpu.memory_space<vmem>>, vector<1x16xf32>,
        %get3A_1010 = vector.shape_cast %get3A_1009 : vector<1x16xf32> to vector<16xf32>
        %mul3A_1011 = vector.broadcast %squeeze3A_1002 : f32 to vector<16xf32>
        %mul3A_1012 = arith.mulf %mul3A_1011, %get3A_1010 : vector<16xf32>
        %add3A_1013 = arith.addf %add3A_951, %mul3A_1012 : vector<16xf32>
        %get3A_1014 = arith.index_cast %add3A_1006 : i32 to index
        %get3A_1015 = arith.constant 16 : index
        %get3A_1016 = tpu.vector_load %arg9[%get3A_1014, %get3A_1015] {strides = array<i32>} : memref<64x128xf32, #tpu.memory_space<vmem>>, vector<1x16xf32>,
        %get3A_1017 = vector.shape_cast %get3A_1016 : vector<1x16xf32> to vector<16xf32>
        %mul3A_1018 = vector.broadcast %squeeze3A_1002 : f32 to vector<16xf32>
        %mul3A_1019 = arith.mulf %mul3A_1018, %get3A_1017 : vector<16xf32>
        %add3A_1020 = arith.addf %add3A_958, %mul3A_1019 : vector<16xf32>
        %get3A_1021 = arith.index_cast %add3A_1006 : i32 to index
        %get3A_1022 = arith.constant 32 : index
        %get3A_1023 = tpu.vector_load %arg9[%get3A_1021, %get3A_1022] {strides = array<i32>} : memref<64x128xf32, #tpu.memory_space<vmem>>, vector<1x16xf32>,
        %get3A_1024 = vector.shape_cast %get3A_1023 : vector<1x16xf32> to vector<16xf32>
        %mul3A_1025 = vector.broadcast %squeeze3A_1002 : f32 to vector<16xf32>
        %mul3A_1026 = arith.mulf %mul3A_1025, %get3A_1024 : vector<16xf32>
        %add3A_1027 = arith.addf %add3A_965, %mul3A_1026 : vector<16xf32>
        %get3A_1028 = arith.index_cast %add3A_1006 : i32 to index
        %get3A_1029 = arith.constant 48 : index
        %get3A_1030 = tpu.vector_load %arg9[%get3A_1028, %get3A_1029] {strides = array<i32>} : memref<64x128xf32, #tpu.memory_space<vmem>>, vector<1x16xf32>,
        %get3A_1031 = vector.shape_cast %get3A_1030 : vector<1x16xf32> to vector<16xf32>
        %mul3A_1032 = vector.broadcast %squeeze3A_1002 : f32 to vector<16xf32>
        %mul3A_1033 = arith.mulf %mul3A_1032, %get3A_1031 : vector<16xf32>
        %add3A_1034 = arith.addf %add3A_972, %mul3A_1033 : vector<16xf32>
        %get3A_1035 = arith.index_cast %add3A_1006 : i32 to index
        %get3A_1036 = arith.constant 64 : index
        %get3A_1037 = tpu.vector_load %arg9[%get3A_1035, %get3A_1036] {strides = array<i32>} : memref<64x128xf32, #tpu.memory_space<vmem>>, vector<1x16xf32>,
        %get3A_1038 = vector.shape_cast %get3A_1037 : vector<1x16xf32> to vector<16xf32>
        %mul3A_1039 = vector.broadcast %squeeze3A_1002 : f32 to vector<16xf32>
        %mul3A_1040 = arith.mulf %mul3A_1039, %get3A_1038 : vector<16xf32>
        %add3A_1041 = arith.addf %add3A_979, %mul3A_1040 : vector<16xf32>
        %get3A_1042 = arith.index_cast %add3A_1006 : i32 to index
        %get3A_1043 = arith.constant 80 : index
        %get3A_1044 = tpu.vector_load %arg9[%get3A_1042, %get3A_1043] {strides = array<i32>} : memref<64x128xf32, #tpu.memory_space<vmem>>, vector<1x16xf32>,
        %get3A_1045 = vector.shape_cast %get3A_1044 : vector<1x16xf32> to vector<16xf32>
        %mul3A_1046 = vector.broadcast %squeeze3A_1002 : f32 to vector<16xf32>
        %mul3A_1047 = arith.mulf %mul3A_1046, %get3A_1045 : vector<16xf32>
        %add3A_1048 = arith.addf %add3A_986, %mul3A_1047 : vector<16xf32>
        %get3A_1049 = arith.index_cast %add3A_1006 : i32 to index
        %get3A_1050 = arith.constant 96 : index
        %get3A_1051 = tpu.vector_load %arg9[%get3A_1049, %get3A_1050] {strides = array<i32>} : memref<64x128xf32, #tpu.memory_space<vmem>>, vector<1x16xf32>,
        %get3A_1052 = vector.shape_cast %get3A_1051 : vector<1x16xf32> to vector<16xf32>
        %mul3A_1053 = vector.broadcast %squeeze3A_1002 : f32 to vector<16xf32>
        %mul3A_1054 = arith.mulf %mul3A_1053, %get3A_1052 : vector<16xf32>
        %add3A_1055 = arith.addf %add3A_993, %mul3A_1054 : vector<16xf32>
        %get3A_1056 = arith.index_cast %add3A_1006 : i32 to index
        %get3A_1057 = arith.constant 112 : index
        %get3A_1058 = tpu.vector_load %arg9[%get3A_1056, %get3A_1057] {strides = array<i32>} : memref<64x128xf32, #tpu.memory_space<vmem>>, vector<1x16xf32>,
        %get3A_1059 = vector.shape_cast %get3A_1058 : vector<1x16xf32> to vector<16xf32>
        %mul3A_1060 = vector.broadcast %squeeze3A_1002 : f32 to vector<16xf32>
        %mul3A_1061 = arith.mulf %mul3A_1060, %get3A_1059 : vector<16xf32>
        %add3A_1062 = arith.addf %add3A_1000, %mul3A_1061 : vector<16xf32>
        %slice3A_1063 = vector.extract_strided_slice %get3A_442 {offsets = [10], sizes = [1], strides = [1]} : vector<16xf32> to vector<1xf32>
        %squeeze3A_1064 = vector.extract %slice3A_1063[0] : f32 from vector<1xf32>
        %mul3A_1065 = arith.constant 16 : i32
        %mul3A_1066 = arith.muli %scan3A_426, %mul3A_1065 : i32
        %add3A_1067 = arith.constant 10 : i32
        %add3A_1068 = arith.addi %mul3A_1066, %add3A_1067 : i32
        %get3A_1069 = arith.index_cast %add3A_1068 : i32 to index
        %get3A_1070 = arith.constant 0 : index
        %get3A_1071 = tpu.vector_load %arg9[%get3A_1069, %get3A_1070] {strides = array<i32>} : memref<64x128xf32, #tpu.memory_space<vmem>>, vector<1x16xf32>,
        %get3A_1072 = vector.shape_cast %get3A_1071 : vector<1x16xf32> to vector<16xf32>
        %mul3A_1073 = vector.broadcast %squeeze3A_1064 : f32 to vector<16xf32>
        %mul3A_1074 = arith.mulf %mul3A_1073, %get3A_1072 : vector<16xf32>
        %add3A_1075 = arith.addf %add3A_1013, %mul3A_1074 : vector<16xf32>
        %get3A_1076 = arith.index_cast %add3A_1068 : i32 to index
        %get3A_1077 = arith.constant 16 : index
        %get3A_1078 = tpu.vector_load %arg9[%get3A_1076, %get3A_1077] {strides = array<i32>} : memref<64x128xf32, #tpu.memory_space<vmem>>, vector<1x16xf32>,
        %get3A_1079 = vector.shape_cast %get3A_1078 : vector<1x16xf32> to vector<16xf32>
        %mul3A_1080 = vector.broadcast %squeeze3A_1064 : f32 to vector<16xf32>
        %mul3A_1081 = arith.mulf %mul3A_1080, %get3A_1079 : vector<16xf32>
        %add3A_1082 = arith.addf %add3A_1020, %mul3A_1081 : vector<16xf32>
        %get3A_1083 = arith.index_cast %add3A_1068 : i32 to index
        %get3A_1084 = arith.constant 32 : index
        %get3A_1085 = tpu.vector_load %arg9[%get3A_1083, %get3A_1084] {strides = array<i32>} : memref<64x128xf32, #tpu.memory_space<vmem>>, vector<1x16xf32>,
        %get3A_1086 = vector.shape_cast %get3A_1085 : vector<1x16xf32> to vector<16xf32>
        %mul3A_1087 = vector.broadcast %squeeze3A_1064 : f32 to vector<16xf32>
        %mul3A_1088 = arith.mulf %mul3A_1087, %get3A_1086 : vector<16xf32>
        %add3A_1089 = arith.addf %add3A_1027, %mul3A_1088 : vector<16xf32>
        %get3A_1090 = arith.index_cast %add3A_1068 : i32 to index
        %get3A_1091 = arith.constant 48 : index
        %get3A_1092 = tpu.vector_load %arg9[%get3A_1090, %get3A_1091] {strides = array<i32>} : memref<64x128xf32, #tpu.memory_space<vmem>>, vector<1x16xf32>,
        %get3A_1093 = vector.shape_cast %get3A_1092 : vector<1x16xf32> to vector<16xf32>
        %mul3A_1094 = vector.broadcast %squeeze3A_1064 : f32 to vector<16xf32>
        %mul3A_1095 = arith.mulf %mul3A_1094, %get3A_1093 : vector<16xf32>
        %add3A_1096 = arith.addf %add3A_1034, %mul3A_1095 : vector<16xf32>
        %get3A_1097 = arith.index_cast %add3A_1068 : i32 to index
        %get3A_1098 = arith.constant 64 : index
        %get3A_1099 = tpu.vector_load %arg9[%get3A_1097, %get3A_1098] {strides = array<i32>} : memref<64x128xf32, #tpu.memory_space<vmem>>, vector<1x16xf32>,
        %get3A_1100 = vector.shape_cast %get3A_1099 : vector<1x16xf32> to vector<16xf32>
        %mul3A_1101 = vector.broadcast %squeeze3A_1064 : f32 to vector<16xf32>
        %mul3A_1102 = arith.mulf %mul3A_1101, %get3A_1100 : vector<16xf32>
        %add3A_1103 = arith.addf %add3A_1041, %mul3A_1102 : vector<16xf32>
        %get3A_1104 = arith.index_cast %add3A_1068 : i32 to index
        %get3A_1105 = arith.constant 80 : index
        %get3A_1106 = tpu.vector_load %arg9[%get3A_1104, %get3A_1105] {strides = array<i32>} : memref<64x128xf32, #tpu.memory_space<vmem>>, vector<1x16xf32>,
        %get3A_1107 = vector.shape_cast %get3A_1106 : vector<1x16xf32> to vector<16xf32>
        %mul3A_1108 = vector.broadcast %squeeze3A_1064 : f32 to vector<16xf32>
        %mul3A_1109 = arith.mulf %mul3A_1108, %get3A_1107 : vector<16xf32>
        %add3A_1110 = arith.addf %add3A_1048, %mul3A_1109 : vector<16xf32>
        %get3A_1111 = arith.index_cast %add3A_1068 : i32 to index
        %get3A_1112 = arith.constant 96 : index
        %get3A_1113 = tpu.vector_load %arg9[%get3A_1111, %get3A_1112] {strides = array<i32>} : memref<64x128xf32, #tpu.memory_space<vmem>>, vector<1x16xf32>,
        %get3A_1114 = vector.shape_cast %get3A_1113 : vector<1x16xf32> to vector<16xf32>
        %mul3A_1115 = vector.broadcast %squeeze3A_1064 : f32 to vector<16xf32>
        %mul3A_1116 = arith.mulf %mul3A_1115, %get3A_1114 : vector<16xf32>
        %add3A_1117 = arith.addf %add3A_1055, %mul3A_1116 : vector<16xf32>
        %get3A_1118 = arith.index_cast %add3A_1068 : i32 to index
        %get3A_1119 = arith.constant 112 : index
        %get3A_1120 = tpu.vector_load %arg9[%get3A_1118, %get3A_1119] {strides = array<i32>} : memref<64x128xf32, #tpu.memory_space<vmem>>, vector<1x16xf32>,
        %get3A_1121 = vector.shape_cast %get3A_1120 : vector<1x16xf32> to vector<16xf32>
        %mul3A_1122 = vector.broadcast %squeeze3A_1064 : f32 to vector<16xf32>
        %mul3A_1123 = arith.mulf %mul3A_1122, %get3A_1121 : vector<16xf32>
        %add3A_1124 = arith.addf %add3A_1062, %mul3A_1123 : vector<16xf32>
        %slice3A_1125 = vector.extract_strided_slice %get3A_442 {offsets = [11], sizes = [1], strides = [1]} : vector<16xf32> to vector<1xf32>
        %squeeze3A_1126 = vector.extract %slice3A_1125[0] : f32 from vector<1xf32>
        %mul3A_1127 = arith.constant 16 : i32
        %mul3A_1128 = arith.muli %scan3A_426, %mul3A_1127 : i32
        %add3A_1129 = arith.constant 11 : i32
        %add3A_1130 = arith.addi %mul3A_1128, %add3A_1129 : i32
        %get3A_1131 = arith.index_cast %add3A_1130 : i32 to index
        %get3A_1132 = arith.constant 0 : index
        %get3A_1133 = tpu.vector_load %arg9[%get3A_1131, %get3A_1132] {strides = array<i32>} : memref<64x128xf32, #tpu.memory_space<vmem>>, vector<1x16xf32>,
        %get3A_1134 = vector.shape_cast %get3A_1133 : vector<1x16xf32> to vector<16xf32>
        %mul3A_1135 = vector.broadcast %squeeze3A_1126 : f32 to vector<16xf32>
        %mul3A_1136 = arith.mulf %mul3A_1135, %get3A_1134 : vector<16xf32>
        %add3A_1137 = arith.addf %add3A_1075, %mul3A_1136 : vector<16xf32>
        %get3A_1138 = arith.index_cast %add3A_1130 : i32 to index
        %get3A_1139 = arith.constant 16 : index
        %get3A_1140 = tpu.vector_load %arg9[%get3A_1138, %get3A_1139] {strides = array<i32>} : memref<64x128xf32, #tpu.memory_space<vmem>>, vector<1x16xf32>,
        %get3A_1141 = vector.shape_cast %get3A_1140 : vector<1x16xf32> to vector<16xf32>
        %mul3A_1142 = vector.broadcast %squeeze3A_1126 : f32 to vector<16xf32>
        %mul3A_1143 = arith.mulf %mul3A_1142, %get3A_1141 : vector<16xf32>
        %add3A_1144 = arith.addf %add3A_1082, %mul3A_1143 : vector<16xf32>
        %get3A_1145 = arith.index_cast %add3A_1130 : i32 to index
        %get3A_1146 = arith.constant 32 : index
        %get3A_1147 = tpu.vector_load %arg9[%get3A_1145, %get3A_1146] {strides = array<i32>} : memref<64x128xf32, #tpu.memory_space<vmem>>, vector<1x16xf32>,
        %get3A_1148 = vector.shape_cast %get3A_1147 : vector<1x16xf32> to vector<16xf32>
        %mul3A_1149 = vector.broadcast %squeeze3A_1126 : f32 to vector<16xf32>
        %mul3A_1150 = arith.mulf %mul3A_1149, %get3A_1148 : vector<16xf32>
        %add3A_1151 = arith.addf %add3A_1089, %mul3A_1150 : vector<16xf32>
        %get3A_1152 = arith.index_cast %add3A_1130 : i32 to index
        %get3A_1153 = arith.constant 48 : index
        %get3A_1154 = tpu.vector_load %arg9[%get3A_1152, %get3A_1153] {strides = array<i32>} : memref<64x128xf32, #tpu.memory_space<vmem>>, vector<1x16xf32>,
        %get3A_1155 = vector.shape_cast %get3A_1154 : vector<1x16xf32> to vector<16xf32>
        %mul3A_1156 = vector.broadcast %squeeze3A_1126 : f32 to vector<16xf32>
        %mul3A_1157 = arith.mulf %mul3A_1156, %get3A_1155 : vector<16xf32>
        %add3A_1158 = arith.addf %add3A_1096, %mul3A_1157 : vector<16xf32>
        %get3A_1159 = arith.index_cast %add3A_1130 : i32 to index
        %get3A_1160 = arith.constant 64 : index
        %get3A_1161 = tpu.vector_load %arg9[%get3A_1159, %get3A_1160] {strides = array<i32>} : memref<64x128xf32, #tpu.memory_space<vmem>>, vector<1x16xf32>,
        %get3A_1162 = vector.shape_cast %get3A_1161 : vector<1x16xf32> to vector<16xf32>
        %mul3A_1163 = vector.broadcast %squeeze3A_1126 : f32 to vector<16xf32>
        %mul3A_1164 = arith.mulf %mul3A_1163, %get3A_1162 : vector<16xf32>
        %add3A_1165 = arith.addf %add3A_1103, %mul3A_1164 : vector<16xf32>
        %get3A_1166 = arith.index_cast %add3A_1130 : i32 to index
        %get3A_1167 = arith.constant 80 : index
        %get3A_1168 = tpu.vector_load %arg9[%get3A_1166, %get3A_1167] {strides = array<i32>} : memref<64x128xf32, #tpu.memory_space<vmem>>, vector<1x16xf32>,
        %get3A_1169 = vector.shape_cast %get3A_1168 : vector<1x16xf32> to vector<16xf32>
        %mul3A_1170 = vector.broadcast %squeeze3A_1126 : f32 to vector<16xf32>
        %mul3A_1171 = arith.mulf %mul3A_1170, %get3A_1169 : vector<16xf32>
        %add3A_1172 = arith.addf %add3A_1110, %mul3A_1171 : vector<16xf32>
        %get3A_1173 = arith.index_cast %add3A_1130 : i32 to index
        %get3A_1174 = arith.constant 96 : index
        %get3A_1175 = tpu.vector_load %arg9[%get3A_1173, %get3A_1174] {strides = array<i32>} : memref<64x128xf32, #tpu.memory_space<vmem>>, vector<1x16xf32>,
        %get3A_1176 = vector.shape_cast %get3A_1175 : vector<1x16xf32> to vector<16xf32>
        %mul3A_1177 = vector.broadcast %squeeze3A_1126 : f32 to vector<16xf32>
        %mul3A_1178 = arith.mulf %mul3A_1177, %get3A_1176 : vector<16xf32>
        %add3A_1179 = arith.addf %add3A_1117, %mul3A_1178 : vector<16xf32>
        %get3A_1180 = arith.index_cast %add3A_1130 : i32 to index
        %get3A_1181 = arith.constant 112 : index
        %get3A_1182 = tpu.vector_load %arg9[%get3A_1180, %get3A_1181] {strides = array<i32>} : memref<64x128xf32, #tpu.memory_space<vmem>>, vector<1x16xf32>,
        %get3A_1183 = vector.shape_cast %get3A_1182 : vector<1x16xf32> to vector<16xf32>
        %mul3A_1184 = vector.broadcast %squeeze3A_1126 : f32 to vector<16xf32>
        %mul3A_1185 = arith.mulf %mul3A_1184, %get3A_1183 : vector<16xf32>
        %add3A_1186 = arith.addf %add3A_1124, %mul3A_1185 : vector<16xf32>
        %slice3A_1187 = vector.extract_strided_slice %get3A_442 {offsets = [12], sizes = [1], strides = [1]} : vector<16xf32> to vector<1xf32>
        %squeeze3A_1188 = vector.extract %slice3A_1187[0] : f32 from vector<1xf32>
        %mul3A_1189 = arith.constant 16 : i32
        %mul3A_1190 = arith.muli %scan3A_426, %mul3A_1189 : i32
        %add3A_1191 = arith.constant 12 : i32
        %add3A_1192 = arith.addi %mul3A_1190, %add3A_1191 : i32
        %get3A_1193 = arith.index_cast %add3A_1192 : i32 to index
        %get3A_1194 = arith.constant 0 : index
        %get3A_1195 = tpu.vector_load %arg9[%get3A_1193, %get3A_1194] {strides = array<i32>} : memref<64x128xf32, #tpu.memory_space<vmem>>, vector<1x16xf32>,
        %get3A_1196 = vector.shape_cast %get3A_1195 : vector<1x16xf32> to vector<16xf32>
        %mul3A_1197 = vector.broadcast %squeeze3A_1188 : f32 to vector<16xf32>
        %mul3A_1198 = arith.mulf %mul3A_1197, %get3A_1196 : vector<16xf32>
        %add3A_1199 = arith.addf %add3A_1137, %mul3A_1198 : vector<16xf32>
        %get3A_1200 = arith.index_cast %add3A_1192 : i32 to index
        %get3A_1201 = arith.constant 16 : index
        %get3A_1202 = tpu.vector_load %arg9[%get3A_1200, %get3A_1201] {strides = array<i32>} : memref<64x128xf32, #tpu.memory_space<vmem>>, vector<1x16xf32>,
        %get3A_1203 = vector.shape_cast %get3A_1202 : vector<1x16xf32> to vector<16xf32>
        %mul3A_1204 = vector.broadcast %squeeze3A_1188 : f32 to vector<16xf32>
        %mul3A_1205 = arith.mulf %mul3A_1204, %get3A_1203 : vector<16xf32>
        %add3A_1206 = arith.addf %add3A_1144, %mul3A_1205 : vector<16xf32>
        %get3A_1207 = arith.index_cast %add3A_1192 : i32 to index
        %get3A_1208 = arith.constant 32 : index
        %get3A_1209 = tpu.vector_load %arg9[%get3A_1207, %get3A_1208] {strides = array<i32>} : memref<64x128xf32, #tpu.memory_space<vmem>>, vector<1x16xf32>,
        %get3A_1210 = vector.shape_cast %get3A_1209 : vector<1x16xf32> to vector<16xf32>
        %mul3A_1211 = vector.broadcast %squeeze3A_1188 : f32 to vector<16xf32>
        %mul3A_1212 = arith.mulf %mul3A_1211, %get3A_1210 : vector<16xf32>
        %add3A_1213 = arith.addf %add3A_1151, %mul3A_1212 : vector<16xf32>
        %get3A_1214 = arith.index_cast %add3A_1192 : i32 to index
        %get3A_1215 = arith.constant 48 : index
        %get3A_1216 = tpu.vector_load %arg9[%get3A_1214, %get3A_1215] {strides = array<i32>} : memref<64x128xf32, #tpu.memory_space<vmem>>, vector<1x16xf32>,
        %get3A_1217 = vector.shape_cast %get3A_1216 : vector<1x16xf32> to vector<16xf32>
        %mul3A_1218 = vector.broadcast %squeeze3A_1188 : f32 to vector<16xf32>
        %mul3A_1219 = arith.mulf %mul3A_1218, %get3A_1217 : vector<16xf32>
        %add3A_1220 = arith.addf %add3A_1158, %mul3A_1219 : vector<16xf32>
        %get3A_1221 = arith.index_cast %add3A_1192 : i32 to index
        %get3A_1222 = arith.constant 64 : index
        %get3A_1223 = tpu.vector_load %arg9[%get3A_1221, %get3A_1222] {strides = array<i32>} : memref<64x128xf32, #tpu.memory_space<vmem>>, vector<1x16xf32>,
        %get3A_1224 = vector.shape_cast %get3A_1223 : vector<1x16xf32> to vector<16xf32>
        %mul3A_1225 = vector.broadcast %squeeze3A_1188 : f32 to vector<16xf32>
        %mul3A_1226 = arith.mulf %mul3A_1225, %get3A_1224 : vector<16xf32>
        %add3A_1227 = arith.addf %add3A_1165, %mul3A_1226 : vector<16xf32>
        %get3A_1228 = arith.index_cast %add3A_1192 : i32 to index
        %get3A_1229 = arith.constant 80 : index
        %get3A_1230 = tpu.vector_load %arg9[%get3A_1228, %get3A_1229] {strides = array<i32>} : memref<64x128xf32, #tpu.memory_space<vmem>>, vector<1x16xf32>,
        %get3A_1231 = vector.shape_cast %get3A_1230 : vector<1x16xf32> to vector<16xf32>
        %mul3A_1232 = vector.broadcast %squeeze3A_1188 : f32 to vector<16xf32>
        %mul3A_1233 = arith.mulf %mul3A_1232, %get3A_1231 : vector<16xf32>
        %add3A_1234 = arith.addf %add3A_1172, %mul3A_1233 : vector<16xf32>
        %get3A_1235 = arith.index_cast %add3A_1192 : i32 to index
        %get3A_1236 = arith.constant 96 : index
        %get3A_1237 = tpu.vector_load %arg9[%get3A_1235, %get3A_1236] {strides = array<i32>} : memref<64x128xf32, #tpu.memory_space<vmem>>, vector<1x16xf32>,
        %get3A_1238 = vector.shape_cast %get3A_1237 : vector<1x16xf32> to vector<16xf32>
        %mul3A_1239 = vector.broadcast %squeeze3A_1188 : f32 to vector<16xf32>
        %mul3A_1240 = arith.mulf %mul3A_1239, %get3A_1238 : vector<16xf32>
        %add3A_1241 = arith.addf %add3A_1179, %mul3A_1240 : vector<16xf32>
        %get3A_1242 = arith.index_cast %add3A_1192 : i32 to index
        %get3A_1243 = arith.constant 112 : index
        %get3A_1244 = tpu.vector_load %arg9[%get3A_1242, %get3A_1243] {strides = array<i32>} : memref<64x128xf32, #tpu.memory_space<vmem>>, vector<1x16xf32>,
        %get3A_1245 = vector.shape_cast %get3A_1244 : vector<1x16xf32> to vector<16xf32>
        %mul3A_1246 = vector.broadcast %squeeze3A_1188 : f32 to vector<16xf32>
        %mul3A_1247 = arith.mulf %mul3A_1246, %get3A_1245 : vector<16xf32>
        %add3A_1248 = arith.addf %add3A_1186, %mul3A_1247 : vector<16xf32>
        %slice3A_1249 = vector.extract_strided_slice %get3A_442 {offsets = [13], sizes = [1], strides = [1]} : vector<16xf32> to vector<1xf32>
        %squeeze3A_1250 = vector.extract %slice3A_1249[0] : f32 from vector<1xf32>
        %mul3A_1251 = arith.constant 16 : i32
        %mul3A_1252 = arith.muli %scan3A_426, %mul3A_1251 : i32
        %add3A_1253 = arith.constant 13 : i32
        %add3A_1254 = arith.addi %mul3A_1252, %add3A_1253 : i32
        %get3A_1255 = arith.index_cast %add3A_1254 : i32 to index
        %get3A_1256 = arith.constant 0 : index
        %get3A_1257 = tpu.vector_load %arg9[%get3A_1255, %get3A_1256] {strides = array<i32>} : memref<64x128xf32, #tpu.memory_space<vmem>>, vector<1x16xf32>,
        %get3A_1258 = vector.shape_cast %get3A_1257 : vector<1x16xf32> to vector<16xf32>
        %mul3A_1259 = vector.broadcast %squeeze3A_1250 : f32 to vector<16xf32>
        %mul3A_1260 = arith.mulf %mul3A_1259, %get3A_1258 : vector<16xf32>
        %add3A_1261 = arith.addf %add3A_1199, %mul3A_1260 : vector<16xf32>
        %get3A_1262 = arith.index_cast %add3A_1254 : i32 to index
        %get3A_1263 = arith.constant 16 : index
        %get3A_1264 = tpu.vector_load %arg9[%get3A_1262, %get3A_1263] {strides = array<i32>} : memref<64x128xf32, #tpu.memory_space<vmem>>, vector<1x16xf32>,
        %get3A_1265 = vector.shape_cast %get3A_1264 : vector<1x16xf32> to vector<16xf32>
        %mul3A_1266 = vector.broadcast %squeeze3A_1250 : f32 to vector<16xf32>
        %mul3A_1267 = arith.mulf %mul3A_1266, %get3A_1265 : vector<16xf32>
        %add3A_1268 = arith.addf %add3A_1206, %mul3A_1267 : vector<16xf32>
        %get3A_1269 = arith.index_cast %add3A_1254 : i32 to index
        %get3A_1270 = arith.constant 32 : index
        %get3A_1271 = tpu.vector_load %arg9[%get3A_1269, %get3A_1270] {strides = array<i32>} : memref<64x128xf32, #tpu.memory_space<vmem>>, vector<1x16xf32>,
        %get3A_1272 = vector.shape_cast %get3A_1271 : vector<1x16xf32> to vector<16xf32>
        %mul3A_1273 = vector.broadcast %squeeze3A_1250 : f32 to vector<16xf32>
        %mul3A_1274 = arith.mulf %mul3A_1273, %get3A_1272 : vector<16xf32>
        %add3A_1275 = arith.addf %add3A_1213, %mul3A_1274 : vector<16xf32>
        %get3A_1276 = arith.index_cast %add3A_1254 : i32 to index
        %get3A_1277 = arith.constant 48 : index
        %get3A_1278 = tpu.vector_load %arg9[%get3A_1276, %get3A_1277] {strides = array<i32>} : memref<64x128xf32, #tpu.memory_space<vmem>>, vector<1x16xf32>,
        %get3A_1279 = vector.shape_cast %get3A_1278 : vector<1x16xf32> to vector<16xf32>
        %mul3A_1280 = vector.broadcast %squeeze3A_1250 : f32 to vector<16xf32>
        %mul3A_1281 = arith.mulf %mul3A_1280, %get3A_1279 : vector<16xf32>
        %add3A_1282 = arith.addf %add3A_1220, %mul3A_1281 : vector<16xf32>
        %get3A_1283 = arith.index_cast %add3A_1254 : i32 to index
        %get3A_1284 = arith.constant 64 : index
        %get3A_1285 = tpu.vector_load %arg9[%get3A_1283, %get3A_1284] {strides = array<i32>} : memref<64x128xf32, #tpu.memory_space<vmem>>, vector<1x16xf32>,
        %get3A_1286 = vector.shape_cast %get3A_1285 : vector<1x16xf32> to vector<16xf32>
        %mul3A_1287 = vector.broadcast %squeeze3A_1250 : f32 to vector<16xf32>
        %mul3A_1288 = arith.mulf %mul3A_1287, %get3A_1286 : vector<16xf32>
        %add3A_1289 = arith.addf %add3A_1227, %mul3A_1288 : vector<16xf32>
        %get3A_1290 = arith.index_cast %add3A_1254 : i32 to index
        %get3A_1291 = arith.constant 80 : index
        %get3A_1292 = tpu.vector_load %arg9[%get3A_1290, %get3A_1291] {strides = array<i32>} : memref<64x128xf32, #tpu.memory_space<vmem>>, vector<1x16xf32>,
        %get3A_1293 = vector.shape_cast %get3A_1292 : vector<1x16xf32> to vector<16xf32>
        %mul3A_1294 = vector.broadcast %squeeze3A_1250 : f32 to vector<16xf32>
        %mul3A_1295 = arith.mulf %mul3A_1294, %get3A_1293 : vector<16xf32>
        %add3A_1296 = arith.addf %add3A_1234, %mul3A_1295 : vector<16xf32>
        %get3A_1297 = arith.index_cast %add3A_1254 : i32 to index
        %get3A_1298 = arith.constant 96 : index
        %get3A_1299 = tpu.vector_load %arg9[%get3A_1297, %get3A_1298] {strides = array<i32>} : memref<64x128xf32, #tpu.memory_space<vmem>>, vector<1x16xf32>,
        %get3A_1300 = vector.shape_cast %get3A_1299 : vector<1x16xf32> to vector<16xf32>
        %mul3A_1301 = vector.broadcast %squeeze3A_1250 : f32 to vector<16xf32>
        %mul3A_1302 = arith.mulf %mul3A_1301, %get3A_1300 : vector<16xf32>
        %add3A_1303 = arith.addf %add3A_1241, %mul3A_1302 : vector<16xf32>
        %get3A_1304 = arith.index_cast %add3A_1254 : i32 to index
        %get3A_1305 = arith.constant 112 : index
        %get3A_1306 = tpu.vector_load %arg9[%get3A_1304, %get3A_1305] {strides = array<i32>} : memref<64x128xf32, #tpu.memory_space<vmem>>, vector<1x16xf32>,
        %get3A_1307 = vector.shape_cast %get3A_1306 : vector<1x16xf32> to vector<16xf32>
        %mul3A_1308 = vector.broadcast %squeeze3A_1250 : f32 to vector<16xf32>
        %mul3A_1309 = arith.mulf %mul3A_1308, %get3A_1307 : vector<16xf32>
        %add3A_1310 = arith.addf %add3A_1248, %mul3A_1309 : vector<16xf32>
        %slice3A_1311 = vector.extract_strided_slice %get3A_442 {offsets = [14], sizes = [1], strides = [1]} : vector<16xf32> to vector<1xf32>
        %squeeze3A_1312 = vector.extract %slice3A_1311[0] : f32 from vector<1xf32>
        %mul3A_1313 = arith.constant 16 : i32
        %mul3A_1314 = arith.muli %scan3A_426, %mul3A_1313 : i32
        %add3A_1315 = arith.constant 14 : i32
        %add3A_1316 = arith.addi %mul3A_1314, %add3A_1315 : i32
        %get3A_1317 = arith.index_cast %add3A_1316 : i32 to index
        %get3A_1318 = arith.constant 0 : index
        %get3A_1319 = tpu.vector_load %arg9[%get3A_1317, %get3A_1318] {strides = array<i32>} : memref<64x128xf32, #tpu.memory_space<vmem>>, vector<1x16xf32>,
        %get3A_1320 = vector.shape_cast %get3A_1319 : vector<1x16xf32> to vector<16xf32>
        %mul3A_1321 = vector.broadcast %squeeze3A_1312 : f32 to vector<16xf32>
        %mul3A_1322 = arith.mulf %mul3A_1321, %get3A_1320 : vector<16xf32>
        %add3A_1323 = arith.addf %add3A_1261, %mul3A_1322 : vector<16xf32>
        %get3A_1324 = arith.index_cast %add3A_1316 : i32 to index
        %get3A_1325 = arith.constant 16 : index
        %get3A_1326 = tpu.vector_load %arg9[%get3A_1324, %get3A_1325] {strides = array<i32>} : memref<64x128xf32, #tpu.memory_space<vmem>>, vector<1x16xf32>,
        %get3A_1327 = vector.shape_cast %get3A_1326 : vector<1x16xf32> to vector<16xf32>
        %mul3A_1328 = vector.broadcast %squeeze3A_1312 : f32 to vector<16xf32>
        %mul3A_1329 = arith.mulf %mul3A_1328, %get3A_1327 : vector<16xf32>
        %add3A_1330 = arith.addf %add3A_1268, %mul3A_1329 : vector<16xf32>
        %get3A_1331 = arith.index_cast %add3A_1316 : i32 to index
        %get3A_1332 = arith.constant 32 : index
        %get3A_1333 = tpu.vector_load %arg9[%get3A_1331, %get3A_1332] {strides = array<i32>} : memref<64x128xf32, #tpu.memory_space<vmem>>, vector<1x16xf32>,
        %get3A_1334 = vector.shape_cast %get3A_1333 : vector<1x16xf32> to vector<16xf32>
        %mul3A_1335 = vector.broadcast %squeeze3A_1312 : f32 to vector<16xf32>
        %mul3A_1336 = arith.mulf %mul3A_1335, %get3A_1334 : vector<16xf32>
        %add3A_1337 = arith.addf %add3A_1275, %mul3A_1336 : vector<16xf32>
        %get3A_1338 = arith.index_cast %add3A_1316 : i32 to index
        %get3A_1339 = arith.constant 48 : index
        %get3A_1340 = tpu.vector_load %arg9[%get3A_1338, %get3A_1339] {strides = array<i32>} : memref<64x128xf32, #tpu.memory_space<vmem>>, vector<1x16xf32>,
        %get3A_1341 = vector.shape_cast %get3A_1340 : vector<1x16xf32> to vector<16xf32>
        %mul3A_1342 = vector.broadcast %squeeze3A_1312 : f32 to vector<16xf32>
        %mul3A_1343 = arith.mulf %mul3A_1342, %get3A_1341 : vector<16xf32>
        %add3A_1344 = arith.addf %add3A_1282, %mul3A_1343 : vector<16xf32>
        %get3A_1345 = arith.index_cast %add3A_1316 : i32 to index
        %get3A_1346 = arith.constant 64 : index
        %get3A_1347 = tpu.vector_load %arg9[%get3A_1345, %get3A_1346] {strides = array<i32>} : memref<64x128xf32, #tpu.memory_space<vmem>>, vector<1x16xf32>,
        %get3A_1348 = vector.shape_cast %get3A_1347 : vector<1x16xf32> to vector<16xf32>
        %mul3A_1349 = vector.broadcast %squeeze3A_1312 : f32 to vector<16xf32>
        %mul3A_1350 = arith.mulf %mul3A_1349, %get3A_1348 : vector<16xf32>
        %add3A_1351 = arith.addf %add3A_1289, %mul3A_1350 : vector<16xf32>
        %get3A_1352 = arith.index_cast %add3A_1316 : i32 to index
        %get3A_1353 = arith.constant 80 : index
        %get3A_1354 = tpu.vector_load %arg9[%get3A_1352, %get3A_1353] {strides = array<i32>} : memref<64x128xf32, #tpu.memory_space<vmem>>, vector<1x16xf32>,
        %get3A_1355 = vector.shape_cast %get3A_1354 : vector<1x16xf32> to vector<16xf32>
        %mul3A_1356 = vector.broadcast %squeeze3A_1312 : f32 to vector<16xf32>
        %mul3A_1357 = arith.mulf %mul3A_1356, %get3A_1355 : vector<16xf32>
        %add3A_1358 = arith.addf %add3A_1296, %mul3A_1357 : vector<16xf32>
        %get3A_1359 = arith.index_cast %add3A_1316 : i32 to index
        %get3A_1360 = arith.constant 96 : index
        %get3A_1361 = tpu.vector_load %arg9[%get3A_1359, %get3A_1360] {strides = array<i32>} : memref<64x128xf32, #tpu.memory_space<vmem>>, vector<1x16xf32>,
        %get3A_1362 = vector.shape_cast %get3A_1361 : vector<1x16xf32> to vector<16xf32>
        %mul3A_1363 = vector.broadcast %squeeze3A_1312 : f32 to vector<16xf32>
        %mul3A_1364 = arith.mulf %mul3A_1363, %get3A_1362 : vector<16xf32>
        %add3A_1365 = arith.addf %add3A_1303, %mul3A_1364 : vector<16xf32>
        %get3A_1366 = arith.index_cast %add3A_1316 : i32 to index
        %get3A_1367 = arith.constant 112 : index
        %get3A_1368 = tpu.vector_load %arg9[%get3A_1366, %get3A_1367] {strides = array<i32>} : memref<64x128xf32, #tpu.memory_space<vmem>>, vector<1x16xf32>,
        %get3A_1369 = vector.shape_cast %get3A_1368 : vector<1x16xf32> to vector<16xf32>
        %mul3A_1370 = vector.broadcast %squeeze3A_1312 : f32 to vector<16xf32>
        %mul3A_1371 = arith.mulf %mul3A_1370, %get3A_1369 : vector<16xf32>
        %add3A_1372 = arith.addf %add3A_1310, %mul3A_1371 : vector<16xf32>
        %slice3A_1373 = vector.extract_strided_slice %get3A_442 {offsets = [15], sizes = [1], strides = [1]} : vector<16xf32> to vector<1xf32>
        %squeeze3A_1374 = vector.extract %slice3A_1373[0] : f32 from vector<1xf32>
        %mul3A_1375 = arith.constant 16 : i32
        %mul3A_1376 = arith.muli %scan3A_426, %mul3A_1375 : i32
        %add3A_1377 = arith.constant 15 : i32
        %add3A_1378 = arith.addi %mul3A_1376, %add3A_1377 : i32
        %get3A_1379 = arith.index_cast %add3A_1378 : i32 to index
        %get3A_1380 = arith.constant 0 : index
        %get3A_1381 = tpu.vector_load %arg9[%get3A_1379, %get3A_1380] {strides = array<i32>} : memref<64x128xf32, #tpu.memory_space<vmem>>, vector<1x16xf32>,
        %get3A_1382 = vector.shape_cast %get3A_1381 : vector<1x16xf32> to vector<16xf32>
        %mul3A_1383 = vector.broadcast %squeeze3A_1374 : f32 to vector<16xf32>
        %mul3A_1384 = arith.mulf %mul3A_1383, %get3A_1382 : vector<16xf32>
        %add3A_1385 = arith.addf %add3A_1323, %mul3A_1384 : vector<16xf32>
        %get3A_1386 = arith.index_cast %add3A_1378 : i32 to index
        %get3A_1387 = arith.constant 16 : index
        %get3A_1388 = tpu.vector_load %arg9[%get3A_1386, %get3A_1387] {strides = array<i32>} : memref<64x128xf32, #tpu.memory_space<vmem>>, vector<1x16xf32>,
        %get3A_1389 = vector.shape_cast %get3A_1388 : vector<1x16xf32> to vector<16xf32>
        %mul3A_1390 = vector.broadcast %squeeze3A_1374 : f32 to vector<16xf32>
        %mul3A_1391 = arith.mulf %mul3A_1390, %get3A_1389 : vector<16xf32>
        %add3A_1392 = arith.addf %add3A_1330, %mul3A_1391 : vector<16xf32>
        %get3A_1393 = arith.index_cast %add3A_1378 : i32 to index
        %get3A_1394 = arith.constant 32 : index
        %get3A_1395 = tpu.vector_load %arg9[%get3A_1393, %get3A_1394] {strides = array<i32>} : memref<64x128xf32, #tpu.memory_space<vmem>>, vector<1x16xf32>,
        %get3A_1396 = vector.shape_cast %get3A_1395 : vector<1x16xf32> to vector<16xf32>
        %mul3A_1397 = vector.broadcast %squeeze3A_1374 : f32 to vector<16xf32>
        %mul3A_1398 = arith.mulf %mul3A_1397, %get3A_1396 : vector<16xf32>
        %add3A_1399 = arith.addf %add3A_1337, %mul3A_1398 : vector<16xf32>
        %get3A_1400 = arith.index_cast %add3A_1378 : i32 to index
        %get3A_1401 = arith.constant 48 : index
        %get3A_1402 = tpu.vector_load %arg9[%get3A_1400, %get3A_1401] {strides = array<i32>} : memref<64x128xf32, #tpu.memory_space<vmem>>, vector<1x16xf32>,
        %get3A_1403 = vector.shape_cast %get3A_1402 : vector<1x16xf32> to vector<16xf32>
        %mul3A_1404 = vector.broadcast %squeeze3A_1374 : f32 to vector<16xf32>
        %mul3A_1405 = arith.mulf %mul3A_1404, %get3A_1403 : vector<16xf32>
        %add3A_1406 = arith.addf %add3A_1344, %mul3A_1405 : vector<16xf32>
        %get3A_1407 = arith.index_cast %add3A_1378 : i32 to index
        %get3A_1408 = arith.constant 64 : index
        %get3A_1409 = tpu.vector_load %arg9[%get3A_1407, %get3A_1408] {strides = array<i32>} : memref<64x128xf32, #tpu.memory_space<vmem>>, vector<1x16xf32>,
        %get3A_1410 = vector.shape_cast %get3A_1409 : vector<1x16xf32> to vector<16xf32>
        %mul3A_1411 = vector.broadcast %squeeze3A_1374 : f32 to vector<16xf32>
        %mul3A_1412 = arith.mulf %mul3A_1411, %get3A_1410 : vector<16xf32>
        %add3A_1413 = arith.addf %add3A_1351, %mul3A_1412 : vector<16xf32>
        %get3A_1414 = arith.index_cast %add3A_1378 : i32 to index
        %get3A_1415 = arith.constant 80 : index
        %get3A_1416 = tpu.vector_load %arg9[%get3A_1414, %get3A_1415] {strides = array<i32>} : memref<64x128xf32, #tpu.memory_space<vmem>>, vector<1x16xf32>,
        %get3A_1417 = vector.shape_cast %get3A_1416 : vector<1x16xf32> to vector<16xf32>
        %mul3A_1418 = vector.broadcast %squeeze3A_1374 : f32 to vector<16xf32>
        %mul3A_1419 = arith.mulf %mul3A_1418, %get3A_1417 : vector<16xf32>
        %add3A_1420 = arith.addf %add3A_1358, %mul3A_1419 : vector<16xf32>
        %get3A_1421 = arith.index_cast %add3A_1378 : i32 to index
        %get3A_1422 = arith.constant 96 : index
        %get3A_1423 = tpu.vector_load %arg9[%get3A_1421, %get3A_1422] {strides = array<i32>} : memref<64x128xf32, #tpu.memory_space<vmem>>, vector<1x16xf32>,
        %get3A_1424 = vector.shape_cast %get3A_1423 : vector<1x16xf32> to vector<16xf32>
        %mul3A_1425 = vector.broadcast %squeeze3A_1374 : f32 to vector<16xf32>
        %mul3A_1426 = arith.mulf %mul3A_1425, %get3A_1424 : vector<16xf32>
        %add3A_1427 = arith.addf %add3A_1365, %mul3A_1426 : vector<16xf32>
        %get3A_1428 = arith.index_cast %add3A_1378 : i32 to index
        %get3A_1429 = arith.constant 112 : index
        %get3A_1430 = tpu.vector_load %arg9[%get3A_1428, %get3A_1429] {strides = array<i32>} : memref<64x128xf32, #tpu.memory_space<vmem>>, vector<1x16xf32>,
        %get3A_1431 = vector.shape_cast %get3A_1430 : vector<1x16xf32> to vector<16xf32>
        %mul3A_1432 = vector.broadcast %squeeze3A_1374 : f32 to vector<16xf32>
        %mul3A_1433 = arith.mulf %mul3A_1432, %get3A_1431 : vector<16xf32>
        %add3A_1434 = arith.addf %add3A_1372, %mul3A_1433 : vector<16xf32>
        scf.yield %add3A_1385, %add3A_1392, %add3A_1399, %add3A_1406, %add3A_1413, %add3A_1420, %add3A_1427, %add3A_1434 : vector<16xf32>, vector<16xf32>, vector<16xf32>, vector<16xf32>, vector<16xf32>, vector<16xf32>, vector<16xf32>, vector<16xf32>
      }
      %scan3A_169 = arith.constant 4 : i32
      %get3A_170 = arith.index_cast %add3A_147 : i32 to index
      %get3A_171 = tpu.vector_load %arg5[%get3A_170] {strides = array<i32>} : memref<544xi32, #tpu.memory_space<vmem>>, vector<16xi32>,
      %get3A_172 = vector.shape_cast %get3A_171 : vector<16xi32> to vector<16xi32>
      %slice3A_173 = vector.extract_strided_slice %get3A_172 {offsets = [0], sizes = [1], strides = [1]} : vector<16xi32> to vector<1xi32>
      %squeeze3A_174 = vector.extract %slice3A_173[0] : i32 from vector<1xi32>
      %mul3A_175 = arith.constant 2 : i32
      %mul3A_176 = arith.muli %squeeze3A_174, %mul3A_175 : i32
      %add3A_177 = arith.addi %mul3A_176, %select_n3A_30 : i32
      %dma_start3A_178 = arith.constant 0 : i32
      %dma_start3A_179 = arith.constant 0 : i32
      %dma_start3A_180 = tpu.memref_slice %arg2[%add3A_177, %dma_start3A_178, %dma_start3A_179] : memref<130x64x128xf32, #tpu.memory_space<hbm>> -> memref<1x64x128xf32, #tpu.memory_space<hbm>>
      %dma_start3A_181 = tpu.memref_squeeze %dma_start3A_180 : memref<1x64x128xf32, #tpu.memory_space<hbm>> -> memref<64x128xf32, #tpu.memory_space<hbm>>
      %dma_start3A_182 = arith.constant 0 : i32
      %dma_start3A_183 = arith.constant 0 : i32
      %dma_start3A_184 = tpu.memref_slice %arg2[%add3A_177, %dma_start3A_182, %dma_start3A_183] : memref<130x64x128xf32, #tpu.memory_space<hbm>> -> memref<1x64x128xf32, #tpu.memory_space<hbm>>
      %dma_start3A_185 = tpu.memref_squeeze %dma_start3A_184 : memref<1x64x128xf32, #tpu.memory_space<hbm>> -> memref<64x128xf32, #tpu.memory_space<hbm>>
      tpu.enqueue_dma source(%dma_start3A_185 : memref<64x128xf32, #tpu.memory_space<hbm>>) target(%arg9 : memref<64x128xf32, #tpu.memory_space<vmem>>) target_semaphore(%arg12 : memref<!tpu.dma_semaphore, #tpu.memory_space<semaphore_mem>>)
      %swap3A_186 = arith.constant 0 : index
      %swap3A_187 = tpu.vector_load %arg7[%swap3A_186] {strides = array<i32>} : memref<128xf32, #tpu.memory_space<vmem>>, vector<16xf32>,
      %swap3A_188 = vector.shape_cast %swap3A_187 : vector<16xf32> to vector<16xf32>
      %swap3A_189 = vector.shape_cast %scan3A_168#0 : vector<16xf32> to vector<16xf32>
      tpu.vector_store %arg7[%swap3A_186], %swap3A_189 {strides = array<i32>} : memref<128xf32, #tpu.memory_space<vmem>>, vector<16xf32>,
      %swap3A_190 = arith.constant 16 : index
      %swap3A_191 = tpu.vector_load %arg7[%swap3A_190] {strides = array<i32>} : memref<128xf32, #tpu.memory_space<vmem>>, vector<16xf32>,
      %swap3A_192 = vector.shape_cast %swap3A_191 : vector<16xf32> to vector<16xf32>
      %swap3A_193 = vector.shape_cast %scan3A_168#1 : vector<16xf32> to vector<16xf32>
      tpu.vector_store %arg7[%swap3A_190], %swap3A_193 {strides = array<i32>} : memref<128xf32, #tpu.memory_space<vmem>>, vector<16xf32>,
      %swap3A_194 = arith.constant 32 : index
      %swap3A_195 = tpu.vector_load %arg7[%swap3A_194] {strides = array<i32>} : memref<128xf32, #tpu.memory_space<vmem>>, vector<16xf32>,
      %swap3A_196 = vector.shape_cast %swap3A_195 : vector<16xf32> to vector<16xf32>
      %swap3A_197 = vector.shape_cast %scan3A_168#2 : vector<16xf32> to vector<16xf32>
      tpu.vector_store %arg7[%swap3A_194], %swap3A_197 {strides = array<i32>} : memref<128xf32, #tpu.memory_space<vmem>>, vector<16xf32>,
      %swap3A_198 = arith.constant 48 : index
      %swap3A_199 = tpu.vector_load %arg7[%swap3A_198] {strides = array<i32>} : memref<128xf32, #tpu.memory_space<vmem>>, vector<16xf32>,
      %swap3A_200 = vector.shape_cast %swap3A_199 : vector<16xf32> to vector<16xf32>
      %swap3A_201 = vector.shape_cast %scan3A_168#3 : vector<16xf32> to vector<16xf32>
      tpu.vector_store %arg7[%swap3A_198], %swap3A_201 {strides = array<i32>} : memref<128xf32, #tpu.memory_space<vmem>>, vector<16xf32>,
      %swap3A_202 = arith.constant 64 : index
      %swap3A_203 = tpu.vector_load %arg7[%swap3A_202] {strides = array<i32>} : memref<128xf32, #tpu.memory_space<vmem>>, vector<16xf32>,
      %swap3A_204 = vector.shape_cast %swap3A_203 : vector<16xf32> to vector<16xf32>
      %swap3A_205 = vector.shape_cast %scan3A_168#4 : vector<16xf32> to vector<16xf32>
      tpu.vector_store %arg7[%swap3A_202], %swap3A_205 {strides = array<i32>} : memref<128xf32, #tpu.memory_space<vmem>>, vector<16xf32>,
      %swap3A_206 = arith.constant 80 : index
      %swap3A_207 = tpu.vector_load %arg7[%swap3A_206] {strides = array<i32>} : memref<128xf32, #tpu.memory_space<vmem>>, vector<16xf32>,
      %swap3A_208 = vector.shape_cast %swap3A_207 : vector<16xf32> to vector<16xf32>
      %swap3A_209 = vector.shape_cast %scan3A_168#5 : vector<16xf32> to vector<16xf32>
      tpu.vector_store %arg7[%swap3A_206], %swap3A_209 {strides = array<i32>} : memref<128xf32, #tpu.memory_space<vmem>>, vector<16xf32>,
      %swap3A_210 = arith.constant 96 : index
      %swap3A_211 = tpu.vector_load %arg7[%swap3A_210] {strides = array<i32>} : memref<128xf32, #tpu.memory_space<vmem>>, vector<16xf32>,
      %swap3A_212 = vector.shape_cast %swap3A_211 : vector<16xf32> to vector<16xf32>
      %swap3A_213 = vector.shape_cast %scan3A_168#6 : vector<16xf32> to vector<16xf32>
      tpu.vector_store %arg7[%swap3A_210], %swap3A_213 {strides = array<i32>} : memref<128xf32, #tpu.memory_space<vmem>>, vector<16xf32>,
      %swap3A_214 = arith.constant 112 : index
      %swap3A_215 = tpu.vector_load %arg7[%swap3A_214] {strides = array<i32>} : memref<128xf32, #tpu.memory_space<vmem>>, vector<16xf32>,
      %swap3A_216 = vector.shape_cast %swap3A_215 : vector<16xf32> to vector<16xf32>
      %swap3A_217 = vector.shape_cast %scan3A_168#7 : vector<16xf32> to vector<16xf32>
      tpu.vector_store %arg7[%swap3A_214], %swap3A_217 {strides = array<i32>} : memref<128xf32, #tpu.memory_space<vmem>>, vector<16xf32>,
      %run_scoped3A = arith.constant 0 : i32
      "tpu.region"() ({
        %run_scoped3A_426 = tpu.sem_alloc : memref<!tpu.dma_semaphore, #tpu.memory_space<semaphore_mem>>
        %dma_start3A_427 = arith.constant 0 : i32
        %dma_start3A_428 = tpu.memref_slice %arg11[%run_scoped3A, %arg1, %dma_start3A_427] : memref<2x16x128xf32, #tpu.memory_space<vmem_shared>> -> memref<1x1x128xf32, #tpu.memory_space<vmem_shared>>
        %dma_start3A_429 = tpu.memref_squeeze %dma_start3A_428 : memref<1x1x128xf32, #tpu.memory_space<vmem_shared>> -> memref<128xf32, #tpu.memory_space<vmem_shared>>
        %dma_start3A_430 = arith.constant 0 : i32
        %dma_start3A_431 = tpu.memref_slice %arg11[%run_scoped3A, %arg1, %dma_start3A_430] : memref<2x16x128xf32, #tpu.memory_space<vmem_shared>> -> memref<1x1x128xf32, #tpu.memory_space<vmem_shared>>
        %dma_start3A_432 = tpu.memref_squeeze %dma_start3A_431 : memref<1x1x128xf32, #tpu.memory_space<vmem_shared>> -> memref<128xf32, #tpu.memory_space<vmem_shared>>
        tpu.enqueue_dma source(%arg7 : memref<128xf32, #tpu.memory_space<vmem>>) target(%dma_start3A_432 : memref<128xf32, #tpu.memory_space<vmem_shared>>) target_semaphore(%run_scoped3A_426 : memref<!tpu.dma_semaphore, #tpu.memory_space<semaphore_mem>>)
        %dma_wait3A_433 = arith.constant 0 : i32
        %dma_wait3A_434 = tpu.memref_slice %arg11[%run_scoped3A, %arg1, %dma_wait3A_433] : memref<2x16x128xf32, #tpu.memory_space<vmem_shared>> -> memref<1x1x128xf32, #tpu.memory_space<vmem_shared>>
        %dma_wait3A_435 = tpu.memref_squeeze %dma_wait3A_434 : memref<1x1x128xf32, #tpu.memory_space<vmem_shared>> -> memref<128xf32, #tpu.memory_space<vmem_shared>>
        %dma_wait3A_436 = arith.constant 0 : i32
        %dma_wait3A_437 = tpu.memref_slice %arg11[%run_scoped3A, %arg1, %dma_wait3A_436] : memref<2x16x128xf32, #tpu.memory_space<vmem_shared>> -> memref<1x1x128xf32, #tpu.memory_space<vmem_shared>>
        %dma_wait3A_438 = tpu.memref_squeeze %dma_wait3A_437 : memref<1x1x128xf32, #tpu.memory_space<vmem_shared>> -> memref<128xf32, #tpu.memory_space<vmem_shared>>
        tpu.wait_dma2 semaphore(%run_scoped3A_426 : memref<!tpu.dma_semaphore, #tpu.memory_space<semaphore_mem>>) src(%arg7 : memref<128xf32, #tpu.memory_space<vmem>>) dst(%dma_wait3A_438 : memref<128xf32, #tpu.memory_space<vmem_shared>>)
        tpu.yield
      }) : () -> ()
      %barrier3A = arith.constant 0 : index
      tpu.barrier barrier_id(%barrier3A)
      %xor3A = arith.constant 1 : i32
      %xor3A_218 = arith.xori %arg1, %xor3A : i32
      %run_scoped3A_219 = arith.constant 0 : i32
      "tpu.region"() ({
        %run_scoped3A_426 = tpu.sem_alloc : memref<!tpu.dma_semaphore, #tpu.memory_space<semaphore_mem>>
        %dma_start3A_427 = arith.constant 0 : i32
        %dma_start3A_428 = tpu.memref_slice %arg11[%run_scoped3A_219, %xor3A_218, %dma_start3A_427] : memref<2x16x128xf32, #tpu.memory_space<vmem_shared>> -> memref<1x1x128xf32, #tpu.memory_space<vmem_shared>>
        %dma_start3A_429 = tpu.memref_squeeze %dma_start3A_428 : memref<1x1x128xf32, #tpu.memory_space<vmem_shared>> -> memref<128xf32, #tpu.memory_space<vmem_shared>>
        %dma_start3A_430 = arith.constant 0 : i32
        %dma_start3A_431 = tpu.memref_slice %arg11[%run_scoped3A_219, %xor3A_218, %dma_start3A_430] : memref<2x16x128xf32, #tpu.memory_space<vmem_shared>> -> memref<1x1x128xf32, #tpu.memory_space<vmem_shared>>
        %dma_start3A_432 = tpu.memref_squeeze %dma_start3A_431 : memref<1x1x128xf32, #tpu.memory_space<vmem_shared>> -> memref<128xf32, #tpu.memory_space<vmem_shared>>
        tpu.enqueue_dma source(%dma_start3A_432 : memref<128xf32, #tpu.memory_space<vmem_shared>>) target(%arg8 : memref<128xf32, #tpu.memory_space<vmem>>) target_semaphore(%run_scoped3A_426 : memref<!tpu.dma_semaphore, #tpu.memory_space<semaphore_mem>>)
        %dma_wait3A_433 = arith.constant 0 : i32
        %dma_wait3A_434 = tpu.memref_slice %arg11[%run_scoped3A_219, %xor3A_218, %dma_wait3A_433] : memref<2x16x128xf32, #tpu.memory_space<vmem_shared>> -> memref<1x1x128xf32, #tpu.memory_space<vmem_shared>>
        %dma_wait3A_435 = tpu.memref_squeeze %dma_wait3A_434 : memref<1x1x128xf32, #tpu.memory_space<vmem_shared>> -> memref<128xf32, #tpu.memory_space<vmem_shared>>
        %dma_wait3A_436 = arith.constant 0 : i32
        %dma_wait3A_437 = tpu.memref_slice %arg11[%run_scoped3A_219, %xor3A_218, %dma_wait3A_436] : memref<2x16x128xf32, #tpu.memory_space<vmem_shared>> -> memref<1x1x128xf32, #tpu.memory_space<vmem_shared>>
        %dma_wait3A_438 = tpu.memref_squeeze %dma_wait3A_437 : memref<1x1x128xf32, #tpu.memory_space<vmem_shared>> -> memref<128xf32, #tpu.memory_space<vmem_shared>>
        tpu.wait_dma2 semaphore(%run_scoped3A_426 : memref<!tpu.dma_semaphore, #tpu.memory_space<semaphore_mem>>) src(%dma_wait3A_438 : memref<128xf32, #tpu.memory_space<vmem_shared>>) dst(%arg8 : memref<128xf32, #tpu.memory_space<vmem>>)
        tpu.yield
      }) : () -> ()
      %mul3A_220 = arith.constant 64 : i32
      %mul3A_221 = arith.muli %select_n3A_30, %mul3A_220 : i32
      %add3A_222 = arith.constant 0 : i32
      %add3A_223 = arith.addi %mul3A_221, %add3A_222 : i32
      %get3A_224 = arith.index_cast %add3A_223 : i32 to index
      %get3A_225 = tpu.vector_load %arg7[%get3A_224] {strides = array<i32>} : memref<128xf32, #tpu.memory_space<vmem>>, vector<16xf32>,
      %get3A_226 = vector.shape_cast %get3A_225 : vector<16xf32> to vector<16xf32>
      %get3A_227 = arith.index_cast %add3A_223 : i32 to index
      %get3A_228 = tpu.vector_load %arg8[%get3A_227] {strides = array<i32>} : memref<128xf32, #tpu.memory_space<vmem>>, vector<16xf32>,
      %get3A_229 = vector.shape_cast %get3A_228 : vector<16xf32> to vector<16xf32>
      %add3A_230 = arith.addf %get3A_226, %get3A_229 : vector<16xf32>
      %swap3A_231 = arith.index_cast %add3A_223 : i32 to index
      %swap3A_232 = tpu.vector_load %arg6[%swap3A_231] {strides = array<i32>} : memref<128xf32, #tpu.memory_space<vmem>>, vector<16xf32>,
      %swap3A_233 = vector.shape_cast %swap3A_232 : vector<16xf32> to vector<16xf32>
      %swap3A_234 = vector.shape_cast %add3A_230 : vector<16xf32> to vector<16xf32>
      tpu.vector_store %arg6[%swap3A_231], %swap3A_234 {strides = array<i32>} : memref<128xf32, #tpu.memory_space<vmem>>, vector<16xf32>,
      %mul3A_235 = arith.constant 64 : i32
      %mul3A_236 = arith.muli %select_n3A_30, %mul3A_235 : i32
      %add3A_237 = arith.constant 16 : i32
      %add3A_238 = arith.addi %mul3A_236, %add3A_237 : i32
      %get3A_239 = arith.index_cast %add3A_238 : i32 to index
      %get3A_240 = tpu.vector_load %arg7[%get3A_239] {strides = array<i32>} : memref<128xf32, #tpu.memory_space<vmem>>, vector<16xf32>,
      %get3A_241 = vector.shape_cast %get3A_240 : vector<16xf32> to vector<16xf32>
      %get3A_242 = arith.index_cast %add3A_238 : i32 to index
      %get3A_243 = tpu.vector_load %arg8[%get3A_242] {strides = array<i32>} : memref<128xf32, #tpu.memory_space<vmem>>, vector<16xf32>,
      %get3A_244 = vector.shape_cast %get3A_243 : vector<16xf32> to vector<16xf32>
      %add3A_245 = arith.addf %get3A_241, %get3A_244 : vector<16xf32>
      %swap3A_246 = arith.index_cast %add3A_238 : i32 to index
      %swap3A_247 = tpu.vector_load %arg6[%swap3A_246] {strides = array<i32>} : memref<128xf32, #tpu.memory_space<vmem>>, vector<16xf32>,
      %swap3A_248 = vector.shape_cast %swap3A_247 : vector<16xf32> to vector<16xf32>
      %swap3A_249 = vector.shape_cast %add3A_245 : vector<16xf32> to vector<16xf32>
      tpu.vector_store %arg6[%swap3A_246], %swap3A_249 {strides = array<i32>} : memref<128xf32, #tpu.memory_space<vmem>>, vector<16xf32>,
      %mul3A_250 = arith.constant 64 : i32
      %mul3A_251 = arith.muli %select_n3A_30, %mul3A_250 : i32
      %add3A_252 = arith.constant 32 : i32
      %add3A_253 = arith.addi %mul3A_251, %add3A_252 : i32
      %get3A_254 = arith.index_cast %add3A_253 : i32 to index
      %get3A_255 = tpu.vector_load %arg7[%get3A_254] {strides = array<i32>} : memref<128xf32, #tpu.memory_space<vmem>>, vector<16xf32>,
      %get3A_256 = vector.shape_cast %get3A_255 : vector<16xf32> to vector<16xf32>
      %get3A_257 = arith.index_cast %add3A_253 : i32 to index
      %get3A_258 = tpu.vector_load %arg8[%get3A_257] {strides = array<i32>} : memref<128xf32, #tpu.memory_space<vmem>>, vector<16xf32>,
      %get3A_259 = vector.shape_cast %get3A_258 : vector<16xf32> to vector<16xf32>
      %add3A_260 = arith.addf %get3A_256, %get3A_259 : vector<16xf32>
      %swap3A_261 = arith.index_cast %add3A_253 : i32 to index
      %swap3A_262 = tpu.vector_load %arg6[%swap3A_261] {strides = array<i32>} : memref<128xf32, #tpu.memory_space<vmem>>, vector<16xf32>,
      %swap3A_263 = vector.shape_cast %swap3A_262 : vector<16xf32> to vector<16xf32>
      %swap3A_264 = vector.shape_cast %add3A_260 : vector<16xf32> to vector<16xf32>
      tpu.vector_store %arg6[%swap3A_261], %swap3A_264 {strides = array<i32>} : memref<128xf32, #tpu.memory_space<vmem>>, vector<16xf32>,
      %mul3A_265 = arith.constant 64 : i32
      %mul3A_266 = arith.muli %select_n3A_30, %mul3A_265 : i32
      %add3A_267 = arith.constant 48 : i32
      %add3A_268 = arith.addi %mul3A_266, %add3A_267 : i32
      %get3A_269 = arith.index_cast %add3A_268 : i32 to index
      %get3A_270 = tpu.vector_load %arg7[%get3A_269] {strides = array<i32>} : memref<128xf32, #tpu.memory_space<vmem>>, vector<16xf32>,
      %get3A_271 = vector.shape_cast %get3A_270 : vector<16xf32> to vector<16xf32>
      %get3A_272 = arith.index_cast %add3A_268 : i32 to index
      %get3A_273 = tpu.vector_load %arg8[%get3A_272] {strides = array<i32>} : memref<128xf32, #tpu.memory_space<vmem>>, vector<16xf32>,
      %get3A_274 = vector.shape_cast %get3A_273 : vector<16xf32> to vector<16xf32>
      %add3A_275 = arith.addf %get3A_271, %get3A_274 : vector<16xf32>
      %swap3A_276 = arith.index_cast %add3A_268 : i32 to index
      %swap3A_277 = tpu.vector_load %arg6[%swap3A_276] {strides = array<i32>} : memref<128xf32, #tpu.memory_space<vmem>>, vector<16xf32>,
      %swap3A_278 = vector.shape_cast %swap3A_277 : vector<16xf32> to vector<16xf32>
      %swap3A_279 = vector.shape_cast %add3A_275 : vector<16xf32> to vector<16xf32>
      tpu.vector_store %arg6[%swap3A_276], %swap3A_279 {strides = array<i32>} : memref<128xf32, #tpu.memory_space<vmem>>, vector<16xf32>,
      %dma_wait3A_280 = arith.constant 0 : i32
      %dma_wait3A_281 = arith.constant 0 : i32
      %dma_wait3A_282 = arith.constant 0 : i32
      %dma_wait3A_283 = tpu.memref_slice %arg2[%dma_wait3A_280, %dma_wait3A_281, %dma_wait3A_282] : memref<130x64x128xf32, #tpu.memory_space<hbm>> -> memref<1x64x128xf32, #tpu.memory_space<hbm>>
      %dma_wait3A_284 = tpu.memref_squeeze %dma_wait3A_283 : memref<1x64x128xf32, #tpu.memory_space<hbm>> -> memref<64x128xf32, #tpu.memory_space<hbm>>
      %dma_wait3A_285 = arith.constant 0 : i32
      %dma_wait3A_286 = arith.constant 0 : i32
      %dma_wait3A_287 = tpu.memref_slice %arg2[%dma_wait3A_280, %dma_wait3A_285, %dma_wait3A_286] : memref<130x64x128xf32, #tpu.memory_space<hbm>> -> memref<1x64x128xf32, #tpu.memory_space<hbm>>
      %dma_wait3A_288 = tpu.memref_squeeze %dma_wait3A_287 : memref<1x64x128xf32, #tpu.memory_space<hbm>> -> memref<64x128xf32, #tpu.memory_space<hbm>>
      tpu.wait_dma2 semaphore(%arg13 : memref<!tpu.dma_semaphore, #tpu.memory_space<semaphore_mem>>) src(%dma_wait3A_288 : memref<64x128xf32, #tpu.memory_space<hbm>>) dst(%arg10 : memref<64x128xf32, #tpu.memory_space<vmem>>)
      %add3A_289 = arith.constant 3 : i32
      %add3A_290 = arith.addi %mul3A_136, %add3A_289 : i32
      %broadcast_in_dim3A_291 = arith.constant 0.000000e+00 : f32
      %broadcast_in_dim3A_292 = vector.broadcast %broadcast_in_dim3A_291 : f32 to vector<16xf32>
      %broadcast_in_dim3A_293 = arith.constant 0.000000e+00 : f32
      %broadcast_in_dim3A_294 = vector.broadcast %broadcast_in_dim3A_293 : f32 to vector<16xf32>
      %broadcast_in_dim3A_295 = arith.constant 0.000000e+00 : f32
      %broadcast_in_dim3A_296 = vector.broadcast %broadcast_in_dim3A_295 : f32 to vector<16xf32>
      %broadcast_in_dim3A_297 = arith.constant 0.000000e+00 : f32
      %broadcast_in_dim3A_298 = vector.broadcast %broadcast_in_dim3A_297 : f32 to vector<16xf32>
      %broadcast_in_dim3A_299 = arith.constant 0.000000e+00 : f32
      %broadcast_in_dim3A_300 = vector.broadcast %broadcast_in_dim3A_299 : f32 to vector<16xf32>
      %broadcast_in_dim3A_301 = arith.constant 0.000000e+00 : f32
      %broadcast_in_dim3A_302 = vector.broadcast %broadcast_in_dim3A_301 : f32 to vector<16xf32>
      %broadcast_in_dim3A_303 = arith.constant 0.000000e+00 : f32
      %broadcast_in_dim3A_304 = vector.broadcast %broadcast_in_dim3A_303 : f32 to vector<16xf32>
      %broadcast_in_dim3A_305 = arith.constant 0.000000e+00 : f32
      %broadcast_in_dim3A_306 = vector.broadcast %broadcast_in_dim3A_305 : f32 to vector<16xf32>
      %scan3A_307 = arith.constant 0 : i32
      %scan3A_308 = arith.constant 4 : i32
      %scan3A_309 = arith.addi %scan3A_307, %scan3A_308 : i32
      %scan3A_310 = arith.constant 1 : i32
      %scan3A_311:8 = scf.for %scan3A_426 = %scan3A_307 to %scan3A_309 step %scan3A_310 iter_args(%scan3A_427 = %broadcast_in_dim3A_292, %scan3A_428 = %broadcast_in_dim3A_294, %scan3A_429 = %broadcast_in_dim3A_296, %scan3A_430 = %broadcast_in_dim3A_298, %scan3A_431 = %broadcast_in_dim3A_300, %scan3A_432 = %broadcast_in_dim3A_302, %scan3A_433 = %broadcast_in_dim3A_304, %scan3A_434 = %broadcast_in_dim3A_306) -> (vector<16xf32>, vector<16xf32>, vector<16xf32>, vector<16xf32>, vector<16xf32>, vector<16xf32>, vector<16xf32>, vector<16xf32>)  : i32 {
        %mul3A_435 = arith.constant 64 : i32
        %mul3A_436 = arith.muli %select_n3A_30, %mul3A_435 : i32
        %mul3A_437 = arith.constant 16 : i32
        %mul3A_438 = arith.muli %scan3A_426, %mul3A_437 : i32
        %add3A_439 = arith.addi %mul3A_436, %mul3A_438 : i32
        %get3A_440 = arith.index_cast %add3A_439 : i32 to index
        %get3A_441 = tpu.vector_load %arg6[%get3A_440] {strides = array<i32>} : memref<128xf32, #tpu.memory_space<vmem>>, vector<16xf32>,
        %get3A_442 = vector.shape_cast %get3A_441 : vector<16xf32> to vector<16xf32>
        %slice3A_443 = vector.extract_strided_slice %get3A_442 {offsets = [0], sizes = [1], strides = [1]} : vector<16xf32> to vector<1xf32>
        %squeeze3A_444 = vector.extract %slice3A_443[0] : f32 from vector<1xf32>
        %mul3A_445 = arith.constant 16 : i32
        %mul3A_446 = arith.muli %scan3A_426, %mul3A_445 : i32
        %add3A_447 = arith.constant 0 : i32
        %add3A_448 = arith.addi %mul3A_446, %add3A_447 : i32
        %get3A_449 = arith.index_cast %add3A_448 : i32 to index
        %get3A_450 = arith.constant 0 : index
        %get3A_451 = tpu.vector_load %arg10[%get3A_449, %get3A_450] {strides = array<i32>} : memref<64x128xf32, #tpu.memory_space<vmem>>, vector<1x16xf32>,
        %get3A_452 = vector.shape_cast %get3A_451 : vector<1x16xf32> to vector<16xf32>
        %mul3A_453 = vector.broadcast %squeeze3A_444 : f32 to vector<16xf32>
        %mul3A_454 = arith.mulf %mul3A_453, %get3A_452 : vector<16xf32>
        %add3A_455 = arith.addf %scan3A_427, %mul3A_454 : vector<16xf32>
        %get3A_456 = arith.index_cast %add3A_448 : i32 to index
        %get3A_457 = arith.constant 16 : index
        %get3A_458 = tpu.vector_load %arg10[%get3A_456, %get3A_457] {strides = array<i32>} : memref<64x128xf32, #tpu.memory_space<vmem>>, vector<1x16xf32>,
        %get3A_459 = vector.shape_cast %get3A_458 : vector<1x16xf32> to vector<16xf32>
        %mul3A_460 = vector.broadcast %squeeze3A_444 : f32 to vector<16xf32>
        %mul3A_461 = arith.mulf %mul3A_460, %get3A_459 : vector<16xf32>
        %add3A_462 = arith.addf %scan3A_428, %mul3A_461 : vector<16xf32>
        %get3A_463 = arith.index_cast %add3A_448 : i32 to index
        %get3A_464 = arith.constant 32 : index
        %get3A_465 = tpu.vector_load %arg10[%get3A_463, %get3A_464] {strides = array<i32>} : memref<64x128xf32, #tpu.memory_space<vmem>>, vector<1x16xf32>,
        %get3A_466 = vector.shape_cast %get3A_465 : vector<1x16xf32> to vector<16xf32>
        %mul3A_467 = vector.broadcast %squeeze3A_444 : f32 to vector<16xf32>
        %mul3A_468 = arith.mulf %mul3A_467, %get3A_466 : vector<16xf32>
        %add3A_469 = arith.addf %scan3A_429, %mul3A_468 : vector<16xf32>
        %get3A_470 = arith.index_cast %add3A_448 : i32 to index
        %get3A_471 = arith.constant 48 : index
        %get3A_472 = tpu.vector_load %arg10[%get3A_470, %get3A_471] {strides = array<i32>} : memref<64x128xf32, #tpu.memory_space<vmem>>, vector<1x16xf32>,
        %get3A_473 = vector.shape_cast %get3A_472 : vector<1x16xf32> to vector<16xf32>
        %mul3A_474 = vector.broadcast %squeeze3A_444 : f32 to vector<16xf32>
        %mul3A_475 = arith.mulf %mul3A_474, %get3A_473 : vector<16xf32>
        %add3A_476 = arith.addf %scan3A_430, %mul3A_475 : vector<16xf32>
        %get3A_477 = arith.index_cast %add3A_448 : i32 to index
        %get3A_478 = arith.constant 64 : index
        %get3A_479 = tpu.vector_load %arg10[%get3A_477, %get3A_478] {strides = array<i32>} : memref<64x128xf32, #tpu.memory_space<vmem>>, vector<1x16xf32>,
        %get3A_480 = vector.shape_cast %get3A_479 : vector<1x16xf32> to vector<16xf32>
        %mul3A_481 = vector.broadcast %squeeze3A_444 : f32 to vector<16xf32>
        %mul3A_482 = arith.mulf %mul3A_481, %get3A_480 : vector<16xf32>
        %add3A_483 = arith.addf %scan3A_431, %mul3A_482 : vector<16xf32>
        %get3A_484 = arith.index_cast %add3A_448 : i32 to index
        %get3A_485 = arith.constant 80 : index
        %get3A_486 = tpu.vector_load %arg10[%get3A_484, %get3A_485] {strides = array<i32>} : memref<64x128xf32, #tpu.memory_space<vmem>>, vector<1x16xf32>,
        %get3A_487 = vector.shape_cast %get3A_486 : vector<1x16xf32> to vector<16xf32>
        %mul3A_488 = vector.broadcast %squeeze3A_444 : f32 to vector<16xf32>
        %mul3A_489 = arith.mulf %mul3A_488, %get3A_487 : vector<16xf32>
        %add3A_490 = arith.addf %scan3A_432, %mul3A_489 : vector<16xf32>
        %get3A_491 = arith.index_cast %add3A_448 : i32 to index
        %get3A_492 = arith.constant 96 : index
        %get3A_493 = tpu.vector_load %arg10[%get3A_491, %get3A_492] {strides = array<i32>} : memref<64x128xf32, #tpu.memory_space<vmem>>, vector<1x16xf32>,
        %get3A_494 = vector.shape_cast %get3A_493 : vector<1x16xf32> to vector<16xf32>
        %mul3A_495 = vector.broadcast %squeeze3A_444 : f32 to vector<16xf32>
        %mul3A_496 = arith.mulf %mul3A_495, %get3A_494 : vector<16xf32>
        %add3A_497 = arith.addf %scan3A_433, %mul3A_496 : vector<16xf32>
        %get3A_498 = arith.index_cast %add3A_448 : i32 to index
        %get3A_499 = arith.constant 112 : index
        %get3A_500 = tpu.vector_load %arg10[%get3A_498, %get3A_499] {strides = array<i32>} : memref<64x128xf32, #tpu.memory_space<vmem>>, vector<1x16xf32>,
        %get3A_501 = vector.shape_cast %get3A_500 : vector<1x16xf32> to vector<16xf32>
        %mul3A_502 = vector.broadcast %squeeze3A_444 : f32 to vector<16xf32>
        %mul3A_503 = arith.mulf %mul3A_502, %get3A_501 : vector<16xf32>
        %add3A_504 = arith.addf %scan3A_434, %mul3A_503 : vector<16xf32>
        %slice3A_505 = vector.extract_strided_slice %get3A_442 {offsets = [1], sizes = [1], strides = [1]} : vector<16xf32> to vector<1xf32>
        %squeeze3A_506 = vector.extract %slice3A_505[0] : f32 from vector<1xf32>
        %mul3A_507 = arith.constant 16 : i32
        %mul3A_508 = arith.muli %scan3A_426, %mul3A_507 : i32
        %add3A_509 = arith.constant 1 : i32
        %add3A_510 = arith.addi %mul3A_508, %add3A_509 : i32
        %get3A_511 = arith.index_cast %add3A_510 : i32 to index
        %get3A_512 = arith.constant 0 : index
        %get3A_513 = tpu.vector_load %arg10[%get3A_511, %get3A_512] {strides = array<i32>} : memref<64x128xf32, #tpu.memory_space<vmem>>, vector<1x16xf32>,
        %get3A_514 = vector.shape_cast %get3A_513 : vector<1x16xf32> to vector<16xf32>
        %mul3A_515 = vector.broadcast %squeeze3A_506 : f32 to vector<16xf32>
        %mul3A_516 = arith.mulf %mul3A_515, %get3A_514 : vector<16xf32>
        %add3A_517 = arith.addf %add3A_455, %mul3A_516 : vector<16xf32>
        %get3A_518 = arith.index_cast %add3A_510 : i32 to index
        %get3A_519 = arith.constant 16 : index
        %get3A_520 = tpu.vector_load %arg10[%get3A_518, %get3A_519] {strides = array<i32>} : memref<64x128xf32, #tpu.memory_space<vmem>>, vector<1x16xf32>,
        %get3A_521 = vector.shape_cast %get3A_520 : vector<1x16xf32> to vector<16xf32>
        %mul3A_522 = vector.broadcast %squeeze3A_506 : f32 to vector<16xf32>
        %mul3A_523 = arith.mulf %mul3A_522, %get3A_521 : vector<16xf32>
        %add3A_524 = arith.addf %add3A_462, %mul3A_523 : vector<16xf32>
        %get3A_525 = arith.index_cast %add3A_510 : i32 to index
        %get3A_526 = arith.constant 32 : index
        %get3A_527 = tpu.vector_load %arg10[%get3A_525, %get3A_526] {strides = array<i32>} : memref<64x128xf32, #tpu.memory_space<vmem>>, vector<1x16xf32>,
        %get3A_528 = vector.shape_cast %get3A_527 : vector<1x16xf32> to vector<16xf32>
        %mul3A_529 = vector.broadcast %squeeze3A_506 : f32 to vector<16xf32>
        %mul3A_530 = arith.mulf %mul3A_529, %get3A_528 : vector<16xf32>
        %add3A_531 = arith.addf %add3A_469, %mul3A_530 : vector<16xf32>
        %get3A_532 = arith.index_cast %add3A_510 : i32 to index
        %get3A_533 = arith.constant 48 : index
        %get3A_534 = tpu.vector_load %arg10[%get3A_532, %get3A_533] {strides = array<i32>} : memref<64x128xf32, #tpu.memory_space<vmem>>, vector<1x16xf32>,
        %get3A_535 = vector.shape_cast %get3A_534 : vector<1x16xf32> to vector<16xf32>
        %mul3A_536 = vector.broadcast %squeeze3A_506 : f32 to vector<16xf32>
        %mul3A_537 = arith.mulf %mul3A_536, %get3A_535 : vector<16xf32>
        %add3A_538 = arith.addf %add3A_476, %mul3A_537 : vector<16xf32>
        %get3A_539 = arith.index_cast %add3A_510 : i32 to index
        %get3A_540 = arith.constant 64 : index
        %get3A_541 = tpu.vector_load %arg10[%get3A_539, %get3A_540] {strides = array<i32>} : memref<64x128xf32, #tpu.memory_space<vmem>>, vector<1x16xf32>,
        %get3A_542 = vector.shape_cast %get3A_541 : vector<1x16xf32> to vector<16xf32>
        %mul3A_543 = vector.broadcast %squeeze3A_506 : f32 to vector<16xf32>
        %mul3A_544 = arith.mulf %mul3A_543, %get3A_542 : vector<16xf32>
        %add3A_545 = arith.addf %add3A_483, %mul3A_544 : vector<16xf32>
        %get3A_546 = arith.index_cast %add3A_510 : i32 to index
        %get3A_547 = arith.constant 80 : index
        %get3A_548 = tpu.vector_load %arg10[%get3A_546, %get3A_547] {strides = array<i32>} : memref<64x128xf32, #tpu.memory_space<vmem>>, vector<1x16xf32>,
        %get3A_549 = vector.shape_cast %get3A_548 : vector<1x16xf32> to vector<16xf32>
        %mul3A_550 = vector.broadcast %squeeze3A_506 : f32 to vector<16xf32>
        %mul3A_551 = arith.mulf %mul3A_550, %get3A_549 : vector<16xf32>
        %add3A_552 = arith.addf %add3A_490, %mul3A_551 : vector<16xf32>
        %get3A_553 = arith.index_cast %add3A_510 : i32 to index
        %get3A_554 = arith.constant 96 : index
        %get3A_555 = tpu.vector_load %arg10[%get3A_553, %get3A_554] {strides = array<i32>} : memref<64x128xf32, #tpu.memory_space<vmem>>, vector<1x16xf32>,
        %get3A_556 = vector.shape_cast %get3A_555 : vector<1x16xf32> to vector<16xf32>
        %mul3A_557 = vector.broadcast %squeeze3A_506 : f32 to vector<16xf32>
        %mul3A_558 = arith.mulf %mul3A_557, %get3A_556 : vector<16xf32>
        %add3A_559 = arith.addf %add3A_497, %mul3A_558 : vector<16xf32>
        %get3A_560 = arith.index_cast %add3A_510 : i32 to index
        %get3A_561 = arith.constant 112 : index
        %get3A_562 = tpu.vector_load %arg10[%get3A_560, %get3A_561] {strides = array<i32>} : memref<64x128xf32, #tpu.memory_space<vmem>>, vector<1x16xf32>,
        %get3A_563 = vector.shape_cast %get3A_562 : vector<1x16xf32> to vector<16xf32>
        %mul3A_564 = vector.broadcast %squeeze3A_506 : f32 to vector<16xf32>
        %mul3A_565 = arith.mulf %mul3A_564, %get3A_563 : vector<16xf32>
        %add3A_566 = arith.addf %add3A_504, %mul3A_565 : vector<16xf32>
        %slice3A_567 = vector.extract_strided_slice %get3A_442 {offsets = [2], sizes = [1], strides = [1]} : vector<16xf32> to vector<1xf32>
        %squeeze3A_568 = vector.extract %slice3A_567[0] : f32 from vector<1xf32>
        %mul3A_569 = arith.constant 16 : i32
        %mul3A_570 = arith.muli %scan3A_426, %mul3A_569 : i32
        %add3A_571 = arith.constant 2 : i32
        %add3A_572 = arith.addi %mul3A_570, %add3A_571 : i32
        %get3A_573 = arith.index_cast %add3A_572 : i32 to index
        %get3A_574 = arith.constant 0 : index
        %get3A_575 = tpu.vector_load %arg10[%get3A_573, %get3A_574] {strides = array<i32>} : memref<64x128xf32, #tpu.memory_space<vmem>>, vector<1x16xf32>,
        %get3A_576 = vector.shape_cast %get3A_575 : vector<1x16xf32> to vector<16xf32>
        %mul3A_577 = vector.broadcast %squeeze3A_568 : f32 to vector<16xf32>
        %mul3A_578 = arith.mulf %mul3A_577, %get3A_576 : vector<16xf32>
        %add3A_579 = arith.addf %add3A_517, %mul3A_578 : vector<16xf32>
        %get3A_580 = arith.index_cast %add3A_572 : i32 to index
        %get3A_581 = arith.constant 16 : index
        %get3A_582 = tpu.vector_load %arg10[%get3A_580, %get3A_581] {strides = array<i32>} : memref<64x128xf32, #tpu.memory_space<vmem>>, vector<1x16xf32>,
        %get3A_583 = vector.shape_cast %get3A_582 : vector<1x16xf32> to vector<16xf32>
        %mul3A_584 = vector.broadcast %squeeze3A_568 : f32 to vector<16xf32>
        %mul3A_585 = arith.mulf %mul3A_584, %get3A_583 : vector<16xf32>
        %add3A_586 = arith.addf %add3A_524, %mul3A_585 : vector<16xf32>
        %get3A_587 = arith.index_cast %add3A_572 : i32 to index
        %get3A_588 = arith.constant 32 : index
        %get3A_589 = tpu.vector_load %arg10[%get3A_587, %get3A_588] {strides = array<i32>} : memref<64x128xf32, #tpu.memory_space<vmem>>, vector<1x16xf32>,
        %get3A_590 = vector.shape_cast %get3A_589 : vector<1x16xf32> to vector<16xf32>
        %mul3A_591 = vector.broadcast %squeeze3A_568 : f32 to vector<16xf32>
        %mul3A_592 = arith.mulf %mul3A_591, %get3A_590 : vector<16xf32>
        %add3A_593 = arith.addf %add3A_531, %mul3A_592 : vector<16xf32>
        %get3A_594 = arith.index_cast %add3A_572 : i32 to index
        %get3A_595 = arith.constant 48 : index
        %get3A_596 = tpu.vector_load %arg10[%get3A_594, %get3A_595] {strides = array<i32>} : memref<64x128xf32, #tpu.memory_space<vmem>>, vector<1x16xf32>,
        %get3A_597 = vector.shape_cast %get3A_596 : vector<1x16xf32> to vector<16xf32>
        %mul3A_598 = vector.broadcast %squeeze3A_568 : f32 to vector<16xf32>
        %mul3A_599 = arith.mulf %mul3A_598, %get3A_597 : vector<16xf32>
        %add3A_600 = arith.addf %add3A_538, %mul3A_599 : vector<16xf32>
        %get3A_601 = arith.index_cast %add3A_572 : i32 to index
        %get3A_602 = arith.constant 64 : index
        %get3A_603 = tpu.vector_load %arg10[%get3A_601, %get3A_602] {strides = array<i32>} : memref<64x128xf32, #tpu.memory_space<vmem>>, vector<1x16xf32>,
        %get3A_604 = vector.shape_cast %get3A_603 : vector<1x16xf32> to vector<16xf32>
        %mul3A_605 = vector.broadcast %squeeze3A_568 : f32 to vector<16xf32>
        %mul3A_606 = arith.mulf %mul3A_605, %get3A_604 : vector<16xf32>
        %add3A_607 = arith.addf %add3A_545, %mul3A_606 : vector<16xf32>
        %get3A_608 = arith.index_cast %add3A_572 : i32 to index
        %get3A_609 = arith.constant 80 : index
        %get3A_610 = tpu.vector_load %arg10[%get3A_608, %get3A_609] {strides = array<i32>} : memref<64x128xf32, #tpu.memory_space<vmem>>, vector<1x16xf32>,
        %get3A_611 = vector.shape_cast %get3A_610 : vector<1x16xf32> to vector<16xf32>
        %mul3A_612 = vector.broadcast %squeeze3A_568 : f32 to vector<16xf32>
        %mul3A_613 = arith.mulf %mul3A_612, %get3A_611 : vector<16xf32>
        %add3A_614 = arith.addf %add3A_552, %mul3A_613 : vector<16xf32>
        %get3A_615 = arith.index_cast %add3A_572 : i32 to index
        %get3A_616 = arith.constant 96 : index
        %get3A_617 = tpu.vector_load %arg10[%get3A_615, %get3A_616] {strides = array<i32>} : memref<64x128xf32, #tpu.memory_space<vmem>>, vector<1x16xf32>,
        %get3A_618 = vector.shape_cast %get3A_617 : vector<1x16xf32> to vector<16xf32>
        %mul3A_619 = vector.broadcast %squeeze3A_568 : f32 to vector<16xf32>
        %mul3A_620 = arith.mulf %mul3A_619, %get3A_618 : vector<16xf32>
        %add3A_621 = arith.addf %add3A_559, %mul3A_620 : vector<16xf32>
        %get3A_622 = arith.index_cast %add3A_572 : i32 to index
        %get3A_623 = arith.constant 112 : index
        %get3A_624 = tpu.vector_load %arg10[%get3A_622, %get3A_623] {strides = array<i32>} : memref<64x128xf32, #tpu.memory_space<vmem>>, vector<1x16xf32>,
        %get3A_625 = vector.shape_cast %get3A_624 : vector<1x16xf32> to vector<16xf32>
        %mul3A_626 = vector.broadcast %squeeze3A_568 : f32 to vector<16xf32>
        %mul3A_627 = arith.mulf %mul3A_626, %get3A_625 : vector<16xf32>
        %add3A_628 = arith.addf %add3A_566, %mul3A_627 : vector<16xf32>
        %slice3A_629 = vector.extract_strided_slice %get3A_442 {offsets = [3], sizes = [1], strides = [1]} : vector<16xf32> to vector<1xf32>
        %squeeze3A_630 = vector.extract %slice3A_629[0] : f32 from vector<1xf32>
        %mul3A_631 = arith.constant 16 : i32
        %mul3A_632 = arith.muli %scan3A_426, %mul3A_631 : i32
        %add3A_633 = arith.constant 3 : i32
        %add3A_634 = arith.addi %mul3A_632, %add3A_633 : i32
        %get3A_635 = arith.index_cast %add3A_634 : i32 to index
        %get3A_636 = arith.constant 0 : index
        %get3A_637 = tpu.vector_load %arg10[%get3A_635, %get3A_636] {strides = array<i32>} : memref<64x128xf32, #tpu.memory_space<vmem>>, vector<1x16xf32>,
        %get3A_638 = vector.shape_cast %get3A_637 : vector<1x16xf32> to vector<16xf32>
        %mul3A_639 = vector.broadcast %squeeze3A_630 : f32 to vector<16xf32>
        %mul3A_640 = arith.mulf %mul3A_639, %get3A_638 : vector<16xf32>
        %add3A_641 = arith.addf %add3A_579, %mul3A_640 : vector<16xf32>
        %get3A_642 = arith.index_cast %add3A_634 : i32 to index
        %get3A_643 = arith.constant 16 : index
        %get3A_644 = tpu.vector_load %arg10[%get3A_642, %get3A_643] {strides = array<i32>} : memref<64x128xf32, #tpu.memory_space<vmem>>, vector<1x16xf32>,
        %get3A_645 = vector.shape_cast %get3A_644 : vector<1x16xf32> to vector<16xf32>
        %mul3A_646 = vector.broadcast %squeeze3A_630 : f32 to vector<16xf32>
        %mul3A_647 = arith.mulf %mul3A_646, %get3A_645 : vector<16xf32>
        %add3A_648 = arith.addf %add3A_586, %mul3A_647 : vector<16xf32>
        %get3A_649 = arith.index_cast %add3A_634 : i32 to index
        %get3A_650 = arith.constant 32 : index
        %get3A_651 = tpu.vector_load %arg10[%get3A_649, %get3A_650] {strides = array<i32>} : memref<64x128xf32, #tpu.memory_space<vmem>>, vector<1x16xf32>,
        %get3A_652 = vector.shape_cast %get3A_651 : vector<1x16xf32> to vector<16xf32>
        %mul3A_653 = vector.broadcast %squeeze3A_630 : f32 to vector<16xf32>
        %mul3A_654 = arith.mulf %mul3A_653, %get3A_652 : vector<16xf32>
        %add3A_655 = arith.addf %add3A_593, %mul3A_654 : vector<16xf32>
        %get3A_656 = arith.index_cast %add3A_634 : i32 to index
        %get3A_657 = arith.constant 48 : index
        %get3A_658 = tpu.vector_load %arg10[%get3A_656, %get3A_657] {strides = array<i32>} : memref<64x128xf32, #tpu.memory_space<vmem>>, vector<1x16xf32>,
        %get3A_659 = vector.shape_cast %get3A_658 : vector<1x16xf32> to vector<16xf32>
        %mul3A_660 = vector.broadcast %squeeze3A_630 : f32 to vector<16xf32>
        %mul3A_661 = arith.mulf %mul3A_660, %get3A_659 : vector<16xf32>
        %add3A_662 = arith.addf %add3A_600, %mul3A_661 : vector<16xf32>
        %get3A_663 = arith.index_cast %add3A_634 : i32 to index
        %get3A_664 = arith.constant 64 : index
        %get3A_665 = tpu.vector_load %arg10[%get3A_663, %get3A_664] {strides = array<i32>} : memref<64x128xf32, #tpu.memory_space<vmem>>, vector<1x16xf32>,
        %get3A_666 = vector.shape_cast %get3A_665 : vector<1x16xf32> to vector<16xf32>
        %mul3A_667 = vector.broadcast %squeeze3A_630 : f32 to vector<16xf32>
        %mul3A_668 = arith.mulf %mul3A_667, %get3A_666 : vector<16xf32>
        %add3A_669 = arith.addf %add3A_607, %mul3A_668 : vector<16xf32>
        %get3A_670 = arith.index_cast %add3A_634 : i32 to index
        %get3A_671 = arith.constant 80 : index
        %get3A_672 = tpu.vector_load %arg10[%get3A_670, %get3A_671] {strides = array<i32>} : memref<64x128xf32, #tpu.memory_space<vmem>>, vector<1x16xf32>,
        %get3A_673 = vector.shape_cast %get3A_672 : vector<1x16xf32> to vector<16xf32>
        %mul3A_674 = vector.broadcast %squeeze3A_630 : f32 to vector<16xf32>
        %mul3A_675 = arith.mulf %mul3A_674, %get3A_673 : vector<16xf32>
        %add3A_676 = arith.addf %add3A_614, %mul3A_675 : vector<16xf32>
        %get3A_677 = arith.index_cast %add3A_634 : i32 to index
        %get3A_678 = arith.constant 96 : index
        %get3A_679 = tpu.vector_load %arg10[%get3A_677, %get3A_678] {strides = array<i32>} : memref<64x128xf32, #tpu.memory_space<vmem>>, vector<1x16xf32>,
        %get3A_680 = vector.shape_cast %get3A_679 : vector<1x16xf32> to vector<16xf32>
        %mul3A_681 = vector.broadcast %squeeze3A_630 : f32 to vector<16xf32>
        %mul3A_682 = arith.mulf %mul3A_681, %get3A_680 : vector<16xf32>
        %add3A_683 = arith.addf %add3A_621, %mul3A_682 : vector<16xf32>
        %get3A_684 = arith.index_cast %add3A_634 : i32 to index
        %get3A_685 = arith.constant 112 : index
        %get3A_686 = tpu.vector_load %arg10[%get3A_684, %get3A_685] {strides = array<i32>} : memref<64x128xf32, #tpu.memory_space<vmem>>, vector<1x16xf32>,
        %get3A_687 = vector.shape_cast %get3A_686 : vector<1x16xf32> to vector<16xf32>
        %mul3A_688 = vector.broadcast %squeeze3A_630 : f32 to vector<16xf32>
        %mul3A_689 = arith.mulf %mul3A_688, %get3A_687 : vector<16xf32>
        %add3A_690 = arith.addf %add3A_628, %mul3A_689 : vector<16xf32>
        %slice3A_691 = vector.extract_strided_slice %get3A_442 {offsets = [4], sizes = [1], strides = [1]} : vector<16xf32> to vector<1xf32>
        %squeeze3A_692 = vector.extract %slice3A_691[0] : f32 from vector<1xf32>
        %mul3A_693 = arith.constant 16 : i32
        %mul3A_694 = arith.muli %scan3A_426, %mul3A_693 : i32
        %add3A_695 = arith.constant 4 : i32
        %add3A_696 = arith.addi %mul3A_694, %add3A_695 : i32
        %get3A_697 = arith.index_cast %add3A_696 : i32 to index
        %get3A_698 = arith.constant 0 : index
        %get3A_699 = tpu.vector_load %arg10[%get3A_697, %get3A_698] {strides = array<i32>} : memref<64x128xf32, #tpu.memory_space<vmem>>, vector<1x16xf32>,
        %get3A_700 = vector.shape_cast %get3A_699 : vector<1x16xf32> to vector<16xf32>
        %mul3A_701 = vector.broadcast %squeeze3A_692 : f32 to vector<16xf32>
        %mul3A_702 = arith.mulf %mul3A_701, %get3A_700 : vector<16xf32>
        %add3A_703 = arith.addf %add3A_641, %mul3A_702 : vector<16xf32>
        %get3A_704 = arith.index_cast %add3A_696 : i32 to index
        %get3A_705 = arith.constant 16 : index
        %get3A_706 = tpu.vector_load %arg10[%get3A_704, %get3A_705] {strides = array<i32>} : memref<64x128xf32, #tpu.memory_space<vmem>>, vector<1x16xf32>,
        %get3A_707 = vector.shape_cast %get3A_706 : vector<1x16xf32> to vector<16xf32>
        %mul3A_708 = vector.broadcast %squeeze3A_692 : f32 to vector<16xf32>
        %mul3A_709 = arith.mulf %mul3A_708, %get3A_707 : vector<16xf32>
        %add3A_710 = arith.addf %add3A_648, %mul3A_709 : vector<16xf32>
        %get3A_711 = arith.index_cast %add3A_696 : i32 to index
        %get3A_712 = arith.constant 32 : index
        %get3A_713 = tpu.vector_load %arg10[%get3A_711, %get3A_712] {strides = array<i32>} : memref<64x128xf32, #tpu.memory_space<vmem>>, vector<1x16xf32>,
        %get3A_714 = vector.shape_cast %get3A_713 : vector<1x16xf32> to vector<16xf32>
        %mul3A_715 = vector.broadcast %squeeze3A_692 : f32 to vector<16xf32>
        %mul3A_716 = arith.mulf %mul3A_715, %get3A_714 : vector<16xf32>
        %add3A_717 = arith.addf %add3A_655, %mul3A_716 : vector<16xf32>
        %get3A_718 = arith.index_cast %add3A_696 : i32 to index
        %get3A_719 = arith.constant 48 : index
        %get3A_720 = tpu.vector_load %arg10[%get3A_718, %get3A_719] {strides = array<i32>} : memref<64x128xf32, #tpu.memory_space<vmem>>, vector<1x16xf32>,
        %get3A_721 = vector.shape_cast %get3A_720 : vector<1x16xf32> to vector<16xf32>
        %mul3A_722 = vector.broadcast %squeeze3A_692 : f32 to vector<16xf32>
        %mul3A_723 = arith.mulf %mul3A_722, %get3A_721 : vector<16xf32>
        %add3A_724 = arith.addf %add3A_662, %mul3A_723 : vector<16xf32>
        %get3A_725 = arith.index_cast %add3A_696 : i32 to index
        %get3A_726 = arith.constant 64 : index
        %get3A_727 = tpu.vector_load %arg10[%get3A_725, %get3A_726] {strides = array<i32>} : memref<64x128xf32, #tpu.memory_space<vmem>>, vector<1x16xf32>,
        %get3A_728 = vector.shape_cast %get3A_727 : vector<1x16xf32> to vector<16xf32>
        %mul3A_729 = vector.broadcast %squeeze3A_692 : f32 to vector<16xf32>
        %mul3A_730 = arith.mulf %mul3A_729, %get3A_728 : vector<16xf32>
        %add3A_731 = arith.addf %add3A_669, %mul3A_730 : vector<16xf32>
        %get3A_732 = arith.index_cast %add3A_696 : i32 to index
        %get3A_733 = arith.constant 80 : index
        %get3A_734 = tpu.vector_load %arg10[%get3A_732, %get3A_733] {strides = array<i32>} : memref<64x128xf32, #tpu.memory_space<vmem>>, vector<1x16xf32>,
        %get3A_735 = vector.shape_cast %get3A_734 : vector<1x16xf32> to vector<16xf32>
        %mul3A_736 = vector.broadcast %squeeze3A_692 : f32 to vector<16xf32>
        %mul3A_737 = arith.mulf %mul3A_736, %get3A_735 : vector<16xf32>
        %add3A_738 = arith.addf %add3A_676, %mul3A_737 : vector<16xf32>
        %get3A_739 = arith.index_cast %add3A_696 : i32 to index
        %get3A_740 = arith.constant 96 : index
        %get3A_741 = tpu.vector_load %arg10[%get3A_739, %get3A_740] {strides = array<i32>} : memref<64x128xf32, #tpu.memory_space<vmem>>, vector<1x16xf32>,
        %get3A_742 = vector.shape_cast %get3A_741 : vector<1x16xf32> to vector<16xf32>
        %mul3A_743 = vector.broadcast %squeeze3A_692 : f32 to vector<16xf32>
        %mul3A_744 = arith.mulf %mul3A_743, %get3A_742 : vector<16xf32>
        %add3A_745 = arith.addf %add3A_683, %mul3A_744 : vector<16xf32>
        %get3A_746 = arith.index_cast %add3A_696 : i32 to index
        %get3A_747 = arith.constant 112 : index
        %get3A_748 = tpu.vector_load %arg10[%get3A_746, %get3A_747] {strides = array<i32>} : memref<64x128xf32, #tpu.memory_space<vmem>>, vector<1x16xf32>,
        %get3A_749 = vector.shape_cast %get3A_748 : vector<1x16xf32> to vector<16xf32>
        %mul3A_750 = vector.broadcast %squeeze3A_692 : f32 to vector<16xf32>
        %mul3A_751 = arith.mulf %mul3A_750, %get3A_749 : vector<16xf32>
        %add3A_752 = arith.addf %add3A_690, %mul3A_751 : vector<16xf32>
        %slice3A_753 = vector.extract_strided_slice %get3A_442 {offsets = [5], sizes = [1], strides = [1]} : vector<16xf32> to vector<1xf32>
        %squeeze3A_754 = vector.extract %slice3A_753[0] : f32 from vector<1xf32>
        %mul3A_755 = arith.constant 16 : i32
        %mul3A_756 = arith.muli %scan3A_426, %mul3A_755 : i32
        %add3A_757 = arith.constant 5 : i32
        %add3A_758 = arith.addi %mul3A_756, %add3A_757 : i32
        %get3A_759 = arith.index_cast %add3A_758 : i32 to index
        %get3A_760 = arith.constant 0 : index
        %get3A_761 = tpu.vector_load %arg10[%get3A_759, %get3A_760] {strides = array<i32>} : memref<64x128xf32, #tpu.memory_space<vmem>>, vector<1x16xf32>,
        %get3A_762 = vector.shape_cast %get3A_761 : vector<1x16xf32> to vector<16xf32>
        %mul3A_763 = vector.broadcast %squeeze3A_754 : f32 to vector<16xf32>
        %mul3A_764 = arith.mulf %mul3A_763, %get3A_762 : vector<16xf32>
        %add3A_765 = arith.addf %add3A_703, %mul3A_764 : vector<16xf32>
        %get3A_766 = arith.index_cast %add3A_758 : i32 to index
        %get3A_767 = arith.constant 16 : index
        %get3A_768 = tpu.vector_load %arg10[%get3A_766, %get3A_767] {strides = array<i32>} : memref<64x128xf32, #tpu.memory_space<vmem>>, vector<1x16xf32>,
        %get3A_769 = vector.shape_cast %get3A_768 : vector<1x16xf32> to vector<16xf32>
        %mul3A_770 = vector.broadcast %squeeze3A_754 : f32 to vector<16xf32>
        %mul3A_771 = arith.mulf %mul3A_770, %get3A_769 : vector<16xf32>
        %add3A_772 = arith.addf %add3A_710, %mul3A_771 : vector<16xf32>
        %get3A_773 = arith.index_cast %add3A_758 : i32 to index
        %get3A_774 = arith.constant 32 : index
        %get3A_775 = tpu.vector_load %arg10[%get3A_773, %get3A_774] {strides = array<i32>} : memref<64x128xf32, #tpu.memory_space<vmem>>, vector<1x16xf32>,
        %get3A_776 = vector.shape_cast %get3A_775 : vector<1x16xf32> to vector<16xf32>
        %mul3A_777 = vector.broadcast %squeeze3A_754 : f32 to vector<16xf32>
        %mul3A_778 = arith.mulf %mul3A_777, %get3A_776 : vector<16xf32>
        %add3A_779 = arith.addf %add3A_717, %mul3A_778 : vector<16xf32>
        %get3A_780 = arith.index_cast %add3A_758 : i32 to index
        %get3A_781 = arith.constant 48 : index
        %get3A_782 = tpu.vector_load %arg10[%get3A_780, %get3A_781] {strides = array<i32>} : memref<64x128xf32, #tpu.memory_space<vmem>>, vector<1x16xf32>,
        %get3A_783 = vector.shape_cast %get3A_782 : vector<1x16xf32> to vector<16xf32>
        %mul3A_784 = vector.broadcast %squeeze3A_754 : f32 to vector<16xf32>
        %mul3A_785 = arith.mulf %mul3A_784, %get3A_783 : vector<16xf32>
        %add3A_786 = arith.addf %add3A_724, %mul3A_785 : vector<16xf32>
        %get3A_787 = arith.index_cast %add3A_758 : i32 to index
        %get3A_788 = arith.constant 64 : index
        %get3A_789 = tpu.vector_load %arg10[%get3A_787, %get3A_788] {strides = array<i32>} : memref<64x128xf32, #tpu.memory_space<vmem>>, vector<1x16xf32>,
        %get3A_790 = vector.shape_cast %get3A_789 : vector<1x16xf32> to vector<16xf32>
        %mul3A_791 = vector.broadcast %squeeze3A_754 : f32 to vector<16xf32>
        %mul3A_792 = arith.mulf %mul3A_791, %get3A_790 : vector<16xf32>
        %add3A_793 = arith.addf %add3A_731, %mul3A_792 : vector<16xf32>
        %get3A_794 = arith.index_cast %add3A_758 : i32 to index
        %get3A_795 = arith.constant 80 : index
        %get3A_796 = tpu.vector_load %arg10[%get3A_794, %get3A_795] {strides = array<i32>} : memref<64x128xf32, #tpu.memory_space<vmem>>, vector<1x16xf32>,
        %get3A_797 = vector.shape_cast %get3A_796 : vector<1x16xf32> to vector<16xf32>
        %mul3A_798 = vector.broadcast %squeeze3A_754 : f32 to vector<16xf32>
        %mul3A_799 = arith.mulf %mul3A_798, %get3A_797 : vector<16xf32>
        %add3A_800 = arith.addf %add3A_738, %mul3A_799 : vector<16xf32>
        %get3A_801 = arith.index_cast %add3A_758 : i32 to index
        %get3A_802 = arith.constant 96 : index
        %get3A_803 = tpu.vector_load %arg10[%get3A_801, %get3A_802] {strides = array<i32>} : memref<64x128xf32, #tpu.memory_space<vmem>>, vector<1x16xf32>,
        %get3A_804 = vector.shape_cast %get3A_803 : vector<1x16xf32> to vector<16xf32>
        %mul3A_805 = vector.broadcast %squeeze3A_754 : f32 to vector<16xf32>
        %mul3A_806 = arith.mulf %mul3A_805, %get3A_804 : vector<16xf32>
        %add3A_807 = arith.addf %add3A_745, %mul3A_806 : vector<16xf32>
        %get3A_808 = arith.index_cast %add3A_758 : i32 to index
        %get3A_809 = arith.constant 112 : index
        %get3A_810 = tpu.vector_load %arg10[%get3A_808, %get3A_809] {strides = array<i32>} : memref<64x128xf32, #tpu.memory_space<vmem>>, vector<1x16xf32>,
        %get3A_811 = vector.shape_cast %get3A_810 : vector<1x16xf32> to vector<16xf32>
        %mul3A_812 = vector.broadcast %squeeze3A_754 : f32 to vector<16xf32>
        %mul3A_813 = arith.mulf %mul3A_812, %get3A_811 : vector<16xf32>
        %add3A_814 = arith.addf %add3A_752, %mul3A_813 : vector<16xf32>
        %slice3A_815 = vector.extract_strided_slice %get3A_442 {offsets = [6], sizes = [1], strides = [1]} : vector<16xf32> to vector<1xf32>
        %squeeze3A_816 = vector.extract %slice3A_815[0] : f32 from vector<1xf32>
        %mul3A_817 = arith.constant 16 : i32
        %mul3A_818 = arith.muli %scan3A_426, %mul3A_817 : i32
        %add3A_819 = arith.constant 6 : i32
        %add3A_820 = arith.addi %mul3A_818, %add3A_819 : i32
        %get3A_821 = arith.index_cast %add3A_820 : i32 to index
        %get3A_822 = arith.constant 0 : index
        %get3A_823 = tpu.vector_load %arg10[%get3A_821, %get3A_822] {strides = array<i32>} : memref<64x128xf32, #tpu.memory_space<vmem>>, vector<1x16xf32>,
        %get3A_824 = vector.shape_cast %get3A_823 : vector<1x16xf32> to vector<16xf32>
        %mul3A_825 = vector.broadcast %squeeze3A_816 : f32 to vector<16xf32>
        %mul3A_826 = arith.mulf %mul3A_825, %get3A_824 : vector<16xf32>
        %add3A_827 = arith.addf %add3A_765, %mul3A_826 : vector<16xf32>
        %get3A_828 = arith.index_cast %add3A_820 : i32 to index
        %get3A_829 = arith.constant 16 : index
        %get3A_830 = tpu.vector_load %arg10[%get3A_828, %get3A_829] {strides = array<i32>} : memref<64x128xf32, #tpu.memory_space<vmem>>, vector<1x16xf32>,
        %get3A_831 = vector.shape_cast %get3A_830 : vector<1x16xf32> to vector<16xf32>
        %mul3A_832 = vector.broadcast %squeeze3A_816 : f32 to vector<16xf32>
        %mul3A_833 = arith.mulf %mul3A_832, %get3A_831 : vector<16xf32>
        %add3A_834 = arith.addf %add3A_772, %mul3A_833 : vector<16xf32>
        %get3A_835 = arith.index_cast %add3A_820 : i32 to index
        %get3A_836 = arith.constant 32 : index
        %get3A_837 = tpu.vector_load %arg10[%get3A_835, %get3A_836] {strides = array<i32>} : memref<64x128xf32, #tpu.memory_space<vmem>>, vector<1x16xf32>,
        %get3A_838 = vector.shape_cast %get3A_837 : vector<1x16xf32> to vector<16xf32>
        %mul3A_839 = vector.broadcast %squeeze3A_816 : f32 to vector<16xf32>
        %mul3A_840 = arith.mulf %mul3A_839, %get3A_838 : vector<16xf32>
        %add3A_841 = arith.addf %add3A_779, %mul3A_840 : vector<16xf32>
        %get3A_842 = arith.index_cast %add3A_820 : i32 to index
        %get3A_843 = arith.constant 48 : index
        %get3A_844 = tpu.vector_load %arg10[%get3A_842, %get3A_843] {strides = array<i32>} : memref<64x128xf32, #tpu.memory_space<vmem>>, vector<1x16xf32>,
        %get3A_845 = vector.shape_cast %get3A_844 : vector<1x16xf32> to vector<16xf32>
        %mul3A_846 = vector.broadcast %squeeze3A_816 : f32 to vector<16xf32>
        %mul3A_847 = arith.mulf %mul3A_846, %get3A_845 : vector<16xf32>
        %add3A_848 = arith.addf %add3A_786, %mul3A_847 : vector<16xf32>
        %get3A_849 = arith.index_cast %add3A_820 : i32 to index
        %get3A_850 = arith.constant 64 : index
        %get3A_851 = tpu.vector_load %arg10[%get3A_849, %get3A_850] {strides = array<i32>} : memref<64x128xf32, #tpu.memory_space<vmem>>, vector<1x16xf32>,
        %get3A_852 = vector.shape_cast %get3A_851 : vector<1x16xf32> to vector<16xf32>
        %mul3A_853 = vector.broadcast %squeeze3A_816 : f32 to vector<16xf32>
        %mul3A_854 = arith.mulf %mul3A_853, %get3A_852 : vector<16xf32>
        %add3A_855 = arith.addf %add3A_793, %mul3A_854 : vector<16xf32>
        %get3A_856 = arith.index_cast %add3A_820 : i32 to index
        %get3A_857 = arith.constant 80 : index
        %get3A_858 = tpu.vector_load %arg10[%get3A_856, %get3A_857] {strides = array<i32>} : memref<64x128xf32, #tpu.memory_space<vmem>>, vector<1x16xf32>,
        %get3A_859 = vector.shape_cast %get3A_858 : vector<1x16xf32> to vector<16xf32>
        %mul3A_860 = vector.broadcast %squeeze3A_816 : f32 to vector<16xf32>
        %mul3A_861 = arith.mulf %mul3A_860, %get3A_859 : vector<16xf32>
        %add3A_862 = arith.addf %add3A_800, %mul3A_861 : vector<16xf32>
        %get3A_863 = arith.index_cast %add3A_820 : i32 to index
        %get3A_864 = arith.constant 96 : index
        %get3A_865 = tpu.vector_load %arg10[%get3A_863, %get3A_864] {strides = array<i32>} : memref<64x128xf32, #tpu.memory_space<vmem>>, vector<1x16xf32>,
        %get3A_866 = vector.shape_cast %get3A_865 : vector<1x16xf32> to vector<16xf32>
        %mul3A_867 = vector.broadcast %squeeze3A_816 : f32 to vector<16xf32>
        %mul3A_868 = arith.mulf %mul3A_867, %get3A_866 : vector<16xf32>
        %add3A_869 = arith.addf %add3A_807, %mul3A_868 : vector<16xf32>
        %get3A_870 = arith.index_cast %add3A_820 : i32 to index
        %get3A_871 = arith.constant 112 : index
        %get3A_872 = tpu.vector_load %arg10[%get3A_870, %get3A_871] {strides = array<i32>} : memref<64x128xf32, #tpu.memory_space<vmem>>, vector<1x16xf32>,
        %get3A_873 = vector.shape_cast %get3A_872 : vector<1x16xf32> to vector<16xf32>
        %mul3A_874 = vector.broadcast %squeeze3A_816 : f32 to vector<16xf32>
        %mul3A_875 = arith.mulf %mul3A_874, %get3A_873 : vector<16xf32>
        %add3A_876 = arith.addf %add3A_814, %mul3A_875 : vector<16xf32>
        %slice3A_877 = vector.extract_strided_slice %get3A_442 {offsets = [7], sizes = [1], strides = [1]} : vector<16xf32> to vector<1xf32>
        %squeeze3A_878 = vector.extract %slice3A_877[0] : f32 from vector<1xf32>
        %mul3A_879 = arith.constant 16 : i32
        %mul3A_880 = arith.muli %scan3A_426, %mul3A_879 : i32
        %add3A_881 = arith.constant 7 : i32
        %add3A_882 = arith.addi %mul3A_880, %add3A_881 : i32
        %get3A_883 = arith.index_cast %add3A_882 : i32 to index
        %get3A_884 = arith.constant 0 : index
        %get3A_885 = tpu.vector_load %arg10[%get3A_883, %get3A_884] {strides = array<i32>} : memref<64x128xf32, #tpu.memory_space<vmem>>, vector<1x16xf32>,
        %get3A_886 = vector.shape_cast %get3A_885 : vector<1x16xf32> to vector<16xf32>
        %mul3A_887 = vector.broadcast %squeeze3A_878 : f32 to vector<16xf32>
        %mul3A_888 = arith.mulf %mul3A_887, %get3A_886 : vector<16xf32>
        %add3A_889 = arith.addf %add3A_827, %mul3A_888 : vector<16xf32>
        %get3A_890 = arith.index_cast %add3A_882 : i32 to index
        %get3A_891 = arith.constant 16 : index
        %get3A_892 = tpu.vector_load %arg10[%get3A_890, %get3A_891] {strides = array<i32>} : memref<64x128xf32, #tpu.memory_space<vmem>>, vector<1x16xf32>,
        %get3A_893 = vector.shape_cast %get3A_892 : vector<1x16xf32> to vector<16xf32>
        %mul3A_894 = vector.broadcast %squeeze3A_878 : f32 to vector<16xf32>
        %mul3A_895 = arith.mulf %mul3A_894, %get3A_893 : vector<16xf32>
        %add3A_896 = arith.addf %add3A_834, %mul3A_895 : vector<16xf32>
        %get3A_897 = arith.index_cast %add3A_882 : i32 to index
        %get3A_898 = arith.constant 32 : index
        %get3A_899 = tpu.vector_load %arg10[%get3A_897, %get3A_898] {strides = array<i32>} : memref<64x128xf32, #tpu.memory_space<vmem>>, vector<1x16xf32>,
        %get3A_900 = vector.shape_cast %get3A_899 : vector<1x16xf32> to vector<16xf32>
        %mul3A_901 = vector.broadcast %squeeze3A_878 : f32 to vector<16xf32>
        %mul3A_902 = arith.mulf %mul3A_901, %get3A_900 : vector<16xf32>
        %add3A_903 = arith.addf %add3A_841, %mul3A_902 : vector<16xf32>
        %get3A_904 = arith.index_cast %add3A_882 : i32 to index
        %get3A_905 = arith.constant 48 : index
        %get3A_906 = tpu.vector_load %arg10[%get3A_904, %get3A_905] {strides = array<i32>} : memref<64x128xf32, #tpu.memory_space<vmem>>, vector<1x16xf32>,
        %get3A_907 = vector.shape_cast %get3A_906 : vector<1x16xf32> to vector<16xf32>
        %mul3A_908 = vector.broadcast %squeeze3A_878 : f32 to vector<16xf32>
        %mul3A_909 = arith.mulf %mul3A_908, %get3A_907 : vector<16xf32>
        %add3A_910 = arith.addf %add3A_848, %mul3A_909 : vector<16xf32>
        %get3A_911 = arith.index_cast %add3A_882 : i32 to index
        %get3A_912 = arith.constant 64 : index
        %get3A_913 = tpu.vector_load %arg10[%get3A_911, %get3A_912] {strides = array<i32>} : memref<64x128xf32, #tpu.memory_space<vmem>>, vector<1x16xf32>,
        %get3A_914 = vector.shape_cast %get3A_913 : vector<1x16xf32> to vector<16xf32>
        %mul3A_915 = vector.broadcast %squeeze3A_878 : f32 to vector<16xf32>
        %mul3A_916 = arith.mulf %mul3A_915, %get3A_914 : vector<16xf32>
        %add3A_917 = arith.addf %add3A_855, %mul3A_916 : vector<16xf32>
        %get3A_918 = arith.index_cast %add3A_882 : i32 to index
        %get3A_919 = arith.constant 80 : index
        %get3A_920 = tpu.vector_load %arg10[%get3A_918, %get3A_919] {strides = array<i32>} : memref<64x128xf32, #tpu.memory_space<vmem>>, vector<1x16xf32>,
        %get3A_921 = vector.shape_cast %get3A_920 : vector<1x16xf32> to vector<16xf32>
        %mul3A_922 = vector.broadcast %squeeze3A_878 : f32 to vector<16xf32>
        %mul3A_923 = arith.mulf %mul3A_922, %get3A_921 : vector<16xf32>
        %add3A_924 = arith.addf %add3A_862, %mul3A_923 : vector<16xf32>
        %get3A_925 = arith.index_cast %add3A_882 : i32 to index
        %get3A_926 = arith.constant 96 : index
        %get3A_927 = tpu.vector_load %arg10[%get3A_925, %get3A_926] {strides = array<i32>} : memref<64x128xf32, #tpu.memory_space<vmem>>, vector<1x16xf32>,
        %get3A_928 = vector.shape_cast %get3A_927 : vector<1x16xf32> to vector<16xf32>
        %mul3A_929 = vector.broadcast %squeeze3A_878 : f32 to vector<16xf32>
        %mul3A_930 = arith.mulf %mul3A_929, %get3A_928 : vector<16xf32>
        %add3A_931 = arith.addf %add3A_869, %mul3A_930 : vector<16xf32>
        %get3A_932 = arith.index_cast %add3A_882 : i32 to index
        %get3A_933 = arith.constant 112 : index
        %get3A_934 = tpu.vector_load %arg10[%get3A_932, %get3A_933] {strides = array<i32>} : memref<64x128xf32, #tpu.memory_space<vmem>>, vector<1x16xf32>,
        %get3A_935 = vector.shape_cast %get3A_934 : vector<1x16xf32> to vector<16xf32>
        %mul3A_936 = vector.broadcast %squeeze3A_878 : f32 to vector<16xf32>
        %mul3A_937 = arith.mulf %mul3A_936, %get3A_935 : vector<16xf32>
        %add3A_938 = arith.addf %add3A_876, %mul3A_937 : vector<16xf32>
        %slice3A_939 = vector.extract_strided_slice %get3A_442 {offsets = [8], sizes = [1], strides = [1]} : vector<16xf32> to vector<1xf32>
        %squeeze3A_940 = vector.extract %slice3A_939[0] : f32 from vector<1xf32>
        %mul3A_941 = arith.constant 16 : i32
        %mul3A_942 = arith.muli %scan3A_426, %mul3A_941 : i32
        %add3A_943 = arith.constant 8 : i32
        %add3A_944 = arith.addi %mul3A_942, %add3A_943 : i32
        %get3A_945 = arith.index_cast %add3A_944 : i32 to index
        %get3A_946 = arith.constant 0 : index
        %get3A_947 = tpu.vector_load %arg10[%get3A_945, %get3A_946] {strides = array<i32>} : memref<64x128xf32, #tpu.memory_space<vmem>>, vector<1x16xf32>,
        %get3A_948 = vector.shape_cast %get3A_947 : vector<1x16xf32> to vector<16xf32>
        %mul3A_949 = vector.broadcast %squeeze3A_940 : f32 to vector<16xf32>
        %mul3A_950 = arith.mulf %mul3A_949, %get3A_948 : vector<16xf32>
        %add3A_951 = arith.addf %add3A_889, %mul3A_950 : vector<16xf32>
        %get3A_952 = arith.index_cast %add3A_944 : i32 to index
        %get3A_953 = arith.constant 16 : index
        %get3A_954 = tpu.vector_load %arg10[%get3A_952, %get3A_953] {strides = array<i32>} : memref<64x128xf32, #tpu.memory_space<vmem>>, vector<1x16xf32>,
        %get3A_955 = vector.shape_cast %get3A_954 : vector<1x16xf32> to vector<16xf32>
        %mul3A_956 = vector.broadcast %squeeze3A_940 : f32 to vector<16xf32>
        %mul3A_957 = arith.mulf %mul3A_956, %get3A_955 : vector<16xf32>
        %add3A_958 = arith.addf %add3A_896, %mul3A_957 : vector<16xf32>
        %get3A_959 = arith.index_cast %add3A_944 : i32 to index
        %get3A_960 = arith.constant 32 : index
        %get3A_961 = tpu.vector_load %arg10[%get3A_959, %get3A_960] {strides = array<i32>} : memref<64x128xf32, #tpu.memory_space<vmem>>, vector<1x16xf32>,
        %get3A_962 = vector.shape_cast %get3A_961 : vector<1x16xf32> to vector<16xf32>
        %mul3A_963 = vector.broadcast %squeeze3A_940 : f32 to vector<16xf32>
        %mul3A_964 = arith.mulf %mul3A_963, %get3A_962 : vector<16xf32>
        %add3A_965 = arith.addf %add3A_903, %mul3A_964 : vector<16xf32>
        %get3A_966 = arith.index_cast %add3A_944 : i32 to index
        %get3A_967 = arith.constant 48 : index
        %get3A_968 = tpu.vector_load %arg10[%get3A_966, %get3A_967] {strides = array<i32>} : memref<64x128xf32, #tpu.memory_space<vmem>>, vector<1x16xf32>,
        %get3A_969 = vector.shape_cast %get3A_968 : vector<1x16xf32> to vector<16xf32>
        %mul3A_970 = vector.broadcast %squeeze3A_940 : f32 to vector<16xf32>
        %mul3A_971 = arith.mulf %mul3A_970, %get3A_969 : vector<16xf32>
        %add3A_972 = arith.addf %add3A_910, %mul3A_971 : vector<16xf32>
        %get3A_973 = arith.index_cast %add3A_944 : i32 to index
        %get3A_974 = arith.constant 64 : index
        %get3A_975 = tpu.vector_load %arg10[%get3A_973, %get3A_974] {strides = array<i32>} : memref<64x128xf32, #tpu.memory_space<vmem>>, vector<1x16xf32>,
        %get3A_976 = vector.shape_cast %get3A_975 : vector<1x16xf32> to vector<16xf32>
        %mul3A_977 = vector.broadcast %squeeze3A_940 : f32 to vector<16xf32>
        %mul3A_978 = arith.mulf %mul3A_977, %get3A_976 : vector<16xf32>
        %add3A_979 = arith.addf %add3A_917, %mul3A_978 : vector<16xf32>
        %get3A_980 = arith.index_cast %add3A_944 : i32 to index
        %get3A_981 = arith.constant 80 : index
        %get3A_982 = tpu.vector_load %arg10[%get3A_980, %get3A_981] {strides = array<i32>} : memref<64x128xf32, #tpu.memory_space<vmem>>, vector<1x16xf32>,
        %get3A_983 = vector.shape_cast %get3A_982 : vector<1x16xf32> to vector<16xf32>
        %mul3A_984 = vector.broadcast %squeeze3A_940 : f32 to vector<16xf32>
        %mul3A_985 = arith.mulf %mul3A_984, %get3A_983 : vector<16xf32>
        %add3A_986 = arith.addf %add3A_924, %mul3A_985 : vector<16xf32>
        %get3A_987 = arith.index_cast %add3A_944 : i32 to index
        %get3A_988 = arith.constant 96 : index
        %get3A_989 = tpu.vector_load %arg10[%get3A_987, %get3A_988] {strides = array<i32>} : memref<64x128xf32, #tpu.memory_space<vmem>>, vector<1x16xf32>,
        %get3A_990 = vector.shape_cast %get3A_989 : vector<1x16xf32> to vector<16xf32>
        %mul3A_991 = vector.broadcast %squeeze3A_940 : f32 to vector<16xf32>
        %mul3A_992 = arith.mulf %mul3A_991, %get3A_990 : vector<16xf32>
        %add3A_993 = arith.addf %add3A_931, %mul3A_992 : vector<16xf32>
        %get3A_994 = arith.index_cast %add3A_944 : i32 to index
        %get3A_995 = arith.constant 112 : index
        %get3A_996 = tpu.vector_load %arg10[%get3A_994, %get3A_995] {strides = array<i32>} : memref<64x128xf32, #tpu.memory_space<vmem>>, vector<1x16xf32>,
        %get3A_997 = vector.shape_cast %get3A_996 : vector<1x16xf32> to vector<16xf32>
        %mul3A_998 = vector.broadcast %squeeze3A_940 : f32 to vector<16xf32>
        %mul3A_999 = arith.mulf %mul3A_998, %get3A_997 : vector<16xf32>
        %add3A_1000 = arith.addf %add3A_938, %mul3A_999 : vector<16xf32>
        %slice3A_1001 = vector.extract_strided_slice %get3A_442 {offsets = [9], sizes = [1], strides = [1]} : vector<16xf32> to vector<1xf32>
        %squeeze3A_1002 = vector.extract %slice3A_1001[0] : f32 from vector<1xf32>
        %mul3A_1003 = arith.constant 16 : i32
        %mul3A_1004 = arith.muli %scan3A_426, %mul3A_1003 : i32
        %add3A_1005 = arith.constant 9 : i32
        %add3A_1006 = arith.addi %mul3A_1004, %add3A_1005 : i32
        %get3A_1007 = arith.index_cast %add3A_1006 : i32 to index
        %get3A_1008 = arith.constant 0 : index
        %get3A_1009 = tpu.vector_load %arg10[%get3A_1007, %get3A_1008] {strides = array<i32>} : memref<64x128xf32, #tpu.memory_space<vmem>>, vector<1x16xf32>,
        %get3A_1010 = vector.shape_cast %get3A_1009 : vector<1x16xf32> to vector<16xf32>
        %mul3A_1011 = vector.broadcast %squeeze3A_1002 : f32 to vector<16xf32>
        %mul3A_1012 = arith.mulf %mul3A_1011, %get3A_1010 : vector<16xf32>
        %add3A_1013 = arith.addf %add3A_951, %mul3A_1012 : vector<16xf32>
        %get3A_1014 = arith.index_cast %add3A_1006 : i32 to index
        %get3A_1015 = arith.constant 16 : index
        %get3A_1016 = tpu.vector_load %arg10[%get3A_1014, %get3A_1015] {strides = array<i32>} : memref<64x128xf32, #tpu.memory_space<vmem>>, vector<1x16xf32>,
        %get3A_1017 = vector.shape_cast %get3A_1016 : vector<1x16xf32> to vector<16xf32>
        %mul3A_1018 = vector.broadcast %squeeze3A_1002 : f32 to vector<16xf32>
        %mul3A_1019 = arith.mulf %mul3A_1018, %get3A_1017 : vector<16xf32>
        %add3A_1020 = arith.addf %add3A_958, %mul3A_1019 : vector<16xf32>
        %get3A_1021 = arith.index_cast %add3A_1006 : i32 to index
        %get3A_1022 = arith.constant 32 : index
        %get3A_1023 = tpu.vector_load %arg10[%get3A_1021, %get3A_1022] {strides = array<i32>} : memref<64x128xf32, #tpu.memory_space<vmem>>, vector<1x16xf32>,
        %get3A_1024 = vector.shape_cast %get3A_1023 : vector<1x16xf32> to vector<16xf32>
        %mul3A_1025 = vector.broadcast %squeeze3A_1002 : f32 to vector<16xf32>
        %mul3A_1026 = arith.mulf %mul3A_1025, %get3A_1024 : vector<16xf32>
        %add3A_1027 = arith.addf %add3A_965, %mul3A_1026 : vector<16xf32>
        %get3A_1028 = arith.index_cast %add3A_1006 : i32 to index
        %get3A_1029 = arith.constant 48 : index
        %get3A_1030 = tpu.vector_load %arg10[%get3A_1028, %get3A_1029] {strides = array<i32>} : memref<64x128xf32, #tpu.memory_space<vmem>>, vector<1x16xf32>,
        %get3A_1031 = vector.shape_cast %get3A_1030 : vector<1x16xf32> to vector<16xf32>
        %mul3A_1032 = vector.broadcast %squeeze3A_1002 : f32 to vector<16xf32>
        %mul3A_1033 = arith.mulf %mul3A_1032, %get3A_1031 : vector<16xf32>
        %add3A_1034 = arith.addf %add3A_972, %mul3A_1033 : vector<16xf32>
        %get3A_1035 = arith.index_cast %add3A_1006 : i32 to index
        %get3A_1036 = arith.constant 64 : index
        %get3A_1037 = tpu.vector_load %arg10[%get3A_1035, %get3A_1036] {strides = array<i32>} : memref<64x128xf32, #tpu.memory_space<vmem>>, vector<1x16xf32>,
        %get3A_1038 = vector.shape_cast %get3A_1037 : vector<1x16xf32> to vector<16xf32>
        %mul3A_1039 = vector.broadcast %squeeze3A_1002 : f32 to vector<16xf32>
        %mul3A_1040 = arith.mulf %mul3A_1039, %get3A_1038 : vector<16xf32>
        %add3A_1041 = arith.addf %add3A_979, %mul3A_1040 : vector<16xf32>
        %get3A_1042 = arith.index_cast %add3A_1006 : i32 to index
        %get3A_1043 = arith.constant 80 : index
        %get3A_1044 = tpu.vector_load %arg10[%get3A_1042, %get3A_1043] {strides = array<i32>} : memref<64x128xf32, #tpu.memory_space<vmem>>, vector<1x16xf32>,
        %get3A_1045 = vector.shape_cast %get3A_1044 : vector<1x16xf32> to vector<16xf32>
        %mul3A_1046 = vector.broadcast %squeeze3A_1002 : f32 to vector<16xf32>
        %mul3A_1047 = arith.mulf %mul3A_1046, %get3A_1045 : vector<16xf32>
        %add3A_1048 = arith.addf %add3A_986, %mul3A_1047 : vector<16xf32>
        %get3A_1049 = arith.index_cast %add3A_1006 : i32 to index
        %get3A_1050 = arith.constant 96 : index
        %get3A_1051 = tpu.vector_load %arg10[%get3A_1049, %get3A_1050] {strides = array<i32>} : memref<64x128xf32, #tpu.memory_space<vmem>>, vector<1x16xf32>,
        %get3A_1052 = vector.shape_cast %get3A_1051 : vector<1x16xf32> to vector<16xf32>
        %mul3A_1053 = vector.broadcast %squeeze3A_1002 : f32 to vector<16xf32>
        %mul3A_1054 = arith.mulf %mul3A_1053, %get3A_1052 : vector<16xf32>
        %add3A_1055 = arith.addf %add3A_993, %mul3A_1054 : vector<16xf32>
        %get3A_1056 = arith.index_cast %add3A_1006 : i32 to index
        %get3A_1057 = arith.constant 112 : index
        %get3A_1058 = tpu.vector_load %arg10[%get3A_1056, %get3A_1057] {strides = array<i32>} : memref<64x128xf32, #tpu.memory_space<vmem>>, vector<1x16xf32>,
        %get3A_1059 = vector.shape_cast %get3A_1058 : vector<1x16xf32> to vector<16xf32>
        %mul3A_1060 = vector.broadcast %squeeze3A_1002 : f32 to vector<16xf32>
        %mul3A_1061 = arith.mulf %mul3A_1060, %get3A_1059 : vector<16xf32>
        %add3A_1062 = arith.addf %add3A_1000, %mul3A_1061 : vector<16xf32>
        %slice3A_1063 = vector.extract_strided_slice %get3A_442 {offsets = [10], sizes = [1], strides = [1]} : vector<16xf32> to vector<1xf32>
        %squeeze3A_1064 = vector.extract %slice3A_1063[0] : f32 from vector<1xf32>
        %mul3A_1065 = arith.constant 16 : i32
        %mul3A_1066 = arith.muli %scan3A_426, %mul3A_1065 : i32
        %add3A_1067 = arith.constant 10 : i32
        %add3A_1068 = arith.addi %mul3A_1066, %add3A_1067 : i32
        %get3A_1069 = arith.index_cast %add3A_1068 : i32 to index
        %get3A_1070 = arith.constant 0 : index
        %get3A_1071 = tpu.vector_load %arg10[%get3A_1069, %get3A_1070] {strides = array<i32>} : memref<64x128xf32, #tpu.memory_space<vmem>>, vector<1x16xf32>,
        %get3A_1072 = vector.shape_cast %get3A_1071 : vector<1x16xf32> to vector<16xf32>
        %mul3A_1073 = vector.broadcast %squeeze3A_1064 : f32 to vector<16xf32>
        %mul3A_1074 = arith.mulf %mul3A_1073, %get3A_1072 : vector<16xf32>
        %add3A_1075 = arith.addf %add3A_1013, %mul3A_1074 : vector<16xf32>
        %get3A_1076 = arith.index_cast %add3A_1068 : i32 to index
        %get3A_1077 = arith.constant 16 : index
        %get3A_1078 = tpu.vector_load %arg10[%get3A_1076, %get3A_1077] {strides = array<i32>} : memref<64x128xf32, #tpu.memory_space<vmem>>, vector<1x16xf32>,
        %get3A_1079 = vector.shape_cast %get3A_1078 : vector<1x16xf32> to vector<16xf32>
        %mul3A_1080 = vector.broadcast %squeeze3A_1064 : f32 to vector<16xf32>
        %mul3A_1081 = arith.mulf %mul3A_1080, %get3A_1079 : vector<16xf32>
        %add3A_1082 = arith.addf %add3A_1020, %mul3A_1081 : vector<16xf32>
        %get3A_1083 = arith.index_cast %add3A_1068 : i32 to index
        %get3A_1084 = arith.constant 32 : index
        %get3A_1085 = tpu.vector_load %arg10[%get3A_1083, %get3A_1084] {strides = array<i32>} : memref<64x128xf32, #tpu.memory_space<vmem>>, vector<1x16xf32>,
        %get3A_1086 = vector.shape_cast %get3A_1085 : vector<1x16xf32> to vector<16xf32>
        %mul3A_1087 = vector.broadcast %squeeze3A_1064 : f32 to vector<16xf32>
        %mul3A_1088 = arith.mulf %mul3A_1087, %get3A_1086 : vector<16xf32>
        %add3A_1089 = arith.addf %add3A_1027, %mul3A_1088 : vector<16xf32>
        %get3A_1090 = arith.index_cast %add3A_1068 : i32 to index
        %get3A_1091 = arith.constant 48 : index
        %get3A_1092 = tpu.vector_load %arg10[%get3A_1090, %get3A_1091] {strides = array<i32>} : memref<64x128xf32, #tpu.memory_space<vmem>>, vector<1x16xf32>,
        %get3A_1093 = vector.shape_cast %get3A_1092 : vector<1x16xf32> to vector<16xf32>
        %mul3A_1094 = vector.broadcast %squeeze3A_1064 : f32 to vector<16xf32>
        %mul3A_1095 = arith.mulf %mul3A_1094, %get3A_1093 : vector<16xf32>
        %add3A_1096 = arith.addf %add3A_1034, %mul3A_1095 : vector<16xf32>
        %get3A_1097 = arith.index_cast %add3A_1068 : i32 to index
        %get3A_1098 = arith.constant 64 : index
        %get3A_1099 = tpu.vector_load %arg10[%get3A_1097, %get3A_1098] {strides = array<i32>} : memref<64x128xf32, #tpu.memory_space<vmem>>, vector<1x16xf32>,
        %get3A_1100 = vector.shape_cast %get3A_1099 : vector<1x16xf32> to vector<16xf32>
        %mul3A_1101 = vector.broadcast %squeeze3A_1064 : f32 to vector<16xf32>
        %mul3A_1102 = arith.mulf %mul3A_1101, %get3A_1100 : vector<16xf32>
        %add3A_1103 = arith.addf %add3A_1041, %mul3A_1102 : vector<16xf32>
        %get3A_1104 = arith.index_cast %add3A_1068 : i32 to index
        %get3A_1105 = arith.constant 80 : index
        %get3A_1106 = tpu.vector_load %arg10[%get3A_1104, %get3A_1105] {strides = array<i32>} : memref<64x128xf32, #tpu.memory_space<vmem>>, vector<1x16xf32>,
        %get3A_1107 = vector.shape_cast %get3A_1106 : vector<1x16xf32> to vector<16xf32>
        %mul3A_1108 = vector.broadcast %squeeze3A_1064 : f32 to vector<16xf32>
        %mul3A_1109 = arith.mulf %mul3A_1108, %get3A_1107 : vector<16xf32>
        %add3A_1110 = arith.addf %add3A_1048, %mul3A_1109 : vector<16xf32>
        %get3A_1111 = arith.index_cast %add3A_1068 : i32 to index
        %get3A_1112 = arith.constant 96 : index
        %get3A_1113 = tpu.vector_load %arg10[%get3A_1111, %get3A_1112] {strides = array<i32>} : memref<64x128xf32, #tpu.memory_space<vmem>>, vector<1x16xf32>,
        %get3A_1114 = vector.shape_cast %get3A_1113 : vector<1x16xf32> to vector<16xf32>
        %mul3A_1115 = vector.broadcast %squeeze3A_1064 : f32 to vector<16xf32>
        %mul3A_1116 = arith.mulf %mul3A_1115, %get3A_1114 : vector<16xf32>
        %add3A_1117 = arith.addf %add3A_1055, %mul3A_1116 : vector<16xf32>
        %get3A_1118 = arith.index_cast %add3A_1068 : i32 to index
        %get3A_1119 = arith.constant 112 : index
        %get3A_1120 = tpu.vector_load %arg10[%get3A_1118, %get3A_1119] {strides = array<i32>} : memref<64x128xf32, #tpu.memory_space<vmem>>, vector<1x16xf32>,
        %get3A_1121 = vector.shape_cast %get3A_1120 : vector<1x16xf32> to vector<16xf32>
        %mul3A_1122 = vector.broadcast %squeeze3A_1064 : f32 to vector<16xf32>
        %mul3A_1123 = arith.mulf %mul3A_1122, %get3A_1121 : vector<16xf32>
        %add3A_1124 = arith.addf %add3A_1062, %mul3A_1123 : vector<16xf32>
        %slice3A_1125 = vector.extract_strided_slice %get3A_442 {offsets = [11], sizes = [1], strides = [1]} : vector<16xf32> to vector<1xf32>
        %squeeze3A_1126 = vector.extract %slice3A_1125[0] : f32 from vector<1xf32>
        %mul3A_1127 = arith.constant 16 : i32
        %mul3A_1128 = arith.muli %scan3A_426, %mul3A_1127 : i32
        %add3A_1129 = arith.constant 11 : i32
        %add3A_1130 = arith.addi %mul3A_1128, %add3A_1129 : i32
        %get3A_1131 = arith.index_cast %add3A_1130 : i32 to index
        %get3A_1132 = arith.constant 0 : index
        %get3A_1133 = tpu.vector_load %arg10[%get3A_1131, %get3A_1132] {strides = array<i32>} : memref<64x128xf32, #tpu.memory_space<vmem>>, vector<1x16xf32>,
        %get3A_1134 = vector.shape_cast %get3A_1133 : vector<1x16xf32> to vector<16xf32>
        %mul3A_1135 = vector.broadcast %squeeze3A_1126 : f32 to vector<16xf32>
        %mul3A_1136 = arith.mulf %mul3A_1135, %get3A_1134 : vector<16xf32>
        %add3A_1137 = arith.addf %add3A_1075, %mul3A_1136 : vector<16xf32>
        %get3A_1138 = arith.index_cast %add3A_1130 : i32 to index
        %get3A_1139 = arith.constant 16 : index
        %get3A_1140 = tpu.vector_load %arg10[%get3A_1138, %get3A_1139] {strides = array<i32>} : memref<64x128xf32, #tpu.memory_space<vmem>>, vector<1x16xf32>,
        %get3A_1141 = vector.shape_cast %get3A_1140 : vector<1x16xf32> to vector<16xf32>
        %mul3A_1142 = vector.broadcast %squeeze3A_1126 : f32 to vector<16xf32>
        %mul3A_1143 = arith.mulf %mul3A_1142, %get3A_1141 : vector<16xf32>
        %add3A_1144 = arith.addf %add3A_1082, %mul3A_1143 : vector<16xf32>
        %get3A_1145 = arith.index_cast %add3A_1130 : i32 to index
        %get3A_1146 = arith.constant 32 : index
        %get3A_1147 = tpu.vector_load %arg10[%get3A_1145, %get3A_1146] {strides = array<i32>} : memref<64x128xf32, #tpu.memory_space<vmem>>, vector<1x16xf32>,
        %get3A_1148 = vector.shape_cast %get3A_1147 : vector<1x16xf32> to vector<16xf32>
        %mul3A_1149 = vector.broadcast %squeeze3A_1126 : f32 to vector<16xf32>
        %mul3A_1150 = arith.mulf %mul3A_1149, %get3A_1148 : vector<16xf32>
        %add3A_1151 = arith.addf %add3A_1089, %mul3A_1150 : vector<16xf32>
        %get3A_1152 = arith.index_cast %add3A_1130 : i32 to index
        %get3A_1153 = arith.constant 48 : index
        %get3A_1154 = tpu.vector_load %arg10[%get3A_1152, %get3A_1153] {strides = array<i32>} : memref<64x128xf32, #tpu.memory_space<vmem>>, vector<1x16xf32>,
        %get3A_1155 = vector.shape_cast %get3A_1154 : vector<1x16xf32> to vector<16xf32>
        %mul3A_1156 = vector.broadcast %squeeze3A_1126 : f32 to vector<16xf32>
        %mul3A_1157 = arith.mulf %mul3A_1156, %get3A_1155 : vector<16xf32>
        %add3A_1158 = arith.addf %add3A_1096, %mul3A_1157 : vector<16xf32>
        %get3A_1159 = arith.index_cast %add3A_1130 : i32 to index
        %get3A_1160 = arith.constant 64 : index
        %get3A_1161 = tpu.vector_load %arg10[%get3A_1159, %get3A_1160] {strides = array<i32>} : memref<64x128xf32, #tpu.memory_space<vmem>>, vector<1x16xf32>,
        %get3A_1162 = vector.shape_cast %get3A_1161 : vector<1x16xf32> to vector<16xf32>
        %mul3A_1163 = vector.broadcast %squeeze3A_1126 : f32 to vector<16xf32>
        %mul3A_1164 = arith.mulf %mul3A_1163, %get3A_1162 : vector<16xf32>
        %add3A_1165 = arith.addf %add3A_1103, %mul3A_1164 : vector<16xf32>
        %get3A_1166 = arith.index_cast %add3A_1130 : i32 to index
        %get3A_1167 = arith.constant 80 : index
        %get3A_1168 = tpu.vector_load %arg10[%get3A_1166, %get3A_1167] {strides = array<i32>} : memref<64x128xf32, #tpu.memory_space<vmem>>, vector<1x16xf32>,
        %get3A_1169 = vector.shape_cast %get3A_1168 : vector<1x16xf32> to vector<16xf32>
        %mul3A_1170 = vector.broadcast %squeeze3A_1126 : f32 to vector<16xf32>
        %mul3A_1171 = arith.mulf %mul3A_1170, %get3A_1169 : vector<16xf32>
        %add3A_1172 = arith.addf %add3A_1110, %mul3A_1171 : vector<16xf32>
        %get3A_1173 = arith.index_cast %add3A_1130 : i32 to index
        %get3A_1174 = arith.constant 96 : index
        %get3A_1175 = tpu.vector_load %arg10[%get3A_1173, %get3A_1174] {strides = array<i32>} : memref<64x128xf32, #tpu.memory_space<vmem>>, vector<1x16xf32>,
        %get3A_1176 = vector.shape_cast %get3A_1175 : vector<1x16xf32> to vector<16xf32>
        %mul3A_1177 = vector.broadcast %squeeze3A_1126 : f32 to vector<16xf32>
        %mul3A_1178 = arith.mulf %mul3A_1177, %get3A_1176 : vector<16xf32>
        %add3A_1179 = arith.addf %add3A_1117, %mul3A_1178 : vector<16xf32>
        %get3A_1180 = arith.index_cast %add3A_1130 : i32 to index
        %get3A_1181 = arith.constant 112 : index
        %get3A_1182 = tpu.vector_load %arg10[%get3A_1180, %get3A_1181] {strides = array<i32>} : memref<64x128xf32, #tpu.memory_space<vmem>>, vector<1x16xf32>,
        %get3A_1183 = vector.shape_cast %get3A_1182 : vector<1x16xf32> to vector<16xf32>
        %mul3A_1184 = vector.broadcast %squeeze3A_1126 : f32 to vector<16xf32>
        %mul3A_1185 = arith.mulf %mul3A_1184, %get3A_1183 : vector<16xf32>
        %add3A_1186 = arith.addf %add3A_1124, %mul3A_1185 : vector<16xf32>
        %slice3A_1187 = vector.extract_strided_slice %get3A_442 {offsets = [12], sizes = [1], strides = [1]} : vector<16xf32> to vector<1xf32>
        %squeeze3A_1188 = vector.extract %slice3A_1187[0] : f32 from vector<1xf32>
        %mul3A_1189 = arith.constant 16 : i32
        %mul3A_1190 = arith.muli %scan3A_426, %mul3A_1189 : i32
        %add3A_1191 = arith.constant 12 : i32
        %add3A_1192 = arith.addi %mul3A_1190, %add3A_1191 : i32
        %get3A_1193 = arith.index_cast %add3A_1192 : i32 to index
        %get3A_1194 = arith.constant 0 : index
        %get3A_1195 = tpu.vector_load %arg10[%get3A_1193, %get3A_1194] {strides = array<i32>} : memref<64x128xf32, #tpu.memory_space<vmem>>, vector<1x16xf32>,
        %get3A_1196 = vector.shape_cast %get3A_1195 : vector<1x16xf32> to vector<16xf32>
        %mul3A_1197 = vector.broadcast %squeeze3A_1188 : f32 to vector<16xf32>
        %mul3A_1198 = arith.mulf %mul3A_1197, %get3A_1196 : vector<16xf32>
        %add3A_1199 = arith.addf %add3A_1137, %mul3A_1198 : vector<16xf32>
        %get3A_1200 = arith.index_cast %add3A_1192 : i32 to index
        %get3A_1201 = arith.constant 16 : index
        %get3A_1202 = tpu.vector_load %arg10[%get3A_1200, %get3A_1201] {strides = array<i32>} : memref<64x128xf32, #tpu.memory_space<vmem>>, vector<1x16xf32>,
        %get3A_1203 = vector.shape_cast %get3A_1202 : vector<1x16xf32> to vector<16xf32>
        %mul3A_1204 = vector.broadcast %squeeze3A_1188 : f32 to vector<16xf32>
        %mul3A_1205 = arith.mulf %mul3A_1204, %get3A_1203 : vector<16xf32>
        %add3A_1206 = arith.addf %add3A_1144, %mul3A_1205 : vector<16xf32>
        %get3A_1207 = arith.index_cast %add3A_1192 : i32 to index
        %get3A_1208 = arith.constant 32 : index
        %get3A_1209 = tpu.vector_load %arg10[%get3A_1207, %get3A_1208] {strides = array<i32>} : memref<64x128xf32, #tpu.memory_space<vmem>>, vector<1x16xf32>,
        %get3A_1210 = vector.shape_cast %get3A_1209 : vector<1x16xf32> to vector<16xf32>
        %mul3A_1211 = vector.broadcast %squeeze3A_1188 : f32 to vector<16xf32>
        %mul3A_1212 = arith.mulf %mul3A_1211, %get3A_1210 : vector<16xf32>
        %add3A_1213 = arith.addf %add3A_1151, %mul3A_1212 : vector<16xf32>
        %get3A_1214 = arith.index_cast %add3A_1192 : i32 to index
        %get3A_1215 = arith.constant 48 : index
        %get3A_1216 = tpu.vector_load %arg10[%get3A_1214, %get3A_1215] {strides = array<i32>} : memref<64x128xf32, #tpu.memory_space<vmem>>, vector<1x16xf32>,
        %get3A_1217 = vector.shape_cast %get3A_1216 : vector<1x16xf32> to vector<16xf32>
        %mul3A_1218 = vector.broadcast %squeeze3A_1188 : f32 to vector<16xf32>
        %mul3A_1219 = arith.mulf %mul3A_1218, %get3A_1217 : vector<16xf32>
        %add3A_1220 = arith.addf %add3A_1158, %mul3A_1219 : vector<16xf32>
        %get3A_1221 = arith.index_cast %add3A_1192 : i32 to index
        %get3A_1222 = arith.constant 64 : index
        %get3A_1223 = tpu.vector_load %arg10[%get3A_1221, %get3A_1222] {strides = array<i32>} : memref<64x128xf32, #tpu.memory_space<vmem>>, vector<1x16xf32>,
        %get3A_1224 = vector.shape_cast %get3A_1223 : vector<1x16xf32> to vector<16xf32>
        %mul3A_1225 = vector.broadcast %squeeze3A_1188 : f32 to vector<16xf32>
        %mul3A_1226 = arith.mulf %mul3A_1225, %get3A_1224 : vector<16xf32>
        %add3A_1227 = arith.addf %add3A_1165, %mul3A_1226 : vector<16xf32>
        %get3A_1228 = arith.index_cast %add3A_1192 : i32 to index
        %get3A_1229 = arith.constant 80 : index
        %get3A_1230 = tpu.vector_load %arg10[%get3A_1228, %get3A_1229] {strides = array<i32>} : memref<64x128xf32, #tpu.memory_space<vmem>>, vector<1x16xf32>,
        %get3A_1231 = vector.shape_cast %get3A_1230 : vector<1x16xf32> to vector<16xf32>
        %mul3A_1232 = vector.broadcast %squeeze3A_1188 : f32 to vector<16xf32>
        %mul3A_1233 = arith.mulf %mul3A_1232, %get3A_1231 : vector<16xf32>
        %add3A_1234 = arith.addf %add3A_1172, %mul3A_1233 : vector<16xf32>
        %get3A_1235 = arith.index_cast %add3A_1192 : i32 to index
        %get3A_1236 = arith.constant 96 : index
        %get3A_1237 = tpu.vector_load %arg10[%get3A_1235, %get3A_1236] {strides = array<i32>} : memref<64x128xf32, #tpu.memory_space<vmem>>, vector<1x16xf32>,
        %get3A_1238 = vector.shape_cast %get3A_1237 : vector<1x16xf32> to vector<16xf32>
        %mul3A_1239 = vector.broadcast %squeeze3A_1188 : f32 to vector<16xf32>
        %mul3A_1240 = arith.mulf %mul3A_1239, %get3A_1238 : vector<16xf32>
        %add3A_1241 = arith.addf %add3A_1179, %mul3A_1240 : vector<16xf32>
        %get3A_1242 = arith.index_cast %add3A_1192 : i32 to index
        %get3A_1243 = arith.constant 112 : index
        %get3A_1244 = tpu.vector_load %arg10[%get3A_1242, %get3A_1243] {strides = array<i32>} : memref<64x128xf32, #tpu.memory_space<vmem>>, vector<1x16xf32>,
        %get3A_1245 = vector.shape_cast %get3A_1244 : vector<1x16xf32> to vector<16xf32>
        %mul3A_1246 = vector.broadcast %squeeze3A_1188 : f32 to vector<16xf32>
        %mul3A_1247 = arith.mulf %mul3A_1246, %get3A_1245 : vector<16xf32>
        %add3A_1248 = arith.addf %add3A_1186, %mul3A_1247 : vector<16xf32>
        %slice3A_1249 = vector.extract_strided_slice %get3A_442 {offsets = [13], sizes = [1], strides = [1]} : vector<16xf32> to vector<1xf32>
        %squeeze3A_1250 = vector.extract %slice3A_1249[0] : f32 from vector<1xf32>
        %mul3A_1251 = arith.constant 16 : i32
        %mul3A_1252 = arith.muli %scan3A_426, %mul3A_1251 : i32
        %add3A_1253 = arith.constant 13 : i32
        %add3A_1254 = arith.addi %mul3A_1252, %add3A_1253 : i32
        %get3A_1255 = arith.index_cast %add3A_1254 : i32 to index
        %get3A_1256 = arith.constant 0 : index
        %get3A_1257 = tpu.vector_load %arg10[%get3A_1255, %get3A_1256] {strides = array<i32>} : memref<64x128xf32, #tpu.memory_space<vmem>>, vector<1x16xf32>,
        %get3A_1258 = vector.shape_cast %get3A_1257 : vector<1x16xf32> to vector<16xf32>
        %mul3A_1259 = vector.broadcast %squeeze3A_1250 : f32 to vector<16xf32>
        %mul3A_1260 = arith.mulf %mul3A_1259, %get3A_1258 : vector<16xf32>
        %add3A_1261 = arith.addf %add3A_1199, %mul3A_1260 : vector<16xf32>
        %get3A_1262 = arith.index_cast %add3A_1254 : i32 to index
        %get3A_1263 = arith.constant 16 : index
        %get3A_1264 = tpu.vector_load %arg10[%get3A_1262, %get3A_1263] {strides = array<i32>} : memref<64x128xf32, #tpu.memory_space<vmem>>, vector<1x16xf32>,
        %get3A_1265 = vector.shape_cast %get3A_1264 : vector<1x16xf32> to vector<16xf32>
        %mul3A_1266 = vector.broadcast %squeeze3A_1250 : f32 to vector<16xf32>
        %mul3A_1267 = arith.mulf %mul3A_1266, %get3A_1265 : vector<16xf32>
        %add3A_1268 = arith.addf %add3A_1206, %mul3A_1267 : vector<16xf32>
        %get3A_1269 = arith.index_cast %add3A_1254 : i32 to index
        %get3A_1270 = arith.constant 32 : index
        %get3A_1271 = tpu.vector_load %arg10[%get3A_1269, %get3A_1270] {strides = array<i32>} : memref<64x128xf32, #tpu.memory_space<vmem>>, vector<1x16xf32>,
        %get3A_1272 = vector.shape_cast %get3A_1271 : vector<1x16xf32> to vector<16xf32>
        %mul3A_1273 = vector.broadcast %squeeze3A_1250 : f32 to vector<16xf32>
        %mul3A_1274 = arith.mulf %mul3A_1273, %get3A_1272 : vector<16xf32>
        %add3A_1275 = arith.addf %add3A_1213, %mul3A_1274 : vector<16xf32>
        %get3A_1276 = arith.index_cast %add3A_1254 : i32 to index
        %get3A_1277 = arith.constant 48 : index
        %get3A_1278 = tpu.vector_load %arg10[%get3A_1276, %get3A_1277] {strides = array<i32>} : memref<64x128xf32, #tpu.memory_space<vmem>>, vector<1x16xf32>,
        %get3A_1279 = vector.shape_cast %get3A_1278 : vector<1x16xf32> to vector<16xf32>
        %mul3A_1280 = vector.broadcast %squeeze3A_1250 : f32 to vector<16xf32>
        %mul3A_1281 = arith.mulf %mul3A_1280, %get3A_1279 : vector<16xf32>
        %add3A_1282 = arith.addf %add3A_1220, %mul3A_1281 : vector<16xf32>
        %get3A_1283 = arith.index_cast %add3A_1254 : i32 to index
        %get3A_1284 = arith.constant 64 : index
        %get3A_1285 = tpu.vector_load %arg10[%get3A_1283, %get3A_1284] {strides = array<i32>} : memref<64x128xf32, #tpu.memory_space<vmem>>, vector<1x16xf32>,
        %get3A_1286 = vector.shape_cast %get3A_1285 : vector<1x16xf32> to vector<16xf32>
        %mul3A_1287 = vector.broadcast %squeeze3A_1250 : f32 to vector<16xf32>
        %mul3A_1288 = arith.mulf %mul3A_1287, %get3A_1286 : vector<16xf32>
        %add3A_1289 = arith.addf %add3A_1227, %mul3A_1288 : vector<16xf32>
        %get3A_1290 = arith.index_cast %add3A_1254 : i32 to index
        %get3A_1291 = arith.constant 80 : index
        %get3A_1292 = tpu.vector_load %arg10[%get3A_1290, %get3A_1291] {strides = array<i32>} : memref<64x128xf32, #tpu.memory_space<vmem>>, vector<1x16xf32>,
        %get3A_1293 = vector.shape_cast %get3A_1292 : vector<1x16xf32> to vector<16xf32>
        %mul3A_1294 = vector.broadcast %squeeze3A_1250 : f32 to vector<16xf32>
        %mul3A_1295 = arith.mulf %mul3A_1294, %get3A_1293 : vector<16xf32>
        %add3A_1296 = arith.addf %add3A_1234, %mul3A_1295 : vector<16xf32>
        %get3A_1297 = arith.index_cast %add3A_1254 : i32 to index
        %get3A_1298 = arith.constant 96 : index
        %get3A_1299 = tpu.vector_load %arg10[%get3A_1297, %get3A_1298] {strides = array<i32>} : memref<64x128xf32, #tpu.memory_space<vmem>>, vector<1x16xf32>,
        %get3A_1300 = vector.shape_cast %get3A_1299 : vector<1x16xf32> to vector<16xf32>
        %mul3A_1301 = vector.broadcast %squeeze3A_1250 : f32 to vector<16xf32>
        %mul3A_1302 = arith.mulf %mul3A_1301, %get3A_1300 : vector<16xf32>
        %add3A_1303 = arith.addf %add3A_1241, %mul3A_1302 : vector<16xf32>
        %get3A_1304 = arith.index_cast %add3A_1254 : i32 to index
        %get3A_1305 = arith.constant 112 : index
        %get3A_1306 = tpu.vector_load %arg10[%get3A_1304, %get3A_1305] {strides = array<i32>} : memref<64x128xf32, #tpu.memory_space<vmem>>, vector<1x16xf32>,
        %get3A_1307 = vector.shape_cast %get3A_1306 : vector<1x16xf32> to vector<16xf32>
        %mul3A_1308 = vector.broadcast %squeeze3A_1250 : f32 to vector<16xf32>
        %mul3A_1309 = arith.mulf %mul3A_1308, %get3A_1307 : vector<16xf32>
        %add3A_1310 = arith.addf %add3A_1248, %mul3A_1309 : vector<16xf32>
        %slice3A_1311 = vector.extract_strided_slice %get3A_442 {offsets = [14], sizes = [1], strides = [1]} : vector<16xf32> to vector<1xf32>
        %squeeze3A_1312 = vector.extract %slice3A_1311[0] : f32 from vector<1xf32>
        %mul3A_1313 = arith.constant 16 : i32
        %mul3A_1314 = arith.muli %scan3A_426, %mul3A_1313 : i32
        %add3A_1315 = arith.constant 14 : i32
        %add3A_1316 = arith.addi %mul3A_1314, %add3A_1315 : i32
        %get3A_1317 = arith.index_cast %add3A_1316 : i32 to index
        %get3A_1318 = arith.constant 0 : index
        %get3A_1319 = tpu.vector_load %arg10[%get3A_1317, %get3A_1318] {strides = array<i32>} : memref<64x128xf32, #tpu.memory_space<vmem>>, vector<1x16xf32>,
        %get3A_1320 = vector.shape_cast %get3A_1319 : vector<1x16xf32> to vector<16xf32>
        %mul3A_1321 = vector.broadcast %squeeze3A_1312 : f32 to vector<16xf32>
        %mul3A_1322 = arith.mulf %mul3A_1321, %get3A_1320 : vector<16xf32>
        %add3A_1323 = arith.addf %add3A_1261, %mul3A_1322 : vector<16xf32>
        %get3A_1324 = arith.index_cast %add3A_1316 : i32 to index
        %get3A_1325 = arith.constant 16 : index
        %get3A_1326 = tpu.vector_load %arg10[%get3A_1324, %get3A_1325] {strides = array<i32>} : memref<64x128xf32, #tpu.memory_space<vmem>>, vector<1x16xf32>,
        %get3A_1327 = vector.shape_cast %get3A_1326 : vector<1x16xf32> to vector<16xf32>
        %mul3A_1328 = vector.broadcast %squeeze3A_1312 : f32 to vector<16xf32>
        %mul3A_1329 = arith.mulf %mul3A_1328, %get3A_1327 : vector<16xf32>
        %add3A_1330 = arith.addf %add3A_1268, %mul3A_1329 : vector<16xf32>
        %get3A_1331 = arith.index_cast %add3A_1316 : i32 to index
        %get3A_1332 = arith.constant 32 : index
        %get3A_1333 = tpu.vector_load %arg10[%get3A_1331, %get3A_1332] {strides = array<i32>} : memref<64x128xf32, #tpu.memory_space<vmem>>, vector<1x16xf32>,
        %get3A_1334 = vector.shape_cast %get3A_1333 : vector<1x16xf32> to vector<16xf32>
        %mul3A_1335 = vector.broadcast %squeeze3A_1312 : f32 to vector<16xf32>
        %mul3A_1336 = arith.mulf %mul3A_1335, %get3A_1334 : vector<16xf32>
        %add3A_1337 = arith.addf %add3A_1275, %mul3A_1336 : vector<16xf32>
        %get3A_1338 = arith.index_cast %add3A_1316 : i32 to index
        %get3A_1339 = arith.constant 48 : index
        %get3A_1340 = tpu.vector_load %arg10[%get3A_1338, %get3A_1339] {strides = array<i32>} : memref<64x128xf32, #tpu.memory_space<vmem>>, vector<1x16xf32>,
        %get3A_1341 = vector.shape_cast %get3A_1340 : vector<1x16xf32> to vector<16xf32>
        %mul3A_1342 = vector.broadcast %squeeze3A_1312 : f32 to vector<16xf32>
        %mul3A_1343 = arith.mulf %mul3A_1342, %get3A_1341 : vector<16xf32>
        %add3A_1344 = arith.addf %add3A_1282, %mul3A_1343 : vector<16xf32>
        %get3A_1345 = arith.index_cast %add3A_1316 : i32 to index
        %get3A_1346 = arith.constant 64 : index
        %get3A_1347 = tpu.vector_load %arg10[%get3A_1345, %get3A_1346] {strides = array<i32>} : memref<64x128xf32, #tpu.memory_space<vmem>>, vector<1x16xf32>,
        %get3A_1348 = vector.shape_cast %get3A_1347 : vector<1x16xf32> to vector<16xf32>
        %mul3A_1349 = vector.broadcast %squeeze3A_1312 : f32 to vector<16xf32>
        %mul3A_1350 = arith.mulf %mul3A_1349, %get3A_1348 : vector<16xf32>
        %add3A_1351 = arith.addf %add3A_1289, %mul3A_1350 : vector<16xf32>
        %get3A_1352 = arith.index_cast %add3A_1316 : i32 to index
        %get3A_1353 = arith.constant 80 : index
        %get3A_1354 = tpu.vector_load %arg10[%get3A_1352, %get3A_1353] {strides = array<i32>} : memref<64x128xf32, #tpu.memory_space<vmem>>, vector<1x16xf32>,
        %get3A_1355 = vector.shape_cast %get3A_1354 : vector<1x16xf32> to vector<16xf32>
        %mul3A_1356 = vector.broadcast %squeeze3A_1312 : f32 to vector<16xf32>
        %mul3A_1357 = arith.mulf %mul3A_1356, %get3A_1355 : vector<16xf32>
        %add3A_1358 = arith.addf %add3A_1296, %mul3A_1357 : vector<16xf32>
        %get3A_1359 = arith.index_cast %add3A_1316 : i32 to index
        %get3A_1360 = arith.constant 96 : index
        %get3A_1361 = tpu.vector_load %arg10[%get3A_1359, %get3A_1360] {strides = array<i32>} : memref<64x128xf32, #tpu.memory_space<vmem>>, vector<1x16xf32>,
        %get3A_1362 = vector.shape_cast %get3A_1361 : vector<1x16xf32> to vector<16xf32>
        %mul3A_1363 = vector.broadcast %squeeze3A_1312 : f32 to vector<16xf32>
        %mul3A_1364 = arith.mulf %mul3A_1363, %get3A_1362 : vector<16xf32>
        %add3A_1365 = arith.addf %add3A_1303, %mul3A_1364 : vector<16xf32>
        %get3A_1366 = arith.index_cast %add3A_1316 : i32 to index
        %get3A_1367 = arith.constant 112 : index
        %get3A_1368 = tpu.vector_load %arg10[%get3A_1366, %get3A_1367] {strides = array<i32>} : memref<64x128xf32, #tpu.memory_space<vmem>>, vector<1x16xf32>,
        %get3A_1369 = vector.shape_cast %get3A_1368 : vector<1x16xf32> to vector<16xf32>
        %mul3A_1370 = vector.broadcast %squeeze3A_1312 : f32 to vector<16xf32>
        %mul3A_1371 = arith.mulf %mul3A_1370, %get3A_1369 : vector<16xf32>
        %add3A_1372 = arith.addf %add3A_1310, %mul3A_1371 : vector<16xf32>
        %slice3A_1373 = vector.extract_strided_slice %get3A_442 {offsets = [15], sizes = [1], strides = [1]} : vector<16xf32> to vector<1xf32>
        %squeeze3A_1374 = vector.extract %slice3A_1373[0] : f32 from vector<1xf32>
        %mul3A_1375 = arith.constant 16 : i32
        %mul3A_1376 = arith.muli %scan3A_426, %mul3A_1375 : i32
        %add3A_1377 = arith.constant 15 : i32
        %add3A_1378 = arith.addi %mul3A_1376, %add3A_1377 : i32
        %get3A_1379 = arith.index_cast %add3A_1378 : i32 to index
        %get3A_1380 = arith.constant 0 : index
        %get3A_1381 = tpu.vector_load %arg10[%get3A_1379, %get3A_1380] {strides = array<i32>} : memref<64x128xf32, #tpu.memory_space<vmem>>, vector<1x16xf32>,
        %get3A_1382 = vector.shape_cast %get3A_1381 : vector<1x16xf32> to vector<16xf32>
        %mul3A_1383 = vector.broadcast %squeeze3A_1374 : f32 to vector<16xf32>
        %mul3A_1384 = arith.mulf %mul3A_1383, %get3A_1382 : vector<16xf32>
        %add3A_1385 = arith.addf %add3A_1323, %mul3A_1384 : vector<16xf32>
        %get3A_1386 = arith.index_cast %add3A_1378 : i32 to index
        %get3A_1387 = arith.constant 16 : index
        %get3A_1388 = tpu.vector_load %arg10[%get3A_1386, %get3A_1387] {strides = array<i32>} : memref<64x128xf32, #tpu.memory_space<vmem>>, vector<1x16xf32>,
        %get3A_1389 = vector.shape_cast %get3A_1388 : vector<1x16xf32> to vector<16xf32>
        %mul3A_1390 = vector.broadcast %squeeze3A_1374 : f32 to vector<16xf32>
        %mul3A_1391 = arith.mulf %mul3A_1390, %get3A_1389 : vector<16xf32>
        %add3A_1392 = arith.addf %add3A_1330, %mul3A_1391 : vector<16xf32>
        %get3A_1393 = arith.index_cast %add3A_1378 : i32 to index
        %get3A_1394 = arith.constant 32 : index
        %get3A_1395 = tpu.vector_load %arg10[%get3A_1393, %get3A_1394] {strides = array<i32>} : memref<64x128xf32, #tpu.memory_space<vmem>>, vector<1x16xf32>,
        %get3A_1396 = vector.shape_cast %get3A_1395 : vector<1x16xf32> to vector<16xf32>
        %mul3A_1397 = vector.broadcast %squeeze3A_1374 : f32 to vector<16xf32>
        %mul3A_1398 = arith.mulf %mul3A_1397, %get3A_1396 : vector<16xf32>
        %add3A_1399 = arith.addf %add3A_1337, %mul3A_1398 : vector<16xf32>
        %get3A_1400 = arith.index_cast %add3A_1378 : i32 to index
        %get3A_1401 = arith.constant 48 : index
        %get3A_1402 = tpu.vector_load %arg10[%get3A_1400, %get3A_1401] {strides = array<i32>} : memref<64x128xf32, #tpu.memory_space<vmem>>, vector<1x16xf32>,
        %get3A_1403 = vector.shape_cast %get3A_1402 : vector<1x16xf32> to vector<16xf32>
        %mul3A_1404 = vector.broadcast %squeeze3A_1374 : f32 to vector<16xf32>
        %mul3A_1405 = arith.mulf %mul3A_1404, %get3A_1403 : vector<16xf32>
        %add3A_1406 = arith.addf %add3A_1344, %mul3A_1405 : vector<16xf32>
        %get3A_1407 = arith.index_cast %add3A_1378 : i32 to index
        %get3A_1408 = arith.constant 64 : index
        %get3A_1409 = tpu.vector_load %arg10[%get3A_1407, %get3A_1408] {strides = array<i32>} : memref<64x128xf32, #tpu.memory_space<vmem>>, vector<1x16xf32>,
        %get3A_1410 = vector.shape_cast %get3A_1409 : vector<1x16xf32> to vector<16xf32>
        %mul3A_1411 = vector.broadcast %squeeze3A_1374 : f32 to vector<16xf32>
        %mul3A_1412 = arith.mulf %mul3A_1411, %get3A_1410 : vector<16xf32>
        %add3A_1413 = arith.addf %add3A_1351, %mul3A_1412 : vector<16xf32>
        %get3A_1414 = arith.index_cast %add3A_1378 : i32 to index
        %get3A_1415 = arith.constant 80 : index
        %get3A_1416 = tpu.vector_load %arg10[%get3A_1414, %get3A_1415] {strides = array<i32>} : memref<64x128xf32, #tpu.memory_space<vmem>>, vector<1x16xf32>,
        %get3A_1417 = vector.shape_cast %get3A_1416 : vector<1x16xf32> to vector<16xf32>
        %mul3A_1418 = vector.broadcast %squeeze3A_1374 : f32 to vector<16xf32>
        %mul3A_1419 = arith.mulf %mul3A_1418, %get3A_1417 : vector<16xf32>
        %add3A_1420 = arith.addf %add3A_1358, %mul3A_1419 : vector<16xf32>
        %get3A_1421 = arith.index_cast %add3A_1378 : i32 to index
        %get3A_1422 = arith.constant 96 : index
        %get3A_1423 = tpu.vector_load %arg10[%get3A_1421, %get3A_1422] {strides = array<i32>} : memref<64x128xf32, #tpu.memory_space<vmem>>, vector<1x16xf32>,
        %get3A_1424 = vector.shape_cast %get3A_1423 : vector<1x16xf32> to vector<16xf32>
        %mul3A_1425 = vector.broadcast %squeeze3A_1374 : f32 to vector<16xf32>
        %mul3A_1426 = arith.mulf %mul3A_1425, %get3A_1424 : vector<16xf32>
        %add3A_1427 = arith.addf %add3A_1365, %mul3A_1426 : vector<16xf32>
        %get3A_1428 = arith.index_cast %add3A_1378 : i32 to index
        %get3A_1429 = arith.constant 112 : index
        %get3A_1430 = tpu.vector_load %arg10[%get3A_1428, %get3A_1429] {strides = array<i32>} : memref<64x128xf32, #tpu.memory_space<vmem>>, vector<1x16xf32>,
        %get3A_1431 = vector.shape_cast %get3A_1430 : vector<1x16xf32> to vector<16xf32>
        %mul3A_1432 = vector.broadcast %squeeze3A_1374 : f32 to vector<16xf32>
        %mul3A_1433 = arith.mulf %mul3A_1432, %get3A_1431 : vector<16xf32>
        %add3A_1434 = arith.addf %add3A_1372, %mul3A_1433 : vector<16xf32>
        scf.yield %add3A_1385, %add3A_1392, %add3A_1399, %add3A_1406, %add3A_1413, %add3A_1420, %add3A_1427, %add3A_1434 : vector<16xf32>, vector<16xf32>, vector<16xf32>, vector<16xf32>, vector<16xf32>, vector<16xf32>, vector<16xf32>, vector<16xf32>
      }
      %scan3A_312 = arith.constant 4 : i32
      %get3A_313 = arith.index_cast %add3A_290 : i32 to index
      %get3A_314 = tpu.vector_load %arg5[%get3A_313] {strides = array<i32>} : memref<544xi32, #tpu.memory_space<vmem>>, vector<16xi32>,
      %get3A_315 = vector.shape_cast %get3A_314 : vector<16xi32> to vector<16xi32>
      %slice3A_316 = vector.extract_strided_slice %get3A_315 {offsets = [0], sizes = [1], strides = [1]} : vector<16xi32> to vector<1xi32>
      %squeeze3A_317 = vector.extract %slice3A_316[0] : i32 from vector<1xi32>
      %mul3A_318 = arith.constant 2 : i32
      %mul3A_319 = arith.muli %squeeze3A_317, %mul3A_318 : i32
      %add3A_320 = arith.addi %mul3A_319, %select_n3A_30 : i32
      %dma_start3A_321 = arith.constant 0 : i32
      %dma_start3A_322 = arith.constant 0 : i32
      %dma_start3A_323 = tpu.memref_slice %arg2[%add3A_320, %dma_start3A_321, %dma_start3A_322] : memref<130x64x128xf32, #tpu.memory_space<hbm>> -> memref<1x64x128xf32, #tpu.memory_space<hbm>>
      %dma_start3A_324 = tpu.memref_squeeze %dma_start3A_323 : memref<1x64x128xf32, #tpu.memory_space<hbm>> -> memref<64x128xf32, #tpu.memory_space<hbm>>
      %dma_start3A_325 = arith.constant 0 : i32
      %dma_start3A_326 = arith.constant 0 : i32
      %dma_start3A_327 = tpu.memref_slice %arg2[%add3A_320, %dma_start3A_325, %dma_start3A_326] : memref<130x64x128xf32, #tpu.memory_space<hbm>> -> memref<1x64x128xf32, #tpu.memory_space<hbm>>
      %dma_start3A_328 = tpu.memref_squeeze %dma_start3A_327 : memref<1x64x128xf32, #tpu.memory_space<hbm>> -> memref<64x128xf32, #tpu.memory_space<hbm>>
      tpu.enqueue_dma source(%dma_start3A_328 : memref<64x128xf32, #tpu.memory_space<hbm>>) target(%arg10 : memref<64x128xf32, #tpu.memory_space<vmem>>) target_semaphore(%arg13 : memref<!tpu.dma_semaphore, #tpu.memory_space<semaphore_mem>>)
      %swap3A_329 = arith.constant 0 : index
      %swap3A_330 = tpu.vector_load %arg7[%swap3A_329] {strides = array<i32>} : memref<128xf32, #tpu.memory_space<vmem>>, vector<16xf32>,
      %swap3A_331 = vector.shape_cast %swap3A_330 : vector<16xf32> to vector<16xf32>
      %swap3A_332 = vector.shape_cast %scan3A_311#0 : vector<16xf32> to vector<16xf32>
      tpu.vector_store %arg7[%swap3A_329], %swap3A_332 {strides = array<i32>} : memref<128xf32, #tpu.memory_space<vmem>>, vector<16xf32>,
      %swap3A_333 = arith.constant 16 : index
      %swap3A_334 = tpu.vector_load %arg7[%swap3A_333] {strides = array<i32>} : memref<128xf32, #tpu.memory_space<vmem>>, vector<16xf32>,
      %swap3A_335 = vector.shape_cast %swap3A_334 : vector<16xf32> to vector<16xf32>
      %swap3A_336 = vector.shape_cast %scan3A_311#1 : vector<16xf32> to vector<16xf32>
      tpu.vector_store %arg7[%swap3A_333], %swap3A_336 {strides = array<i32>} : memref<128xf32, #tpu.memory_space<vmem>>, vector<16xf32>,
      %swap3A_337 = arith.constant 32 : index
      %swap3A_338 = tpu.vector_load %arg7[%swap3A_337] {strides = array<i32>} : memref<128xf32, #tpu.memory_space<vmem>>, vector<16xf32>,
      %swap3A_339 = vector.shape_cast %swap3A_338 : vector<16xf32> to vector<16xf32>
      %swap3A_340 = vector.shape_cast %scan3A_311#2 : vector<16xf32> to vector<16xf32>
      tpu.vector_store %arg7[%swap3A_337], %swap3A_340 {strides = array<i32>} : memref<128xf32, #tpu.memory_space<vmem>>, vector<16xf32>,
      %swap3A_341 = arith.constant 48 : index
      %swap3A_342 = tpu.vector_load %arg7[%swap3A_341] {strides = array<i32>} : memref<128xf32, #tpu.memory_space<vmem>>, vector<16xf32>,
      %swap3A_343 = vector.shape_cast %swap3A_342 : vector<16xf32> to vector<16xf32>
      %swap3A_344 = vector.shape_cast %scan3A_311#3 : vector<16xf32> to vector<16xf32>
      tpu.vector_store %arg7[%swap3A_341], %swap3A_344 {strides = array<i32>} : memref<128xf32, #tpu.memory_space<vmem>>, vector<16xf32>,
      %swap3A_345 = arith.constant 64 : index
      %swap3A_346 = tpu.vector_load %arg7[%swap3A_345] {strides = array<i32>} : memref<128xf32, #tpu.memory_space<vmem>>, vector<16xf32>,
      %swap3A_347 = vector.shape_cast %swap3A_346 : vector<16xf32> to vector<16xf32>
      %swap3A_348 = vector.shape_cast %scan3A_311#4 : vector<16xf32> to vector<16xf32>
      tpu.vector_store %arg7[%swap3A_345], %swap3A_348 {strides = array<i32>} : memref<128xf32, #tpu.memory_space<vmem>>, vector<16xf32>,
      %swap3A_349 = arith.constant 80 : index
      %swap3A_350 = tpu.vector_load %arg7[%swap3A_349] {strides = array<i32>} : memref<128xf32, #tpu.memory_space<vmem>>, vector<16xf32>,
      %swap3A_351 = vector.shape_cast %swap3A_350 : vector<16xf32> to vector<16xf32>
      %swap3A_352 = vector.shape_cast %scan3A_311#5 : vector<16xf32> to vector<16xf32>
      tpu.vector_store %arg7[%swap3A_349], %swap3A_352 {strides = array<i32>} : memref<128xf32, #tpu.memory_space<vmem>>, vector<16xf32>,
      %swap3A_353 = arith.constant 96 : index
      %swap3A_354 = tpu.vector_load %arg7[%swap3A_353] {strides = array<i32>} : memref<128xf32, #tpu.memory_space<vmem>>, vector<16xf32>,
      %swap3A_355 = vector.shape_cast %swap3A_354 : vector<16xf32> to vector<16xf32>
      %swap3A_356 = vector.shape_cast %scan3A_311#6 : vector<16xf32> to vector<16xf32>
      tpu.vector_store %arg7[%swap3A_353], %swap3A_356 {strides = array<i32>} : memref<128xf32, #tpu.memory_space<vmem>>, vector<16xf32>,
      %swap3A_357 = arith.constant 112 : index
      %swap3A_358 = tpu.vector_load %arg7[%swap3A_357] {strides = array<i32>} : memref<128xf32, #tpu.memory_space<vmem>>, vector<16xf32>,
      %swap3A_359 = vector.shape_cast %swap3A_358 : vector<16xf32> to vector<16xf32>
      %swap3A_360 = vector.shape_cast %scan3A_311#7 : vector<16xf32> to vector<16xf32>
      tpu.vector_store %arg7[%swap3A_357], %swap3A_360 {strides = array<i32>} : memref<128xf32, #tpu.memory_space<vmem>>, vector<16xf32>,
      %run_scoped3A_361 = arith.constant 1 : i32
      "tpu.region"() ({
        %run_scoped3A_426 = tpu.sem_alloc : memref<!tpu.dma_semaphore, #tpu.memory_space<semaphore_mem>>
        %dma_start3A_427 = arith.constant 0 : i32
        %dma_start3A_428 = tpu.memref_slice %arg11[%run_scoped3A_361, %arg1, %dma_start3A_427] : memref<2x16x128xf32, #tpu.memory_space<vmem_shared>> -> memref<1x1x128xf32, #tpu.memory_space<vmem_shared>>
        %dma_start3A_429 = tpu.memref_squeeze %dma_start3A_428 : memref<1x1x128xf32, #tpu.memory_space<vmem_shared>> -> memref<128xf32, #tpu.memory_space<vmem_shared>>
        %dma_start3A_430 = arith.constant 0 : i32
        %dma_start3A_431 = tpu.memref_slice %arg11[%run_scoped3A_361, %arg1, %dma_start3A_430] : memref<2x16x128xf32, #tpu.memory_space<vmem_shared>> -> memref<1x1x128xf32, #tpu.memory_space<vmem_shared>>
        %dma_start3A_432 = tpu.memref_squeeze %dma_start3A_431 : memref<1x1x128xf32, #tpu.memory_space<vmem_shared>> -> memref<128xf32, #tpu.memory_space<vmem_shared>>
        tpu.enqueue_dma source(%arg7 : memref<128xf32, #tpu.memory_space<vmem>>) target(%dma_start3A_432 : memref<128xf32, #tpu.memory_space<vmem_shared>>) target_semaphore(%run_scoped3A_426 : memref<!tpu.dma_semaphore, #tpu.memory_space<semaphore_mem>>)
        %dma_wait3A_433 = arith.constant 0 : i32
        %dma_wait3A_434 = tpu.memref_slice %arg11[%run_scoped3A_361, %arg1, %dma_wait3A_433] : memref<2x16x128xf32, #tpu.memory_space<vmem_shared>> -> memref<1x1x128xf32, #tpu.memory_space<vmem_shared>>
        %dma_wait3A_435 = tpu.memref_squeeze %dma_wait3A_434 : memref<1x1x128xf32, #tpu.memory_space<vmem_shared>> -> memref<128xf32, #tpu.memory_space<vmem_shared>>
        %dma_wait3A_436 = arith.constant 0 : i32
        %dma_wait3A_437 = tpu.memref_slice %arg11[%run_scoped3A_361, %arg1, %dma_wait3A_436] : memref<2x16x128xf32, #tpu.memory_space<vmem_shared>> -> memref<1x1x128xf32, #tpu.memory_space<vmem_shared>>
        %dma_wait3A_438 = tpu.memref_squeeze %dma_wait3A_437 : memref<1x1x128xf32, #tpu.memory_space<vmem_shared>> -> memref<128xf32, #tpu.memory_space<vmem_shared>>
        tpu.wait_dma2 semaphore(%run_scoped3A_426 : memref<!tpu.dma_semaphore, #tpu.memory_space<semaphore_mem>>) src(%arg7 : memref<128xf32, #tpu.memory_space<vmem>>) dst(%dma_wait3A_438 : memref<128xf32, #tpu.memory_space<vmem_shared>>)
        tpu.yield
      }) : () -> ()
      %barrier3A_362 = arith.constant 0 : index
      tpu.barrier barrier_id(%barrier3A_362)
      %xor3A_363 = arith.constant 1 : i32
      %xor3A_364 = arith.xori %arg1, %xor3A_363 : i32
      %run_scoped3A_365 = arith.constant 1 : i32
      "tpu.region"() ({
        %run_scoped3A_426 = tpu.sem_alloc : memref<!tpu.dma_semaphore, #tpu.memory_space<semaphore_mem>>
        %dma_start3A_427 = arith.constant 0 : i32
        %dma_start3A_428 = tpu.memref_slice %arg11[%run_scoped3A_365, %xor3A_364, %dma_start3A_427] : memref<2x16x128xf32, #tpu.memory_space<vmem_shared>> -> memref<1x1x128xf32, #tpu.memory_space<vmem_shared>>
        %dma_start3A_429 = tpu.memref_squeeze %dma_start3A_428 : memref<1x1x128xf32, #tpu.memory_space<vmem_shared>> -> memref<128xf32, #tpu.memory_space<vmem_shared>>
        %dma_start3A_430 = arith.constant 0 : i32
        %dma_start3A_431 = tpu.memref_slice %arg11[%run_scoped3A_365, %xor3A_364, %dma_start3A_430] : memref<2x16x128xf32, #tpu.memory_space<vmem_shared>> -> memref<1x1x128xf32, #tpu.memory_space<vmem_shared>>
        %dma_start3A_432 = tpu.memref_squeeze %dma_start3A_431 : memref<1x1x128xf32, #tpu.memory_space<vmem_shared>> -> memref<128xf32, #tpu.memory_space<vmem_shared>>
        tpu.enqueue_dma source(%dma_start3A_432 : memref<128xf32, #tpu.memory_space<vmem_shared>>) target(%arg8 : memref<128xf32, #tpu.memory_space<vmem>>) target_semaphore(%run_scoped3A_426 : memref<!tpu.dma_semaphore, #tpu.memory_space<semaphore_mem>>)
        %dma_wait3A_433 = arith.constant 0 : i32
        %dma_wait3A_434 = tpu.memref_slice %arg11[%run_scoped3A_365, %xor3A_364, %dma_wait3A_433] : memref<2x16x128xf32, #tpu.memory_space<vmem_shared>> -> memref<1x1x128xf32, #tpu.memory_space<vmem_shared>>
        %dma_wait3A_435 = tpu.memref_squeeze %dma_wait3A_434 : memref<1x1x128xf32, #tpu.memory_space<vmem_shared>> -> memref<128xf32, #tpu.memory_space<vmem_shared>>
        %dma_wait3A_436 = arith.constant 0 : i32
        %dma_wait3A_437 = tpu.memref_slice %arg11[%run_scoped3A_365, %xor3A_364, %dma_wait3A_436] : memref<2x16x128xf32, #tpu.memory_space<vmem_shared>> -> memref<1x1x128xf32, #tpu.memory_space<vmem_shared>>
        %dma_wait3A_438 = tpu.memref_squeeze %dma_wait3A_437 : memref<1x1x128xf32, #tpu.memory_space<vmem_shared>> -> memref<128xf32, #tpu.memory_space<vmem_shared>>
        tpu.wait_dma2 semaphore(%run_scoped3A_426 : memref<!tpu.dma_semaphore, #tpu.memory_space<semaphore_mem>>) src(%dma_wait3A_438 : memref<128xf32, #tpu.memory_space<vmem_shared>>) dst(%arg8 : memref<128xf32, #tpu.memory_space<vmem>>)
        tpu.yield
      }) : () -> ()
      %mul3A_366 = arith.constant 64 : i32
      %mul3A_367 = arith.muli %select_n3A_30, %mul3A_366 : i32
      %add3A_368 = arith.constant 0 : i32
      %add3A_369 = arith.addi %mul3A_367, %add3A_368 : i32
      %get3A_370 = arith.index_cast %add3A_369 : i32 to index
      %get3A_371 = tpu.vector_load %arg7[%get3A_370] {strides = array<i32>} : memref<128xf32, #tpu.memory_space<vmem>>, vector<16xf32>,
      %get3A_372 = vector.shape_cast %get3A_371 : vector<16xf32> to vector<16xf32>
      %get3A_373 = arith.index_cast %add3A_369 : i32 to index
      %get3A_374 = tpu.vector_load %arg8[%get3A_373] {strides = array<i32>} : memref<128xf32, #tpu.memory_space<vmem>>, vector<16xf32>,
      %get3A_375 = vector.shape_cast %get3A_374 : vector<16xf32> to vector<16xf32>
      %add3A_376 = arith.addf %get3A_372, %get3A_375 : vector<16xf32>
      %swap3A_377 = arith.index_cast %add3A_369 : i32 to index
      %swap3A_378 = tpu.vector_load %arg6[%swap3A_377] {strides = array<i32>} : memref<128xf32, #tpu.memory_space<vmem>>, vector<16xf32>,
      %swap3A_379 = vector.shape_cast %swap3A_378 : vector<16xf32> to vector<16xf32>
      %swap3A_380 = vector.shape_cast %add3A_376 : vector<16xf32> to vector<16xf32>
      tpu.vector_store %arg6[%swap3A_377], %swap3A_380 {strides = array<i32>} : memref<128xf32, #tpu.memory_space<vmem>>, vector<16xf32>,
      %mul3A_381 = arith.constant 64 : i32
      %mul3A_382 = arith.muli %select_n3A_30, %mul3A_381 : i32
      %add3A_383 = arith.constant 16 : i32
      %add3A_384 = arith.addi %mul3A_382, %add3A_383 : i32
      %get3A_385 = arith.index_cast %add3A_384 : i32 to index
      %get3A_386 = tpu.vector_load %arg7[%get3A_385] {strides = array<i32>} : memref<128xf32, #tpu.memory_space<vmem>>, vector<16xf32>,
      %get3A_387 = vector.shape_cast %get3A_386 : vector<16xf32> to vector<16xf32>
      %get3A_388 = arith.index_cast %add3A_384 : i32 to index
      %get3A_389 = tpu.vector_load %arg8[%get3A_388] {strides = array<i32>} : memref<128xf32, #tpu.memory_space<vmem>>, vector<16xf32>,
      %get3A_390 = vector.shape_cast %get3A_389 : vector<16xf32> to vector<16xf32>
      %add3A_391 = arith.addf %get3A_387, %get3A_390 : vector<16xf32>
      %swap3A_392 = arith.index_cast %add3A_384 : i32 to index
      %swap3A_393 = tpu.vector_load %arg6[%swap3A_392] {strides = array<i32>} : memref<128xf32, #tpu.memory_space<vmem>>, vector<16xf32>,
      %swap3A_394 = vector.shape_cast %swap3A_393 : vector<16xf32> to vector<16xf32>
      %swap3A_395 = vector.shape_cast %add3A_391 : vector<16xf32> to vector<16xf32>
      tpu.vector_store %arg6[%swap3A_392], %swap3A_395 {strides = array<i32>} : memref<128xf32, #tpu.memory_space<vmem>>, vector<16xf32>,
      %mul3A_396 = arith.constant 64 : i32
      %mul3A_397 = arith.muli %select_n3A_30, %mul3A_396 : i32
      %add3A_398 = arith.constant 32 : i32
      %add3A_399 = arith.addi %mul3A_397, %add3A_398 : i32
      %get3A_400 = arith.index_cast %add3A_399 : i32 to index
      %get3A_401 = tpu.vector_load %arg7[%get3A_400] {strides = array<i32>} : memref<128xf32, #tpu.memory_space<vmem>>, vector<16xf32>,
      %get3A_402 = vector.shape_cast %get3A_401 : vector<16xf32> to vector<16xf32>
      %get3A_403 = arith.index_cast %add3A_399 : i32 to index
      %get3A_404 = tpu.vector_load %arg8[%get3A_403] {strides = array<i32>} : memref<128xf32, #tpu.memory_space<vmem>>, vector<16xf32>,
      %get3A_405 = vector.shape_cast %get3A_404 : vector<16xf32> to vector<16xf32>
      %add3A_406 = arith.addf %get3A_402, %get3A_405 : vector<16xf32>
      %swap3A_407 = arith.index_cast %add3A_399 : i32 to index
      %swap3A_408 = tpu.vector_load %arg6[%swap3A_407] {strides = array<i32>} : memref<128xf32, #tpu.memory_space<vmem>>, vector<16xf32>,
      %swap3A_409 = vector.shape_cast %swap3A_408 : vector<16xf32> to vector<16xf32>
      %swap3A_410 = vector.shape_cast %add3A_406 : vector<16xf32> to vector<16xf32>
      tpu.vector_store %arg6[%swap3A_407], %swap3A_410 {strides = array<i32>} : memref<128xf32, #tpu.memory_space<vmem>>, vector<16xf32>,
      %mul3A_411 = arith.constant 64 : i32
      %mul3A_412 = arith.muli %select_n3A_30, %mul3A_411 : i32
      %add3A_413 = arith.constant 48 : i32
      %add3A_414 = arith.addi %mul3A_412, %add3A_413 : i32
      %get3A_415 = arith.index_cast %add3A_414 : i32 to index
      %get3A_416 = tpu.vector_load %arg7[%get3A_415] {strides = array<i32>} : memref<128xf32, #tpu.memory_space<vmem>>, vector<16xf32>,
      %get3A_417 = vector.shape_cast %get3A_416 : vector<16xf32> to vector<16xf32>
      %get3A_418 = arith.index_cast %add3A_414 : i32 to index
      %get3A_419 = tpu.vector_load %arg8[%get3A_418] {strides = array<i32>} : memref<128xf32, #tpu.memory_space<vmem>>, vector<16xf32>,
      %get3A_420 = vector.shape_cast %get3A_419 : vector<16xf32> to vector<16xf32>
      %add3A_421 = arith.addf %get3A_417, %get3A_420 : vector<16xf32>
      %swap3A_422 = arith.index_cast %add3A_414 : i32 to index
      %swap3A_423 = tpu.vector_load %arg6[%swap3A_422] {strides = array<i32>} : memref<128xf32, #tpu.memory_space<vmem>>, vector<16xf32>,
      %swap3A_424 = vector.shape_cast %swap3A_423 : vector<16xf32> to vector<16xf32>
      %swap3A_425 = vector.shape_cast %add3A_421 : vector<16xf32> to vector<16xf32>
      tpu.vector_store %arg6[%swap3A_422], %swap3A_425 {strides = array<i32>} : memref<128xf32, #tpu.memory_space<vmem>>, vector<16xf32>,
    }
    %scan3A_113 = arith.constant 256 : i32
    %dma_wait3A = arith.constant 0 : i32
    %dma_wait3A_114 = arith.constant 0 : i32
    %dma_wait3A_115 = arith.constant 0 : i32
    %dma_wait3A_116 = tpu.memref_slice %arg2[%dma_wait3A, %dma_wait3A_114, %dma_wait3A_115] : memref<130x64x128xf32, #tpu.memory_space<hbm>> -> memref<1x64x128xf32, #tpu.memory_space<hbm>>
    %dma_wait3A_117 = tpu.memref_squeeze %dma_wait3A_116 : memref<1x64x128xf32, #tpu.memory_space<hbm>> -> memref<64x128xf32, #tpu.memory_space<hbm>>
    %dma_wait3A_118 = arith.constant 0 : i32
    %dma_wait3A_119 = arith.constant 0 : i32
    %dma_wait3A_120 = tpu.memref_slice %arg2[%dma_wait3A, %dma_wait3A_118, %dma_wait3A_119] : memref<130x64x128xf32, #tpu.memory_space<hbm>> -> memref<1x64x128xf32, #tpu.memory_space<hbm>>
    %dma_wait3A_121 = tpu.memref_squeeze %dma_wait3A_120 : memref<1x64x128xf32, #tpu.memory_space<hbm>> -> memref<64x128xf32, #tpu.memory_space<hbm>>
    tpu.wait_dma2 semaphore(%arg12 : memref<!tpu.dma_semaphore, #tpu.memory_space<semaphore_mem>>) src(%dma_wait3A_121 : memref<64x128xf32, #tpu.memory_space<hbm>>) dst(%arg9 : memref<64x128xf32, #tpu.memory_space<vmem>>)
    %dma_wait3A_122 = arith.constant 0 : i32
    %dma_wait3A_123 = arith.constant 0 : i32
    %dma_wait3A_124 = arith.constant 0 : i32
    %dma_wait3A_125 = tpu.memref_slice %arg2[%dma_wait3A_122, %dma_wait3A_123, %dma_wait3A_124] : memref<130x64x128xf32, #tpu.memory_space<hbm>> -> memref<1x64x128xf32, #tpu.memory_space<hbm>>
    %dma_wait3A_126 = tpu.memref_squeeze %dma_wait3A_125 : memref<1x64x128xf32, #tpu.memory_space<hbm>> -> memref<64x128xf32, #tpu.memory_space<hbm>>
    %dma_wait3A_127 = arith.constant 0 : i32
    %dma_wait3A_128 = arith.constant 0 : i32
    %dma_wait3A_129 = tpu.memref_slice %arg2[%dma_wait3A_122, %dma_wait3A_127, %dma_wait3A_128] : memref<130x64x128xf32, #tpu.memory_space<hbm>> -> memref<1x64x128xf32, #tpu.memory_space<hbm>>
    %dma_wait3A_130 = tpu.memref_squeeze %dma_wait3A_129 : memref<1x64x128xf32, #tpu.memory_space<hbm>> -> memref<64x128xf32, #tpu.memory_space<hbm>>
    tpu.wait_dma2 semaphore(%arg13 : memref<!tpu.dma_semaphore, #tpu.memory_space<semaphore_mem>>) src(%dma_wait3A_130 : memref<64x128xf32, #tpu.memory_space<hbm>>) dst(%arg10 : memref<64x128xf32, #tpu.memory_space<vmem>>)
    %eq3A_131 = arith.constant 0 : i32
    %eq3A_132 = arith.cmpi eq, %select_n3A_30, %eq3A_131 : i32
    %convert_element_type3A = arith.extui %eq3A_132 : i1 to i32
    %cond3A = arith.constant 0 : i32
    %cond3A_133 = arith.cmpi ne, %convert_element_type3A, %cond3A : i32
    scf.if %cond3A_133 {
      %get3A_134 = arith.constant 0 : index
      %get3A_135 = tpu.vector_load %arg7[%get3A_134] {strides = array<i32>} : memref<128xf32, #tpu.memory_space<vmem>>, vector<16xf32>,
      %get3A_136 = vector.shape_cast %get3A_135 : vector<16xf32> to vector<16xf32>
      %get3A_137 = arith.constant 0 : index
      %get3A_138 = tpu.vector_load %arg8[%get3A_137] {strides = array<i32>} : memref<128xf32, #tpu.memory_space<vmem>>, vector<16xf32>,
      %get3A_139 = vector.shape_cast %get3A_138 : vector<16xf32> to vector<16xf32>
      %add3A_140 = arith.addf %get3A_136, %get3A_139 : vector<16xf32>
      %swap3A_141 = arith.constant 0 : index
      %swap3A_142 = tpu.vector_load %arg6[%swap3A_141] {strides = array<i32>} : memref<128xf32, #tpu.memory_space<vmem>>, vector<16xf32>,
      %swap3A_143 = vector.shape_cast %swap3A_142 : vector<16xf32> to vector<16xf32>
      %swap3A_144 = vector.shape_cast %add3A_140 : vector<16xf32> to vector<16xf32>
      tpu.vector_store %arg6[%swap3A_141], %swap3A_144 {strides = array<i32>} : memref<128xf32, #tpu.memory_space<vmem>>, vector<16xf32>,
      %get3A_145 = arith.constant 16 : index
      %get3A_146 = tpu.vector_load %arg7[%get3A_145] {strides = array<i32>} : memref<128xf32, #tpu.memory_space<vmem>>, vector<16xf32>,
      %get3A_147 = vector.shape_cast %get3A_146 : vector<16xf32> to vector<16xf32>
      %get3A_148 = arith.constant 16 : index
      %get3A_149 = tpu.vector_load %arg8[%get3A_148] {strides = array<i32>} : memref<128xf32, #tpu.memory_space<vmem>>, vector<16xf32>,
      %get3A_150 = vector.shape_cast %get3A_149 : vector<16xf32> to vector<16xf32>
      %add3A_151 = arith.addf %get3A_147, %get3A_150 : vector<16xf32>
      %swap3A_152 = arith.constant 16 : index
      %swap3A_153 = tpu.vector_load %arg6[%swap3A_152] {strides = array<i32>} : memref<128xf32, #tpu.memory_space<vmem>>, vector<16xf32>,
      %swap3A_154 = vector.shape_cast %swap3A_153 : vector<16xf32> to vector<16xf32>
      %swap3A_155 = vector.shape_cast %add3A_151 : vector<16xf32> to vector<16xf32>
      tpu.vector_store %arg6[%swap3A_152], %swap3A_155 {strides = array<i32>} : memref<128xf32, #tpu.memory_space<vmem>>, vector<16xf32>,
      %get3A_156 = arith.constant 32 : index
      %get3A_157 = tpu.vector_load %arg7[%get3A_156] {strides = array<i32>} : memref<128xf32, #tpu.memory_space<vmem>>, vector<16xf32>,
      %get3A_158 = vector.shape_cast %get3A_157 : vector<16xf32> to vector<16xf32>
      %get3A_159 = arith.constant 32 : index
      %get3A_160 = tpu.vector_load %arg8[%get3A_159] {strides = array<i32>} : memref<128xf32, #tpu.memory_space<vmem>>, vector<16xf32>,
      %get3A_161 = vector.shape_cast %get3A_160 : vector<16xf32> to vector<16xf32>
      %add3A_162 = arith.addf %get3A_158, %get3A_161 : vector<16xf32>
      %swap3A_163 = arith.constant 32 : index
      %swap3A_164 = tpu.vector_load %arg6[%swap3A_163] {strides = array<i32>} : memref<128xf32, #tpu.memory_space<vmem>>, vector<16xf32>,
      %swap3A_165 = vector.shape_cast %swap3A_164 : vector<16xf32> to vector<16xf32>
      %swap3A_166 = vector.shape_cast %add3A_162 : vector<16xf32> to vector<16xf32>
      tpu.vector_store %arg6[%swap3A_163], %swap3A_166 {strides = array<i32>} : memref<128xf32, #tpu.memory_space<vmem>>, vector<16xf32>,
      %get3A_167 = arith.constant 48 : index
      %get3A_168 = tpu.vector_load %arg7[%get3A_167] {strides = array<i32>} : memref<128xf32, #tpu.memory_space<vmem>>, vector<16xf32>,
      %get3A_169 = vector.shape_cast %get3A_168 : vector<16xf32> to vector<16xf32>
      %get3A_170 = arith.constant 48 : index
      %get3A_171 = tpu.vector_load %arg8[%get3A_170] {strides = array<i32>} : memref<128xf32, #tpu.memory_space<vmem>>, vector<16xf32>,
      %get3A_172 = vector.shape_cast %get3A_171 : vector<16xf32> to vector<16xf32>
      %add3A_173 = arith.addf %get3A_169, %get3A_172 : vector<16xf32>
      %swap3A_174 = arith.constant 48 : index
      %swap3A_175 = tpu.vector_load %arg6[%swap3A_174] {strides = array<i32>} : memref<128xf32, #tpu.memory_space<vmem>>, vector<16xf32>,
      %swap3A_176 = vector.shape_cast %swap3A_175 : vector<16xf32> to vector<16xf32>
      %swap3A_177 = vector.shape_cast %add3A_173 : vector<16xf32> to vector<16xf32>
      tpu.vector_store %arg6[%swap3A_174], %swap3A_177 {strides = array<i32>} : memref<128xf32, #tpu.memory_space<vmem>>, vector<16xf32>,
      %get3A_178 = arith.constant 64 : index
      %get3A_179 = tpu.vector_load %arg7[%get3A_178] {strides = array<i32>} : memref<128xf32, #tpu.memory_space<vmem>>, vector<16xf32>,
      %get3A_180 = vector.shape_cast %get3A_179 : vector<16xf32> to vector<16xf32>
      %get3A_181 = arith.constant 64 : index
      %get3A_182 = tpu.vector_load %arg8[%get3A_181] {strides = array<i32>} : memref<128xf32, #tpu.memory_space<vmem>>, vector<16xf32>,
      %get3A_183 = vector.shape_cast %get3A_182 : vector<16xf32> to vector<16xf32>
      %add3A_184 = arith.addf %get3A_180, %get3A_183 : vector<16xf32>
      %swap3A_185 = arith.constant 64 : index
      %swap3A_186 = tpu.vector_load %arg6[%swap3A_185] {strides = array<i32>} : memref<128xf32, #tpu.memory_space<vmem>>, vector<16xf32>,
      %swap3A_187 = vector.shape_cast %swap3A_186 : vector<16xf32> to vector<16xf32>
      %swap3A_188 = vector.shape_cast %add3A_184 : vector<16xf32> to vector<16xf32>
      tpu.vector_store %arg6[%swap3A_185], %swap3A_188 {strides = array<i32>} : memref<128xf32, #tpu.memory_space<vmem>>, vector<16xf32>,
      %get3A_189 = arith.constant 80 : index
      %get3A_190 = tpu.vector_load %arg7[%get3A_189] {strides = array<i32>} : memref<128xf32, #tpu.memory_space<vmem>>, vector<16xf32>,
      %get3A_191 = vector.shape_cast %get3A_190 : vector<16xf32> to vector<16xf32>
      %get3A_192 = arith.constant 80 : index
      %get3A_193 = tpu.vector_load %arg8[%get3A_192] {strides = array<i32>} : memref<128xf32, #tpu.memory_space<vmem>>, vector<16xf32>,
      %get3A_194 = vector.shape_cast %get3A_193 : vector<16xf32> to vector<16xf32>
      %add3A_195 = arith.addf %get3A_191, %get3A_194 : vector<16xf32>
      %swap3A_196 = arith.constant 80 : index
      %swap3A_197 = tpu.vector_load %arg6[%swap3A_196] {strides = array<i32>} : memref<128xf32, #tpu.memory_space<vmem>>, vector<16xf32>,
      %swap3A_198 = vector.shape_cast %swap3A_197 : vector<16xf32> to vector<16xf32>
      %swap3A_199 = vector.shape_cast %add3A_195 : vector<16xf32> to vector<16xf32>
      tpu.vector_store %arg6[%swap3A_196], %swap3A_199 {strides = array<i32>} : memref<128xf32, #tpu.memory_space<vmem>>, vector<16xf32>,
      %get3A_200 = arith.constant 96 : index
      %get3A_201 = tpu.vector_load %arg7[%get3A_200] {strides = array<i32>} : memref<128xf32, #tpu.memory_space<vmem>>, vector<16xf32>,
      %get3A_202 = vector.shape_cast %get3A_201 : vector<16xf32> to vector<16xf32>
      %get3A_203 = arith.constant 96 : index
      %get3A_204 = tpu.vector_load %arg8[%get3A_203] {strides = array<i32>} : memref<128xf32, #tpu.memory_space<vmem>>, vector<16xf32>,
      %get3A_205 = vector.shape_cast %get3A_204 : vector<16xf32> to vector<16xf32>
      %add3A_206 = arith.addf %get3A_202, %get3A_205 : vector<16xf32>
      %swap3A_207 = arith.constant 96 : index
      %swap3A_208 = tpu.vector_load %arg6[%swap3A_207] {strides = array<i32>} : memref<128xf32, #tpu.memory_space<vmem>>, vector<16xf32>,
      %swap3A_209 = vector.shape_cast %swap3A_208 : vector<16xf32> to vector<16xf32>
      %swap3A_210 = vector.shape_cast %add3A_206 : vector<16xf32> to vector<16xf32>
      tpu.vector_store %arg6[%swap3A_207], %swap3A_210 {strides = array<i32>} : memref<128xf32, #tpu.memory_space<vmem>>, vector<16xf32>,
      %get3A_211 = arith.constant 112 : index
      %get3A_212 = tpu.vector_load %arg7[%get3A_211] {strides = array<i32>} : memref<128xf32, #tpu.memory_space<vmem>>, vector<16xf32>,
      %get3A_213 = vector.shape_cast %get3A_212 : vector<16xf32> to vector<16xf32>
      %get3A_214 = arith.constant 112 : index
      %get3A_215 = tpu.vector_load %arg8[%get3A_214] {strides = array<i32>} : memref<128xf32, #tpu.memory_space<vmem>>, vector<16xf32>,
      %get3A_216 = vector.shape_cast %get3A_215 : vector<16xf32> to vector<16xf32>
      %add3A_217 = arith.addf %get3A_213, %get3A_216 : vector<16xf32>
      %swap3A_218 = arith.constant 112 : index
      %swap3A_219 = tpu.vector_load %arg6[%swap3A_218] {strides = array<i32>} : memref<128xf32, #tpu.memory_space<vmem>>, vector<16xf32>,
      %swap3A_220 = vector.shape_cast %swap3A_219 : vector<16xf32> to vector<16xf32>
      %swap3A_221 = vector.shape_cast %add3A_217 : vector<16xf32> to vector<16xf32>
      tpu.vector_store %arg6[%swap3A_218], %swap3A_221 {strides = array<i32>} : memref<128xf32, #tpu.memory_space<vmem>>, vector<16xf32>,
      "tpu.region"() ({
        %run_scoped3A = tpu.sem_alloc : memref<!tpu.dma_semaphore, #tpu.memory_space<semaphore_mem>>
        %dma_start3A_222 = arith.constant 0 : i32
        %dma_start3A_223 = tpu.memref_slice %arg4[%add3A, %dma_start3A_222] : memref<16x128xf32, #tpu.memory_space<hbm>> -> memref<1x128xf32, #tpu.memory_space<hbm>>
        %dma_start3A_224 = tpu.memref_squeeze %dma_start3A_223 : memref<1x128xf32, #tpu.memory_space<hbm>> -> memref<128xf32, #tpu.memory_space<hbm>>
        %dma_start3A_225 = arith.constant 0 : i32
        %dma_start3A_226 = tpu.memref_slice %arg4[%add3A, %dma_start3A_225] : memref<16x128xf32, #tpu.memory_space<hbm>> -> memref<1x128xf32, #tpu.memory_space<hbm>>
        %dma_start3A_227 = tpu.memref_squeeze %dma_start3A_226 : memref<1x128xf32, #tpu.memory_space<hbm>> -> memref<128xf32, #tpu.memory_space<hbm>>
        tpu.enqueue_dma source(%arg6 : memref<128xf32, #tpu.memory_space<vmem>>) target(%dma_start3A_227 : memref<128xf32, #tpu.memory_space<hbm>>) target_semaphore(%run_scoped3A : memref<!tpu.dma_semaphore, #tpu.memory_space<semaphore_mem>>)
        %dma_wait3A_228 = arith.constant 0 : i32
        %dma_wait3A_229 = tpu.memref_slice %arg4[%add3A, %dma_wait3A_228] : memref<16x128xf32, #tpu.memory_space<hbm>> -> memref<1x128xf32, #tpu.memory_space<hbm>>
        %dma_wait3A_230 = tpu.memref_squeeze %dma_wait3A_229 : memref<1x128xf32, #tpu.memory_space<hbm>> -> memref<128xf32, #tpu.memory_space<hbm>>
        %dma_wait3A_231 = arith.constant 0 : i32
        %dma_wait3A_232 = tpu.memref_slice %arg4[%add3A, %dma_wait3A_231] : memref<16x128xf32, #tpu.memory_space<hbm>> -> memref<1x128xf32, #tpu.memory_space<hbm>>
        %dma_wait3A_233 = tpu.memref_squeeze %dma_wait3A_232 : memref<1x128xf32, #tpu.memory_space<hbm>> -> memref<128xf32, #tpu.memory_space<hbm>>
        tpu.wait_dma2 semaphore(%run_scoped3A : memref<!tpu.dma_semaphore, #tpu.memory_space<semaphore_mem>>) src(%arg6 : memref<128xf32, #tpu.memory_space<vmem>>) dst(%dma_wait3A_233 : memref<128xf32, #tpu.memory_space<hbm>>)
        tpu.yield
      }) : () -> ()
    } else {
    }
    return
  }
}

module attributes {stable_mosaic.version = 14 : i64} {
  func.func @_softmax_body(%arg0: i32, %arg1: memref<1x128x128xf32, #tpu.memory_space<vmem>>, %arg2: memref<1x128x128xf32, #tpu.memory_space<vmem>>) attributes {dimension_semantics = [#tpu.dimension_semantics<arbitrary>], iteration_bounds = array<i64: 65>, scalar_prefetch = 0 : i64, scratch_operands = 0 : i64, tpu.core_type = #tpu.core_type<tc>, window_params = [{transform_indices = @transform_0, window_bounds = array<i64: 1, 128, 128>}, {transform_indices = @transform_1, window_bounds = array<i64: 1, 128, 128>}]} {
    %lt3A = arith.constant 64 : i32
    %lt3A_0 = arith.cmpi slt, %arg0, %lt3A : i32
    %convert_element_type3A = arith.extui %lt3A_0 : i1 to i32
    %cond3A = arith.constant 0 : i32
    %cond3A_1 = arith.cmpi ne, %convert_element_type3A, %cond3A : i32
    scf.if %cond3A_1 {
      %get3A = arith.constant 0 : index
      %get3A_6 = arith.constant 0 : index
      %get3A_7 = arith.constant 0 : index
      %get3A_8 = vector.load %arg1[%get3A, %get3A_6, %get3A_7] : memref<1x128x128xf32, #tpu.memory_space<vmem>>, vector<1x128x128xf32>
      %get3A_9 = vector.shape_cast %get3A_8 : vector<1x128x128xf32> to vector<128x128xf32>
      %reduce_max3A = arith.constant dense<0xFF800000> : vector<128xf32>
      %reduce_max3A_10 = vector.multi_reduction <maximumf>, %get3A_9, %reduce_max3A [1] : vector<128x128xf32> to vector<128xf32>
      %broadcast_in_dim3A = vector.shape_cast %reduce_max3A_10 : vector<128xf32> to vector<128x1xf32>
      %sub3A = vector.broadcast %broadcast_in_dim3A : vector<128x1xf32> to vector<128x128xf32>
      %sub3A_11 = arith.subf %get3A_9, %sub3A : vector<128x128xf32>
      %exp3A = math.exp %sub3A_11 : vector<128x128xf32>
      %reduce_sum3A = arith.constant dense<0.000000e+00> : vector<128xf32>
      %reduce_sum3A_12 = vector.multi_reduction <add>, %exp3A, %reduce_sum3A [1] : vector<128x128xf32> to vector<128xf32>
      %broadcast_in_dim3A_13 = vector.shape_cast %reduce_sum3A_12 : vector<128xf32> to vector<128x1xf32>
      %div3A = vector.broadcast %broadcast_in_dim3A_13 : vector<128x1xf32> to vector<128x128xf32>
      %div3A_14 = arith.divf %exp3A, %div3A : vector<128x128xf32>
      %swap3A = arith.constant 0 : index
      %swap3A_15 = arith.constant 0 : index
      %swap3A_16 = arith.constant 0 : index
      %swap3A_17 = vector.load %arg2[%swap3A, %swap3A_15, %swap3A_16] : memref<1x128x128xf32, #tpu.memory_space<vmem>>, vector<1x128x128xf32>
      %swap3A_18 = vector.shape_cast %swap3A_17 : vector<1x128x128xf32> to vector<128x128xf32>
      %swap3A_19 = vector.shape_cast %div3A_14 : vector<128x128xf32> to vector<1x128x128xf32>
      tpu.vector_store %arg2[%swap3A, %swap3A_15, %swap3A_16], %swap3A_19 {strides = array<i32>} : memref<1x128x128xf32, #tpu.memory_space<vmem>>, vector<1x128x128xf32>,
    } else {
    }
    %eq3A = arith.constant 64 : i32
    %eq3A_2 = arith.cmpi eq, %arg0, %eq3A : i32
    %convert_element_type3A_3 = arith.extui %eq3A_2 : i1 to i32
    %cond3A_4 = arith.constant 0 : i32
    %cond3A_5 = arith.cmpi ne, %convert_element_type3A_3, %cond3A_4 : i32
    scf.if %cond3A_5 {
      %iota3A = tpu.iota {dimensions = array<i32: 0>} : vector<128x128xi32>
      %iota3A_6 = tpu.iota {dimensions = array<i32: 1>} : vector<128x128xi32>
      %eq3A_7 = arith.cmpi eq, %iota3A, %iota3A_6 : vector<128x128xi32>
      %jit3A = arith.constant 1.000000e+00 : f32
      %jit3A_8 = arith.constant 0.000000e+00 : f32
      %broadcast_in_dim3A = vector.broadcast %jit3A : f32 to vector<128x128xf32>
      %broadcast_in_dim3A_9 = vector.broadcast %jit3A_8 : f32 to vector<128x128xf32>
      %select_n3A = arith.select %eq3A_7, %broadcast_in_dim3A, %broadcast_in_dim3A_9 : vector<128x128xi1>, vector<128x128xf32>
      %swap3A = arith.constant 0 : index
      %swap3A_10 = arith.constant 0 : index
      %swap3A_11 = arith.constant 0 : index
      %swap3A_12 = vector.load %arg2[%swap3A, %swap3A_10, %swap3A_11] : memref<1x128x128xf32, #tpu.memory_space<vmem>>, vector<1x128x128xf32>
      %swap3A_13 = vector.shape_cast %swap3A_12 : vector<1x128x128xf32> to vector<128x128xf32>
      %swap3A_14 = vector.shape_cast %select_n3A : vector<128x128xf32> to vector<1x128x128xf32>
      tpu.vector_store %arg2[%swap3A, %swap3A_10, %swap3A_11], %swap3A_14 {strides = array<i32>} : memref<1x128x128xf32, #tpu.memory_space<vmem>>, vector<1x128x128xf32>,
    } else {
    }
    return
  }
  func.func @transform_0(%arg0: i32) -> (i32, i32, i32) {
    %min3A = arith.constant 63 : i32
    %min3A_0 = arith.minsi %arg0, %min3A : i32
    %c0_i32 = arith.constant 0 : i32
    %c0_i32_1 = arith.constant 0 : i32
    %c0_i32_2 = arith.constant 0 : i32
    return %min3A_0, %c0_i32, %c0_i32_1 : i32, i32, i32
  }
  func.func @transform_1(%arg0: i32) -> (i32, i32, i32) {
    %c0_i32 = arith.constant 0 : i32
    %c0_i32_0 = arith.constant 0 : i32
    %c0_i32_1 = arith.constant 0 : i32
    return %arg0, %c0_i32, %c0_i32_0 : i32, i32, i32
  }
}

module attributes {stable_mosaic.version = 14 : i64} {
  func.func @_final_body(%arg0: memref<16x128xf32, #tpu.memory_space<vmem>>, %arg1: memref<1x128xf32, #tpu.memory_space<vmem>>, %arg2: memref<16x1xf32, #tpu.memory_space<vmem>>) attributes {dimension_semantics = [], scalar_prefetch = 0 : i64, scratch_operands = 0 : i64, tpu.core_type = #tpu.core_type<tc>} {
    %get3A = arith.constant 0 : index
    %get3A_0 = arith.constant 0 : index
    %get3A_1 = vector.load %arg1[%get3A, %get3A_0] : memref<1x128xf32, #tpu.memory_space<vmem>>, vector<1x128xf32>
    %reduce_max3A = vector.shape_cast %get3A_1 : vector<1x128xf32> to vector<1x1x128xf32>
    %reduce_max3A_2 = arith.constant dense<0xFF800000> : vector<1xf32>
    %reduce_max3A_3 = vector.multi_reduction <maximumf>, %reduce_max3A, %reduce_max3A_2 [1, 2] : vector<1x1x128xf32> to vector<1xf32>
    %reduce_max3A_4 = vector.shape_cast %reduce_max3A_3 : vector<1xf32> to vector<1x1x1xf32>
    %reduce_max3A_5 = vector.extract %reduce_max3A_4[0, 0, 0] : f32 from vector<1x1x1xf32>
    %sub3A = vector.broadcast %reduce_max3A_5 : f32 to vector<1x128xf32>
    %sub3A_6 = arith.subf %get3A_1, %sub3A : vector<1x128xf32>
    %exp3A = math.exp %sub3A_6 : vector<1x128xf32>
    %get3A_7 = arith.constant 0 : index
    %get3A_8 = arith.constant 0 : index
    %get3A_9 = vector.load %arg0[%get3A_7, %get3A_8] : memref<16x128xf32, #tpu.memory_space<vmem>>, vector<16x128xf32>
    %mul3A = vector.broadcast %exp3A : vector<1x128xf32> to vector<16x128xf32>
    %mul3A_10 = arith.mulf %get3A_9, %mul3A : vector<16x128xf32>
    %reduce_sum3A = arith.constant dense<0.000000e+00> : vector<16xf32>
    %reduce_sum3A_11 = vector.multi_reduction <add>, %mul3A_10, %reduce_sum3A [1] : vector<16x128xf32> to vector<16xf32>
    %broadcast_in_dim3A = vector.shape_cast %reduce_sum3A_11 : vector<16xf32> to vector<16x1xf32>
    %log3A = math.log %broadcast_in_dim3A : vector<16x1xf32>
    %add3A = vector.broadcast %reduce_max3A_5 : f32 to vector<16x1xf32>
    %add3A_12 = arith.addf %log3A, %add3A : vector<16x1xf32>
    %swap3A = arith.constant 0 : index
    %swap3A_13 = arith.constant 0 : index
    %swap3A_14 = vector.load %arg2[%swap3A, %swap3A_13] : memref<16x1xf32, #tpu.memory_space<vmem>>, vector<16x1xf32>
    tpu.vector_store %arg2[%swap3A, %swap3A_13], %add3A_12 {strides = array<i32>} : memref<16x1xf32, #tpu.memory_space<vmem>>, vector<16x1xf32>,
    return
  }
}

</mosaic_0001>

<sc_bundles>
// kernel: kernel.5.cloned.1.call-start
scs
__scs_entry_jumppad:
0x0: {  	(pc) =	sbr.rel $0x88, $3  }
0x1: {  	(tag) =	ssettag $0x0;
	lr =	simm.s32 $0x1  }
0x2: {  	[smem:$0x3F9D] =	sst lr;
	_ =	strace $0xD0000000  }
0x3: {  	_ = 	snop  }
0x4: {  	_ = 	snop  }
0x5: {  	_ = 	snop  }
0x6: {  	_ = 	snop  }
0x7: {  	_ = 	snop  }
__scs_overlays_trampoline_lowered:
0x8: {  	[smem:$0x3FAC] =	sst s0  }
0x9: {  	[smem:$0x3FAD] =	sst s1  }
0xa: {  	[smem:$0x3FAE] =	sst s2  }
0xb: {  	[smem:$0x3FAF] =	sst s3  }
0xc: {  	[smem:$0x3FB0] =	sst s4  }
0xd: {  	[smem:$0x3FB1] =	sst s5  }
0xe: {  	[smem:$0x3FB2] =	sst s6  }
0xf: {  	[smem:$0x3FB3] =	sst s7  }
0x10: {  	[smem:$0x3FB4] =	sst s8  }
0x11: {  	[smem:$0x3FB5] =	sst s9;
	s0 =	simm.s32 @!p0 $0x0  }
0x12: {  	s1 =	sld [smem:$0x3F9B];
	s0 =	simm.s32 @p0 $0x1  }
0x13: {  	[smem:$0x3FB6] =	sst s0;
	s0 =	simm.s32 @!p1 $0x0  }
0x14: {  	s2 =	sld [smem:$0x3F9A];
	s0 =	simm.s32 @p1 $0x1  }
0x15: {  	[smem:$0x3FB7] =	sst s0;
	s0 =	simm.s32 @!p2 $0x0  }
0x16: {  	s3 =	sld [smem:$0x3FDB];
	s0 =	simm.s32 @p2 $0x1  }
0x17: {  	s4 =	simm.s32 $0x1BF5;
	[smem:$0x3FB9] =	sst s0  }
0x18: {  	s0 =	sld [smem:$0x3F9C];
	_ =	swait.ge [sflag:s4], $0x0  }
0x19: {  	s7 =	sld [smem:$0x3F9D]  }
0x1a: {  	s8 =	sadd.s32 $0xFFFFE003, lr  }
0x1b: {  	s9 =	sadd.s32 $0xFFFFFEF7, lr;
	s5 =	simm.s32 $0xFFFFFFFF;
	p2 =	slt.u32 s8, $0xFFFFF086  }
0x1c: {  	p1 =	slt.u32 s9, $0xF7A;
	s5 =	simm.s32 @!p2 $0x0  }
0x1d: {  	s5 =	simm.s32 @p1 $0x1;
	p0 =	seq.s32 s7, s2  }
0x1e: {  	s7 =	smul.u32 @!p0 $0xF7A, s2;
	p2 =	seq.s32 @!p0 s5, $0x0  }
0x1f: {  	s9 =	smul.u32 $0xF7A, s1;
	s8 =	simm.s32 @!p0 $0x1BF5;
	p2 =	por !p2, p0  }
0x20: {  	[sflag:s8] =	ssyncset.s32 @!p0 $0xFFFFF086;
	s6 =	sadd.s32 @!p0 s3, s7;
	s7 =	simm.s32 @!p0 $0x108  }
0x21: {  	s3 =	sadd.s32 s3, s9;
	s6 =	sadd.s32 @!p0 $0x88, s6;
	s7 =	simm.s32 @p2 $0x1082  }
0x22: {  	[simem:s7], [sflag:s8] =	dma.local @!p0 [hbm:s6], $0xF7A  }
0x23: {  	s9 =	sor.u32 $0xD0000000, s2;
	s6 =	simm.s32 $0x108;
	_ =	swait.ge @!p0 [sflag:s8], $0x0  }
0x24: {  	s3 =	sadd.s32 $0x88, s3;
	s6 =	simm.s32 @!p1 $0x1082;
	[sflag:s4] =	ssyncset.s32 $0xFFFFF086  }
0x25: {  	[simem:s6], [sflag:s4] =	dma.local [hbm:s3], $0xF7A  }
0x26: {  	[smem:$0x3F9D] =	sst s1;
	(tag) =	ssettag s2;
	_ =	strace s9  }
0x27: {  	s1 =	sld [smem:$0x3FAD]  }
0x28: {  	s2 =	sld [smem:$0x3FAE]  }
0x29: {  	s4 =	sld [smem:$0x3FB0]  }
0x2a: {  	p0 =	seq.s32 s5, $0x0;
	s5 =	sld [smem:$0x3FB1]  }
0x2b: {  	s6 =	sld [smem:$0x3FB2]  }
0x2c: {  	s7 =	sld [smem:$0x3FB3]  }
0x2d: {  	s3 =	simm.s32 $0x108;
	s8 =	sld [smem:$0x3FB4]  }
0x2e: {  	s3 =	simm.s32 @!p0 $0x1082;
	s9 =	sld [smem:$0x3FB5]  }
0x2f: {  	lr =	sadd.s32 s0, s3;
	s0 =	sld [smem:$0x3FAC]  }
0x30: {  	s3 =	sld [smem:$0x3FAF]  }
0x31: {  	[smem:$0x3FB8] =	sst s10  }
0x32: {  	s10 =	sld [smem:$0x3FB6];
	_ =	sdelay $0x3  }
0x33: {  	p0 =	seq.s32 s10, $0x1;
	s10 =	sld [smem:$0x3FB8];
	_ =	sdelay $0x3  }
0x34: {  	[smem:$0x3FB8] =	sst s10  }
0x35: {  	s10 =	sld [smem:$0x3FB7];
	_ =	sdelay $0x3  }
0x36: {  	p1 =	seq.s32 s10, $0x1;
	s10 =	sld [smem:$0x3FB8];
	_ =	sdelay $0x3  }
0x37: {  	[smem:$0x3FB8] =	sst s10  }
0x38: {  	s10 =	sld [smem:$0x3FB9]  }
0x39: {  	_ = 	snop;
	(pc) =	sbr.ind lr, $3  }
0x3a: {  	_ = 	snop  }
0x3b: {  	_ = 	snop  }
0x3c: {  	p2 =	seq.s32 s10, $0x1;
	s10 =	sld [smem:$0x3FB8]  }
0x3d: {  	_ =	shalt  }
0x3e: {  	_ =	shalt  }
0x3f: {  	_ =	shalt  }
0x40: {  	_ =	shalt  }
0x41: {  	_ =	shalt  }
0x42: {  	_ =	shalt  }
0x43: {  	_ =	shalt  }
0x44: {  	_ =	shalt  }
0x45: {  	_ =	shalt  }
0x46: {  	_ =	shalt  }
0x47: {  	_ =	shalt  }
0x48: {  	_ =	shalt  }
0x49: {  	_ =	shalt  }
0x4a: {  	_ =	shalt  }
0x4b: {  	_ =	shalt  }
0x4c: {  	_ =	shalt  }
0x4d: {  	_ =	shalt  }
0x4e: {  	_ =	shalt  }
0x4f: {  	_ =	shalt  }
0x50: {  	_ =	shalt  }
0x51: {  	_ =	shalt  }
0x52: {  	_ =	shalt  }
0x53: {  	_ =	shalt  }
0x54: {  	_ =	shalt  }
0x55: {  	_ =	shalt  }
0x56: {  	_ =	shalt  }
0x57: {  	_ =	shalt  }
0x58: {  	_ =	shalt  }
0x59: {  	_ =	shalt  }
0x5a: {  	_ =	shalt  }
0x5b: {  	_ =	shalt  }
0x5c: {  	_ =	shalt  }
0x5d: {  	_ =	shalt  }
0x5e: {  	_ =	shalt  }
0x5f: {  	_ =	shalt  }
0x60: {  	_ =	shalt  }
0x61: {  	_ =	shalt  }
0x62: {  	_ =	shalt  }
0x63: {  	_ =	shalt  }
0x64: {  	_ =	shalt  }
0x65: {  	_ =	shalt  }
0x66: {  	_ =	shalt  }
0x67: {  	_ =	shalt  }
0x68: {  	_ =	shalt  }
0x69: {  	_ =	shalt  }
0x6a: {  	_ =	shalt  }
0x6b: {  	_ =	shalt  }
0x6c: {  	_ =	shalt  }
0x6d: {  	_ =	shalt  }
0x6e: {  	_ =	shalt  }
0x6f: {  	_ =	shalt  }
0x70: {  	_ =	shalt  }
0x71: {  	_ =	shalt  }
0x72: {  	_ =	shalt  }
0x73: {  	_ =	shalt  }
0x74: {  	_ =	shalt  }
0x75: {  	_ =	shalt  }
0x76: {  	_ =	shalt  }
0x77: {  	_ =	shalt  }
0x78: {  	_ =	shalt  }
0x79: {  	_ =	shalt  }
0x7a: {  	_ =	shalt  }
0x7b: {  	_ =	shalt  }
0x7c: {  	_ =	shalt  }
0x7d: {  	_ =	shalt  }
0x7e: {  	_ =	shalt  }
0x7f: {  	_ =	shalt  }
0x80: {  	_ =	shalt  }
0x81: {  	_ =	shalt  }
0x82: {  	_ =	shalt  }
0x83: {  	_ =	shalt  }
0x84: {  	_ =	shalt  }
0x85: {  	_ =	shalt  }
0x86: {  	_ =	shalt  }
0x87: {  	_ =	shalt  }
.Lfunc_end0:
.L_simem_size_0:
called_computation_lowered:
.L_overlay_start_0:
0x88: {  	s2 =	sld [smem:$0x3FD9]  }
0x89: {  	s3 =	sld [smem:$0x3FFE];
	_ =	sdelay $0x1  }
0x8a: {  	s1 =	srdreg.scid  }
0x8b: {  	s0 =	sand.u32 $0x1, s1  }
0x8c: {  	s16 =	sshll.u32 s0, $0xA;
	s2 =	sadd.s32 s3, s2  }
0x8d: {  	s2 =	sadd.s32 s2, s16  }
0x8e: {  	[smem:$0x3FC4] =	sst s2  }
0x8f: {  	_ = 	snop  }
0x90: {  	(tm) =	ssettm $0x1  }
0x91: {  	s17 =	sld [smem:$0x3FFB];
	_ =	sdelay $0x3  }
0x92: {  	_ =	strace s17  }
0x93: {  	s2 =	sld [smem:$0x3FFC];
	_ =	sdelay $0x3  }
0x94: {  	_ =	strace s2  }
0x95: {  	s2 =	sld [smem:$0x3FFD];
	_ =	sdelay $0x3  }
0x96: {  	_ =	strace s2  }
0x97: {  	_ =	strace $0x8FFFFFFF  }
0x98: {  	s18 =	sld [smem:$0x3FDB];
	_ =	sdelay $0x1  }
0x99: {  	s19 =	simm.s32 $_scs_section_size  }
0x9a: {  	s4 =	simm.s32 $_size__tile_overlayer_lowered;
	s5 =	simm.s32 $_tile_overlayer_lowered  }
0x9b: {  	s22 =	simm.s32 $0x1BFF;
	s21 =	sshll.u32 s5, $0x1;
	s2 =	sadd.s32 s19, s18  }
0x9c: {  	s6 =	simm.s32 $0x0;
	s20 =	sshll.u32 s4, $0x1;
	s4 =	sadd.s32 s21, s2  }
0x9d: {  	[timem:s6], [sflag:s22] =	dma.local [hbm:s4], s20  }
0x9e: {  	_ =	swait.ge [sflag:s22], s20  }
0x9f: {  	s3 =	ssub.s32 $0x0, s20;
	[sflag:s22] =	ssyncset.done $0x0  }
0xa0: {  	[sflag:s22] =	ssyncadd.s32 s3;
	_ =	sdelay $0x1  }
0xa1: {  	s23 =	simm.s32 $0x1B8B  }
0xa2: {  	_ =	swait.ge [sflag:s23], $0x1  }
0xa3: {  	[sflag:s23] =	ssyncset.done $0x0  }
0xa4: {  	s25 =	simm.s32 $0x1B8E;
	s24 =	sld [smem:$0x3FFE];
	[sflag:s23] =	ssyncadd.s32 $0xFFFFFFFF  }
0xa5: {  	s26 =	simm.s32 $execute0_lowered;
	[smem:$0x3FD2] =	sst s25  }
0xa6: {  	s4 =	sshll.u32 s26, $0x1;
	_ =	strace $0x80000046;
	[dreg:$0x1] =	wrdreg $0xFFFFFFFF  }
0xa7: {  	s28 =	simm.s32 $_size_execute0_lowered;
	s2 =	sadd.s32 s2, s4;
	[dreg:$0x0] =	wrdreg $0x0  }
0xa8: {  	s4 =	sshll.u32 s28, $0x1;
	[dreg:$0x2] =	wrdreg s2  }
0xa9: {  	[dreg:$0x3] =	wrdreg s4  }
0xaa: {  	[dreg:$0x4] =	wrdreg $0xC0  }
0xab: {  	_ =	task [dreg:s6], $0x5FFFF  }
0xac: {  	[dreg:$0x1] =	wrdreg $0xFFFFFFFF  }
0xad: {  	[dreg:$0x0] =	wrdreg $0x60  }
0xae: {  	[dreg:$0x2] =	wrdreg s24  }
0xaf: {  	[dreg:$0x3] =	wrdreg $0x44000  }
0xb0: {  	[dreg:$0x4] =	wrdreg $0x9  }
0xb1: {  	_ =	task.clear_ibuf [dreg:s6], $0x5FFFF;
	_ =	strace $0x90000046  }
0xb2: {  	s29 =	simm.s32 $0x9;
	_ =	strace $0x80000048  }
0xb3: {  	_ =	swait.ge [sflag:s29], $0x1  }
0xb4: {  	[sflag:s29] =	ssyncadd.s32 $0xFFFFFFFF  }
0xb5: {  	_ =	strace $0x90000048  }
0xb6: {  	_ =	sfence  }
0xb7: {  	s30 =	sld [smem:$0x0];
	_ =	sdelay $0x2  }
0xb8: {  	s31 =	sshll.u32 s1, $0xD;
	s1 =	sshrl.u32 s1, $0x2  }
0xb9: {  	s3 =	sand.u32 $0x4000, s31;
	s1 =	sadd.s32 s1, s30  }
0xba: {  	s0 =	sor.u32 s3, s0;
	s1 =	sshll.u32 s1, $0x11  }
0xbb: {  	s0 =	sor.u32 s1, s0  }
0xbc: {  	s0 =	sadd.s32 $0x8F2B, s0  }
0xbd: {  	[sflag:s0] =	ssyncadd.remote.s32 $0x1  }
0xbe: {  	_ =	sfence.sel $0xFFFF  }
0xbf: {  	[dreg:$0x0] =	wrdreg $0xFFFFFFFF;
	(pc) =	sbr.abs _section_cstart, $3  }
0xc0: {  	[dreg:$0x1] =	wrdreg $0xFFFFFFFF  }
0xc1: {  	_ =	task.clear_ibuf [dreg:s6], $0x2FFFF;
	_ =	strace $0x9FFFFFFF  }
0xc2: {  	(tm) =	ssettm $0x7FFFFFFF  }
0xc3: {  	_ =	shalt  }
tec
execute0_lowered:
.L_overlay_start_1:
0x0: {  	(tag) =	ssettag $0x1  }
0x1: {  	s4 =	rddreg [dreg:$0x0]  }
0x2: {  	s8 =	rddreg [dreg:$0x1]  }
0x3: {  	s0 =	rddreg [dreg:$0x2];
	s2 =	simm.s32 $0x0  }
0x4: {  	s3 =	srdreg.scid;
	s1 =	stileid.u32;
	s16 =	simm.s32 $0x80  }
0x5: {  	s17 =	simm.s32 $0x400;
	s18 =	simm.s32 $0x3;
	s19 =	simm.s32 $0x2400  }
0x6: {  	s20 =	simm.s32 $0x1;
	s21 =	simm.s32 $0x300;
	s22 =	simm.s32 $0x380  }
0x7: {  	s23 =	simm.s32 $0x2;
	[smem:$0x7FF] =	sst s2;
	s5 =	sand.u32 $0x1, s3  }
0x8: {  	s6 =	sshll.u32 s1, $0x6;
	s3 =	sadd.s32 $0xA00, s4;
	s24 =	sand.u32 $0x1, s1  }
0x9: {  	s31 =	sshll.u32 s1, $0x7;
	_ =	strace $0x80000047;
	s7 =	sand.u32 $0x380, s6  }
0xa: {  	s9 =	sshll.u32 s5, $0xC;
	s10 =	sshll.u32 s5, $0xA;
	s5 =	ssub.s32 $0x2, s5  }
0xb: {  	p0 =	sne.s32 s24, $0x0;
	s7 =	sor.u32 s9, s7;
	s6 =	sor.u32 s6, s10  }
0xc: {  	s30 =	sshrl.u32 s5, $0x1;
	s9 =	sxor.u32 $0x80, s31;
	s7 =	sshrl.u32 s7, $0x3  }
0xd: {  	s6 =	sshrl.u32 s6, $0x3;
	s15 =	ssub.s32 s5, s30;
	s5 =	sshll.u32 s24, $0xD  }
0xe: {  	s7 =	sadd.s32 s7, s4;
	s14 =	sadd.s32 s6, s4;
	s6 =	sshll.u32 s24, $0x6  }
0xf: {  	vm0 =	vcmask $0x300;
	v0 =	vimm.f32 $0.0e+00;
	s15 =	smax.u32 s15, $0x1;
	s24 =	simm.s32 $0x0;
	s4 =	sadd.s32 $0x21200, s7  }
0x10: {  	v0 =	vsel vm0, $0x3F800000, v0;
	s25 =	sor.u32 $0x280, s6;
	s7 =	sadd.s32 s31, s8;
	s8 =	sadd.s32 s9, s8  }
0x11: {  	[tilespmem:$0x1FFE0] =	vst v0;
	s9 =	sor.u32 $0x10, s6;
	s10 =	sor.u32 $0x20, s6;
	s11 =	sor.u32 $0x30, s6;
	v39 =	vmov s25  }
0x12: {  	s14 =	sadd.s32 $0x21600, s14;
	s12 =	sadd.s32 $0x800, s7;
	s13 =	sadd.s32 $0x800, s8;
	[tilespmem:$0x1FFF0] =	vst v39  }
.LBB2_1:
0x13: {  	[tilespmem:s2], [sflag:$0x3] =	stream.strided.gather [hbm4b:s4+s16], $0x200, s17, s16, $0x38;
	[tilespmem:$0x4500] =	vst v63  }
0x14: {  	_ =	swait.ge [sflag:s18], $0x200  }
0x15: {  	[sflag:s18] =	ssyncset.done $0x0  }
0x16: {  	[sflag:s18] =	ssyncadd.s32 $0xFFFFFE00  }
0x17: {  	v0 =	vld [tilespmem:$0x0];
	_ =	sdelay $0x4  }
0x18: {  	(v2sf) =	vpush v0, $0x0;
	_ =	sdelay $0x8  }
0x19: {  	v60 =	vimm.s32 $0x40  }
0x1a: {  	[tilespmem:$0x200] =	vst v60  }
0x1b: {  	v62 =	vimm.f32 $0.0e+00;
	[tilespmem:$0x210] =	vst v60  }
0x1c: {  	[tilespmem:$0x290] =	vst v62  }
0x1d: {  	[tilespmem:$0x2A0] =	vst v62  }
0x1e: {  	v61 =	vld [tilespmem:$0x1FFE0];
	[tilespmem:$0x2B0] =	vst v62  }
0x1f: {  	[tilespmem:$0x2C0] =	vst v62;
	s25 =	spop (v2sf)  }
0x20: {  	[tilespmem:$0x2D0] =	vst v62;
	s25 =	sshll.u32 s25, $0xE  }
0x21: {  	[tilespmem:$0x2E0] =	vst v62;
	s25 =	sor.u32 s5, s25  }
0x22: {  	[tilespmem:$0x2F0] =	vst v62;
	s25 =	sshrl.u32 s25, $0x3  }
0x23: {  	[tilespmem:$0x280] =	vst v61;
	s25 =	sadd.s32 s3, s25  }
0x24: {  	[tilespmem:s17], [sflag:$0x1] =	stream.linear.gather [hbm4b:s25+s2], $0x2000, $0x38;
	[tilespmem:$0x4500] =	vst v63  }
0x25: {  	v63 =	vld [tilespmem:$0x1];
	_ =	sdelay $0x4  }
0x26: {  	(v2sf) =	vpush v63, $0x0;
	_ =	sdelay $0xe  }
0x27: {  	s31 =	spop (v2sf)  }
0x28: {  	s25 =	sshll.u32 s31, $0xE  }
0x29: {  	s25 =	sor.u32 s5, s25  }
0x2a: {  	s25 =	sshrl.u32 s25, $0x3  }
0x2b: {  	s25 =	sadd.s32 s3, s25  }
0x2c: {  	[tilespmem:s19], [sflag:$0x2] =	stream.linear.gather [hbm4b:s25+s2], $0x2000, $0x38;
	[tilespmem:$0x4500] =	vst v63  }
0x2d: {  	s25 =	simm.s32 $0x0  }
.LBB2_2:
0x2e: {  	_ =	swait.ge [sflag:s20], $0x2000  }
0x2f: {  	[sflag:s20] =	ssyncset.done $0x0  }
0x30: {  	s28 =	simm.s32 $0x800;
	[sflag:s20] =	ssyncadd.s32 $0xFFFFE000  }
0x31: {  	v13 =	vld [tilespmem:s28+$0x380]  }
0x32: {  	v32 =	vld [tilespmem:s28+$0x390]  }
0x33: {  	v34 =	vld [tilespmem:s28+$0x3A0]  }
0x34: {  	v36 =	vld [tilespmem:s28+$0x3B0]  }
0x35: {  	v42 =	vld [tilespmem:s28+$0x3C0]  }
0x36: {  	v43 =	vld [tilespmem:s28+$0x3D0]  }
0x37: {  	v44 =	vld [tilespmem:s28+$0x300]  }
0x38: {  	v45 =	vld [tilespmem:s28+$0x310]  }
0x39: {  	v51 =	vld [tilespmem:s28+$0x320]  }
0x3a: {  	v52 =	vld [tilespmem:s28+$0x330]  }
0x3b: {  	v53 =	vld [tilespmem:s28+$0x340]  }
0x3c: {  	v54 =	vld [tilespmem:s28+$0x350]  }
0x3d: {  	v55 =	vld [tilespmem:s28+$0x280]  }
0x3e: {  	v56 =	vld [tilespmem:s28+$0x290]  }
0x3f: {  	v57 =	vld [tilespmem:s28+$0x2A0]  }
0x40: {  	v50 =	vld [tilespmem:s28+$0x2B0]  }
0x41: {  	v19 =	vld [tilespmem:s28+$0x2C0]  }
0x42: {  	v0 =	vld [tilespmem:s28+$0x120]  }
0x43: {  	v49 =	vld [tilespmem:s28+$0x2D0]  }
0x44: {  	v48 =	vld [tilespmem:s28+$0x200]  }
0x45: {  	v47 =	vld [tilespmem:s28+$0x210]  }
0x46: {  	v24 =	vld [tilespmem:s28+$0x220]  }
0x47: {  	[tilespmem:$0x1FF40] =	vst v0;
	v0 =	vld [tilespmem:s28+$0x130]  }
0x48: {  	v18 =	vld [tilespmem:s28+$0x230]  }
0x49: {  	s26 =	simm.s32 $0x0;
	v14 =	vld [tilespmem:s28+$0x240]  }
0x4a: {  	v25 =	vld.idx.msk [tilespmem:v39+s26+$0x0 ss:$0x1], $0xffff  }
0x4b: {  	v23 =	vld [tilespmem:s28+$0x250]  }
0x4c: {  	[tilespmem:$0x1FF60] =	vst v0;
	v0 =	vld [tilespmem:s28+$0x140]  }
0x4d: {  	v21 =	vld [tilespmem:s28+$0xFFFFFC80]  }
0x4e: {  	v16 =	vld [tilespmem:s28+$0xFFFFFC00]  }
0x4f: {  	v22 =	vld [tilespmem:s28+$0xFFFFFC10];
	v5 =	vbroadcast v25, $0xE  }
0x50: {  	v26 =	vld [tilespmem:s28+$0xFFFFFC90];
	v4 =	vbroadcast v25, $0xF;
	v7 =	vbroadcast v25, $0xC  }
0x51: {  	v6 =	vbroadcast v25, $0xD;
	v11 =	vbroadcast v25, $0xA;
	[tilespmem:$0x1FF70] =	vst v0;
	v0 =	vld [tilespmem:s28+$0x150]  }
0x52: {  	v31 =	vld [tilespmem:s28+$0xFFFFFC20];
	v8 =	vbroadcast v25, $0xB;
	v30 =	vbroadcast v25, $0x0  }
0x53: {  	v58 =	vld [tilespmem:s28+$0xFFFFFC30];
	v15 =	vbroadcast v25, $0x8;
	v12 =	vbroadcast v25, $0x9  }
0x54: {  	v60 =	vld [tilespmem:s28+$0xFFFFFCA0];
	v27 =	vbroadcast v25, $0x1;
	v17 =	vbroadcast v25, $0x6  }
0x55: {  	v62 =	vld [tilespmem:s28+$0xFFFFFCB0];
	v59 =	vmul.f32 v16, v30;
	v61 =	vmul.f32 v22, v30  }
0x56: {  	v16 =	vbroadcast v25, $0x7;
	v21 =	vmul.f32 v21, v27;
	[tilespmem:$0x1FF80] =	vst v0;
	v0 =	vld [tilespmem:s28+$0xB0]  }
0x57: {  	v63 =	vld [tilespmem:s28+$0xFFFFFD00];
	v22 =	vbroadcast v25, $0x4;
	v13 =	vmul.f32 v13, v4  }
0x58: {  	v20 =	vimm.f32 $0.0e+00;
	v1 =	vld [tilespmem:s28+$0xFFFFFD20];
	v26 =	vmul.f32 v26, v27;
	v31 =	vmul.f32 v31, v30  }
0x59: {  	v46 =	vld [tilespmem:s28+$0x180];
	v58 =	vmul.f32 v58, v30;
	v61 =	vadd.f32 v61, v20;
	[tilespmem:$0x1FE70] =	vst v13;
	v13 =	vimm.f32 $0.0e+00  }
0x5a: {  	v2 =	vld [tilespmem:s28+$0xFFFFFD10];
	v60 =	vmul.f32 v60, v27;
	v59 =	vadd.f32 v59, v20;
	[tilespmem:$0x1FE80] =	vst v13;
	v13 =	vmul.f32 v32, v4  }
0x5b: {  	v3 =	vld [tilespmem:s28+$0xFFFFFD30];
	v61 =	vadd.f32 v26, v61;
	v26 =	vbroadcast v25, $0x2;
	[tilespmem:$0x1FF50] =	vst v0;
	v0 =	vadd.f32 v31, v20  }
0x5c: {  	v59 =	vadd.f32 v21, v59;
	v20 =	vadd.f32 v58, v20;
	v58 =	vmul.f32 v62, v27;
	v62 =	vld [tilespmem:s28+$0xFFFFFD80]  }
0x5d: {  	v32 =	vmul.f32 v63, v26;
	v63 =	vld [tilespmem:s28+$0xFFFFFD90];
	v1 =	vmul.f32 v1, v26;
	v0 =	vadd.f32 v60, v0  }
0x5e: {  	v21 =	vbroadcast v25, $0x5;
	[tilespmem:$0x1FE90] =	vst v13;
	v13 =	vmul.f32 v34, v4;
	v20 =	vadd.f32 v58, v20;
	v58 =	vld [tilespmem:s28+$0xFFFFFDA0]  }
0x5f: {  	v25 =	vbroadcast v25, $0x3;
	v60 =	vld [tilespmem:s28+$0xFFFFFDB0];
	v0 =	vadd.f32 v1, v0;
	v1 =	vmul.f32 v43, v4  }
0x60: {  	v41 =	vld [tilespmem:s28+$0x190];
	v2 =	vmul.f32 v2, v26;
	v3 =	vmul.f32 v3, v26;
	[tilespmem:$0x1FEA0] =	vst v13  }
0x61: {  	v13 =	vmul.f32 v36, v4;
	[tilespmem:$0x1FED0] =	vst v1;
	v1 =	vmul.f32 v62, v25;
	v62 =	vld [tilespmem:s28+$0xFFFFFE10]  }
0x62: {  	v40 =	vld [tilespmem:s28+$0x1A0];
	v2 =	vadd.f32 v2, v61;
	v3 =	vadd.f32 v3, v20;
	v20 =	vmul.f32 v63, v25  }
0x63: {  	v59 =	vadd.f32 v32, v59;
	v32 =	vmul.f32 v44, v5;
	v44 =	vmul.f32 v58, v25;
	v58 =	vld [tilespmem:s28+$0xFFFFFE30]  }
0x64: {  	v37 =	vld [tilespmem:s28+$0x1B0];
	[tilespmem:$0x1FEB0] =	vst v13;
	v13 =	vmul.f32 v42, v4;
	v2 =	vadd.f32 v20, v2;
	v20 =	vmul.f32 v60, v25  }
0x65: {  	v36 =	vmul.f32 v51, v5;
	v1 =	vadd.f32 v1, v59;
	v59 =	vld [tilespmem:s28+$0xFFFFFE90]  }
0x66: {  	v51 =	vld [tilespmem:s28+$0xFFFFFE80];
	[tilespmem:$0x1FEC0] =	vst v13;
	v13 =	vmul.f32 v53, v5;
	v3 =	vadd.f32 v20, v3;
	v20 =	vmul.f32 v62, v22  }
0x67: {  	v61 =	vld [tilespmem:s28+$0xFFFFFE00]  }
0x68: {  	[tilespmem:$0x1FEE0] =	vst v13;
	v13 =	vmul.f32 v54, v5;
	v63 =	vld [tilespmem:s28+$0xFFFFFE20];
	v2 =	vadd.f32 v20, v2;
	v20 =	vmul.f32 v58, v22  }
0x69: {  	v54 =	vld [tilespmem:s28+$0xFFFFFEB0]  }
0x6a: {  	[tilespmem:$0x1FEF0] =	vst v13;
	v13 =	vmul.f32 v19, v6;
	v62 =	vld [tilespmem:s28+$0xFFFFFF10];
	v3 =	vadd.f32 v20, v3;
	v20 =	vmul.f32 v59, v21  }
0x6b: {  	v59 =	vld [tilespmem:s28+$0xFFFFFF20]  }
0x6c: {  	[tilespmem:$0x1FF00] =	vst v13;
	v13 =	vmul.f32 v49, v6;
	v2 =	vadd.f32 v20, v2;
	v20 =	vld [tilespmem:s28+$0xFFFFFF80]  }
0x6d: {  	v34 =	vmul.f32 v45, v5;
	v60 =	vld [tilespmem:s28+$0xFFFFFEA0];
	v0 =	vadd.f32 v44, v0;
	v45 =	vmul.f32 v63, v22  }
0x6e: {  	v19 =	vmul.f32 v54, v21;
	[tilespmem:$0x1FF10] =	vst v13;
	v13 =	vmul.f32 v14, v7;
	v63 =	vld [tilespmem:s28+$0xFFFFFF30]  }
0x6f: {  	v44 =	vmul.f32 v61, v22;
	v0 =	vadd.f32 v45, v0;
	v45 =	vmul.f32 v50, v6;
	v50 =	vld [tilespmem:s28+$0xFFFFFF90]  }
0x70: {  	v3 =	vadd.f32 v19, v3;
	v19 =	vmul.f32 v62, v17;
	v62 =	vld [tilespmem:s28+$0xFFFFFFB0];
	v61 =	vmul.f32 v59, v17  }
0x71: {  	v59 =	vmul.f32 v18, v7;
	v18 =	vmul.f32 v20, v16;
	v20 =	vld [tilespmem:s28+$0x10]  }
0x72: {  	v31 =	vmul.f32 v55, v6;
	v55 =	vld [tilespmem:s28+$0xFFFFFF00]  }
0x73: {  	[tilespmem:$0x1FF20] =	vst v13;
	v13 =	vmul.f32 v23, v7;
	v23 =	vld [tilespmem:s28+$0x30];
	v2 =	vadd.f32 v19, v2;
	v19 =	vmul.f32 v63, v17  }
0x74: {  	v29 =	vld [tilespmem:s28+$0x1C0];
	v51 =	vmul.f32 v51, v21;
	v14 =	vmul.f32 v50, v16  }
0x75: {  	v35 =	vld [tilespmem:s28+$0x90];
	v1 =	vadd.f32 v44, v1;
	v60 =	vmul.f32 v60, v21;
	v3 =	vadd.f32 v19, v3  }
0x76: {  	[tilespmem:$0x1FF30] =	vst v13;
	v13 =	vld [tilespmem:$0x1FF40];
	v2 =	vadd.f32 v14, v2;
	v50 =	vmul.f32 v62, v16;
	v20 =	vmul.f32 v20, v15  }
0x77: {  	v1 =	vadd.f32 v51, v1;
	v58 =	vmul.f32 v55, v17;
	v0 =	vadd.f32 v60, v0;
	v60 =	vld [tilespmem:s28+$0xFFFFFFA0]  }
0x78: {  	v28 =	vld [tilespmem:s28+$0x1D0];
	v3 =	vadd.f32 v50, v3;
	v2 =	vadd.f32 v20, v2;
	v20 =	vmul.f32 v23, v15  }
0x79: {  	v1 =	vadd.f32 v58, v1;
	v63 =	vld [tilespmem:s28+$0x0]  }
0x7a: {  	v10 =	vld [tilespmem:s28+$0x100];
	v3 =	vadd.f32 v20, v3;
	v20 =	vmul.f32 v35, v12  }
0x7b: {  	v19 =	vld [tilespmem:s28+$0x20];
	v0 =	vadd.f32 v61, v0;
	v1 =	vadd.f32 v18, v1  }
0x7c: {  	v18 =	vmul.f32 v60, v16;
	v2 =	vadd.f32 v20, v2;
	v20 =	vmul.f32 v13, v11;
	v13 =	vld [tilespmem:$0x1FF50]  }
0x7d: {  	v38 =	vld [tilespmem:s28+$0x80]  }
0x7e: {  	v9 =	vld [tilespmem:s28+$0x110];
	v0 =	vadd.f32 v18, v0;
	v18 =	vmul.f32 v63, v15  }
0x7f: {  	v33 =	vld [tilespmem:s28+$0xA0]  }
0x80: {  	v39 =	vld [tilespmem:s28+$0xC0];
	v1 =	vadd.f32 v18, v1;
	v18 =	vmul.f32 v19, v15  }
0x81: {  	v23 =	vmul.f32 v13, v12;
	v13 =	vld [tilespmem:$0x1FF60]  }
0x82: {  	v53 =	vmul.f32 v46, v8;
	v46 =	vld [tilespmem:s28+$0x50];
	v0 =	vadd.f32 v18, v0;
	v18 =	vmul.f32 v38, v12  }
0x83: {  	v49 =	vld [tilespmem:s28+$0xFFFFFFD0];
	v44 =	vmul.f32 v57, v6  }
0x84: {  	v57 =	vmul.f32 v47, v7;
	v47 =	vld [tilespmem:s28+$0xD0];
	v1 =	vadd.f32 v18, v1;
	v18 =	vmul.f32 v33, v12  }
0x85: {  	v58 =	vmul.f32 v24, v7;
	v24 =	vld [tilespmem:s28+$0xFFFFFEC0]  }
0x86: {  	v0 =	vadd.f32 v18, v0;
	v18 =	vmul.f32 v13, v11;
	v13 =	vld [tilespmem:$0x1FF70]  }
0x87: {  	v10 =	vmul.f32 v10, v11;
	v9 =	vmul.f32 v9, v11;
	v60 =	vld [tilespmem:s28+$0x40]  }
0x88: {  	v42 =	vmul.f32 v56, v6;
	v56 =	vmul.f32 v41, v8;
	v14 =	vld [tilespmem:s28+$0xFFFFFE40]  }
0x89: {  	v62 =	vmul.f32 v40, v8;
	v40 =	vmul.f32 v28, v8;
	v28 =	vld [tilespmem:s28+$0xFFFFFE50]  }
0x8a: {  	v41 =	vmul.f32 v29, v8;
	v43 =	vmul.f32 v52, v5;
	v50 =	vld [tilespmem:s28+$0xFFFFFF40]  }
0x8b: {  	v52 =	vmul.f32 v48, v7;
	v55 =	vmul.f32 v13, v11;
	v13 =	vld [tilespmem:$0x1FF80]  }
0x8c: {  	v47 =	vmul.f32 v47, v12;
	v19 =	vld [tilespmem:s28+$0xFFFFFFC0];
	v10 =	vadd.f32 v10, v1;
	v1 =	vmul.f32 v60, v15  }
0x8d: {  	v61 =	vmul.f32 v49, v16;
	v63 =	vmul.f32 v37, v8;
	v37 =	vld [tilespmem:s28+$0xFFFFFF50]  }
0x8e: {  	v51 =	vmul.f32 v28, v22;
	v38 =	vld [tilespmem:s28+$0xFFFFFED0];
	[tilespmem:$0x1FFA0] =	vst v1;
	v1 =	vmul.f32 v46, v15  }
0x8f: {  	v29 =	vld [tilespmem:s28+$0xFFFFFDC0];
	v3 =	vadd.f32 v23, v3;
	v23 =	vadd.f32 v20, v0;
	v0 =	vmul.f32 v24, v21  }
0x90: {  	v48 =	vld [tilespmem:s28+$0xFFFFFCD0];
	[tilespmem:$0x1FFB0] =	vst v1;
	v24 =	vimm.f32 $0.0e+00;
	v54 =	vmul.f32 v13, v11;
	v13 =	vmul.f32 v39, v12  }
0x91: {  	v60 =	vmul.f32 v19, v16;
	v19 =	vld [tilespmem:s28+$0xFFFFFDD0];
	v46 =	vimm.f32 $0.0e+00;
	v1 =	vmul.f32 v50, v17;
	[tilespmem:$0x1FFC0] =	vst v24  }
0x92: {  	v50 =	vmul.f32 v14, v22;
	v14 =	vld [tilespmem:s28+$0xFFFFFD50];
	v24 =	vimm.f32 $0.0e+00;
	[tilespmem:$0x1FF90] =	vst v13;
	v13 =	vadd.f32 v9, v2  }
0x93: {  	v20 =	vld [tilespmem:s28+$0xFFFFFCC0];
	v49 =	vadd.f32 v18, v3;
	v3 =	vmul.f32 v38, v21;
	v2 =	vmul.f32 v37, v17  }
0x94: {  	s26 =	simm.s32 $0x40;
	[tilespmem:$0x1FFD0] =	vst v24;
	v18 =	vld [tilespmem:s28+$0xFFFFFD40];
	v9 =	vadd.f32 v53, v10;
	v10 =	vadd.f32 v56, v13;
	v13 =	vmul.f32 v29, v25  }
.LBB2_3:
0x95: {  	_ =	sdelay $0x1  }
0x96: {  	v9 =	vadd.f32 v52, v9  }
0x97: {  	v28 =	vld [tilespmem:$0x1FE70]  }
0x98: {  	v9 =	vadd.f32 v31, v9  }
0x99: {  	v23 =	vadd.f32 v62, v23  }
0x9a: {  	v9 =	vadd.f32 v32, v9  }
0x9b: {  	v23 =	vadd.f32 v58, v23  }
0x9c: {  	v9 =	vadd.f32 v28, v9;
	v28 =	vld [tilespmem:$0x1FEA0]  }
0x9d: {  	v23 =	vadd.f32 v44, v23;
	_ =	sdelay $0x1  }
0x9e: {  	v23 =	vadd.f32 v36, v23  }
0x9f: {  	v49 =	vadd.f32 v63, v49  }
0xa0: {  	v23 =	vadd.f32 v28, v23  }
0xa1: {  	v49 =	vadd.f32 v59, v49  }
0xa2: {  	[tilespmem:$0x1FDA0] =	vst v23;
	v23 =	vld [tilespmem:$0x1FEB0]  }
0xa3: {  	v49 =	vadd.f32 v45, v49;
	_ =	sdelay $0x1  }
0xa4: {  	v43 =	vadd.f32 v43, v49  }
0xa5: {  	v24 =	vld [tilespmem:s28+$0xFFFFFC40]  }
0xa6: {  	v37 =	vld [tilespmem:s28+$0xFFFFFC50];
	v23 =	vadd.f32 v23, v43  }
0xa7: {  	v56 =	vld [tilespmem:s28+$0xFFFFFC60]  }
0xa8: {  	[tilespmem:$0x1FDB0] =	vst v23;
	v23 =	vld [tilespmem:$0x1FE80]  }
0xa9: {  	v38 =	vld [tilespmem:s28+$0xFFFFFC70];
	v10 =	vadd.f32 v57, v10  }
0xaa: {  	[tilespmem:$0x1FD80] =	vst v9;
	v9 =	vld [tilespmem:$0x1FE90]  }
0xab: {  	v39 =	vld [tilespmem:s28+$0xFFFFFCE0];
	v10 =	vadd.f32 v42, v10;
	v24 =	vmul.f32 v24, v30  }
0xac: {  	v53 =	vld [tilespmem:s28+$0xFFFFFCF0]  }
0xad: {  	v10 =	vadd.f32 v34, v10;
	v23 =	vadd.f32 v24, v23;
	v24 =	vld [tilespmem:$0x1FFC0]  }
0xae: {  	v28 =	vld [tilespmem:$0x1FFD0]  }
0xaf: {  	v18 =	vmul.f32 v18, v26;
	v9 =	vadd.f32 v9, v10  }
0xb0: {  	v59 =	vld [tilespmem:s28+$0xFFFFFD60];
	v20 =	vmul.f32 v20, v27;
	v58 =	vmul.f32 v37, v30  }
0xb1: {  	v63 =	vld [tilespmem:s28+$0xFFFFFD70];
	v62 =	vmul.f32 v56, v30;
	[tilespmem:$0x1FD90] =	vst v9;
	v9 =	vmul.f32 v38, v30  }
0xb2: {  	v48 =	vmul.f32 v48, v27;
	v10 =	vld [tilespmem:s28+$0xFFFFFDE0];
	v30 =	vmul.f32 v39, v27;
	v24 =	vadd.f32 v58, v24  }
0xb3: {  	v31 =	vld [tilespmem:s28+$0xFFFFFDF0];
	v27 =	vmul.f32 v53, v27;
	v56 =	vadd.f32 v62, v28;
	v9 =	vadd.f32 v9, v46  }
0xb4: {  	v57 =	vld [tilespmem:s28+$0xFFFFFE60];
	v14 =	vmul.f32 v14, v26;
	v20 =	vadd.f32 v20, v23;
	v23 =	vadd.f32 v48, v24  }
0xb5: {  	v30 =	vadd.f32 v30, v56;
	v9 =	vadd.f32 v27, v9;
	v24 =	vmul.f32 v59, v26  }
0xb6: {  	v19 =	vmul.f32 v19, v25;
	v27 =	vld [tilespmem:s28+$0xFFFFFEE0];
	v18 =	vadd.f32 v18, v20;
	v14 =	vadd.f32 v14, v23  }
0xb7: {  	v10 =	vmul.f32 v10, v25;
	v26 =	vmul.f32 v63, v26;
	v23 =	vadd.f32 v24, v30  }
0xb8: {  	v13 =	vadd.f32 v13, v18;
	v24 =	vmul.f32 v31, v25;
	v25 =	vld [tilespmem:s28+$0xFFFFFF60];
	v14 =	vadd.f32 v19, v14  }
0xb9: {  	v18 =	vmul.f32 v57, v22;
	v9 =	vadd.f32 v26, v9;
	v10 =	vadd.f32 v10, v23  }
0xba: {  	v13 =	vadd.f32 v50, v13;
	v23 =	vld [tilespmem:s28+$0xFFFFFFE0];
	v14 =	vadd.f32 v51, v14  }
0xbb: {  	v58 =	vld [tilespmem:s28+$0xFFFFFE70];
	v9 =	vadd.f32 v24, v9;
	v24 =	vmul.f32 v27, v21;
	v10 =	vadd.f32 v18, v10  }
0xbc: {  	v0 =	vadd.f32 v0, v13;
	v3 =	vadd.f32 v3, v14;
	v14 =	vld [tilespmem:s28+$0x70]  }
0xbd: {  	v20 =	vld [tilespmem:s28+$0xFFFFFEF0];
	v13 =	vmul.f32 v25, v17;
	v10 =	vadd.f32 v24, v10  }
0xbe: {  	v0 =	vadd.f32 v1, v0  }
0xbf: {  	v1 =	vadd.f32 v2, v3;
	v2 =	vmul.f32 v23, v16;
	v10 =	vadd.f32 v13, v10  }
0xc0: {  	v22 =	vmul.f32 v58, v22  }
0xc1: {  	v2 =	vadd.f32 v2, v10;
	v10 =	vmul.f32 v14, v15;
	v14 =	vld [tilespmem:$0x1FFA0]  }
0xc2: {  	v26 =	vld [tilespmem:s28+$0xFFFFFFF0];
	v9 =	vadd.f32 v22, v9;
	v18 =	vmul.f32 v20, v21  }
0xc3: {  	v19 =	vld [tilespmem:s28+$0xFFFFFF70]  }
0xc4: {  	v0 =	vadd.f32 v60, v0;
	v9 =	vadd.f32 v18, v9;
	v18 =	vld [tilespmem:s28+$0xE0]  }
0xc5: {  	v3 =	vld [tilespmem:s28+$0xF0]  }
0xc6: {  	v0 =	vadd.f32 v14, v0;
	v14 =	vld [tilespmem:$0x1FFB0]  }
0xc7: {  	v20 =	vld [tilespmem:s28+$0x60]  }
0xc8: {  	v17 =	vmul.f32 v19, v17  }
0xc9: {  	v1 =	vadd.f32 v61, v1  }
0xca: {  	v13 =	vmul.f32 v26, v16;
	v16 =	vld [tilespmem:s28+$0x160];
	v9 =	vadd.f32 v17, v9  }
0xcb: {  	v3 =	vmul.f32 v3, v12;
	v1 =	vadd.f32 v14, v1;
	v14 =	vmul.f32 v18, v12;
	v12 =	vld [tilespmem:$0x1FF90]  }
0xcc: {  	v19 =	vld [tilespmem:s28+$0x170];
	v17 =	vmul.f32 v20, v15  }
0xcd: {  	v9 =	vadd.f32 v13, v9;
	v13 =	vld [tilespmem:s28+$0x1E0]  }
0xce: {  	v2 =	vadd.f32 v17, v2  }
0xcf: {  	v15 =	vld [tilespmem:s28+$0x1F0];
	v9 =	vadd.f32 v10, v9  }
0xd0: {  	v10 =	vld [tilespmem:s28+$0x260];
	v2 =	vadd.f32 v14, v2;
	v0 =	vadd.f32 v12, v0;
	v12 =	vmul.f32 v16, v11  }
0xd1: {  	v3 =	vadd.f32 v3, v9;
	v16 =	vld [tilespmem:s28+$0x270]  }
0xd2: {  	v9 =	vmul.f32 v19, v11;
	v13 =	vmul.f32 v13, v8;
	v14 =	vld [tilespmem:s28+$0x2F0];
	v2 =	vadd.f32 v12, v2  }
0xd3: {  	v11 =	vld [tilespmem:s28+$0x2E0]  }
0xd4: {  	v8 =	vmul.f32 v15, v8;
	v3 =	vadd.f32 v9, v3;
	v2 =	vadd.f32 v13, v2;
	v13 =	vld [tilespmem:$0x1FF20]  }
0xd5: {  	v0 =	vadd.f32 v55, v0  }
0xd6: {  	v10 =	vmul.f32 v10, v7;
	v3 =	vadd.f32 v8, v3;
	v7 =	vmul.f32 v16, v7  }
0xd7: {  	v9 =	vld [tilespmem:s28+$0x360];
	v1 =	vadd.f32 v47, v1;
	v0 =	vadd.f32 v41, v0  }
0xd8: {  	v11 =	vmul.f32 v11, v6;
	v6 =	vmul.f32 v14, v6;
	v3 =	vadd.f32 v7, v3;
	v7 =	vld [tilespmem:$0x1FF00]  }
0xd9: {  	v0 =	vadd.f32 v13, v0;
	v13 =	vld [tilespmem:$0x1FF30]  }
0xda: {  	v1 =	vadd.f32 v54, v1;
	v3 =	vadd.f32 v6, v3;
	v6 =	vld [tilespmem:$0x1FEE0]  }
0xdb: {  	v8 =	vld [tilespmem:s28+$0x3E0]  }
0xdc: {  	v1 =	vadd.f32 v40, v1;
	v12 =	vld [tilespmem:s28+$0x370]  }
0xdd: {  	v0 =	vadd.f32 v7, v0;
	v7 =	vld [tilespmem:$0x1FF10]  }
0xde: {  	v1 =	vadd.f32 v13, v1;
	v13 =	vld [tilespmem:s28+$0x3F0]  }
0xdf: {  	s28 =	sadd.s32 $0x800, s28;
	v0 =	vadd.f32 v6, v0;
	v6 =	vld [tilespmem:$0x1FEF0]  }
0xe0: {  	v18 =	vld [tilespmem:s28+$0x380]  }
0xe1: {  	v2 =	vadd.f32 v10, v2;
	v10 =	vld [tilespmem:s28+$0x390]  }
0xe2: {  	v14 =	vld [tilespmem:s28+$0x3B0]  }
0xe3: {  	v19 =	vld [tilespmem:s28+$0x3C0]  }
0xe4: {  	v20 =	vld [tilespmem:s28+$0x340]  }
0xe5: {  	v23 =	vld [tilespmem:s28+$0x350]  }
0xe6: {  	v24 =	vld [tilespmem:s28+$0x280]  }
0xe7: {  	v28 =	vld [tilespmem:s28+$0x290]  }
0xe8: {  	v29 =	vld [tilespmem:s28+$0x2A0]  }
0xe9: {  	v33 =	vld [tilespmem:s28+$0x2B0]  }
0xea: {  	v35 =	vld [tilespmem:s28+$0x2C0]  }
0xeb: {  	v37 =	vld [tilespmem:s28+$0x2D0];
	v1 =	vadd.f32 v7, v1;
	v7 =	vmul.f32 v9, v5;
	v5 =	vmul.f32 v12, v5  }
0xec: {  	v38 =	vld [tilespmem:s28+$0x200]  }
0xed: {  	v3 =	vadd.f32 v5, v3;
	v5 =	vld [tilespmem:$0x1FEC0]  }
0xee: {  	v59 =	vld [tilespmem:s28+$0x210]  }
0xef: {  	v47 =	vld [tilespmem:s28+$0x220]  }
0xf0: {  	v48 =	vld [tilespmem:s28+$0x230]  }
0xf1: {  	v49 =	vld [tilespmem:s28+$0x240]  }
0xf2: {  	v50 =	vld [tilespmem:s28+$0x250];
	v0 =	vadd.f32 v5, v0  }
0xf3: {  	v51 =	vld [tilespmem:s28+$0x180]  }
0xf4: {  	[tilespmem:$0x1FE80] =	vst v0;
	v0 =	vld [tilespmem:$0x1FED0]  }
0xf5: {  	v2 =	vadd.f32 v11, v2;
	v60 =	vld [tilespmem:s28+$0x190]  }
0xf6: {  	v61 =	vld [tilespmem:s28+$0x1A0]  }
0xf7: {  	v63 =	vld [tilespmem:s28+$0x1B0];
	v1 =	vadd.f32 v6, v1;
	v6 =	vmul.f32 v8, v4;
	v2 =	vadd.f32 v7, v2  }
0xf8: {  	v31 =	vld [tilespmem:s28+$0x1C0]  }
0xf9: {  	v32 =	vld [tilespmem:s28+$0x1D0];
	v4 =	vmul.f32 v13, v4;
	v0 =	vadd.f32 v0, v1;
	v1 =	vadd.f32 v6, v2  }
0xfa: {  	v34 =	vld [tilespmem:s28+$0x100]  }
0xfb: {  	[tilespmem:$0x1FFD0] =	vst v1;
	v1 =	vadd.f32 v4, v3;
	v4 =	vld [tilespmem:$0x1FFF0]  }
0xfc: {  	v36 =	vld [tilespmem:s28+$0x110]  }
0xfd: {  	v39 =	vld [tilespmem:s28+$0x120]  }
0xfe: {  	v40 =	vld [tilespmem:s28+$0x130]  }
0xff: {  	v41 =	vld [tilespmem:s28+$0x140]  }
0x100: {  	v42 =	vld [tilespmem:s28+$0x150]  }
0x101: {  	v43 =	vld [tilespmem:s28+$0x80]  }
0x102: {  	s29 =	sshra.s32 s26, $0x2;
	v44 =	vld [tilespmem:s28+$0x90]  }
0x103: {  	v27 =	vld.idx.msk [tilespmem:v4+s29+$0x0 ss:$0x1], $0xffff  }
0x104: {  	v45 =	vld [tilespmem:s28+$0xA0]  }
0x105: {  	v52 =	vld [tilespmem:s28+$0xC0]  }
0x106: {  	v46 =	vld [tilespmem:s28+$0xFFFFFF00]  }
0x107: {  	v9 =	vld [tilespmem:s28+$0x3A0]  }
0x108: {  	v13 =	vld [tilespmem:s28+$0x3D0];
	v5 =	vbroadcast v27, $0xE  }
0x109: {  	v2 =	vld [tilespmem:s28+$0x320];
	v4 =	vbroadcast v27, $0xF;
	v7 =	vbroadcast v27, $0xC  }
0x10a: {  	[tilespmem:$0x1FFC0] =	vst v0;
	v0 =	vld [tilespmem:s28+$0x300];
	v6 =	vbroadcast v27, $0xD;
	v11 =	vbroadcast v27, $0xA  }
0x10b: {  	v3 =	vld [tilespmem:s28+$0x330];
	v8 =	vbroadcast v27, $0xB;
	v15 =	vbroadcast v27, $0x8  }
0x10c: {  	[tilespmem:$0x1FDC0] =	vst v1;
	v1 =	vld [tilespmem:s28+$0x310];
	v12 =	vbroadcast v27, $0x9;
	v17 =	vbroadcast v27, $0x6  }
0x10d: {  	v18 =	vmul.f32 v18, v4;
	v58 =	vmul.f32 v47, v7;
	v47 =	vld [tilespmem:s28+$0xFFFFFF10]  }
0x10e: {  	v10 =	vmul.f32 v10, v4;
	v62 =	vmul.f32 v61, v8;
	v61 =	vld [tilespmem:s28+$0xFFFFFE80]  }
0x10f: {  	v9 =	vmul.f32 v9, v4;
	v56 =	vmul.f32 v31, v8;
	v31 =	vld [tilespmem:s28+$0xFFFFFE90];
	[tilespmem:$0x1FE70] =	vst v18  }
0x110: {  	v0 =	vmul.f32 v0, v5;
	v54 =	vmul.f32 v42, v11;
	v42 =	vld [tilespmem:s28+$0xFFFFFD90];
	[tilespmem:$0x1FE90] =	vst v10  }
0x111: {  	v55 =	vmul.f32 v41, v11;
	v41 =	vld [tilespmem:s28+$0xFFFFFDA0];
	[tilespmem:$0x1FEA0] =	vst v9;
	v9 =	vmul.f32 v14, v4  }
0x112: {  	v10 =	vld [tilespmem:s28+$0xB0];
	[tilespmem:$0x1FE30] =	vst v0;
	v0 =	vmul.f32 v1, v5;
	v1 =	vmul.f32 v2, v5  }
0x113: {  	v2 =	vmul.f32 v20, v5;
	v14 =	vmul.f32 v32, v8;
	v32 =	vld [tilespmem:s28+$0xFFFFFE00];
	[tilespmem:$0x1FEB0] =	vst v9  }
0x114: {  	v16 =	vbroadcast v27, $0x7;
	v18 =	vmul.f32 v44, v12;
	v44 =	vld [tilespmem:s28+$0xFFFFFC20];
	[tilespmem:$0x1FE40] =	vst v0  }
0x115: {  	v9 =	vmul.f32 v19, v4;
	v19 =	vld [tilespmem:s28+$0xD0];
	[tilespmem:$0x1FEE0] =	vst v2;
	v2 =	vmul.f32 v23, v5  }
0x116: {  	v30 =	vbroadcast v27, $0x0;
	v57 =	vmul.f32 v59, v7;
	v0 =	vld [tilespmem:s28+$0x0];
	[tilespmem:$0x1FDF0] =	vst v1  }
0x117: {  	v59 =	vmul.f32 v48, v7;
	v23 =	vld [tilespmem:s28+$0x20];
	[tilespmem:$0x1FEF0] =	vst v2;
	v2 =	vmul.f32 v24, v6  }
0x118: {  	v1 =	vmul.f32 v3, v5;
	v3 =	vmul.f32 v29, v6;
	v29 =	vld [tilespmem:s28+$0x40];
	[tilespmem:$0x1FEC0] =	vst v9  }
0x119: {  	v9 =	vmul.f32 v13, v4;
	[tilespmem:$0x1FE00] =	vst v2;
	v2 =	vmul.f32 v28, v6;
	v28 =	vld [tilespmem:s28+$0x30]  }
0x11a: {  	[tilespmem:$0x1FDD0] =	vst v1;
	v1 =	vld [tilespmem:s28+$0x10];
	v13 =	vmul.f32 v33, v6;
	v24 =	vmul.f32 v43, v12  }
0x11b: {  	v33 =	vld [tilespmem:s28+$0x50];
	v48 =	vmul.f32 v10, v12;
	[tilespmem:$0x1FDE0] =	vst v2;
	v2 =	vmul.f32 v35, v6  }
0x11c: {  	v43 =	vld [tilespmem:s28+$0xFFFFFD10];
	[tilespmem:$0x1FED0] =	vst v9;
	v9 =	vmul.f32 v38, v7;
	v38 =	vmul.f32 v47, v17  }
0x11d: {  	v10 =	vld [tilespmem:s28+$0xFFFFFD00];
	v53 =	vmul.f32 v19, v12;
	[tilespmem:$0x1FF00] =	vst v2;
	v2 =	vmul.f32 v37, v6  }
0x11e: {  	v47 =	vld [tilespmem:$0x1FDA0];
	v19 =	vmul.f32 v28, v15;
	v28 =	vmul.f32 v29, v15  }
0x11f: {  	v22 =	vbroadcast v27, $0x4;
	v37 =	vld [tilespmem:s28+$0xFFFFFF90];
	[tilespmem:$0x1FF10] =	vst v2;
	v2 =	vmul.f32 v49, v7  }
0x120: {  	v44 =	vmul.f32 v44, v30;
	v35 =	vld [tilespmem:s28+$0xFFFFFF80];
	[tilespmem:$0x1FFA0] =	vst v28;
	v28 =	vmul.f32 v33, v15  }
0x121: {  	v20 =	vmul.f32 v1, v15;
	v1 =	vld [tilespmem:s28+$0xFFFFFC80];
	[tilespmem:$0x1FF20] =	vst v2;
	v2 =	vmul.f32 v50, v7  }
0x122: {  	v21 =	vbroadcast v27, $0x5;
	v26 =	vbroadcast v27, $0x2;
	[tilespmem:$0x1FFB0] =	vst v28;
	v28 =	vld [tilespmem:s28+$0xFFFFFC00]  }
0x123: {  	v25 =	vbroadcast v27, $0x3;
	v44 =	vadd.f32 v44, v47;
	v47 =	vld [tilespmem:$0x1FDB0];
	[tilespmem:$0x1FF30] =	vst v2;
	v2 =	vmul.f32 v51, v8  }
0x124: {  	v33 =	vmul.f32 v37, v16;
	v37 =	vmul.f32 v46, v17;
	v46 =	vld [tilespmem:$0x1FD80]  }
0x125: {  	v49 =	vmul.f32 v36, v11;
	v36 =	vld [tilespmem:s28+$0xFFFFFD80];
	[tilespmem:$0x1FE50] =	vst v2;
	v2 =	vmul.f32 v60, v8  }
0x126: {  	v27 =	vbroadcast v27, $0x1;
	v29 =	vmul.f32 v35, v16;
	v35 =	vld [tilespmem:s28+$0xFFFFFC10]  }
0x127: {  	v60 =	vld [tilespmem:s28+$0xFFFFFCA0];
	[tilespmem:$0x1FE60] =	vst v2;
	v2 =	vmul.f32 v39, v11;
	v28 =	vmul.f32 v28, v30  }
0x128: {  	v50 =	vmul.f32 v45, v12;
	v45 =	vmul.f32 v61, v21;
	v61 =	vld [tilespmem:s28+$0xFFFFFCB0]  }
0x129: {  	[tilespmem:$0x1FE10] =	vst v2;
	v2 =	vmul.f32 v40, v11;
	v28 =	vadd.f32 v28, v46;
	v46 =	vld [tilespmem:$0x1FD90]  }
0x12a: {  	v10 =	vmul.f32 v10, v26;
	v1 =	vmul.f32 v1, v27;
	v40 =	vld [tilespmem:s28+$0xFFFFFD20]  }
0x12b: {  	v51 =	vmul.f32 v34, v11;
	[tilespmem:$0x1FE20] =	vst v2;
	v2 =	vmul.f32 v52, v12;
	v52 =	vld [tilespmem:s28+$0xFFFFFC30]  }
0x12c: {  	v34 =	vld [tilespmem:s28+$0xFFFFFE10];
	v35 =	vmul.f32 v35, v30;
	v60 =	vmul.f32 v60, v27;
	v1 =	vadd.f32 v1, v28  }
0x12d: {  	[tilespmem:$0x1FF90] =	vst v2;
	v2 =	vmul.f32 v0, v15;
	v0 =	vmul.f32 v23, v15;
	v23 =	vld [tilespmem:s28+$0xFFFFFC90]  }
0x12e: {  	v36 =	vmul.f32 v36, v25;
	v1 =	vadd.f32 v10, v1;
	v35 =	vadd.f32 v35, v46;
	v46 =	vld [tilespmem:s28+$0xFFFFFDB0]  }
0x12f: {  	v39 =	vld [tilespmem:s28+$0xFFFFFD30];
	v28 =	vmul.f32 v40, v26;
	v40 =	vadd.f32 v60, v44  }
0x130: {  	v1 =	vadd.f32 v36, v1;
	v36 =	vld [tilespmem:$0x1FDF0];
	v52 =	vmul.f32 v52, v30  }
0x131: {  	v28 =	vadd.f32 v28, v40;
	v40 =	vld [tilespmem:s28+$0xFFFFFFD0]  }
0x132: {  	v23 =	vmul.f32 v23, v27;
	v52 =	vadd.f32 v52, v47;
	v47 =	vld [tilespmem:s28+$0xFFFFFE20]  }
0x133: {  	v61 =	vmul.f32 v61, v27;
	v60 =	vmul.f32 v46, v25;
	v46 =	vld [tilespmem:$0x1FDC0]  }
0x134: {  	v31 =	vmul.f32 v31, v21;
	v43 =	vmul.f32 v43, v26;
	v23 =	vadd.f32 v23, v35;
	v35 =	vld [tilespmem:s28+$0xFFFFFE30]  }
0x135: {  	v32 =	vmul.f32 v32, v22;
	v39 =	vmul.f32 v39, v26;
	v44 =	vadd.f32 v61, v52;
	v52 =	vld [tilespmem:s28+$0xFFFFFEA0]  }
0x136: {  	v42 =	vmul.f32 v42, v25;
	v10 =	vadd.f32 v43, v23;
	v23 =	vmul.f32 v41, v25;
	v41 =	vld [tilespmem:s28+$0xFFFFFEB0]  }
0x137: {  	v34 =	vmul.f32 v34, v22;
	v1 =	vadd.f32 v32, v1;
	v39 =	vadd.f32 v39, v44;
	v43 =	vld [tilespmem:s28+$0xFFFFFF20]  }
0x138: {  	v61 =	vmul.f32 v47, v22;
	v10 =	vadd.f32 v42, v10;
	v42 =	vld [tilespmem:s28+$0xFFFFFF30];
	v23 =	vadd.f32 v23, v28  }
0x139: {  	v1 =	vadd.f32 v45, v1;
	v28 =	vadd.f32 v60, v39;
	v39 =	vld [tilespmem:s28+$0xFFFFFFA0];
	v35 =	vmul.f32 v35, v22  }
0x13a: {  	v32 =	vmul.f32 v52, v21;
	v10 =	vadd.f32 v34, v10;
	v34 =	vld [tilespmem:s28+$0xFFFFFFB0];
	v23 =	vadd.f32 v61, v23  }
0x13b: {  	v1 =	vadd.f32 v37, v1;
	v37 =	vld [tilespmem:s28+$0xFFFFFF50];
	v28 =	vadd.f32 v35, v28;
	v60 =	vmul.f32 v41, v21  }
0x13c: {  	v52 =	vmovc v9;
	v9 =	vld [tilespmem:$0x1FE10];
	v10 =	vadd.f32 v31, v10;
	v31 =	vmul.f32 v43, v17;
	v23 =	vadd.f32 v32, v23  }
0x13d: {  	v47 =	vmov v53;
	v61 =	vld [tilespmem:s28+$0xFFFFFFC0];
	v28 =	vadd.f32 v60, v28;
	v53 =	vmul.f32 v42, v17  }
0x13e: {  	v35 =	vld [tilespmem:s28+$0xFFFFFF40];
	v10 =	vadd.f32 v38, v10;
	v38 =	vmul.f32 v39, v16;
	v23 =	vadd.f32 v31, v23  }
0x13f: {  	v29 =	vadd.f32 v29, v1;
	v41 =	vmovc v56;
	v56 =	vld [tilespmem:s28+$0xFFFFFED0];
	v28 =	vadd.f32 v53, v28;
	v31 =	vmul.f32 v34, v16  }
0x140: {  	v43 =	vld [tilespmem:$0x1FDD0];
	v10 =	vadd.f32 v33, v10;
	v23 =	vadd.f32 v38, v23  }
0x141: {  	v29 =	vadd.f32 v2, v29;
	v32 =	vld [tilespmem:$0x1FE30];
	v28 =	vadd.f32 v31, v28  }
0x142: {  	v42 =	vld [tilespmem:$0x1FDE0];
	v10 =	vadd.f32 v20, v10;
	v20 =	vadd.f32 v0, v23  }
0x143: {  	v39 =	vld [tilespmem:s28+$0xFFFFFEC0];
	v23 =	vadd.f32 v19, v28  }
0x144: {  	v53 =	vld [tilespmem:s28+$0xFFFFFE40];
	v28 =	vadd.f32 v24, v29;
	v29 =	vadd.f32 v50, v20  }
0x145: {  	v60 =	vmul.f32 v61, v16;
	v61 =	vmul.f32 v40, v16;
	v40 =	vmov v14;
	v14 =	vld [tilespmem:s28+$0xFFFFFD50]  }
0x146: {  	v44 =	vmovc v3;
	v3 =	vmul.f32 v56, v21;
	v56 =	vadd.f32 v48, v23;
	v23 =	vadd.f32 v9, v29;
	v9 =	vld [tilespmem:$0x1FE20]  }
0x147: {  	v34 =	vld [tilespmem:$0x1FE40]  }
0x148: {  	v38 =	vld [tilespmem:s28+$0xFFFFFDC0]  }
0x149: {  	v31 =	vld [tilespmem:s28+$0xFFFFFE50];
	v10 =	vadd.f32 v18, v10  }
0x14a: {  	v24 =	vld [tilespmem:$0x1FE60]  }
0x14b: {  	p1 =	sne.s32 s26, $0xC0;
	v10 =	vadd.f32 v49, v10;
	v49 =	vadd.f32 v9, v56;
	v9 =	vld [tilespmem:$0x1FE50]  }
.Ltmp0:
0x14c: {  	v19 =	vld [tilespmem:s28+$0xFFFFFDD0];
	(pc) =	sbr.rel @p1 .LBB2_3-.Ltmp0, $4  }
0x14d: {  	v63 =	vmul.f32 v63, v8;
	v2 =	vmul.f32 v37, v17;
	v18 =	vld [tilespmem:s28+$0xFFFFFD40]  }
0x14e: {  	v1 =	vmul.f32 v35, v17;
	v0 =	vmul.f32 v39, v21;
	v20 =	vld [tilespmem:s28+$0xFFFFFCC0];
	v28 =	vadd.f32 v51, v28  }
0x14f: {  	v45 =	vmov v13;
	v50 =	vmul.f32 v53, v22;
	v48 =	vld [tilespmem:s28+$0xFFFFFCD0];
	v13 =	vmul.f32 v38, v25  }
0x150: {  	s26 =	sadd.s32 $0x40, s26;
	v51 =	vmul.f32 v31, v22;
	v31 =	vld [tilespmem:$0x1FE00];
	v10 =	vadd.f32 v24, v10;
	v9 =	vadd.f32 v9, v28  }
0x151: {  	_ =	sdelay $0x1  }
0x152: {  	v9 =	vadd.f32 v52, v9  }
0x153: {  	v53 =	vmul.f32 v14, v26;
	v14 =	vld [tilespmem:$0x1FE70]  }
0x154: {  	v9 =	vadd.f32 v31, v9;
	_ =	sdelay $0x1  }
0x155: {  	v9 =	vadd.f32 v32, v9  }
0x156: {  	v10 =	vadd.f32 v57, v10  }
0x157: {  	v33 =	vmul.f32 v18, v26;
	v18 =	vadd.f32 v14, v9;
	v9 =	vld [tilespmem:$0x1FE90]  }
0x158: {  	v10 =	vadd.f32 v42, v10  }
0x159: {  	v23 =	vadd.f32 v62, v23  }
0x15a: {  	v10 =	vadd.f32 v34, v10  }
0x15b: {  	v23 =	vadd.f32 v58, v23  }
0x15c: {  	v14 =	vadd.f32 v9, v10;
	v9 =	vld [tilespmem:$0x1FEA0]  }
0x15d: {  	v23 =	vadd.f32 v44, v23  }
0x15e: {  	v24 =	vadd.f32 v63, v49  }
0x15f: {  	v23 =	vadd.f32 v36, v23  }
0x160: {  	v24 =	vadd.f32 v59, v24  }
0x161: {  	v10 =	vadd.f32 v9, v23;
	v9 =	vld [tilespmem:$0x1FEB0]  }
0x162: {  	v24 =	vadd.f32 v45, v24  }
0x163: {  	v28 =	vld [tilespmem:s28+$0xFFFFFC40]  }
0x164: {  	v29 =	vld [tilespmem:s28+$0xFFFFFC50];
	v24 =	vadd.f32 v43, v24  }
0x165: {  	v35 =	vld [tilespmem:s28+$0xFFFFFCE0]  }
0x166: {  	v9 =	vadd.f32 v9, v24;
	v24 =	vld [tilespmem:$0x1FE80]  }
0x167: {  	v37 =	vld [tilespmem:s28+$0xFFFFFCF0]  }
0x168: {  	v52 =	vld [tilespmem:s28+$0xFFFFFC70]  }
0x169: {  	v31 =	vld [tilespmem:s28+$0xFFFFFC60];
	v28 =	vmul.f32 v28, v30  }
0x16a: {  	v58 =	vld [tilespmem:$0x1FFD0]  }
0x16b: {  	v24 =	vadd.f32 v28, v24;
	v28 =	vld [tilespmem:$0x1FFC0]  }
0x16c: {  	v38 =	vld [tilespmem:s28+$0xFFFFFD60]  }
0x16d: {  	v39 =	vld [tilespmem:s28+$0xFFFFFD70];
	v19 =	vmul.f32 v19, v25;
	v20 =	vmul.f32 v20, v27  }
0x16e: {  	s26 =	sshll.u32 s25, $0x1;
	v57 =	vld [tilespmem:s28+$0xFFFFFDF0];
	v29 =	vmul.f32 v29, v30;
	v31 =	vmul.f32 v31, v30  }
0x16f: {  	s26 =	sand.u32 $0x3FFFFFFE, s26;
	v56 =	vmul.f32 v48, v27;
	v23 =	vmul.f32 v52, v30;
	v30 =	vld [tilespmem:s28+$0xFFFFFDE0];
	v20 =	vadd.f32 v20, v24  }
0x170: {  	v31 =	vadd.f32 v31, v58;
	v24 =	vld [tilespmem:s26+$0x2];
	v28 =	vadd.f32 v29, v28;
	v29 =	vmul.f32 v35, v27  }
0x171: {  	v59 =	vld [tilespmem:s28+$0xFFFFFE60];
	v23 =	vadd.f32 v23, v46;
	v20 =	vadd.f32 v33, v20;
	v27 =	vmul.f32 v37, v27  }
0x172: {  	v62 =	vmul.f32 v38, v26;
	v28 =	vadd.f32 v56, v28;
	v29 =	vadd.f32 v29, v31  }
0x173: {  	v26 =	vmul.f32 v39, v26;
	v13 =	vadd.f32 v13, v20;
	v23 =	vadd.f32 v27, v23;
	v27 =	vld [tilespmem:s28+$0xFFFFFEE0]  }
0x174: {  	v30 =	vmul.f32 v30, v25;
	v31 =	vld [tilespmem:s28+$0xFFFFFE70];
	v28 =	vadd.f32 v53, v28;
	v29 =	vadd.f32 v62, v29  }
0x175: {  	v20 =	vmul.f32 v57, v25;
	v25 =	vld [tilespmem:s28+$0xFFFFFF60];
	(v2sf) =	vpush v24, $0x0;
	v23 =	vadd.f32 v26, v23  }
0x176: {  	v63 =	vld [tilespmem:s28+$0xFFFFFEF0];
	v24 =	vmul.f32 v59, v22;
	v19 =	vadd.f32 v19, v28;
	v28 =	vadd.f32 v30, v29  }
0x177: {  	v20 =	vadd.f32 v20, v23;
	v23 =	vld [tilespmem:s28+$0xFFFFFFE0]  }
0x178: {  	v27 =	vmul.f32 v27, v21;
	v19 =	vadd.f32 v51, v19;
	v24 =	vadd.f32 v24, v28  }
0x179: {  	v13 =	vadd.f32 v50, v13;
	v26 =	vld [tilespmem:s28+$0xFFFFFF70];
	v22 =	vmul.f32 v31, v22  }
0x17a: {  	v3 =	vadd.f32 v3, v19;
	v19 =	vmul.f32 v25, v17;
	v24 =	vadd.f32 v27, v24  }
0x17b: {  	v0 =	vadd.f32 v0, v13;
	v29 =	vld [tilespmem:s28+$0xFFFFFFF0];
	v13 =	vadd.f32 v22, v20;
	v20 =	vmul.f32 v63, v21  }
0x17c: {  	v21 =	vld [tilespmem:s28+$0x60];
	v2 =	vadd.f32 v2, v3;
	v3 =	vmul.f32 v23, v16;
	v19 =	vadd.f32 v19, v24  }
0x17d: {  	v0 =	vadd.f32 v1, v0;
	v22 =	vld [tilespmem:s28+$0x70]  }
0x17e: {  	v1 =	vadd.f32 v20, v13;
	v13 =	vmul.f32 v26, v17;
	v3 =	vadd.f32 v3, v19;
	v19 =	vld [tilespmem:$0x1FFA0]  }
0x17f: {  	v17 =	vld [tilespmem:s28+$0xE0]  }
0x180: {  	v20 =	vld [tilespmem:s28+$0xF0];
	v1 =	vadd.f32 v13, v1;
	v13 =	vmul.f32 v29, v16  }
0x181: {  	v0 =	vadd.f32 v60, v0;
	v16 =	vld [tilespmem:s28+$0x160]  }
0x182: {  	v21 =	vmul.f32 v21, v15;
	v1 =	vadd.f32 v13, v1;
	v13 =	vmul.f32 v22, v15;
	v15 =	vld [tilespmem:s28+$0x1E0]  }
0x183: {  	v0 =	vadd.f32 v19, v0;
	v19 =	vld [tilespmem:$0x1FFB0]  }
0x184: {  	v17 =	vmul.f32 v17, v12;
	v3 =	vadd.f32 v21, v3;
	v21 =	vld [tilespmem:$0x1FF90];
	_ =	sdelay $0x1  }
0x185: {  	v23 =	vld [tilespmem:s28+$0x170];
	v2 =	vadd.f32 v61, v2;
	v16 =	vmul.f32 v16, v11;
	v3 =	vadd.f32 v17, v3  }
0x186: {  	v12 =	vmul.f32 v20, v12;
	v20 =	vld [tilespmem:s28+$0x270]  }
0x187: {  	v15 =	vmul.f32 v15, v8;
	v3 =	vadd.f32 v16, v3;
	v2 =	vadd.f32 v19, v2;
	v19 =	vld [tilespmem:s28+$0x1F0]  }
0x188: {  	v1 =	vadd.f32 v13, v1;
	v13 =	vld [tilespmem:s28+$0x260];
	v0 =	vadd.f32 v21, v0  }
0x189: {  	v3 =	vadd.f32 v15, v3;
	v15 =	vld [tilespmem:$0x1FF20]  }
0x18a: {  	v11 =	vmul.f32 v23, v11;
	v1 =	vadd.f32 v12, v1;
	v0 =	vadd.f32 v55, v0;
	_ =	sdelay $0x1  }
0x18b: {  	v17 =	vld [tilespmem:s28+$0x2F0];
	v1 =	vadd.f32 v11, v1;
	v0 =	vadd.f32 v41, v0;
	v8 =	vmul.f32 v19, v8  }
0x18c: {  	v12 =	vld [tilespmem:s28+$0x2E0];
	v13 =	vmul.f32 v13, v7;
	v2 =	vadd.f32 v47, v2  }
0x18d: {  	v7 =	vmul.f32 v20, v7;
	v0 =	vadd.f32 v15, v0;
	v15 =	vld [tilespmem:$0x1FF30];
	v1 =	vadd.f32 v8, v1  }
0x18e: {  	v11 =	vld [tilespmem:s28+$0x360];
	v2 =	vadd.f32 v54, v2  }
0x18f: {  	v1 =	vadd.f32 v7, v1;
	v7 =	vld [tilespmem:$0x1FF10]  }
0x190: {  	v16 =	vld [tilespmem:s28+$0x370];
	v2 =	vadd.f32 v40, v2  }
0x191: {  	v12 =	vmul.f32 v12, v6;
	v3 =	vadd.f32 v13, v3;
	v13 =	vld [tilespmem:$0x1FF00];
	v6 =	vmul.f32 v17, v6  }
0x192: {  	s29 =	spop (v2sf);
	v8 =	vld [tilespmem:s28+$0x3E0];
	v2 =	vadd.f32 v15, v2  }
0x193: {  	s29 =	sshll.u32 s29, $0xE;
	v1 =	vadd.f32 v6, v1;
	v6 =	vld [tilespmem:$0x1FEF0]  }
0x194: {  	s29 =	sor.u32 s5, s29;
	v3 =	vadd.f32 v12, v3;
	v2 =	vadd.f32 v7, v2;
	v7 =	vmul.f32 v11, v5;
	v11 =	vld [tilespmem:$0x1FEE0]  }
0x195: {  	s29 =	sshrl.u32 s29, $0x3;
	v15 =	vld [tilespmem:s28+$0x3F0];
	v5 =	vmul.f32 v16, v5  }
0x196: {  	s28 =	sadd.s32 s3, s29;
	s29 =	simm.s32 $0x0;
	v3 =	vadd.f32 v7, v3;
	v7 =	vld [tilespmem:$0x1FEC0]  }
0x197: {  	v0 =	vadd.f32 v13, v0;
	[tilespmem:s17], [sflag:$0x1] =	stream.linear.gather [hbm4b:s28+s29], $0x2000, $0x38;
	v1 =	vadd.f32 v5, v1;
	v5 =	vld [tilespmem:$0x1FED0]  }
0x198: {  	[tilespmem:$0x300] =	vst v18;
	v2 =	vadd.f32 v6, v2;
	v6 =	vmul.f32 v8, v4  }
0x199: {  	[tilespmem:$0x310] =	vst v14;
	v0 =	vadd.f32 v11, v0  }
0x19a: {  	[tilespmem:$0x320] =	vst v10;
	v3 =	vadd.f32 v6, v3  }
0x19b: {  	[tilespmem:$0x330] =	vst v9;
	v4 =	vmul.f32 v15, v4;
	v0 =	vadd.f32 v7, v0  }
0x19c: {  	[tilespmem:$0x360] =	vst v3;
	v2 =	vadd.f32 v5, v2  }
0x19d: {  	[tilespmem:$0x340] =	vst v0;
	v0 =	vadd.f32 v4, v1  }
0x19e: {  	[tilespmem:$0x350] =	vst v2  }
0x19f: {  	[tilespmem:$0x370] =	vst v0  }
0x1a0: {  	[spmem:s7] =	stream.linear.scatter [tilespmem:s21], [sflag:$0x3], $0x80, $0x38;
	[tilespmem:$0x4500] =	vst v63  }
0x1a1: {  	_ =	swait.ge [sflag:s18], $0x80  }
0x1a2: {  	[sflag:s18] =	ssyncset.done $0x0  }
0x1a3: {  	[sflag:s18] =	ssyncadd.s32 $0xFFFFFF80  }
0x1a4: {  	[bflag:$0x0] =	sbarrier.arrive $0xFFFF  }
0x1a5: {  	[tilespmem:s22], [sflag:$0x3] =	stream.linear.gather [spmem:s8], $0x80, $0x38;
	[tilespmem:$0x4500] =	vst v63  }
0x1a6: {  	_ =	swait.ge [sflag:s18], $0x80  }
0x1a7: {  	[sflag:s18] =	ssyncset.done $0x0  }
0x1a8: {  	[sflag:s18] =	ssyncadd.s32 $0xFFFFFF80  }
0x1a9: {  	v0 =	vld [tilespmem:s6+$0x300]  }
0x1aa: {  	v1 =	vld [tilespmem:s6+$0x380];
	_ =	sdelay $0x4  }
0x1ab: {  	v0 =	vadd.f32 v1, v0;
	_ =	sdelay $0x1  }
0x1ac: {  	[tilespmem:s6+$0x280] =	vst v0  }
0x1ad: {  	v0 =	vld [tilespmem:s9+$0x300]  }
0x1ae: {  	v1 =	vld [tilespmem:s9+$0x380];
	_ =	sdelay $0x4  }
0x1af: {  	v0 =	vadd.f32 v1, v0;
	_ =	sdelay $0x1  }
0x1b0: {  	[tilespmem:s9+$0x280] =	vst v0  }
0x1b1: {  	v0 =	vld [tilespmem:s10+$0x300]  }
0x1b2: {  	v1 =	vld [tilespmem:s10+$0x380];
	_ =	sdelay $0x4  }
0x1b3: {  	v0 =	vadd.f32 v1, v0;
	_ =	sdelay $0x1  }
0x1b4: {  	[tilespmem:s10+$0x280] =	vst v0  }
0x1b5: {  	v0 =	vld [tilespmem:s11+$0x300]  }
0x1b6: {  	v1 =	vld [tilespmem:s11+$0x380];
	_ =	sdelay $0x4  }
0x1b7: {  	v0 =	vadd.f32 v1, v0;
	_ =	sdelay $0x1  }
0x1b8: {  	[tilespmem:s11+$0x280] =	vst v0  }
0x1b9: {  	_ =	swait.ge [sflag:s23], $0x2000  }
0x1ba: {  	[sflag:s23] =	ssyncset.done $0x0  }
0x1bb: {  	s28 =	simm.s32 $0x2800;
	v39 =	vld [tilespmem:$0x1FFF0];
	[sflag:s23] =	ssyncadd.s32 $0xFFFFE000  }
0x1bc: {  	v21 =	vld [tilespmem:s28+$0x380]  }
0x1bd: {  	v34 =	vld [tilespmem:s28+$0x390]  }
0x1be: {  	v35 =	vld [tilespmem:s28+$0x3A0]  }
0x1bf: {  	v36 =	vld [tilespmem:s28+$0x3B0]  }
0x1c0: {  	v40 =	vld [tilespmem:s28+$0x3C0]  }
0x1c1: {  	v42 =	vld [tilespmem:s28+$0x3D0]  }
0x1c2: {  	v43 =	vld [tilespmem:s28+$0x300]  }
0x1c3: {  	v45 =	vld [tilespmem:s28+$0x310]  }
0x1c4: {  	v51 =	vld [tilespmem:s28+$0x320]  }
0x1c5: {  	v52 =	vld [tilespmem:s28+$0x330]  }
0x1c6: {  	v53 =	vld [tilespmem:s28+$0x340]  }
0x1c7: {  	v54 =	vld [tilespmem:s28+$0x350]  }
0x1c8: {  	v55 =	vld [tilespmem:s28+$0x280]  }
0x1c9: {  	v56 =	vld [tilespmem:s28+$0x290]  }
0x1ca: {  	v57 =	vld [tilespmem:s28+$0x2A0]  }
0x1cb: {  	v50 =	vld [tilespmem:s28+$0x2B0]  }
0x1cc: {  	v19 =	vld [tilespmem:s28+$0x2C0]  }
0x1cd: {  	v49 =	vld [tilespmem:s28+$0x2D0]  }
0x1ce: {  	v48 =	vld [tilespmem:s28+$0x200]  }
0x1cf: {  	v47 =	vld [tilespmem:s28+$0x210]  }
0x1d0: {  	v0 =	vld [tilespmem:s28+$0x110]  }
0x1d1: {  	v24 =	vld [tilespmem:s28+$0x220]  }
0x1d2: {  	v18 =	vld [tilespmem:s28+$0x230]  }
0x1d3: {  	v14 =	vld [tilespmem:s28+$0x240]  }
0x1d4: {  	v23 =	vld [tilespmem:s28+$0x250]  }
0x1d5: {  	[tilespmem:$0x1FCF0] =	vst v0;
	v0 =	vld [tilespmem:s28+$0x120]  }
0x1d6: {  	v46 =	vld [tilespmem:s28+$0x180]  }
0x1d7: {  	v44 =	vld [tilespmem:s28+$0x190]  }
0x1d8: {  	v41 =	vld [tilespmem:s28+$0x1A0]  }
0x1d9: {  	v37 =	vld [tilespmem:s28+$0x1B0]  }
0x1da: {  	[tilespmem:$0x1FD00] =	vst v0;
	v0 =	vld [tilespmem:s28+$0x130]  }
0x1db: {  	v29 =	vld [tilespmem:s28+$0x1C0]  }
0x1dc: {  	v28 =	vld [tilespmem:s28+$0x1D0]  }
0x1dd: {  	s29 =	simm.s32 $0x0;
	v10 =	vld [tilespmem:s28+$0x100]  }
0x1de: {  	v25 =	vld.idx.msk [tilespmem:v39+s29+$0x0 ss:$0x1], $0xffff  }
0x1df: {  	[tilespmem:$0x1FD10] =	vst v0;
	v0 =	vld [tilespmem:s28+$0x140]  }
0x1e0: {  	v38 =	vld [tilespmem:s28+$0x80]  }
0x1e1: {  	v20 =	vld [tilespmem:s28+$0xFFFFFC80]  }
0x1e2: {  	v16 =	vld [tilespmem:s28+$0xFFFFFC00]  }
0x1e3: {  	v22 =	vld [tilespmem:s28+$0xFFFFFC10];
	v5 =	vbroadcast v25, $0xE  }
0x1e4: {  	v4 =	vbroadcast v25, $0xF;
	v7 =	vbroadcast v25, $0xC;
	[tilespmem:$0x1FD20] =	vst v0;
	v0 =	vld [tilespmem:s28+$0x150]  }
0x1e5: {  	v26 =	vld [tilespmem:s28+$0xFFFFFC90];
	v6 =	vbroadcast v25, $0xD;
	v11 =	vbroadcast v25, $0xA  }
0x1e6: {  	v58 =	vld [tilespmem:s28+$0xFFFFFC30];
	v8 =	vbroadcast v25, $0xB;
	v30 =	vbroadcast v25, $0x0  }
0x1e7: {  	v33 =	vld [tilespmem:s28+$0xFFFFFC20];
	v15 =	vbroadcast v25, $0x8;
	v12 =	vbroadcast v25, $0x9  }
0x1e8: {  	v60 =	vld [tilespmem:s28+$0xFFFFFCA0];
	v27 =	vbroadcast v25, $0x1;
	v17 =	vbroadcast v25, $0x6  }
0x1e9: {  	v59 =	vmul.f32 v16, v30;
	v61 =	vmul.f32 v22, v30;
	[tilespmem:$0x1FD30] =	vst v0;
	v0 =	vld [tilespmem:s28+$0xC0]  }
0x1ea: {  	v1 =	vimm.f32 $0.0e+00;
	v62 =	vld [tilespmem:s28+$0xFFFFFCB0];
	v16 =	vbroadcast v25, $0x7;
	v21 =	vmul.f32 v21, v4  }
0x1eb: {  	v63 =	vld [tilespmem:s28+$0xFFFFFD00];
	v26 =	vmul.f32 v26, v27;
	v58 =	vmul.f32 v58, v30;
	v61 =	vadd.f32 v61, v1  }
0x1ec: {  	v2 =	vld [tilespmem:s28+$0xFFFFFD10];
	v33 =	vmul.f32 v33, v30;
	v59 =	vadd.f32 v59, v1;
	[tilespmem:$0x1FC20] =	vst v21;
	v21 =	vimm.f32 $0.0e+00  }
0x1ed: {  	v9 =	vld [tilespmem:s28+$0xFFFFFD20];
	v20 =	vmul.f32 v20, v27;
	[tilespmem:$0x1FC30] =	vst v21;
	v21 =	vadd.f32 v58, v1;
	v61 =	vadd.f32 v26, v61  }
0x1ee: {  	v3 =	vld [tilespmem:s28+$0xFFFFFD30];
	v26 =	vbroadcast v25, $0x2;
	[tilespmem:$0x1FD40] =	vst v0;
	v0 =	vadd.f32 v33, v1;
	v1 =	vmul.f32 v35, v4  }
0x1ef: {  	v32 =	vld [tilespmem:s28+$0x90];
	v22 =	vbroadcast v25, $0x4;
	v60 =	vmul.f32 v60, v27  }
0x1f0: {  	v33 =	vmul.f32 v63, v26;
	v63 =	vld [tilespmem:s28+$0xFFFFFD90];
	[tilespmem:$0x1FC40] =	vst v1;
	v1 =	vmul.f32 v36, v4  }
0x1f1: {  	v58 =	vmul.f32 v62, v27;
	v62 =	vld [tilespmem:s28+$0xFFFFFD80];
	v59 =	vadd.f32 v20, v59;
	v20 =	vbroadcast v25, $0x5  }
0x1f2: {  	v2 =	vmul.f32 v2, v26;
	v0 =	vadd.f32 v60, v0;
	v60 =	vld [tilespmem:s28+$0xFFFFFDB0];
	[tilespmem:$0x1FC50] =	vst v1;
	v1 =	vmul.f32 v9, v26  }
0x1f3: {  	v25 =	vbroadcast v25, $0x3;
	v21 =	vadd.f32 v58, v21;
	v58 =	vld [tilespmem:s28+$0xFFFFFDA0];
	v3 =	vmul.f32 v3, v26  }
0x1f4: {  	v31 =	vld [tilespmem:s28+$0xA0];
	v2 =	vadd.f32 v2, v61;
	v0 =	vadd.f32 v1, v0;
	v1 =	vmul.f32 v42, v4  }
0x1f5: {  	v13 =	vld [tilespmem:s28+$0xB0];
	v61 =	vmul.f32 v40, v4;
	v3 =	vadd.f32 v3, v21;
	v21 =	vmul.f32 v63, v25  }
0x1f6: {  	[tilespmem:$0x1FC70] =	vst v1;
	v1 =	vmul.f32 v62, v25;
	v62 =	vld [tilespmem:s28+$0xFFFFFE10]  }
0x1f7: {  	[tilespmem:$0x1FC60] =	vst v61;
	v61 =	vld [tilespmem:s28+$0xFFFFFE00];
	v2 =	vadd.f32 v21, v2;
	v21 =	vmul.f32 v60, v25  }
0x1f8: {  	v35 =	vmul.f32 v43, v5;
	v59 =	vadd.f32 v33, v59;
	v33 =	vmul.f32 v58, v25;
	v58 =	vld [tilespmem:s28+$0xFFFFFE30]  }
0x1f9: {  	v43 =	vmul.f32 v51, v5;
	v51 =	vld [tilespmem:s28+$0xFFFFFE80];
	v3 =	vadd.f32 v21, v3;
	v21 =	vmul.f32 v53, v5  }
0x1fa: {  	v36 =	vmul.f32 v45, v5;
	v45 =	vmul.f32 v52, v5;
	v1 =	vadd.f32 v1, v59;
	v59 =	vld [tilespmem:s28+$0xFFFFFE90]  }
0x1fb: {  	v52 =	vmul.f32 v47, v7;
	v47 =	vld [tilespmem:s28+$0xD0];
	[tilespmem:$0x1FC80] =	vst v21;
	v21 =	vmul.f32 v62, v22  }
0x1fc: {  	v9 =	vmul.f32 v50, v6;
	v50 =	vld [tilespmem:s28+$0xFFFFFF90]  }
0x1fd: {  	v63 =	vld [tilespmem:s28+$0xFFFFFE20];
	v2 =	vadd.f32 v21, v2;
	v21 =	vmul.f32 v58, v22  }
0x1fe: {  	v0 =	vadd.f32 v33, v0;
	v33 =	vld [tilespmem:s28+$0xFFFFFEB0];
	v62 =	vmul.f32 v54, v5  }
0x1ff: {  	v58 =	vld [tilespmem:s28+$0xFFFFFF00];
	v3 =	vadd.f32 v21, v3;
	v21 =	vmul.f32 v59, v20  }
0x200: {  	v42 =	vmul.f32 v61, v22;
	[tilespmem:$0x1FC90] =	vst v62;
	v62 =	vld [tilespmem:s28+$0xFFFFFF10]  }
0x201: {  	v19 =	vmul.f32 v19, v6;
	v2 =	vadd.f32 v21, v2;
	v21 =	vld [tilespmem:s28+$0xFFFFFF80]  }
0x202: {  	v51 =	vmul.f32 v51, v20;
	[tilespmem:$0x1FCA0] =	vst v9;
	v9 =	vmul.f32 v14, v7;
	v60 =	vld [tilespmem:s28+$0xFFFFFEA0];
	v1 =	vadd.f32 v42, v1  }
0x203: {  	[tilespmem:$0x1FCB0] =	vst v19;
	v53 =	vmul.f32 v63, v22;
	v63 =	vld [tilespmem:s28+$0xFFFFFF30];
	v19 =	vmul.f32 v33, v20  }
0x204: {  	[tilespmem:$0x1FCD0] =	vst v9;
	v9 =	vmul.f32 v23, v7;
	v23 =	vld [tilespmem:s28+$0x30];
	v1 =	vadd.f32 v51, v1;
	v58 =	vmul.f32 v58, v17  }
0x205: {  	v3 =	vadd.f32 v19, v3;
	v19 =	vmul.f32 v62, v17;
	v62 =	vld [tilespmem:s28+$0xFFFFFFB0]  }
0x206: {  	v1 =	vadd.f32 v58, v1;
	v58 =	vmul.f32 v18, v7;
	v18 =	vmul.f32 v21, v16;
	v21 =	vld [tilespmem:s28+$0x10]  }
0x207: {  	v0 =	vadd.f32 v53, v0;
	v60 =	vmul.f32 v60, v20;
	v59 =	vld [tilespmem:s28+$0xFFFFFF20]  }
0x208: {  	v14 =	vmul.f32 v50, v16;
	v50 =	vld [tilespmem:s28+$0xFFFFFF50];
	v2 =	vadd.f32 v19, v2;
	v19 =	vmul.f32 v63, v17  }
0x209: {  	v34 =	vmul.f32 v34, v4;
	v40 =	vmul.f32 v55, v6;
	v0 =	vadd.f32 v60, v0;
	v60 =	vld [tilespmem:s28+$0xFFFFFFA0]  }
0x20a: {  	[tilespmem:$0x1FCE0] =	vst v9;
	v9 =	vld [tilespmem:$0x1FCF0];
	v42 =	vmul.f32 v56, v6;
	v53 =	vmul.f32 v57, v6;
	v3 =	vadd.f32 v19, v3  }
0x20b: {  	v63 =	vld [tilespmem:s28+$0x0];
	v2 =	vadd.f32 v14, v2;
	v55 =	vmul.f32 v62, v16;
	v21 =	vmul.f32 v21, v15  }
0x20c: {  	v56 =	vmul.f32 v46, v8;
	v61 =	vmul.f32 v59, v17;
	v14 =	vld [tilespmem:$0x1FD00]  }
0x20d: {  	v46 =	vld [tilespmem:s28+$0x50];
	v3 =	vadd.f32 v55, v3;
	v2 =	vadd.f32 v21, v2;
	v21 =	vmul.f32 v23, v15  }
0x20e: {  	v0 =	vadd.f32 v61, v0;
	v19 =	vld [tilespmem:s28+$0x20];
	v1 =	vadd.f32 v18, v1;
	v18 =	vmul.f32 v60, v16  }
0x20f: {  	v57 =	vmul.f32 v49, v6;
	v49 =	vld [tilespmem:s28+$0xFFFFFF40];
	v3 =	vadd.f32 v21, v3;
	v21 =	vmul.f32 v32, v12  }
0x210: {  	v10 =	vmul.f32 v10, v11;
	v13 =	vmul.f32 v13, v12;
	v51 =	vld [tilespmem:s28+$0xFFFFFEC0];
	v0 =	vadd.f32 v18, v0  }
0x211: {  	v18 =	vmul.f32 v63, v15;
	v2 =	vadd.f32 v21, v2;
	v21 =	vmul.f32 v14, v11;
	v14 =	vld [tilespmem:$0x1FD10]  }
0x212: {  	v47 =	vmul.f32 v47, v12;
	v33 =	vmul.f32 v48, v7;
	v60 =	vld [tilespmem:s28+$0x40]  }
0x213: {  	v1 =	vadd.f32 v18, v1;
	v18 =	vmul.f32 v19, v15;
	v3 =	vadd.f32 v13, v3;
	v13 =	vld [tilespmem:$0x1FD30]  }
0x214: {  	[tilespmem:$0x1FCC0] =	vst v57;
	v57 =	vmul.f32 v24, v7;
	v9 =	vmul.f32 v9, v11;
	v19 =	vld [tilespmem:s28+$0xFFFFFFC0]  }
0x215: {  	v59 =	vmul.f32 v44, v8;
	v23 =	vld [tilespmem:s28+$0xFFFFFFD0];
	v0 =	vadd.f32 v18, v0;
	v18 =	vmul.f32 v38, v12  }
0x216: {  	v44 =	vmul.f32 v29, v8;
	v32 =	vmul.f32 v14, v11;
	v14 =	vld [tilespmem:$0x1FD20]  }
0x217: {  	v24 =	vld [tilespmem:s28+$0xFFFFFE50];
	v62 =	vmul.f32 v41, v8;
	v41 =	vmul.f32 v28, v8;
	v1 =	vadd.f32 v18, v1  }
0x218: {  	v18 =	vmul.f32 v31, v12;
	v38 =	vmul.f32 v13, v11;
	v13 =	vld [tilespmem:$0x1FD40]  }
0x219: {  	v29 =	vld [tilespmem:s28+$0xFFFFFED0];
	v63 =	vmul.f32 v37, v8;
	v10 =	vadd.f32 v10, v1;
	v1 =	vmul.f32 v60, v15  }
0x21a: {  	v28 =	vld [tilespmem:s28+$0xFFFFFDC0];
	v0 =	vadd.f32 v18, v0;
	v60 =	vmul.f32 v19, v16;
	v61 =	vmul.f32 v23, v16  }
0x21b: {  	v37 =	vimm.f32 $0.0e+00;
	[tilespmem:$0x1FD50] =	vst v1;
	v1 =	vmul.f32 v46, v15;
	v54 =	vmul.f32 v14, v11;
	v14 =	vld [tilespmem:s28+$0xFFFFFE40]  }
0x21c: {  	v19 =	vld [tilespmem:s28+$0xFFFFFDD0];
	v18 =	vadd.f32 v21, v0;
	v0 =	vmul.f32 v51, v20;
	v51 =	vmul.f32 v24, v22  }
0x21d: {  	v21 =	vld [tilespmem:s28+$0xFFFFFD40];
	v24 =	vimm.f32 $0.0e+00;
	v55 =	vmul.f32 v13, v12;
	v13 =	vadd.f32 v9, v2  }
0x21e: {  	v46 =	vimm.f32 $0.0e+00;
	[tilespmem:$0x1FD60] =	vst v1;
	v1 =	vmul.f32 v49, v17;
	v49 =	vld [tilespmem:s28+$0xFFFFFCD0];
	v23 =	vadd.f32 v32, v3  }
0x21f: {  	v3 =	vmul.f32 v29, v20;
	v2 =	vmul.f32 v50, v17;
	v48 =	vadd.f32 v59, v13;
	v13 =	vld [tilespmem:s28+$0xFFFFFCC0]  }
0x220: {  	s29 =	simm.s32 $0x40;
	[tilespmem:$0x1FD70] =	vst v24;
	v9 =	vadd.f32 v56, v10;
	v10 =	vmul.f32 v28, v25;
	v50 =	vmul.f32 v14, v22;
	v14 =	vld [tilespmem:s28+$0xFFFFFD50]  }
.LBB2_5:
0x221: {  	v28 =	vld [tilespmem:$0x1FCA0]  }
0x222: {  	v23 =	vadd.f32 v63, v23;
	_ =	sdelay $0x1  }
0x223: {  	v23 =	vadd.f32 v58, v23  }
0x224: {  	v9 =	vadd.f32 v33, v9  }
0x225: {  	v23 =	vadd.f32 v28, v23;
	v28 =	vld [tilespmem:$0x1FC20]  }
0x226: {  	v9 =	vadd.f32 v40, v9  }
0x227: {  	v18 =	vadd.f32 v62, v18  }
0x228: {  	v9 =	vadd.f32 v35, v9  }
0x229: {  	v18 =	vadd.f32 v57, v18  }
0x22a: {  	v9 =	vadd.f32 v28, v9;
	v28 =	vld [tilespmem:$0x1FC40]  }
0x22b: {  	v18 =	vadd.f32 v53, v18;
	_ =	sdelay $0x1  }
0x22c: {  	v18 =	vadd.f32 v43, v18;
	_ =	sdelay $0x1  }
0x22d: {  	v18 =	vadd.f32 v28, v18;
	_ =	sdelay $0x1  }
0x22e: {  	[tilespmem:$0x1FB30] =	vst v18;
	v18 =	vld [tilespmem:$0x1FC50]  }
0x22f: {  	v24 =	vld [tilespmem:s28+$0xFFFFFC40]  }
0x230: {  	v56 =	vld [tilespmem:s28+$0xFFFFFC60]  }
0x231: {  	v32 =	vld [tilespmem:s28+$0xFFFFFC70];
	v48 =	vadd.f32 v52, v48;
	v23 =	vadd.f32 v45, v23  }
0x232: {  	v62 =	vld [tilespmem:s28+$0xFFFFFC50]  }
0x233: {  	v48 =	vadd.f32 v42, v48;
	v33 =	vld [tilespmem:s28+$0xFFFFFCE0];
	v18 =	vadd.f32 v18, v23  }
0x234: {  	v23 =	vld [tilespmem:$0x1FD70]  }
0x235: {  	v36 =	vadd.f32 v36, v48;
	[tilespmem:$0x1FB40] =	vst v18;
	v18 =	vld [tilespmem:$0x1FC30]  }
0x236: {  	v19 =	vmul.f32 v19, v25;
	v21 =	vmul.f32 v21, v26;
	v53 =	vld [tilespmem:s28+$0xFFFFFCF0]  }
0x237: {  	v59 =	vld [tilespmem:s28+$0xFFFFFD60];
	v58 =	vmul.f32 v62, v30;
	v62 =	vmul.f32 v56, v30;
	[tilespmem:$0x1FB10] =	vst v9;
	v9 =	vadd.f32 v34, v36  }
0x238: {  	v63 =	vld [tilespmem:s28+$0xFFFFFD70];
	v14 =	vmul.f32 v14, v26;
	v24 =	vmul.f32 v24, v30  }
0x239: {  	v13 =	vmul.f32 v13, v27;
	v43 =	vadd.f32 v62, v37;
	[tilespmem:$0x1FB20] =	vst v9;
	v9 =	vmul.f32 v32, v30;
	v30 =	vld [tilespmem:s28+$0xFFFFFDE0]  }
0x23a: {  	v49 =	vmul.f32 v49, v27;
	v42 =	vld [tilespmem:s28+$0xFFFFFDF0];
	v23 =	vadd.f32 v58, v23;
	v18 =	vadd.f32 v24, v18  }
0x23b: {  	v52 =	vld [tilespmem:s28+$0xFFFFFE60];
	v9 =	vadd.f32 v9, v46;
	v24 =	vmul.f32 v33, v27;
	v27 =	vmul.f32 v53, v27  }
0x23c: {  	v53 =	vld [tilespmem:s28+$0xFFFFFE70];
	v13 =	vadd.f32 v13, v18;
	v18 =	vadd.f32 v49, v23;
	v23 =	vmul.f32 v59, v26  }
0x23d: {  	v24 =	vadd.f32 v24, v43;
	v9 =	vadd.f32 v27, v9;
	v26 =	vmul.f32 v63, v26;
	v27 =	vld [tilespmem:s28+$0xFFFFFEE0]  }
0x23e: {  	v13 =	vadd.f32 v21, v13;
	v14 =	vadd.f32 v14, v18;
	v18 =	vmul.f32 v30, v25;
	v21 =	vld [tilespmem:s28+$0xFFFFFEF0]  }
0x23f: {  	v23 =	vadd.f32 v23, v24;
	v9 =	vadd.f32 v26, v9;
	v24 =	vmul.f32 v42, v25;
	v25 =	vld [tilespmem:s28+$0xFFFFFF60]  }
0x240: {  	v10 =	vadd.f32 v10, v13;
	v13 =	vadd.f32 v19, v14;
	v14 =	vmul.f32 v52, v22;
	v19 =	vld [tilespmem:s28+$0xFFFFFF70]  }
0x241: {  	v18 =	vadd.f32 v18, v23;
	v9 =	vadd.f32 v24, v9;
	v22 =	vmul.f32 v53, v22  }
0x242: {  	v26 =	vld [tilespmem:s28+$0xFFFFFFF0];
	v24 =	vmul.f32 v27, v20;
	v10 =	vadd.f32 v50, v10  }
0x243: {  	v14 =	vadd.f32 v14, v18;
	v9 =	vadd.f32 v22, v9;
	v18 =	vmul.f32 v21, v20  }
0x244: {  	v0 =	vadd.f32 v0, v10;
	v10 =	vmul.f32 v25, v17  }
0x245: {  	v14 =	vadd.f32 v24, v14;
	v9 =	vadd.f32 v18, v9;
	v17 =	vmul.f32 v19, v17;
	_ =	sdelay $0x1  }
0x246: {  	v10 =	vadd.f32 v10, v14;
	v14 =	vmul.f32 v26, v16;
	v9 =	vadd.f32 v17, v9  }
0x247: {  	v23 =	vld [tilespmem:s28+$0xFFFFFFE0]  }
0x248: {  	v13 =	vadd.f32 v51, v13;
	v9 =	vadd.f32 v14, v9;
	v14 =	vld [tilespmem:$0x1FD50]  }
0x249: {  	v20 =	vld [tilespmem:s28+$0x60];
	v0 =	vadd.f32 v1, v0  }
0x24a: {  	v3 =	vadd.f32 v3, v13;
	v13 =	vld [tilespmem:s28+$0x70]  }
0x24b: {  	v18 =	vld [tilespmem:s28+$0xE0];
	v0 =	vadd.f32 v60, v0  }
0x24c: {  	v1 =	vadd.f32 v2, v3;
	v3 =	vld [tilespmem:s28+$0xF0]  }
0x24d: {  	v2 =	vmul.f32 v23, v16;
	v0 =	vadd.f32 v14, v0;
	v14 =	vld [tilespmem:$0x1FD60]  }
0x24e: {  	v16 =	vld [tilespmem:s28+$0x160]  }
0x24f: {  	v19 =	vld [tilespmem:s28+$0x170];
	v17 =	vmul.f32 v20, v15;
	v2 =	vadd.f32 v2, v10;
	v10 =	vmul.f32 v13, v15  }
0x250: {  	v1 =	vadd.f32 v61, v1;
	v13 =	vld [tilespmem:s28+$0x1E0]  }
0x251: {  	v15 =	vld [tilespmem:s28+$0x1F0];
	v2 =	vadd.f32 v17, v2;
	v9 =	vadd.f32 v10, v9  }
0x252: {  	v3 =	vmul.f32 v3, v12;
	v10 =	vld [tilespmem:s28+$0x260];
	v1 =	vadd.f32 v14, v1;
	v14 =	vmul.f32 v18, v12  }
0x253: {  	v12 =	vmul.f32 v16, v11;
	v16 =	vld [tilespmem:s28+$0x270]  }
0x254: {  	v3 =	vadd.f32 v3, v9;
	v9 =	vmul.f32 v19, v11;
	v11 =	vld [tilespmem:s28+$0x2E0];
	v2 =	vadd.f32 v14, v2  }
0x255: {  	v13 =	vmul.f32 v13, v8;
	v14 =	vld [tilespmem:s28+$0x2F0]  }
0x256: {  	v8 =	vmul.f32 v15, v8;
	v3 =	vadd.f32 v9, v3;
	v2 =	vadd.f32 v12, v2  }
0x257: {  	v0 =	vadd.f32 v55, v0;
	v10 =	vmul.f32 v10, v7  }
0x258: {  	s30 =	sshra.s32 s29, $0x2;
	v3 =	vadd.f32 v8, v3;
	v7 =	vmul.f32 v16, v7;
	v2 =	vadd.f32 v13, v2;
	v13 =	vld [tilespmem:$0x1FCD0]  }
0x259: {  	v27 =	vld.idx.msk [tilespmem:v39+s30+$0x0 ss:$0x1], $0xffff;
	v0 =	vadd.f32 v54, v0  }
0x25a: {  	v11 =	vmul.f32 v11, v6;
	v3 =	vadd.f32 v7, v3;
	v6 =	vmul.f32 v14, v6;
	v7 =	vld [tilespmem:$0x1FCB0]  }
0x25b: {  	v9 =	vld [tilespmem:s28+$0x360];
	v0 =	vadd.f32 v44, v0  }
0x25c: {  	v1 =	vadd.f32 v47, v1;
	v3 =	vadd.f32 v6, v3;
	v6 =	vld [tilespmem:$0x1FC80]  }
0x25d: {  	v0 =	vadd.f32 v13, v0;
	v13 =	vld [tilespmem:$0x1FCE0]  }
0x25e: {  	v8 =	vld [tilespmem:s28+$0x3E0];
	v1 =	vadd.f32 v38, v1  }
0x25f: {  	v12 =	vld [tilespmem:s28+$0x370];
	v0 =	vadd.f32 v7, v0  }
0x260: {  	v1 =	vadd.f32 v41, v1;
	v7 =	vld [tilespmem:$0x1FCC0]  }
0x261: {  	v0 =	vadd.f32 v6, v0;
	v6 =	vld [tilespmem:$0x1FC90]  }
0x262: {  	v1 =	vadd.f32 v13, v1;
	v13 =	vld [tilespmem:s28+$0x3F0];
	s28 =	sadd.s32 $0x800, s28  }
0x263: {  	v18 =	vld [tilespmem:s28+$0x380]  }
0x264: {  	v2 =	vadd.f32 v10, v2;
	v10 =	vld [tilespmem:s28+$0x390]  }
0x265: {  	v14 =	vld [tilespmem:s28+$0x3B0]  }
0x266: {  	v19 =	vld [tilespmem:s28+$0x3C0]  }
0x267: {  	v21 =	vld [tilespmem:s28+$0x340]  }
0x268: {  	v23 =	vld [tilespmem:s28+$0x350]  }
0x269: {  	v24 =	vld [tilespmem:s28+$0x280]  }
0x26a: {  	v28 =	vld [tilespmem:s28+$0x290]  }
0x26b: {  	v29 =	vld [tilespmem:s28+$0x2A0]  }
0x26c: {  	v31 =	vld [tilespmem:s28+$0x2B0]  }
0x26d: {  	v32 =	vld [tilespmem:s28+$0x2C0]  }
0x26e: {  	v56 =	vld [tilespmem:s28+$0x2D0]  }
0x26f: {  	v57 =	vld [tilespmem:s28+$0x200]  }
0x270: {  	v58 =	vld [tilespmem:s28+$0x210]  }
0x271: {  	v59 =	vld [tilespmem:s28+$0x220]  }
0x272: {  	v48 =	vld [tilespmem:s28+$0x230]  }
0x273: {  	v49 =	vld [tilespmem:s28+$0x240]  }
0x274: {  	v50 =	vld [tilespmem:s28+$0x250]  }
0x275: {  	v51 =	vld [tilespmem:s28+$0x180]  }
0x276: {  	v60 =	vld [tilespmem:s28+$0x190];
	v1 =	vadd.f32 v7, v1;
	v7 =	vmul.f32 v9, v5;
	v5 =	vmul.f32 v12, v5  }
0x277: {  	v54 =	vld [tilespmem:s28+$0x1A0]  }
0x278: {  	v3 =	vadd.f32 v5, v3;
	v5 =	vld [tilespmem:$0x1FC60]  }
0x279: {  	v55 =	vld [tilespmem:s28+$0x1B0]  }
0x27a: {  	v52 =	vld [tilespmem:s28+$0x1C0]  }
0x27b: {  	v53 =	vld [tilespmem:s28+$0x1D0]  }
0x27c: {  	v35 =	vld [tilespmem:s28+$0x100]  }
0x27d: {  	v36 =	vld [tilespmem:s28+$0x110];
	v0 =	vadd.f32 v5, v0  }
0x27e: {  	v39 =	vld [tilespmem:s28+$0x120]  }
0x27f: {  	[tilespmem:$0x1FC30] =	vst v0;
	v0 =	vld [tilespmem:$0x1FC70]  }
0x280: {  	v40 =	vld [tilespmem:s28+$0x130]  }
0x281: {  	v2 =	vadd.f32 v11, v2;
	v41 =	vld [tilespmem:s28+$0x140]  }
0x282: {  	v42 =	vld [tilespmem:s28+$0x150];
	v1 =	vadd.f32 v6, v1  }
0x283: {  	v43 =	vld [tilespmem:s28+$0x80];
	v6 =	vmul.f32 v8, v4;
	v2 =	vadd.f32 v7, v2  }
0x284: {  	v44 =	vld [tilespmem:s28+$0x90];
	v0 =	vadd.f32 v0, v1  }
0x285: {  	v45 =	vld [tilespmem:s28+$0xA0];
	v4 =	vmul.f32 v13, v4;
	v1 =	vadd.f32 v6, v2  }
0x286: {  	v37 =	vld [tilespmem:s28+$0xFFFFFF90];
	[tilespmem:$0x1FD70] =	vst v0  }
0x287: {  	v0 =	vld [tilespmem:s28+$0x300];
	[tilespmem:$0x1FBC0] =	vst v1;
	v1 =	vadd.f32 v4, v3  }
0x288: {  	v9 =	vld [tilespmem:s28+$0x3A0]  }
0x289: {  	v4 =	vbroadcast v27, $0xF;
	[tilespmem:$0x1FB50] =	vst v1;
	v1 =	vld [tilespmem:s28+$0x310]  }
0x28a: {  	v5 =	vbroadcast v27, $0xE;
	v2 =	vld [tilespmem:s28+$0x320]  }
0x28b: {  	v8 =	vbroadcast v27, $0xB;
	v13 =	vld [tilespmem:s28+$0x3D0];
	v18 =	vmul.f32 v18, v4  }
0x28c: {  	v11 =	vbroadcast v27, $0xA;
	v38 =	vld [tilespmem:s28+$0xFFFFFF00];
	v0 =	vmul.f32 v0, v5  }
0x28d: {  	v46 =	vld [tilespmem:s28+$0xFFFFFF10];
	v62 =	vmul.f32 v54, v8;
	v10 =	vmul.f32 v10, v4;
	[tilespmem:$0x1FC20] =	vst v18  }
0x28e: {  	v47 =	vld [tilespmem:s28+$0xFFFFFE80];
	v9 =	vmul.f32 v9, v4;
	[tilespmem:$0x1FBB0] =	vst v0;
	v0 =	vmul.f32 v1, v5  }
0x28f: {  	v34 =	vld [tilespmem:s28+$0xFFFFFE90];
	[tilespmem:$0x1FBD0] =	vst v10;
	v1 =	vmul.f32 v2, v5;
	v2 =	vmul.f32 v21, v5  }
0x290: {  	v61 =	vld [tilespmem:s28+$0xFFFFFCA0];
	v54 =	vmul.f32 v41, v11;
	v13 =	vmul.f32 v13, v4;
	[tilespmem:$0x1FC40] =	vst v9  }
0x291: {  	v41 =	vld [tilespmem:s28+$0xFFFFFD30];
	v6 =	vbroadcast v27, $0xD;
	[tilespmem:$0x1FC80] =	vst v2;
	v2 =	vmul.f32 v23, v5  }
0x292: {  	v3 =	vld [tilespmem:s28+$0x330];
	v9 =	vmul.f32 v14, v4;
	[tilespmem:$0x1FC70] =	vst v13  }
0x293: {  	v22 =	vbroadcast v27, $0x4;
	v10 =	vld [tilespmem:s28+$0xB0];
	[tilespmem:$0x1FC90] =	vst v2;
	v2 =	vmul.f32 v24, v6  }
0x294: {  	v12 =	vbroadcast v27, $0x9;
	v14 =	vmul.f32 v19, v4;
	v19 =	vld [tilespmem:s28+$0xD0];
	[tilespmem:$0x1FC50] =	vst v9  }
0x295: {  	v13 =	vmul.f32 v42, v11;
	v42 =	vld [tilespmem:s28+$0xFFFFFD90];
	[tilespmem:$0x1FBA0] =	vst v2;
	v2 =	vmul.f32 v28, v6  }
0x296: {  	v26 =	vbroadcast v27, $0x2;
	v18 =	vmul.f32 v44, v12;
	v44 =	vld [tilespmem:s28+$0xFFFFFD20];
	[tilespmem:$0x1FC60] =	vst v14  }
0x297: {  	v25 =	vbroadcast v27, $0x3;
	v9 =	vld [tilespmem:s28+$0xC0];
	[tilespmem:$0x1FB80] =	vst v2;
	v2 =	vmul.f32 v31, v6  }
0x298: {  	v7 =	vbroadcast v27, $0xC;
	v14 =	vmul.f32 v29, v6;
	v29 =	vld [tilespmem:s28+$0x40];
	[tilespmem:$0x1FB90] =	vst v0  }
0x299: {  	v15 =	vbroadcast v27, $0x8;
	v28 =	vld [tilespmem:s28+$0x30];
	[tilespmem:$0x1FCA0] =	vst v2;
	v2 =	vmul.f32 v32, v6  }
0x29a: {  	v0 =	vld [tilespmem:s28+$0x0];
	[tilespmem:$0x1FB70] =	vst v1;
	v1 =	vmul.f32 v3, v5;
	v3 =	vmul.f32 v58, v7  }
0x29b: {  	v58 =	vmul.f32 v48, v7;
	v31 =	vld [tilespmem:s28+$0x50];
	[tilespmem:$0x1FCB0] =	vst v2;
	v2 =	vmul.f32 v56, v6  }
0x29c: {  	v23 =	vld [tilespmem:s28+$0x20];
	v48 =	vmul.f32 v36, v11;
	v33 =	vmul.f32 v10, v12  }
0x29d: {  	v36 =	vld [tilespmem:s28+$0xFFFFFE10];
	[tilespmem:$0x1FCC0] =	vst v2;
	v2 =	vmul.f32 v57, v7;
	v57 =	vmul.f32 v19, v12  }
0x29e: {  	v10 =	vld [tilespmem:s28+$0xFFFFFD00];
	[tilespmem:$0x1FB60] =	vst v1;
	v19 =	vmul.f32 v28, v15;
	v28 =	vmul.f32 v29, v15  }
0x29f: {  	v63 =	vmul.f32 v55, v8;
	v1 =	vld [tilespmem:s28+$0x10];
	[tilespmem:$0x1FBE0] =	vst v2;
	v2 =	vmul.f32 v49, v7  }
0x2a0: {  	v56 =	vmul.f32 v52, v8;
	v52 =	vld [tilespmem:s28+$0xFFFFFC30];
	[tilespmem:$0x1FD50] =	vst v28;
	v28 =	vmul.f32 v31, v15  }
0x2a1: {  	v55 =	vmul.f32 v9, v12;
	v9 =	vld [tilespmem:s28+$0xFFFFFD10];
	[tilespmem:$0x1FCD0] =	vst v2;
	v2 =	vmul.f32 v50, v7  }
0x2a2: {  	v30 =	vbroadcast v27, $0x0;
	v20 =	vbroadcast v27, $0x5;
	v32 =	vld [tilespmem:s28+$0xFFFFFF80];
	[tilespmem:$0x1FD60] =	vst v28  }
0x2a3: {  	v17 =	vbroadcast v27, $0x6;
	v28 =	vld [tilespmem:s28+$0xFFFFFC00];
	[tilespmem:$0x1FCE0] =	vst v2;
	v2 =	vmul.f32 v51, v8  }
0x2a4: {  	v16 =	vbroadcast v27, $0x7;
	v24 =	vmul.f32 v43, v12;
	v43 =	vld [tilespmem:s28+$0xFFFFFC20]  }
0x2a5: {  	[tilespmem:$0x1FC00] =	vst v2;
	v2 =	vmul.f32 v60, v8;
	v60 =	vmul.f32 v52, v30;
	v52 =	vld [tilespmem:$0x1FB10]  }
0x2a6: {  	v27 =	vbroadcast v27, $0x1;
	v21 =	vmul.f32 v1, v15;
	v1 =	vld [tilespmem:s28+$0xFFFFFC80]  }
0x2a7: {  	v29 =	vmul.f32 v32, v16;
	v32 =	vld [tilespmem:s28+$0xFFFFFC10];
	v49 =	vmul.f32 v39, v11  }
0x2a8: {  	v31 =	vmul.f32 v37, v16;
	v39 =	vld [tilespmem:s28+$0xFFFFFCB0];
	v28 =	vmul.f32 v28, v30  }
0x2a9: {  	v37 =	vmul.f32 v38, v17;
	v38 =	vmul.f32 v46, v17;
	v46 =	vld [tilespmem:s28+$0xFFFFFDA0]  }
0x2aa: {  	[tilespmem:$0x1FC10] =	vst v2;
	v2 =	vmul.f32 v40, v11;
	v28 =	vadd.f32 v28, v52;
	v52 =	vld [tilespmem:$0x1FB20]  }
0x2ab: {  	v10 =	vmul.f32 v10, v26;
	v1 =	vmul.f32 v1, v27;
	v40 =	vld [tilespmem:s28+$0xFFFFFD80]  }
0x2ac: {  	[tilespmem:$0x1FBF0] =	vst v2;
	v2 =	vmul.f32 v0, v15;
	v0 =	vmul.f32 v23, v15;
	v23 =	vld [tilespmem:s28+$0xFFFFFC90]  }
0x2ad: {  	v51 =	vmul.f32 v35, v11;
	v35 =	vld [tilespmem:s28+$0xFFFFFE00];
	v32 =	vmul.f32 v32, v30  }
0x2ae: {  	v50 =	vmul.f32 v45, v12;
	v45 =	vmul.f32 v47, v20;
	v47 =	vld [tilespmem:s28+$0xFFFFFDB0];
	v1 =	vadd.f32 v1, v28  }
0x2af: {  	v32 =	vadd.f32 v32, v52;
	v52 =	vld [tilespmem:$0x1FB30]  }
0x2b0: {  	v40 =	vmul.f32 v40, v25;
	v28 =	vmul.f32 v44, v26;
	v44 =	vld [tilespmem:s28+$0xFFFFFEA0];
	v1 =	vadd.f32 v10, v1  }
0x2b1: {  	v23 =	vmul.f32 v23, v27;
	v10 =	vmul.f32 v46, v25;
	v46 =	vld [tilespmem:$0x1FB50]  }
0x2b2: {  	v43 =	vmul.f32 v43, v30;
	v35 =	vmul.f32 v35, v22;
	v1 =	vadd.f32 v40, v1;
	v40 =	vld [tilespmem:s28+$0xFFFFFFD0]  }
0x2b3: {  	v23 =	vadd.f32 v23, v32;
	v32 =	vld [tilespmem:s28+$0xFFFFFE30]  }
0x2b4: {  	v9 =	vmul.f32 v9, v26;
	v1 =	vadd.f32 v35, v1;
	v43 =	vadd.f32 v43, v52;
	v52 =	vld [tilespmem:$0x1FB40]  }
0x2b5: {  	v35 =	vld [tilespmem:$0x1FBB0]  }
0x2b6: {  	v42 =	vmul.f32 v42, v25;
	v9 =	vadd.f32 v9, v23;
	v23 =	vld [tilespmem:s28+$0xFFFFFEB0];
	v1 =	vadd.f32 v45, v1  }
0x2b7: {  	v61 =	vmul.f32 v61, v27;
	v45 =	vld [tilespmem:$0x1FB60]  }
0x2b8: {  	v36 =	vmul.f32 v36, v22;
	v9 =	vadd.f32 v42, v9;
	v1 =	vadd.f32 v37, v1;
	v37 =	vld [tilespmem:s28+$0xFFFFFF50]  }
0x2b9: {  	v39 =	vmul.f32 v39, v27;
	v43 =	vadd.f32 v61, v43;
	v60 =	vadd.f32 v60, v52;
	v52 =	vld [tilespmem:s28+$0xFFFFFE20]  }
0x2ba: {  	v34 =	vmul.f32 v34, v20;
	v42 =	vld [tilespmem:s28+$0xFFFFFF30];
	v9 =	vadd.f32 v36, v9  }
0x2bb: {  	v41 =	vmul.f32 v41, v26;
	v36 =	vld [tilespmem:$0x1FB90];
	v28 =	vadd.f32 v28, v43;
	v39 =	vadd.f32 v39, v60  }
0x2bc: {  	v59 =	vmul.f32 v59, v7;
	v43 =	vld [tilespmem:s28+$0xFFFFFF20];
	v29 =	vadd.f32 v29, v1;
	v9 =	vadd.f32 v34, v9  }
0x2bd: {  	v34 =	vld [tilespmem:$0x1FBD0];
	v10 =	vadd.f32 v10, v28;
	v60 =	vmul.f32 v47, v25;
	v39 =	vadd.f32 v41, v39  }
0x2be: {  	v29 =	vadd.f32 v2, v29;
	v2 =	vmul.f32 v37, v17;
	v37 =	vld [tilespmem:$0x1FBC0];
	v61 =	vmul.f32 v52, v22  }
0x2bf: {  	v47 =	vmov v57;
	v57 =	vmov v59;
	v28 =	vadd.f32 v60, v39;
	v39 =	vld [tilespmem:s28+$0xFFFFFFA0]  }
0x2c0: {  	v59 =	vmul.f32 v44, v20;
	v9 =	vadd.f32 v38, v9;
	v38 =	vmovc v13;
	v13 =	vld [tilespmem:s28+$0xFFFFFCC0];
	v10 =	vadd.f32 v61, v10  }
0x2c1: {  	v53 =	vmul.f32 v53, v8;
	v32 =	vmul.f32 v32, v22;
	v29 =	vadd.f32 v24, v29;
	v24 =	vld [tilespmem:$0x1FC10]  }
0x2c2: {  	v44 =	vmov v56;
	v56 =	vmul.f32 v43, v17;
	v60 =	vld [tilespmem:s28+$0xFFFFFFB0];
	v10 =	vadd.f32 v59, v10  }
0x2c3: {  	v23 =	vmul.f32 v23, v20;
	v43 =	vld [tilespmem:$0x1FB70];
	v28 =	vadd.f32 v32, v28  }
0x2c4: {  	v9 =	vadd.f32 v31, v9;
	v31 =	vld [tilespmem:s28+$0xFFFFFE40];
	v52 =	vmovc v3;
	v3 =	vmul.f32 v39, v16;
	v10 =	vadd.f32 v56, v10  }
0x2c5: {  	v41 =	vmovc v53;
	v53 =	vmov v14;
	v14 =	vld [tilespmem:s28+$0xFFFFFD50];
	v23 =	vadd.f32 v23, v28;
	v28 =	vmul.f32 v42, v17  }
0x2c6: {  	v9 =	vadd.f32 v21, v9;
	v21 =	vld [tilespmem:s28+$0xFFFFFD40];
	v10 =	vadd.f32 v3, v10  }
0x2c7: {  	v61 =	vld [tilespmem:s28+$0xFFFFFFC0];
	v23 =	vadd.f32 v28, v23;
	v28 =	vmul.f32 v60, v16  }
0x2c8: {  	v9 =	vadd.f32 v18, v9;
	v59 =	vld [tilespmem:s28+$0xFFFFFF40];
	v10 =	vadd.f32 v0, v10  }
0x2c9: {  	v42 =	vld [tilespmem:$0x1FB80];
	v23 =	vadd.f32 v28, v23  }
0x2ca: {  	v10 =	vadd.f32 v50, v10;
	v50 =	vmul.f32 v31, v22;
	v31 =	vadd.f32 v48, v9;
	v9 =	vld [tilespmem:$0x1FBF0]  }
0x2cb: {  	v39 =	vld [tilespmem:s28+$0xFFFFFEC0];
	v23 =	vadd.f32 v19, v23  }
0x2cc: {  	v56 =	vld [tilespmem:s28+$0xFFFFFED0]  }
0x2cd: {  	v28 =	vld [tilespmem:s28+$0xFFFFFE50];
	v23 =	vadd.f32 v33, v23  }
0x2ce: {  	v1 =	vmul.f32 v59, v17;
	v59 =	vld [tilespmem:s28+$0xFFFFFDC0]  }
0x2cf: {  	p1 =	sne.s32 s29, $0xC0;
	v23 =	vadd.f32 v9, v23;
	v9 =	vld [tilespmem:$0x1FC00]  }
.Ltmp1:
0x2d0: {  	v60 =	vmul.f32 v61, v16;
	v61 =	vmul.f32 v40, v16;
	v40 =	vld [tilespmem:$0x1FBA0];
	(pc) =	sbr.rel @p1 .LBB2_5-.Ltmp1, $4  }
0x2d1: {  	v19 =	vld [tilespmem:s28+$0xFFFFFDD0]  }
0x2d2: {  	v29 =	vadd.f32 v51, v29;
	v0 =	vmul.f32 v39, v20;
	v39 =	vld [tilespmem:$0x1FFF0]  }
0x2d3: {  	v3 =	vmul.f32 v56, v20;
	v33 =	vld [tilespmem:$0x1FBE0];
	v51 =	vmul.f32 v28, v22;
	v18 =	vadd.f32 v49, v10  }
0x2d4: {  	s29 =	sadd.s32 $0x40, s29;
	v49 =	vld [tilespmem:s28+$0xFFFFFCD0];
	v10 =	vmul.f32 v59, v25;
	v48 =	vadd.f32 v24, v31;
	v9 =	vadd.f32 v9, v29  }
0x2d5: {  	v28 =	vld [tilespmem:s28+$0xFFFFFC40]  }
0x2d6: {  	v29 =	vld [tilespmem:s28+$0xFFFFFC50]  }
0x2d7: {  	v31 =	vld [tilespmem:s28+$0xFFFFFC60]  }
0x2d8: {  	v32 =	vld [tilespmem:$0x1FCA0]  }
0x2d9: {  	v23 =	vadd.f32 v63, v23;
	v63 =	vld [tilespmem:$0x1FC40]  }
0x2da: {  	v18 =	vadd.f32 v62, v18;
	v24 =	vadd.f32 v52, v48;
	v48 =	vld [tilespmem:$0x1FD70]  }
0x2db: {  	v52 =	vld [tilespmem:s28+$0xFFFFFD70]  }
0x2dc: {  	v18 =	vadd.f32 v57, v18;
	v57 =	vld [tilespmem:$0x1FC20]  }
0x2dd: {  	v23 =	vadd.f32 v58, v23;
	v58 =	vld [tilespmem:s28+$0xFFFFFCF0]  }
0x2de: {  	v9 =	vadd.f32 v33, v9;
	v18 =	vadd.f32 v53, v18;
	v53 =	vld [tilespmem:s28+$0xFFFFFC70]  }
0x2df: {  	v62 =	vmul.f32 v29, v30;
	v29 =	vld [tilespmem:$0x1FC50]  }
0x2e0: {  	v24 =	vadd.f32 v42, v24;
	v9 =	vadd.f32 v40, v9;
	v40 =	vld [tilespmem:s28+$0xFFFFFD60]  }
0x2e1: {  	v23 =	vadd.f32 v32, v23;
	v32 =	vld [tilespmem:s28+$0x270]  }
0x2e2: {  	v24 =	vadd.f32 v36, v24;
	v36 =	vld [tilespmem:s28+$0x2E0]  }
0x2e3: {  	v9 =	vadd.f32 v35, v9;
	v35 =	vld [tilespmem:s28+$0xFFFFFCE0]  }
0x2e4: {  	v23 =	vadd.f32 v45, v23;
	v45 =	vld [tilespmem:$0x1FC30]  }
0x2e5: {  	v59 =	vmul.f32 v28, v30;
	v56 =	vadd.f32 v43, v18;
	v28 =	vadd.f32 v62, v48;
	v62 =	vld [tilespmem:s26+$0x3]  }
0x2e6: {  	v48 =	vld [tilespmem:s28+$0xFFFFFF60]  }
0x2e7: {  	v33 =	vadd.f32 v63, v56;
	v56 =	vld [tilespmem:s28+$0xFFFFFDE0]  }
0x2e8: {  	v13 =	vmul.f32 v13, v27;
	v42 =	vmul.f32 v31, v30;
	v34 =	vadd.f32 v34, v24;
	v63 =	vld [tilespmem:s28+$0xFFFFFE60]  }
0x2e9: {  	v18 =	vadd.f32 v57, v9;
	v43 =	vmul.f32 v53, v30;
	v57 =	vmul.f32 v58, v27;
	v58 =	vld [tilespmem:s28+$0xFFFFFDF0]  }
0x2ea: {  	v53 =	vmul.f32 v49, v27;
	v9 =	vadd.f32 v29, v23;
	v23 =	vmul.f32 v40, v26;
	v40 =	vld [tilespmem:s28+$0xFFFFFE70]  }
0x2eb: {  	v14 =	vmul.f32 v14, v26;
	v29 =	vadd.f32 v42, v37;
	v42 =	vld [tilespmem:s28+$0xFFFFFEE0];
	v24 =	vadd.f32 v59, v45  }
0x2ec: {  	v37 =	vld [tilespmem:s28+$0x2F0];
	v30 =	vadd.f32 v43, v46;
	v35 =	vmul.f32 v35, v27;
	v59 =	vadd.f32 v53, v28  }
0x2ed: {  	v21 =	vmul.f32 v21, v26;
	v45 =	vld [tilespmem:s28+$0xFFFFFEF0];
	(v2sf) =	vpush v62, $0x0;
	v13 =	vadd.f32 v13, v24  }
0x2ee: {  	v19 =	vmul.f32 v19, v25;
	v53 =	vld [tilespmem:s28+$0x60];
	v29 =	vadd.f32 v35, v29;
	v14 =	vadd.f32 v14, v59  }
0x2ef: {  	v28 =	vld [tilespmem:s28+$0x1F0];
	v27 =	vadd.f32 v57, v30;
	v13 =	vadd.f32 v21, v13  }
0x2f0: {  	v43 =	vmul.f32 v56, v25;
	v57 =	vld [tilespmem:s28+$0x70];
	v23 =	vadd.f32 v23, v29;
	v14 =	vadd.f32 v19, v14  }
0x2f1: {  	v49 =	vmul.f32 v63, v22;
	v63 =	vld [tilespmem:s28+$0xF0];
	v35 =	vmul.f32 v52, v26;
	v10 =	vadd.f32 v10, v13  }
0x2f2: {  	v52 =	vld [tilespmem:s28+$0xFFFFFFF0];
	v23 =	vadd.f32 v43, v23;
	v14 =	vadd.f32 v51, v14  }
0x2f3: {  	v46 =	vmul.f32 v58, v25;
	v26 =	vadd.f32 v35, v27;
	v51 =	vld [tilespmem:s28+$0xFFFFFFE0];
	v10 =	vadd.f32 v50, v10  }
0x2f4: {  	v24 =	vmul.f32 v42, v20;
	v50 =	vld [tilespmem:s28+$0xFFFFFF70];
	v23 =	vadd.f32 v49, v23;
	v3 =	vadd.f32 v3, v14  }
0x2f5: {  	v21 =	vmul.f32 v40, v22;
	v25 =	vadd.f32 v46, v26;
	v26 =	vld [tilespmem:$0x1FD60];
	v0 =	vadd.f32 v0, v10  }
0x2f6: {  	v19 =	vmul.f32 v48, v17;
	v56 =	vadd.f32 v24, v23;
	v2 =	vadd.f32 v2, v3;
	v24 =	vld [tilespmem:$0x1FD50]  }
0x2f7: {  	v59 =	vld [tilespmem:s28+$0xE0];
	v13 =	vmul.f32 v45, v20;
	v21 =	vadd.f32 v21, v25;
	v0 =	vadd.f32 v1, v0  }
0x2f8: {  	v30 =	vld [tilespmem:s28+$0x260];
	v62 =	vmul.f32 v51, v16;
	v19 =	vadd.f32 v19, v56;
	v2 =	vadd.f32 v61, v2  }
0x2f9: {  	v22 =	vld [tilespmem:s28+$0x160];
	v13 =	vadd.f32 v13, v21;
	v58 =	vmul.f32 v50, v17;
	v0 =	vadd.f32 v60, v0  }
0x2fa: {  	v42 =	vld [tilespmem:s28+$0x370];
	v14 =	vmul.f32 v53, v15;
	v23 =	vadd.f32 v62, v19;
	v2 =	vadd.f32 v26, v2  }
0x2fb: {  	v27 =	vld [tilespmem:s28+$0x1E0];
	v10 =	vmul.f32 v52, v16;
	v13 =	vadd.f32 v58, v13;
	v0 =	vadd.f32 v24, v0  }
0x2fc: {  	v25 =	vld [tilespmem:s28+$0x170];
	v3 =	vmul.f32 v59, v12;
	v14 =	vadd.f32 v14, v23;
	v2 =	vadd.f32 v47, v2  }
0x2fd: {  	v40 =	vld [tilespmem:s28+$0x360];
	v1 =	vmul.f32 v57, v15;
	v10 =	vadd.f32 v10, v13;
	v0 =	vadd.f32 v55, v0  }
0x2fe: {  	v45 =	vld [tilespmem:s28+$0x3E0];
	v31 =	vmul.f32 v22, v11;
	v3 =	vadd.f32 v3, v14;
	v2 =	vadd.f32 v38, v2  }
0x2ff: {  	v29 =	vmul.f32 v63, v12;
	v46 =	vld [tilespmem:$0x1FCB0];
	v1 =	vadd.f32 v1, v10;
	v0 =	vadd.f32 v54, v0  }
0x300: {  	v13 =	vmul.f32 v27, v8;
	v3 =	vadd.f32 v31, v3;
	v2 =	vadd.f32 v41, v2;
	v41 =	vld [tilespmem:$0x1FCD0]  }
0x301: {  	v35 =	vmul.f32 v25, v11;
	v1 =	vadd.f32 v29, v1;
	v0 =	vadd.f32 v44, v0;
	v44 =	vld [tilespmem:$0x1FCE0]  }
0x302: {  	v49 =	vld [tilespmem:$0x1FCC0];
	v12 =	vmul.f32 v30, v7;
	s31 =	spop (v2sf);
	v3 =	vadd.f32 v13, v3  }
0x303: {  	v53 =	vld [tilespmem:$0x1FC90];
	s26 =	sshll.u32 s31, $0xE;
	v38 =	vmul.f32 v28, v8;
	v1 =	vadd.f32 v35, v1  }
0x304: {  	v11 =	vmul.f32 v36, v6;
	v50 =	vld [tilespmem:$0x1FC80];
	s26 =	sor.u32 s5, s26;
	v3 =	vadd.f32 v12, v3  }
0x305: {  	v43 =	vmul.f32 v32, v7;
	v47 =	vld [tilespmem:s28+$0x3F0];
	s26 =	sshrl.u32 s26, $0x3;
	v0 =	vadd.f32 v41, v0;
	v1 =	vadd.f32 v38, v1  }
0x306: {  	v51 =	vmul.f32 v40, v5;
	s26 =	sadd.s32 s3, s26;
	v54 =	vld [tilespmem:$0x1FC60];
	v3 =	vadd.f32 v11, v3;
	v2 =	vadd.f32 v44, v2  }
0x307: {  	v48 =	vmul.f32 v37, v6;
	v57 =	vld [tilespmem:$0x1FC70];
	[tilespmem:s19], [sflag:$0x2] =	stream.linear.gather [hbm4b:s26+s2], $0x2000, $0x38;
	v0 =	vadd.f32 v46, v0;
	v1 =	vadd.f32 v43, v1  }
0x308: {  	v55 =	vmul.f32 v45, v4;
	[tilespmem:$0x300] =	vst v18;
	v3 =	vadd.f32 v51, v3;
	v2 =	vadd.f32 v49, v2  }
0x309: {  	v52 =	vmul.f32 v42, v5;
	[tilespmem:$0x310] =	vst v34;
	v0 =	vadd.f32 v50, v0;
	v1 =	vadd.f32 v48, v1  }
0x30a: {  	[tilespmem:$0x320] =	vst v33;
	v3 =	vadd.f32 v55, v3;
	v2 =	vadd.f32 v53, v2  }
0x30b: {  	v56 =	vmul.f32 v47, v4;
	[tilespmem:$0x330] =	vst v9;
	v0 =	vadd.f32 v54, v0;
	v1 =	vadd.f32 v52, v1  }
0x30c: {  	[tilespmem:$0x360] =	vst v3;
	v2 =	vadd.f32 v57, v2  }
0x30d: {  	[tilespmem:$0x340] =	vst v0;
	v58 =	vadd.f32 v56, v1  }
0x30e: {  	[tilespmem:$0x350] =	vst v2  }
0x30f: {  	[tilespmem:$0x370] =	vst v58  }
0x310: {  	[spmem:s12] =	stream.linear.scatter [tilespmem:s21], [sflag:$0x3], $0x80, $0x38;
	[tilespmem:$0x4500] =	vst v63  }
0x311: {  	_ =	swait.ge [sflag:s18], $0x80  }
0x312: {  	[sflag:s18] =	ssyncset.done $0x0  }
0x313: {  	[sflag:s18] =	ssyncadd.s32 $0xFFFFFF80  }
0x314: {  	[bflag:$0x0] =	sbarrier.arrive $0xFFFF  }
0x315: {  	[tilespmem:s22], [sflag:$0x3] =	stream.linear.gather [spmem:s13], $0x80, $0x38;
	[tilespmem:$0x4500] =	vst v63  }
0x316: {  	_ =	swait.ge [sflag:s18], $0x80  }
0x317: {  	[sflag:s18] =	ssyncset.done $0x0  }
0x318: {  	[sflag:s18] =	ssyncadd.s32 $0xFFFFFF80  }
0x319: {  	v59 =	vld [tilespmem:s6+$0x300]  }
0x31a: {  	v60 =	vld [tilespmem:s6+$0x380];
	_ =	sdelay $0x4  }
0x31b: {  	v0 =	vadd.f32 v60, v59;
	_ =	sdelay $0x1  }
0x31c: {  	[tilespmem:s6+$0x280] =	vst v0  }
0x31d: {  	v0 =	vld [tilespmem:s9+$0x300]  }
0x31e: {  	v61 =	vld [tilespmem:s9+$0x380];
	_ =	sdelay $0x4  }
0x31f: {  	v0 =	vadd.f32 v61, v0;
	_ =	sdelay $0x1  }
0x320: {  	[tilespmem:s9+$0x280] =	vst v0  }
0x321: {  	v0 =	vld [tilespmem:s10+$0x300]  }
0x322: {  	v62 =	vld [tilespmem:s10+$0x380];
	_ =	sdelay $0x4  }
0x323: {  	v0 =	vadd.f32 v62, v0;
	_ =	sdelay $0x1  }
0x324: {  	[tilespmem:s10+$0x280] =	vst v0  }
0x325: {  	v0 =	vld [tilespmem:s11+$0x300]  }
0x326: {  	v63 =	vld [tilespmem:s11+$0x380]  }
0x327: {  	s25 =	sadd.s32 $0x1, s25  }
0x328: {  	p1 =	sne.s32 s25, $0x100  }
.Ltmp2:
0x329: {  	_ = 	snop;
	(pc) =	sbr.rel @p1 .LBB2_2-.Ltmp2, $3  }
0x32a: {  	_ = 	snop  }
0x32b: {  	v0 =	vadd.f32 v63, v0;
	_ =	sdelay $0x1  }
0x32c: {  	[tilespmem:s11+$0x280] =	vst v0  }
0x32d: {  	_ =	swait.ge [sflag:s20], $0x2000  }
0x32e: {  	[sflag:s20] =	ssyncset.done $0x0  }
0x32f: {  	[sflag:s20] =	ssyncadd.s32 $0xFFFFE000  }
0x330: {  	_ =	swait.ge [sflag:s23], $0x2000  }
0x331: {  	[sflag:s23] =	ssyncset.done $0x0  }
0x332: {  	[sflag:s23] =	ssyncadd.s32 $0xFFFFE000  }
0x333: {  	v0 =	vld @!p0 [tilespmem:$0x300]  }
0x334: {  	v1 =	vld @!p0 [tilespmem:$0x380]  }
0x335: {  	v2 =	vld @!p0 [tilespmem:$0x310]  }
0x336: {  	v3 =	vld @!p0 [tilespmem:$0x390]  }
0x337: {  	v4 =	vld @!p0 [tilespmem:$0x320]  }
0x338: {  	v5 =	vld @!p0 [tilespmem:$0x3A0]  }
0x339: {  	v6 =	vld @!p0 [tilespmem:$0x330]  }
0x33a: {  	v7 =	vld @!p0 [tilespmem:$0x3B0]  }
0x33b: {  	v8 =	vld @!p0 [tilespmem:$0x340]  }
0x33c: {  	v9 =	vld @!p0 [tilespmem:$0x3C0]  }
0x33d: {  	v10 =	vld @!p0 [tilespmem:$0x350]  }
0x33e: {  	v11 =	vld @!p0 [tilespmem:$0x3D0]  }
0x33f: {  	v12 =	vld @!p0 [tilespmem:$0x360]  }
0x340: {  	v0 =	vadd.f32 @!p0 v1, v0;
	v1 =	vld @!p0 [tilespmem:$0x3E0]  }
0x341: {  	v2 =	vadd.f32 @!p0 v3, v2;
	v3 =	vld @!p0 [tilespmem:$0x370]  }
0x342: {  	[tilespmem:$0x280] =	vst @!p0 v0;
	v0 =	vadd.f32 @!p0 v5, v4;
	v4 =	vld @!p0 [tilespmem:$0x3F0]  }
0x343: {  	[tilespmem:$0x290] =	vst @!p0 v2;
	v2 =	vadd.f32 @!p0 v7, v6  }
0x344: {  	[tilespmem:$0x2A0] =	vst @!p0 v0;
	v0 =	vadd.f32 @!p0 v9, v8  }
0x345: {  	[tilespmem:$0x2B0] =	vst @!p0 v2;
	v2 =	vadd.f32 @!p0 v11, v10  }
0x346: {  	[tilespmem:$0x2C0] =	vst @!p0 v0;
	v0 =	vadd.f32 @!p0 v1, v12  }
0x347: {  	[tilespmem:$0x2D0] =	vst @!p0 v2;
	v1 =	vadd.f32 @!p0 v4, v3  }
0x348: {  	s24 =	sadd.s32 $0x1, s24;
	[tilespmem:$0x2E0] =	vst @!p0 v0  }
0x349: {  	s25 =	simm.s32 @!p0 $0x0;
	s26 =	simm.s32 @!p0 $0x280;
	p1 =	sne.s32 s24, s15;
	[tilespmem:$0x2F0] =	vst @!p0 v1  }
0x34a: {  	[hbm4b:s14+s25] =	stream.linear.scatter @!p0 [tilespmem:s26], [sflag:$0x3], $0x80, $0x38;
	[tilespmem:$0x4500] =	vst v63  }
.Ltmp3:
0x34b: {  	_ = 	snop;
	(pc) =	sbr.rel @p1 .LBB2_1-.Ltmp3, $4  }
0x34c: {  	s25 =	simm.s32 @!p0 $0x3  }
0x34d: {  	_ =	swait.ge @!p0 [sflag:s25], $0x80  }
0x34e: {  	[sflag:s25] =	ssyncset.done @!p0 $0x0  }
0x34f: {  	[sflag:s25] =	ssyncadd.s32 @!p0 $0xFFFFFF80  }
0x350: {  	_ =	sfence.sel $0x180000  }
0x351: {  	[bflag:$0x0] =	sbarrier.arrive $0xFFFF  }
0x352: {  	p0 =	sne.s32 s1, $0x0;
	_ =	strace $0x90000047  }
0x353: {  	s0 =	sadd.s32 @!p0 $0x100000, s0;
	[bflag:$0x2] =	sbarrier.arrive $0xFFFF  }
0x354: {  	[sflag:s0] =	ssyncadd.tile.s32 @!p0 $0x1;
	_ =	shalt  }
.Lfunc_end2:
_tile_overlayer_lowered:
.L_overlay_start_2:
0x355: {  	(tag) =	ssettag $0x2  }
0x356: {  	s0 =	rddreg [dreg:$0x0];
	s2 =	stileid.u32  }
0x357: {  	s1 =	rddreg [dreg:$0x1];
	p0 =	sne.s32 s2, $0x0  }
0x358: {  	s3 =	rddreg [dreg:$0x2];
	[bflag:$0x3] =	sbarrier.arrive $0xFFFF;
	s2 =	simm.s32 @!p0 $0x1C03  }
0x359: {  	[timem:s3], [sflag:s2] =	dma.local @!p0 [hbm:s0], s1  }
0x35a: {  	s0 =	simm.s32 @!p0 $0x3  }
0x35b: {  	_ =	swait.ge @!p0 [sflag:s0], s1  }
0x35c: {  	s1 =	ssub.s32 @!p0 $0x0, s1;
	[sflag:s0] =	ssyncset.done @!p0 $0x0  }
0x35d: {  	[sflag:s0] =	ssyncadd.s32 @!p0 s1  }
0x35e: {  	[bflag:$0x3] =	sbarrier.arrive $0xFFFF  }
0x35f: {  	_ =	shalt  }

</sc_bundles>
